<compile_context>
chip_gen: v7x
topology: tpu7x:2x2x1
jax: 0.10.2.dev20260603
libtpu: 0.0.44.dev20260713+nightly
codegen_flags: <defaults>
</compile_context>

<pallas_src>
import functools

import jax
import jax.numpy as jnp
from jax import lax
from jax.experimental import pallas as pl
from jax.experimental.pallas import tpu as pltpu
from jax.experimental.pallas import tpu_sc as plsc

VOCAB = 1000000
EMBED_DIM = 32
NC = 2
NS = 16
NW = NC * NS

LANE = 128
HIST = 50
BATCH_BLOCKS = 16384 // LANE
N_UNITS = HIST * BATCH_BLOCKS

IDX_PER_STREAM = 128
CHUNK = 1024
NSUB = CHUNK // IDX_PER_STREAM


def _xprep_body(xt_ref, out_ref):
    y = xt_ref[...].reshape(N_UNITS, LANE).astype(jnp.float32)
    row = lax.broadcasted_iota(jnp.int32, (LANE, LANE), 0)
    col = lax.broadcasted_iota(jnp.int32, (LANE, LANE), 1)
    perm = (row == 32 * lax.rem(col, 4) + col // 4).astype(jnp.float32)
    z = jnp.dot(y, perm, preferred_element_type=jnp.float32,
                precision=lax.Precision.HIGHEST)
    out_ref[...] = z.astype(jnp.int32).reshape(N_UNITS * LANE)


def _xprep(xt):
    return pl.pallas_call(
        _xprep_body,
        out_shape=jax.ShapeDtypeStruct((N_UNITS * LANE,), jnp.int32),
    )(xt)


def _gather_body(n_chunks, x_hbm, table_hbm, out2d_hbm, idx_v, rows_v,
                 sem_idx, sem_gat, sem_out):
    wid = lax.axis_index("s") * NC + lax.axis_index("c")
    base128 = wid * (n_chunks * NSUB)

    def start_idx(i, slot):
        pltpu.async_copy(
            x_hbm.at[pl.ds((base128 + i * NSUB) * IDX_PER_STREAM, CHUNK)],
            idx_v.at[pl.ds(slot * CHUNK, CHUNK)],
            sem_idx)

    def wait_idx(slot):
        pltpu.make_async_copy(
            x_hbm.at[pl.ds(0, CHUNK)],
            idx_v.at[pl.ds(slot * CHUNK, CHUNK)],
            sem_idx).wait()

    def start_out(i, slot):
        pltpu.async_copy(
            rows_v.at[pl.ds(slot * CHUNK, CHUNK)],
            out2d_hbm.at[pl.ds((base128 + i * NSUB) * IDX_PER_STREAM, CHUNK)],
            sem_out)

    def wait_out(slot):
        pltpu.make_async_copy(
            rows_v.at[pl.ds(slot * CHUNK, CHUNK)],
            out2d_hbm.at[pl.ds(0, CHUNK)],
            sem_out).wait()

    start_idx(0, 0)

    def chunk_body(i, carry):
        slot = lax.rem(i, 2)

        @pl.when(i + 1 < n_chunks)
        def _():
            start_idx(i + 1, 1 - slot)

        wait_idx(slot)

        @pl.when(i >= 2)
        def _():
            wait_out(slot)

        cps = []
        for j in range(NSUB):
            cps.append(pltpu.async_copy(
                table_hbm.at[idx_v.at[pl.ds(slot * CHUNK
                                            + j * IDX_PER_STREAM,
                                            IDX_PER_STREAM)]],
                rows_v.at[pl.ds(slot * CHUNK + j * IDX_PER_STREAM,
                                IDX_PER_STREAM)],
                sem_gat))
        for cp in cps:
            cp.wait()

        start_out(i, slot)
        return carry

    lax.fori_loop(0, n_chunks, chunk_body, 0)
    wait_out(0)
    wait_out(1)


def _gather(x2d, table):
    total = N_UNITS * LANE
    n_chunks = total // (NW * CHUNK)
    mesh = plsc.VectorSubcoreMesh(core_axis_name="c", subcore_axis_name="s",
                                  num_cores=NC, num_subcores=NS)
    return pl.kernel(
        functools.partial(_gather_body, n_chunks),
        out_type=jax.ShapeDtypeStruct((total, EMBED_DIM), jnp.float32),
        mesh=mesh,
        scratch_types=[
            pltpu.VMEM((2 * CHUNK,), jnp.int32),
            pltpu.VMEM((2 * CHUNK, EMBED_DIM), jnp.float32),
            pltpu.SemaphoreType.DMA,
            pltpu.SemaphoreType.DMA,
            pltpu.SemaphoreType.DMA,
        ],
        compiler_params=pltpu.CompilerParams(use_tc_tiling_on_sc=False),
    )(x2d, table)


def _transpose_body(in_ref, out_ref):
    x = in_ref[...].reshape(EMBED_DIM * BATCH_BLOCKS, LANE)
    ri = lax.broadcasted_iota(jnp.int32, (LANE, LANE), 0)
    ci = lax.broadcasted_iota(jnp.int32, (LANE, LANE), 1)
    eye = (ri == ci).astype(jnp.float32)
    xT = lax.dot_general(eye, x, (((1,), (1,)), ((), ())),
                         preferred_element_type=jnp.float32,
                         precision=lax.Precision.HIGHEST)
    for k in range(4):
        for c in range(BATCH_BLOCKS):
            out_ref[0, :, c * LANE + 32 * k: c * LANE + 32 * k + 32] = (
                xT[32 * k: 32 * k + 32, c * 32: c * 32 + 32])


def _transpose(flat):
    elems_per_h = BATCH_BLOCKS * LANE * EMBED_DIM
    return pl.pallas_call(
        _transpose_body,
        out_shape=jax.ShapeDtypeStruct((HIST, EMBED_DIM, BATCH_BLOCKS * LANE),
                                       jnp.float32),
        grid=(HIST,),
        in_specs=[pl.BlockSpec((elems_per_h,), lambda h: (h,))],
        out_specs=pl.BlockSpec((1, EMBED_DIM, BATCH_BLOCKS * LANE),
                               lambda h: (h, 0, 0)),
    )(flat)


def kernel(x, table):
    batch, hist = x.shape
    assert hist == HIST and batch == BATCH_BLOCKS * LANE

    x2d = _xprep(x.T)
    scout = _gather(x2d, table)
    out3 = _transpose(scout.reshape(-1))
    return out3.transpose(2, 0, 1)

# --- scband reference (transcript-rebuilt; emitter-appended) ---
"""Pipeline reference for scband-embedding-60129542895 (READ-ONLY COPY).

The authoritative reference and input builder live on the scoring server;
editing this copy changes nothing except your own understanding.
"""

import jax, jax.numpy as jnp
import numpy as np

VOCAB = 1000000
EMBED_DIM = 32
BATCH = 16384
HIST = 50

def setup_inputs(seed: int = 0) -> dict:
    key = jax.random.key(seed)
    k1, k2 = jax.random.split(key)
    x = jax.random.randint(k1, (BATCH, HIST), 0, VOCAB, dtype=jnp.int64 if jax.config.jax_enable_x64 else jnp.int32).astype(jnp.int32)
    table = jax.random.normal(k2, (VOCAB, EMBED_DIM), dtype=jnp.float32)
    return {"x": x, "table": table}

def reference(x, table):
    # Faithful translation of nn.Embedding forward: output = embed(x.long())
    idx = x.astype(jnp.int32)
    output = jnp.take(table, idx, axis=0)
    return output

if __name__ == "__main__":
    import jax
    _d = setup_inputs()
    print(jax.jit(kernel)(*tuple(_d.values())))

</pallas_src>

<mosaic_0001>
#map = affine_map<(d0, d1) -> (0)>
#map1 = affine_map<(d0, d1) -> (0, 0)>
module attributes {stable_mosaic.version = 14 : i64} {
  func.func @_gather_body(%arg0: i32, %arg1: i32, %arg2: memref<819200xi32, #tpu.memory_space<hbm>>, %arg3: memref<1000000x32xf32, #tpu.memory_space<hbm>>, %arg4: memref<819200x32xf32, #tpu.memory_space<hbm>>, %arg5: memref<2048xi32, #tpu.memory_space<vmem>>, %arg6: memref<2048x32xf32, #tpu.memory_space<vmem>>, %arg7: memref<!tpu.dma_semaphore, #tpu.memory_space<semaphore_mem>>, %arg8: memref<!tpu.dma_semaphore, #tpu.memory_space<semaphore_mem>>, %arg9: memref<!tpu.dma_semaphore, #tpu.memory_space<semaphore_mem>>) attributes {dimension_semantics = [#tpu.dimension_semantics<core_parallel>, #tpu.dimension_semantics<subcore_parallel>], iteration_bounds = array<i64: 2, 16>, scalar_prefetch = 0 : i64, scratch_operands = 5 : i64, tpu.core_type = #tpu.core_type<sc_vector_subcore>, window_params = [{transform_indices = #map}, {transform_indices = #map1}, {transform_indices = #map1}]} {
    %mul3A = arith.constant 2 : i32
    %mul3A_0 = arith.muli %arg1, %mul3A : i32
    %add3A = arith.addi %mul3A_0, %arg0 : i32
    %mul3A_1 = arith.constant 200 : i32
    %mul3A_2 = arith.muli %add3A, %mul3A_1 : i32
    %add3A_3 = arith.constant 0 : i32
    %add3A_4 = arith.addi %mul3A_2, %add3A_3 : i32
    %mul3A_5 = arith.constant 128 : i32
    %mul3A_6 = arith.muli %add3A_4, %mul3A_5 : i32
    %dma_start3A = arith.constant 0 : i32
    %dma_start3A_7 = tpu.memref_slice %arg5[%dma_start3A] : memref<2048xi32, #tpu.memory_space<vmem>> -> memref<1024xi32, #tpu.memory_space<vmem>>
    %dma_start3A_8 = tpu.memref_slice %arg2[%mul3A_6] : memref<819200xi32, #tpu.memory_space<hbm>> -> memref<1024xi32, #tpu.memory_space<hbm>>
    %dma_start3A_9 = arith.constant 0 : i32
    %dma_start3A_10 = tpu.memref_slice %arg5[%dma_start3A_9] : memref<2048xi32, #tpu.memory_space<vmem>> -> memref<1024xi32, #tpu.memory_space<vmem>>
    %dma_start3A_11 = tpu.memref_slice %arg2[%mul3A_6] : memref<819200xi32, #tpu.memory_space<hbm>> -> memref<1024xi32, #tpu.memory_space<hbm>>
    tpu.enqueue_dma source(%dma_start3A_11 : memref<1024xi32, #tpu.memory_space<hbm>>) target(%dma_start3A_10 : memref<1024xi32, #tpu.memory_space<vmem>>) target_semaphore(%arg7 : memref<!tpu.dma_semaphore, #tpu.memory_space<semaphore_mem>>)
    %scan3A = arith.constant 0 : i32
    %scan3A_12 = arith.constant 0 : i32
    %scan3A_13 = arith.constant 25 : i32
    %scan3A_14 = arith.addi %scan3A_12, %scan3A_13 : i32
    %scan3A_15 = arith.constant 1 : i32
    scf.for %scan3A_40 = %scan3A_12 to %scan3A_14 step %scan3A_15  : i32 {
      %rem3A = arith.constant 2 : i32
      %rem3A_41 = arith.remsi %scan3A_40, %rem3A : i32
      %add3A_42 = arith.constant 1 : i32
      %add3A_43 = arith.addi %scan3A_40, %add3A_42 : i32
      %lt3A = arith.constant 25 : i32
      %lt3A_44 = arith.cmpi slt, %add3A_43, %lt3A : i32
      %convert_element_type3A = arith.extui %lt3A_44 : i1 to i32
      %cond3A = arith.constant 0 : i32
      %cond3A_45 = arith.cmpi ne, %convert_element_type3A, %cond3A : i32
      scf.if %cond3A_45 {
        %add3A_233 = arith.constant 1 : i32
        %add3A_234 = arith.addi %scan3A_40, %add3A_233 : i32
        %sub3A = arith.constant 1 : i32
        %sub3A_235 = arith.subi %sub3A, %rem3A_41 : i32
        %mul3A_236 = arith.constant 8 : i32
        %mul3A_237 = arith.muli %add3A_234, %mul3A_236 : i32
        %add3A_238 = arith.addi %mul3A_2, %mul3A_237 : i32
        %mul3A_239 = arith.constant 128 : i32
        %mul3A_240 = arith.muli %add3A_238, %mul3A_239 : i32
        %mul3A_241 = arith.constant 1024 : i32
        %mul3A_242 = arith.muli %sub3A_235, %mul3A_241 : i32
        %dma_start3A_243 = tpu.memref_slice %arg5[%mul3A_242] : memref<2048xi32, #tpu.memory_space<vmem>> -> memref<1024xi32, #tpu.memory_space<vmem>>
        %dma_start3A_244 = tpu.memref_slice %arg2[%mul3A_240] : memref<819200xi32, #tpu.memory_space<hbm>> -> memref<1024xi32, #tpu.memory_space<hbm>>
        %dma_start3A_245 = tpu.memref_slice %arg5[%mul3A_242] : memref<2048xi32, #tpu.memory_space<vmem>> -> memref<1024xi32, #tpu.memory_space<vmem>>
        %dma_start3A_246 = tpu.memref_slice %arg2[%mul3A_240] : memref<819200xi32, #tpu.memory_space<hbm>> -> memref<1024xi32, #tpu.memory_space<hbm>>
        tpu.enqueue_dma source(%dma_start3A_246 : memref<1024xi32, #tpu.memory_space<hbm>>) target(%dma_start3A_245 : memref<1024xi32, #tpu.memory_space<vmem>>) target_semaphore(%arg7 : memref<!tpu.dma_semaphore, #tpu.memory_space<semaphore_mem>>)
      } else {
      }
      %mul3A_46 = arith.constant 1024 : i32
      %mul3A_47 = arith.muli %rem3A_41, %mul3A_46 : i32
      %dma_wait3A_48 = tpu.memref_slice %arg5[%mul3A_47] : memref<2048xi32, #tpu.memory_space<vmem>> -> memref<1024xi32, #tpu.memory_space<vmem>>
      %dma_wait3A_49 = arith.constant 0 : i32
      %dma_wait3A_50 = tpu.memref_slice %arg2[%dma_wait3A_49] : memref<819200xi32, #tpu.memory_space<hbm>> -> memref<1024xi32, #tpu.memory_space<hbm>>
      %dma_wait3A_51 = tpu.memref_slice %arg5[%mul3A_47] : memref<2048xi32, #tpu.memory_space<vmem>> -> memref<1024xi32, #tpu.memory_space<vmem>>
      %dma_wait3A_52 = arith.constant 0 : i32
      %dma_wait3A_53 = tpu.memref_slice %arg2[%dma_wait3A_52] : memref<819200xi32, #tpu.memory_space<hbm>> -> memref<1024xi32, #tpu.memory_space<hbm>>
      tpu.wait_dma2 semaphore(%arg7 : memref<!tpu.dma_semaphore, #tpu.memory_space<semaphore_mem>>) src(%dma_wait3A_53 : memref<1024xi32, #tpu.memory_space<hbm>>) dst(%dma_wait3A_51 : memref<1024xi32, #tpu.memory_space<vmem>>)
      %ge3A = arith.constant 2 : i32
      %ge3A_54 = arith.cmpi sge, %scan3A_40, %ge3A : i32
      %convert_element_type3A_55 = arith.extui %ge3A_54 : i1 to i32
      %cond3A_56 = arith.constant 0 : i32
      %cond3A_57 = arith.cmpi ne, %convert_element_type3A_55, %cond3A_56 : i32
      scf.if %cond3A_57 {
        %mul3A_233 = arith.constant 1024 : i32
        %mul3A_234 = arith.muli %rem3A_41, %mul3A_233 : i32
        %dma_wait3A_235 = arith.constant 0 : i32
        %dma_wait3A_236 = tpu.memref_slice %arg6[%mul3A_234, %dma_wait3A_235] : memref<2048x32xf32, #tpu.memory_space<vmem>> -> memref<1024x32xf32, #tpu.memory_space<vmem>>
        %dma_wait3A_237 = arith.constant 0 : i32
        %dma_wait3A_238 = arith.constant 0 : i32
        %dma_wait3A_239 = tpu.memref_slice %arg4[%dma_wait3A_237, %dma_wait3A_238] : memref<819200x32xf32, #tpu.memory_space<hbm>> -> memref<1024x32xf32, #tpu.memory_space<hbm>>
        %dma_wait3A_240 = arith.constant 0 : i32
        %dma_wait3A_241 = arith.constant 0 : i32
        %dma_wait3A_242 = tpu.memref_slice %arg4[%dma_wait3A_240, %dma_wait3A_241] : memref<819200x32xf32, #tpu.memory_space<hbm>> -> memref<1024x32xf32, #tpu.memory_space<hbm>>
        %dma_wait3A_243 = arith.constant 0 : i32
        %dma_wait3A_244 = tpu.memref_slice %arg6[%mul3A_234, %dma_wait3A_243] : memref<2048x32xf32, #tpu.memory_space<vmem>> -> memref<1024x32xf32, #tpu.memory_space<vmem>>
        tpu.wait_dma2 semaphore(%arg9 : memref<!tpu.dma_semaphore, #tpu.memory_space<semaphore_mem>>) src(%dma_wait3A_244 : memref<1024x32xf32, #tpu.memory_space<vmem>>) dst(%dma_wait3A_242 : memref<1024x32xf32, #tpu.memory_space<hbm>>)
      } else {
      }
      %mul3A_58 = arith.constant 1024 : i32
      %mul3A_59 = arith.muli %rem3A_41, %mul3A_58 : i32
      %add3A_60 = arith.constant 0 : i32
      %add3A_61 = arith.addi %mul3A_59, %add3A_60 : i32
      %mul3A_62 = arith.constant 1024 : i32
      %mul3A_63 = arith.muli %rem3A_41, %mul3A_62 : i32
      %add3A_64 = arith.constant 0 : i32
      %add3A_65 = arith.addi %mul3A_63, %add3A_64 : i32
      %dma_start3A_66 = arith.constant 0 : i32
      %dma_start3A_67 = tpu.memref_slice %arg6[%add3A_65, %dma_start3A_66] : memref<2048x32xf32, #tpu.memory_space<vmem>> -> memref<128x32xf32, #tpu.memory_space<vmem>>
      %dma_start3A_68 = tpu.memref_slice %arg5[%add3A_61] : memref<2048xi32, #tpu.memory_space<vmem>> -> memref<128xi32, #tpu.memory_space<vmem>>
      %dma_start3A_69 = arith.constant 0 : i32
      %dma_start3A_70 = arith.constant 0 : i32
      %dma_start3A_71 = tpu.memref_slice %arg3[%dma_start3A_69, %dma_start3A_70] : memref<1000000x32xf32, #tpu.memory_space<hbm>> -> memref<1000000x32xf32, #tpu.memory_space<hbm>>
      tpu.enqueue_indirect_dma source(%dma_start3A_71 : memref<1000000x32xf32, #tpu.memory_space<hbm>>) target(%dma_start3A_67 : memref<128x32xf32, #tpu.memory_space<vmem>>) offsets(%dma_start3A_68 : memref<128xi32, #tpu.memory_space<vmem>>) semaphore(%arg8 : memref<!tpu.dma_semaphore, #tpu.memory_space<semaphore_mem>>)
      %mul3A_72 = arith.constant 1024 : i32
      %mul3A_73 = arith.muli %rem3A_41, %mul3A_72 : i32
      %add3A_74 = arith.constant 128 : i32
      %add3A_75 = arith.addi %mul3A_73, %add3A_74 : i32
      %mul3A_76 = arith.constant 1024 : i32
      %mul3A_77 = arith.muli %rem3A_41, %mul3A_76 : i32
      %add3A_78 = arith.constant 128 : i32
      %add3A_79 = arith.addi %mul3A_77, %add3A_78 : i32
      %dma_start3A_80 = arith.constant 0 : i32
      %dma_start3A_81 = tpu.memref_slice %arg6[%add3A_79, %dma_start3A_80] : memref<2048x32xf32, #tpu.memory_space<vmem>> -> memref<128x32xf32, #tpu.memory_space<vmem>>
      %dma_start3A_82 = tpu.memref_slice %arg5[%add3A_75] : memref<2048xi32, #tpu.memory_space<vmem>> -> memref<128xi32, #tpu.memory_space<vmem>>
      %dma_start3A_83 = arith.constant 0 : i32
      %dma_start3A_84 = arith.constant 0 : i32
      %dma_start3A_85 = tpu.memref_slice %arg3[%dma_start3A_83, %dma_start3A_84] : memref<1000000x32xf32, #tpu.memory_space<hbm>> -> memref<1000000x32xf32, #tpu.memory_space<hbm>>
      tpu.enqueue_indirect_dma source(%dma_start3A_85 : memref<1000000x32xf32, #tpu.memory_space<hbm>>) target(%dma_start3A_81 : memref<128x32xf32, #tpu.memory_space<vmem>>) offsets(%dma_start3A_82 : memref<128xi32, #tpu.memory_space<vmem>>) semaphore(%arg8 : memref<!tpu.dma_semaphore, #tpu.memory_space<semaphore_mem>>)
      %mul3A_86 = arith.constant 1024 : i32
      %mul3A_87 = arith.muli %rem3A_41, %mul3A_86 : i32
      %add3A_88 = arith.constant 256 : i32
      %add3A_89 = arith.addi %mul3A_87, %add3A_88 : i32
      %mul3A_90 = arith.constant 1024 : i32
      %mul3A_91 = arith.muli %rem3A_41, %mul3A_90 : i32
      %add3A_92 = arith.constant 256 : i32
      %add3A_93 = arith.addi %mul3A_91, %add3A_92 : i32
      %dma_start3A_94 = arith.constant 0 : i32
      %dma_start3A_95 = tpu.memref_slice %arg6[%add3A_93, %dma_start3A_94] : memref<2048x32xf32, #tpu.memory_space<vmem>> -> memref<128x32xf32, #tpu.memory_space<vmem>>
      %dma_start3A_96 = tpu.memref_slice %arg5[%add3A_89] : memref<2048xi32, #tpu.memory_space<vmem>> -> memref<128xi32, #tpu.memory_space<vmem>>
      %dma_start3A_97 = arith.constant 0 : i32
      %dma_start3A_98 = arith.constant 0 : i32
      %dma_start3A_99 = tpu.memref_slice %arg3[%dma_start3A_97, %dma_start3A_98] : memref<1000000x32xf32, #tpu.memory_space<hbm>> -> memref<1000000x32xf32, #tpu.memory_space<hbm>>
      tpu.enqueue_indirect_dma source(%dma_start3A_99 : memref<1000000x32xf32, #tpu.memory_space<hbm>>) target(%dma_start3A_95 : memref<128x32xf32, #tpu.memory_space<vmem>>) offsets(%dma_start3A_96 : memref<128xi32, #tpu.memory_space<vmem>>) semaphore(%arg8 : memref<!tpu.dma_semaphore, #tpu.memory_space<semaphore_mem>>)
      %mul3A_100 = arith.constant 1024 : i32
      %mul3A_101 = arith.muli %rem3A_41, %mul3A_100 : i32
      %add3A_102 = arith.constant 384 : i32
      %add3A_103 = arith.addi %mul3A_101, %add3A_102 : i32
      %mul3A_104 = arith.constant 1024 : i32
      %mul3A_105 = arith.muli %rem3A_41, %mul3A_104 : i32
      %add3A_106 = arith.constant 384 : i32
      %add3A_107 = arith.addi %mul3A_105, %add3A_106 : i32
      %dma_start3A_108 = arith.constant 0 : i32
      %dma_start3A_109 = tpu.memref_slice %arg6[%add3A_107, %dma_start3A_108] : memref<2048x32xf32, #tpu.memory_space<vmem>> -> memref<128x32xf32, #tpu.memory_space<vmem>>
      %dma_start3A_110 = tpu.memref_slice %arg5[%add3A_103] : memref<2048xi32, #tpu.memory_space<vmem>> -> memref<128xi32, #tpu.memory_space<vmem>>
      %dma_start3A_111 = arith.constant 0 : i32
      %dma_start3A_112 = arith.constant 0 : i32
      %dma_start3A_113 = tpu.memref_slice %arg3[%dma_start3A_111, %dma_start3A_112] : memref<1000000x32xf32, #tpu.memory_space<hbm>> -> memref<1000000x32xf32, #tpu.memory_space<hbm>>
      tpu.enqueue_indirect_dma source(%dma_start3A_113 : memref<1000000x32xf32, #tpu.memory_space<hbm>>) target(%dma_start3A_109 : memref<128x32xf32, #tpu.memory_space<vmem>>) offsets(%dma_start3A_110 : memref<128xi32, #tpu.memory_space<vmem>>) semaphore(%arg8 : memref<!tpu.dma_semaphore, #tpu.memory_space<semaphore_mem>>)
      %mul3A_114 = arith.constant 1024 : i32
      %mul3A_115 = arith.muli %rem3A_41, %mul3A_114 : i32
      %add3A_116 = arith.constant 512 : i32
      %add3A_117 = arith.addi %mul3A_115, %add3A_116 : i32
      %mul3A_118 = arith.constant 1024 : i32
      %mul3A_119 = arith.muli %rem3A_41, %mul3A_118 : i32
      %add3A_120 = arith.constant 512 : i32
      %add3A_121 = arith.addi %mul3A_119, %add3A_120 : i32
      %dma_start3A_122 = arith.constant 0 : i32
      %dma_start3A_123 = tpu.memref_slice %arg6[%add3A_121, %dma_start3A_122] : memref<2048x32xf32, #tpu.memory_space<vmem>> -> memref<128x32xf32, #tpu.memory_space<vmem>>
      %dma_start3A_124 = tpu.memref_slice %arg5[%add3A_117] : memref<2048xi32, #tpu.memory_space<vmem>> -> memref<128xi32, #tpu.memory_space<vmem>>
      %dma_start3A_125 = arith.constant 0 : i32
      %dma_start3A_126 = arith.constant 0 : i32
      %dma_start3A_127 = tpu.memref_slice %arg3[%dma_start3A_125, %dma_start3A_126] : memref<1000000x32xf32, #tpu.memory_space<hbm>> -> memref<1000000x32xf32, #tpu.memory_space<hbm>>
      tpu.enqueue_indirect_dma source(%dma_start3A_127 : memref<1000000x32xf32, #tpu.memory_space<hbm>>) target(%dma_start3A_123 : memref<128x32xf32, #tpu.memory_space<vmem>>) offsets(%dma_start3A_124 : memref<128xi32, #tpu.memory_space<vmem>>) semaphore(%arg8 : memref<!tpu.dma_semaphore, #tpu.memory_space<semaphore_mem>>)
      %mul3A_128 = arith.constant 1024 : i32
      %mul3A_129 = arith.muli %rem3A_41, %mul3A_128 : i32
      %add3A_130 = arith.constant 640 : i32
      %add3A_131 = arith.addi %mul3A_129, %add3A_130 : i32
      %mul3A_132 = arith.constant 1024 : i32
      %mul3A_133 = arith.muli %rem3A_41, %mul3A_132 : i32
      %add3A_134 = arith.constant 640 : i32
      %add3A_135 = arith.addi %mul3A_133, %add3A_134 : i32
      %dma_start3A_136 = arith.constant 0 : i32
      %dma_start3A_137 = tpu.memref_slice %arg6[%add3A_135, %dma_start3A_136] : memref<2048x32xf32, #tpu.memory_space<vmem>> -> memref<128x32xf32, #tpu.memory_space<vmem>>
      %dma_start3A_138 = tpu.memref_slice %arg5[%add3A_131] : memref<2048xi32, #tpu.memory_space<vmem>> -> memref<128xi32, #tpu.memory_space<vmem>>
      %dma_start3A_139 = arith.constant 0 : i32
      %dma_start3A_140 = arith.constant 0 : i32
      %dma_start3A_141 = tpu.memref_slice %arg3[%dma_start3A_139, %dma_start3A_140] : memref<1000000x32xf32, #tpu.memory_space<hbm>> -> memref<1000000x32xf32, #tpu.memory_space<hbm>>
      tpu.enqueue_indirect_dma source(%dma_start3A_141 : memref<1000000x32xf32, #tpu.memory_space<hbm>>) target(%dma_start3A_137 : memref<128x32xf32, #tpu.memory_space<vmem>>) offsets(%dma_start3A_138 : memref<128xi32, #tpu.memory_space<vmem>>) semaphore(%arg8 : memref<!tpu.dma_semaphore, #tpu.memory_space<semaphore_mem>>)
      %mul3A_142 = arith.constant 1024 : i32
      %mul3A_143 = arith.muli %rem3A_41, %mul3A_142 : i32
      %add3A_144 = arith.constant 768 : i32
      %add3A_145 = arith.addi %mul3A_143, %add3A_144 : i32
      %mul3A_146 = arith.constant 1024 : i32
      %mul3A_147 = arith.muli %rem3A_41, %mul3A_146 : i32
      %add3A_148 = arith.constant 768 : i32
      %add3A_149 = arith.addi %mul3A_147, %add3A_148 : i32
      %dma_start3A_150 = arith.constant 0 : i32
      %dma_start3A_151 = tpu.memref_slice %arg6[%add3A_149, %dma_start3A_150] : memref<2048x32xf32, #tpu.memory_space<vmem>> -> memref<128x32xf32, #tpu.memory_space<vmem>>
      %dma_start3A_152 = tpu.memref_slice %arg5[%add3A_145] : memref<2048xi32, #tpu.memory_space<vmem>> -> memref<128xi32, #tpu.memory_space<vmem>>
      %dma_start3A_153 = arith.constant 0 : i32
      %dma_start3A_154 = arith.constant 0 : i32
      %dma_start3A_155 = tpu.memref_slice %arg3[%dma_start3A_153, %dma_start3A_154] : memref<1000000x32xf32, #tpu.memory_space<hbm>> -> memref<1000000x32xf32, #tpu.memory_space<hbm>>
      tpu.enqueue_indirect_dma source(%dma_start3A_155 : memref<1000000x32xf32, #tpu.memory_space<hbm>>) target(%dma_start3A_151 : memref<128x32xf32, #tpu.memory_space<vmem>>) offsets(%dma_start3A_152 : memref<128xi32, #tpu.memory_space<vmem>>) semaphore(%arg8 : memref<!tpu.dma_semaphore, #tpu.memory_space<semaphore_mem>>)
      %mul3A_156 = arith.constant 1024 : i32
      %mul3A_157 = arith.muli %rem3A_41, %mul3A_156 : i32
      %add3A_158 = arith.constant 896 : i32
      %add3A_159 = arith.addi %mul3A_157, %add3A_158 : i32
      %mul3A_160 = arith.constant 1024 : i32
      %mul3A_161 = arith.muli %rem3A_41, %mul3A_160 : i32
      %add3A_162 = arith.constant 896 : i32
      %add3A_163 = arith.addi %mul3A_161, %add3A_162 : i32
      %dma_start3A_164 = arith.constant 0 : i32
      %dma_start3A_165 = tpu.memref_slice %arg6[%add3A_163, %dma_start3A_164] : memref<2048x32xf32, #tpu.memory_space<vmem>> -> memref<128x32xf32, #tpu.memory_space<vmem>>
      %dma_start3A_166 = tpu.memref_slice %arg5[%add3A_159] : memref<2048xi32, #tpu.memory_space<vmem>> -> memref<128xi32, #tpu.memory_space<vmem>>
      %dma_start3A_167 = arith.constant 0 : i32
      %dma_start3A_168 = arith.constant 0 : i32
      %dma_start3A_169 = tpu.memref_slice %arg3[%dma_start3A_167, %dma_start3A_168] : memref<1000000x32xf32, #tpu.memory_space<hbm>> -> memref<1000000x32xf32, #tpu.memory_space<hbm>>
      tpu.enqueue_indirect_dma source(%dma_start3A_169 : memref<1000000x32xf32, #tpu.memory_space<hbm>>) target(%dma_start3A_165 : memref<128x32xf32, #tpu.memory_space<vmem>>) offsets(%dma_start3A_166 : memref<128xi32, #tpu.memory_space<vmem>>) semaphore(%arg8 : memref<!tpu.dma_semaphore, #tpu.memory_space<semaphore_mem>>)
      %dma_wait3A_170 = arith.constant 0 : i32
      %dma_wait3A_171 = tpu.memref_slice %arg6[%add3A_65, %dma_wait3A_170] : memref<2048x32xf32, #tpu.memory_space<vmem>> -> memref<128x32xf32, #tpu.memory_space<vmem>>
      %dma_wait3A_172 = tpu.memref_slice %arg5[%add3A_61] : memref<2048xi32, #tpu.memory_space<vmem>> -> memref<128xi32, #tpu.memory_space<vmem>>
      %dma_wait3A_173 = arith.constant 0 : i32
      %dma_wait3A_174 = arith.constant 0 : i32
      %dma_wait3A_175 = tpu.memref_slice %arg3[%dma_wait3A_173, %dma_wait3A_174] : memref<1000000x32xf32, #tpu.memory_space<hbm>> -> memref<1000000x32xf32, #tpu.memory_space<hbm>>
      tpu.wait_indirect_dma semaphore(%arg8 : memref<!tpu.dma_semaphore, #tpu.memory_space<semaphore_mem>>) src(%dma_wait3A_175 : memref<1000000x32xf32, #tpu.memory_space<hbm>>) dst(%dma_wait3A_171 : memref<128x32xf32, #tpu.memory_space<vmem>>)
      %dma_wait3A_176 = arith.constant 0 : i32
      %dma_wait3A_177 = tpu.memref_slice %arg6[%add3A_79, %dma_wait3A_176] : memref<2048x32xf32, #tpu.memory_space<vmem>> -> memref<128x32xf32, #tpu.memory_space<vmem>>
      %dma_wait3A_178 = tpu.memref_slice %arg5[%add3A_75] : memref<2048xi32, #tpu.memory_space<vmem>> -> memref<128xi32, #tpu.memory_space<vmem>>
      %dma_wait3A_179 = arith.constant 0 : i32
      %dma_wait3A_180 = arith.constant 0 : i32
      %dma_wait3A_181 = tpu.memref_slice %arg3[%dma_wait3A_179, %dma_wait3A_180] : memref<1000000x32xf32, #tpu.memory_space<hbm>> -> memref<1000000x32xf32, #tpu.memory_space<hbm>>
      tpu.wait_indirect_dma semaphore(%arg8 : memref<!tpu.dma_semaphore, #tpu.memory_space<semaphore_mem>>) src(%dma_wait3A_181 : memref<1000000x32xf32, #tpu.memory_space<hbm>>) dst(%dma_wait3A_177 : memref<128x32xf32, #tpu.memory_space<vmem>>)
      %dma_wait3A_182 = arith.constant 0 : i32
      %dma_wait3A_183 = tpu.memref_slice %arg6[%add3A_93, %dma_wait3A_182] : memref<2048x32xf32, #tpu.memory_space<vmem>> -> memref<128x32xf32, #tpu.memory_space<vmem>>
      %dma_wait3A_184 = tpu.memref_slice %arg5[%add3A_89] : memref<2048xi32, #tpu.memory_space<vmem>> -> memref<128xi32, #tpu.memory_space<vmem>>
      %dma_wait3A_185 = arith.constant 0 : i32
      %dma_wait3A_186 = arith.constant 0 : i32
      %dma_wait3A_187 = tpu.memref_slice %arg3[%dma_wait3A_185, %dma_wait3A_186] : memref<1000000x32xf32, #tpu.memory_space<hbm>> -> memref<1000000x32xf32, #tpu.memory_space<hbm>>
      tpu.wait_indirect_dma semaphore(%arg8 : memref<!tpu.dma_semaphore, #tpu.memory_space<semaphore_mem>>) src(%dma_wait3A_187 : memref<1000000x32xf32, #tpu.memory_space<hbm>>) dst(%dma_wait3A_183 : memref<128x32xf32, #tpu.memory_space<vmem>>)
      %dma_wait3A_188 = arith.constant 0 : i32
      %dma_wait3A_189 = tpu.memref_slice %arg6[%add3A_107, %dma_wait3A_188] : memref<2048x32xf32, #tpu.memory_space<vmem>> -> memref<128x32xf32, #tpu.memory_space<vmem>>
      %dma_wait3A_190 = tpu.memref_slice %arg5[%add3A_103] : memref<2048xi32, #tpu.memory_space<vmem>> -> memref<128xi32, #tpu.memory_space<vmem>>
      %dma_wait3A_191 = arith.constant 0 : i32
      %dma_wait3A_192 = arith.constant 0 : i32
      %dma_wait3A_193 = tpu.memref_slice %arg3[%dma_wait3A_191, %dma_wait3A_192] : memref<1000000x32xf32, #tpu.memory_space<hbm>> -> memref<1000000x32xf32, #tpu.memory_space<hbm>>
      tpu.wait_indirect_dma semaphore(%arg8 : memref<!tpu.dma_semaphore, #tpu.memory_space<semaphore_mem>>) src(%dma_wait3A_193 : memref<1000000x32xf32, #tpu.memory_space<hbm>>) dst(%dma_wait3A_189 : memref<128x32xf32, #tpu.memory_space<vmem>>)
      %dma_wait3A_194 = arith.constant 0 : i32
      %dma_wait3A_195 = tpu.memref_slice %arg6[%add3A_121, %dma_wait3A_194] : memref<2048x32xf32, #tpu.memory_space<vmem>> -> memref<128x32xf32, #tpu.memory_space<vmem>>
      %dma_wait3A_196 = tpu.memref_slice %arg5[%add3A_117] : memref<2048xi32, #tpu.memory_space<vmem>> -> memref<128xi32, #tpu.memory_space<vmem>>
      %dma_wait3A_197 = arith.constant 0 : i32
      %dma_wait3A_198 = arith.constant 0 : i32
      %dma_wait3A_199 = tpu.memref_slice %arg3[%dma_wait3A_197, %dma_wait3A_198] : memref<1000000x32xf32, #tpu.memory_space<hbm>> -> memref<1000000x32xf32, #tpu.memory_space<hbm>>
      tpu.wait_indirect_dma semaphore(%arg8 : memref<!tpu.dma_semaphore, #tpu.memory_space<semaphore_mem>>) src(%dma_wait3A_199 : memref<1000000x32xf32, #tpu.memory_space<hbm>>) dst(%dma_wait3A_195 : memref<128x32xf32, #tpu.memory_space<vmem>>)
      %dma_wait3A_200 = arith.constant 0 : i32
      %dma_wait3A_201 = tpu.memref_slice %arg6[%add3A_135, %dma_wait3A_200] : memref<2048x32xf32, #tpu.memory_space<vmem>> -> memref<128x32xf32, #tpu.memory_space<vmem>>
      %dma_wait3A_202 = tpu.memref_slice %arg5[%add3A_131] : memref<2048xi32, #tpu.memory_space<vmem>> -> memref<128xi32, #tpu.memory_space<vmem>>
      %dma_wait3A_203 = arith.constant 0 : i32
      %dma_wait3A_204 = arith.constant 0 : i32
      %dma_wait3A_205 = tpu.memref_slice %arg3[%dma_wait3A_203, %dma_wait3A_204] : memref<1000000x32xf32, #tpu.memory_space<hbm>> -> memref<1000000x32xf32, #tpu.memory_space<hbm>>
      tpu.wait_indirect_dma semaphore(%arg8 : memref<!tpu.dma_semaphore, #tpu.memory_space<semaphore_mem>>) src(%dma_wait3A_205 : memref<1000000x32xf32, #tpu.memory_space<hbm>>) dst(%dma_wait3A_201 : memref<128x32xf32, #tpu.memory_space<vmem>>)
      %dma_wait3A_206 = arith.constant 0 : i32
      %dma_wait3A_207 = tpu.memref_slice %arg6[%add3A_149, %dma_wait3A_206] : memref<2048x32xf32, #tpu.memory_space<vmem>> -> memref<128x32xf32, #tpu.memory_space<vmem>>
      %dma_wait3A_208 = tpu.memref_slice %arg5[%add3A_145] : memref<2048xi32, #tpu.memory_space<vmem>> -> memref<128xi32, #tpu.memory_space<vmem>>
      %dma_wait3A_209 = arith.constant 0 : i32
      %dma_wait3A_210 = arith.constant 0 : i32
      %dma_wait3A_211 = tpu.memref_slice %arg3[%dma_wait3A_209, %dma_wait3A_210] : memref<1000000x32xf32, #tpu.memory_space<hbm>> -> memref<1000000x32xf32, #tpu.memory_space<hbm>>
      tpu.wait_indirect_dma semaphore(%arg8 : memref<!tpu.dma_semaphore, #tpu.memory_space<semaphore_mem>>) src(%dma_wait3A_211 : memref<1000000x32xf32, #tpu.memory_space<hbm>>) dst(%dma_wait3A_207 : memref<128x32xf32, #tpu.memory_space<vmem>>)
      %dma_wait3A_212 = arith.constant 0 : i32
      %dma_wait3A_213 = tpu.memref_slice %arg6[%add3A_163, %dma_wait3A_212] : memref<2048x32xf32, #tpu.memory_space<vmem>> -> memref<128x32xf32, #tpu.memory_space<vmem>>
      %dma_wait3A_214 = tpu.memref_slice %arg5[%add3A_159] : memref<2048xi32, #tpu.memory_space<vmem>> -> memref<128xi32, #tpu.memory_space<vmem>>
      %dma_wait3A_215 = arith.constant 0 : i32
      %dma_wait3A_216 = arith.constant 0 : i32
      %dma_wait3A_217 = tpu.memref_slice %arg3[%dma_wait3A_215, %dma_wait3A_216] : memref<1000000x32xf32, #tpu.memory_space<hbm>> -> memref<1000000x32xf32, #tpu.memory_space<hbm>>
      tpu.wait_indirect_dma semaphore(%arg8 : memref<!tpu.dma_semaphore, #tpu.memory_space<semaphore_mem>>) src(%dma_wait3A_217 : memref<1000000x32xf32, #tpu.memory_space<hbm>>) dst(%dma_wait3A_213 : memref<128x32xf32, #tpu.memory_space<vmem>>)
      %mul3A_218 = arith.constant 1024 : i32
      %mul3A_219 = arith.muli %rem3A_41, %mul3A_218 : i32
      %mul3A_220 = arith.constant 8 : i32
      %mul3A_221 = arith.muli %scan3A_40, %mul3A_220 : i32
      %add3A_222 = arith.addi %mul3A_2, %mul3A_221 : i32
      %mul3A_223 = arith.constant 128 : i32
      %mul3A_224 = arith.muli %add3A_222, %mul3A_223 : i32
      %dma_start3A_225 = arith.constant 0 : i32
      %dma_start3A_226 = tpu.memref_slice %arg6[%mul3A_219, %dma_start3A_225] : memref<2048x32xf32, #tpu.memory_space<vmem>> -> memref<1024x32xf32, #tpu.memory_space<vmem>>
      %dma_start3A_227 = arith.constant 0 : i32
      %dma_start3A_228 = tpu.memref_slice %arg4[%mul3A_224, %dma_start3A_227] : memref<819200x32xf32, #tpu.memory_space<hbm>> -> memref<1024x32xf32, #tpu.memory_space<hbm>>
      %dma_start3A_229 = arith.constant 0 : i32
      %dma_start3A_230 = tpu.memref_slice %arg4[%mul3A_224, %dma_start3A_229] : memref<819200x32xf32, #tpu.memory_space<hbm>> -> memref<1024x32xf32, #tpu.memory_space<hbm>>
      %dma_start3A_231 = arith.constant 0 : i32
      %dma_start3A_232 = tpu.memref_slice %arg6[%mul3A_219, %dma_start3A_231] : memref<2048x32xf32, #tpu.memory_space<vmem>> -> memref<1024x32xf32, #tpu.memory_space<vmem>>
      tpu.enqueue_dma source(%dma_start3A_232 : memref<1024x32xf32, #tpu.memory_space<vmem>>) target(%dma_start3A_230 : memref<1024x32xf32, #tpu.memory_space<hbm>>) target_semaphore(%arg9 : memref<!tpu.dma_semaphore, #tpu.memory_space<semaphore_mem>>)
    }
    %scan3A_16 = arith.constant 25 : i32
    %dma_wait3A = arith.constant 0 : i32
    %dma_wait3A_17 = arith.constant 0 : i32
    %dma_wait3A_18 = tpu.memref_slice %arg6[%dma_wait3A, %dma_wait3A_17] : memref<2048x32xf32, #tpu.memory_space<vmem>> -> memref<1024x32xf32, #tpu.memory_space<vmem>>
    %dma_wait3A_19 = arith.constant 0 : i32
    %dma_wait3A_20 = arith.constant 0 : i32
    %dma_wait3A_21 = tpu.memref_slice %arg4[%dma_wait3A_19, %dma_wait3A_20] : memref<819200x32xf32, #tpu.memory_space<hbm>> -> memref<1024x32xf32, #tpu.memory_space<hbm>>
    %dma_wait3A_22 = arith.constant 0 : i32
    %dma_wait3A_23 = arith.constant 0 : i32
    %dma_wait3A_24 = tpu.memref_slice %arg4[%dma_wait3A_22, %dma_wait3A_23] : memref<819200x32xf32, #tpu.memory_space<hbm>> -> memref<1024x32xf32, #tpu.memory_space<hbm>>
    %dma_wait3A_25 = arith.constant 0 : i32
    %dma_wait3A_26 = arith.constant 0 : i32
    %dma_wait3A_27 = tpu.memref_slice %arg6[%dma_wait3A_25, %dma_wait3A_26] : memref<2048x32xf32, #tpu.memory_space<vmem>> -> memref<1024x32xf32, #tpu.memory_space<vmem>>
    tpu.wait_dma2 semaphore(%arg9 : memref<!tpu.dma_semaphore, #tpu.memory_space<semaphore_mem>>) src(%dma_wait3A_27 : memref<1024x32xf32, #tpu.memory_space<vmem>>) dst(%dma_wait3A_24 : memref<1024x32xf32, #tpu.memory_space<hbm>>)
    %dma_wait3A_28 = arith.constant 1024 : i32
    %dma_wait3A_29 = arith.constant 0 : i32
    %dma_wait3A_30 = tpu.memref_slice %arg6[%dma_wait3A_28, %dma_wait3A_29] : memref<2048x32xf32, #tpu.memory_space<vmem>> -> memref<1024x32xf32, #tpu.memory_space<vmem>>
    %dma_wait3A_31 = arith.constant 0 : i32
    %dma_wait3A_32 = arith.constant 0 : i32
    %dma_wait3A_33 = tpu.memref_slice %arg4[%dma_wait3A_31, %dma_wait3A_32] : memref<819200x32xf32, #tpu.memory_space<hbm>> -> memref<1024x32xf32, #tpu.memory_space<hbm>>
    %dma_wait3A_34 = arith.constant 0 : i32
    %dma_wait3A_35 = arith.constant 0 : i32
    %dma_wait3A_36 = tpu.memref_slice %arg4[%dma_wait3A_34, %dma_wait3A_35] : memref<819200x32xf32, #tpu.memory_space<hbm>> -> memref<1024x32xf32, #tpu.memory_space<hbm>>
    %dma_wait3A_37 = arith.constant 1024 : i32
    %dma_wait3A_38 = arith.constant 0 : i32
    %dma_wait3A_39 = tpu.memref_slice %arg6[%dma_wait3A_37, %dma_wait3A_38] : memref<2048x32xf32, #tpu.memory_space<vmem>> -> memref<1024x32xf32, #tpu.memory_space<vmem>>
    tpu.wait_dma2 semaphore(%arg9 : memref<!tpu.dma_semaphore, #tpu.memory_space<semaphore_mem>>) src(%dma_wait3A_39 : memref<1024x32xf32, #tpu.memory_space<vmem>>) dst(%dma_wait3A_36 : memref<1024x32xf32, #tpu.memory_space<hbm>>)
    return
  }
}

module attributes {stable_mosaic.version = 14 : i64} {
  func.func @_xprep_body(%arg0: memref<50x16384xi32, #tpu.memory_space<vmem>>, %arg1: memref<819200xi32, #tpu.memory_space<vmem>>) attributes {dimension_semantics = [], scalar_prefetch = 0 : i64, scratch_operands = 0 : i64, tpu.core_type = #tpu.core_type<tc>} {
    %get3A = arith.constant 0 : index
    %get3A_0 = arith.constant 0 : index
    %get3A_1 = vector.load %arg0[%get3A, %get3A_0] : memref<50x16384xi32, #tpu.memory_space<vmem>>, vector<50x16384xi32>
    %reshape3A = vector.shape_cast %get3A_1 : vector<50x16384xi32> to vector<6400x128xi32>
    %convert_element_type3A = arith.sitofp %reshape3A : vector<6400x128xi32> to vector<6400x128xf32>
    %iota3A = tpu.iota {dimensions = array<i32: 0>} : vector<128x128xi32>
    %iota3A_2 = tpu.iota {dimensions = array<i32: 1>} : vector<128x128xi32>
    %rem3A = arith.constant 4 : i32
    %rem3A_3 = vector.broadcast %rem3A : i32 to vector<128x128xi32>
    %rem3A_4 = arith.remsi %iota3A_2, %rem3A_3 : vector<128x128xi32>
    %mul3A = arith.constant 32 : i32
    %mul3A_5 = vector.broadcast %mul3A : i32 to vector<128x128xi32>
    %mul3A_6 = arith.muli %mul3A_5, %rem3A_4 : vector<128x128xi32>
    %jit3A = arith.constant 4 : i32
    %div3A = vector.broadcast %jit3A : i32 to vector<128x128xi32>
    %div3A_7 = arith.divsi %iota3A_2, %div3A : vector<128x128xi32>
    %sign3A = arith.constant 0 : i32
    %sign3A_8 = vector.broadcast %sign3A : i32 to vector<128x128xi32>
    %sign3A_9 = arith.cmpi sgt, %iota3A_2, %sign3A_8 : vector<128x128xi32>
    %sign3A_10 = arith.extui %sign3A_9 : vector<128x128xi1> to vector<128x128xi32>
    %sign3A_11 = arith.constant 0 : i32
    %sign3A_12 = vector.broadcast %sign3A_11 : i32 to vector<128x128xi32>
    %sign3A_13 = arith.cmpi slt, %iota3A_2, %sign3A_12 : vector<128x128xi32>
    %sign3A_14 = arith.extui %sign3A_13 : vector<128x128xi1> to vector<128x128xi32>
    %sign3A_15 = arith.subi %sign3A_10, %sign3A_14 : vector<128x128xi32>
    %sign3A_16 = arith.constant 0 : i32
    %sign3A_17 = arith.cmpi sgt, %jit3A, %sign3A_16 : i32
    %sign3A_18 = arith.extui %sign3A_17 : i1 to i32
    %sign3A_19 = arith.constant 0 : i32
    %sign3A_20 = arith.cmpi slt, %jit3A, %sign3A_19 : i32
    %sign3A_21 = arith.extui %sign3A_20 : i1 to i32
    %sign3A_22 = arith.subi %sign3A_18, %sign3A_21 : i32
    %ne3A = vector.broadcast %sign3A_22 : i32 to vector<128x128xi32>
    %ne3A_23 = arith.cmpi ne, %sign3A_15, %ne3A : vector<128x128xi32>
    %rem3A_24 = vector.broadcast %jit3A : i32 to vector<128x128xi32>
    %rem3A_25 = arith.remsi %iota3A_2, %rem3A_24 : vector<128x128xi32>
    %ne3A_26 = arith.constant 0 : i32
    %ne3A_27 = vector.broadcast %ne3A_26 : i32 to vector<128x128xi32>
    %ne3A_28 = arith.cmpi ne, %rem3A_25, %ne3A_27 : vector<128x128xi32>
    %and3A = arith.andi %ne3A_23, %ne3A_28 : vector<128x128xi1>
    %sub3A = arith.constant 1 : i32
    %sub3A_29 = vector.broadcast %sub3A : i32 to vector<128x128xi32>
    %sub3A_30 = arith.subi %div3A_7, %sub3A_29 : vector<128x128xi32>
    %select_n3A = arith.select %and3A, %sub3A_30, %div3A_7 : vector<128x128xi1>, vector<128x128xi32>
    %add3A = arith.addi %mul3A_6, %select_n3A : vector<128x128xi32>
    %eq3A = arith.cmpi eq, %iota3A, %add3A : vector<128x128xi32>
    %convert_element_type3A_31 = arith.extui %eq3A : vector<128x128xi1> to vector<128x128xi32>
    %convert_element_type3A_32 = arith.sitofp %convert_element_type3A_31 : vector<128x128xi32> to vector<128x128xf32>
    %dot_general3A = arith.constant dense<0.000000e+00> : vector<6400x128xf32>
    %dot_general3A_33 = tpu.matmul %convert_element_type3A, %convert_element_type3A_32, %dot_general3A {dimension_numbers = #tpu.dot_dimension_numbers<[1], [0], [0], [1], [0, 0, 1, 1], [], []>, precision = #tpu.contract_precision<fp32>, transpose_lhs_hint = false} : vector<6400x128xf32>, vector<128x128xf32>, vector<6400x128xf32> -> vector<6400x128xf32>
    %convert_element_type3A_34 = arith.fptosi %dot_general3A_33 : vector<6400x128xf32> to vector<6400x128xi32>
    %reshape3A_35 = vector.shape_cast %convert_element_type3A_34 : vector<6400x128xi32> to vector<819200xi32>
    %swap3A = arith.constant 0 : index
    %swap3A_36 = vector.load %arg1[%swap3A] : memref<819200xi32, #tpu.memory_space<vmem>>, vector<819200xi32>
    tpu.vector_store %arg1[%swap3A], %reshape3A_35 {strides = array<i32>} : memref<819200xi32, #tpu.memory_space<vmem>>, vector<819200xi32>,
    return
  }
}

module attributes {stable_mosaic.version = 14 : i64} {
  func.func @_transpose_body(%arg0: i32, %arg1: memref<524288xf32, #tpu.memory_space<vmem>>, %arg2: memref<1x32x16384xf32, #tpu.memory_space<vmem>>) attributes {dimension_semantics = [#tpu.dimension_semantics<arbitrary>], iteration_bounds = array<i64: 50>, scalar_prefetch = 0 : i64, scratch_operands = 0 : i64, tpu.core_type = #tpu.core_type<tc>, window_params = [{transform_indices = @transform_0, window_bounds = array<i64: 524288>}, {transform_indices = @transform_1, window_bounds = array<i64: 1, 32, 16384>}]} {
    %get3A = arith.constant 0 : index
    %get3A_0 = vector.load %arg1[%get3A] : memref<524288xf32, #tpu.memory_space<vmem>>, vector<524288xf32>
    %reshape3A = vector.shape_cast %get3A_0 : vector<524288xf32> to vector<4096x128xf32>
    %iota3A = tpu.iota {dimensions = array<i32: 0>} : vector<128x128xi32>
    %iota3A_1 = tpu.iota {dimensions = array<i32: 1>} : vector<128x128xi32>
    %eq3A = arith.cmpi eq, %iota3A, %iota3A_1 : vector<128x128xi32>
    %convert_element_type3A = arith.extui %eq3A : vector<128x128xi1> to vector<128x128xi32>
    %convert_element_type3A_2 = arith.sitofp %convert_element_type3A : vector<128x128xi32> to vector<128x128xf32>
    %dot_general3A = arith.constant dense<0.000000e+00> : vector<128x4096xf32>
    %dot_general3A_3 = tpu.matmul %convert_element_type3A_2, %reshape3A, %dot_general3A {dimension_numbers = #tpu.dot_dimension_numbers<[1], [1], [0], [0], [0, 0, 1, 0], [], []>, precision = #tpu.contract_precision<fp32>, transpose_lhs_hint = false} : vector<128x128xf32>, vector<4096x128xf32>, vector<128x4096xf32> -> vector<128x4096xf32>
    %slice3A = vector.extract_strided_slice %dot_general3A_3 {offsets = [0, 0], sizes = [32, 32], strides = [1, 1]} : vector<128x4096xf32> to vector<32x32xf32>
    %swap3A = arith.constant 0 : index
    %swap3A_4 = arith.constant 0 : index
    %swap3A_5 = arith.constant 0 : index
    %swap3A_6 = vector.load %arg2[%swap3A, %swap3A_4, %swap3A_5] : memref<1x32x16384xf32, #tpu.memory_space<vmem>>, vector<1x32x32xf32>
    %swap3A_7 = vector.shape_cast %swap3A_6 : vector<1x32x32xf32> to vector<32x32xf32>
    %swap3A_8 = vector.shape_cast %slice3A : vector<32x32xf32> to vector<1x32x32xf32>
    tpu.vector_store %arg2[%swap3A, %swap3A_4, %swap3A_5], %swap3A_8 {strides = array<i32>} : memref<1x32x16384xf32, #tpu.memory_space<vmem>>, vector<1x32x32xf32>,
    %slice3A_9 = vector.extract_strided_slice %dot_general3A_3 {offsets = [0, 32], sizes = [32, 32], strides = [1, 1]} : vector<128x4096xf32> to vector<32x32xf32>
    %swap3A_10 = arith.constant 0 : index
    %swap3A_11 = arith.constant 0 : index
    %swap3A_12 = arith.constant 128 : index
    %swap3A_13 = vector.load %arg2[%swap3A_10, %swap3A_11, %swap3A_12] : memref<1x32x16384xf32, #tpu.memory_space<vmem>>, vector<1x32x32xf32>
    %swap3A_14 = vector.shape_cast %swap3A_13 : vector<1x32x32xf32> to vector<32x32xf32>
    %swap3A_15 = vector.shape_cast %slice3A_9 : vector<32x32xf32> to vector<1x32x32xf32>
    tpu.vector_store %arg2[%swap3A_10, %swap3A_11, %swap3A_12], %swap3A_15 {strides = array<i32>} : memref<1x32x16384xf32, #tpu.memory_space<vmem>>, vector<1x32x32xf32>,
    %slice3A_16 = vector.extract_strided_slice %dot_general3A_3 {offsets = [0, 64], sizes = [32, 32], strides = [1, 1]} : vector<128x4096xf32> to vector<32x32xf32>
    %swap3A_17 = arith.constant 0 : index
    %swap3A_18 = arith.constant 0 : index
    %swap3A_19 = arith.constant 256 : index
    %swap3A_20 = vector.load %arg2[%swap3A_17, %swap3A_18, %swap3A_19] : memref<1x32x16384xf32, #tpu.memory_space<vmem>>, vector<1x32x32xf32>
    %swap3A_21 = vector.shape_cast %swap3A_20 : vector<1x32x32xf32> to vector<32x32xf32>
    %swap3A_22 = vector.shape_cast %slice3A_16 : vector<32x32xf32> to vector<1x32x32xf32>
    tpu.vector_store %arg2[%swap3A_17, %swap3A_18, %swap3A_19], %swap3A_22 {strides = array<i32>} : memref<1x32x16384xf32, #tpu.memory_space<vmem>>, vector<1x32x32xf32>,
    %slice3A_23 = vector.extract_strided_slice %dot_general3A_3 {offsets = [0, 96], sizes = [32, 32], strides = [1, 1]} : vector<128x4096xf32> to vector<32x32xf32>
    %swap3A_24 = arith.constant 0 : index
    %swap3A_25 = arith.constant 0 : index
    %swap3A_26 = arith.constant 384 : index
    %swap3A_27 = vector.load %arg2[%swap3A_24, %swap3A_25, %swap3A_26] : memref<1x32x16384xf32, #tpu.memory_space<vmem>>, vector<1x32x32xf32>
    %swap3A_28 = vector.shape_cast %swap3A_27 : vector<1x32x32xf32> to vector<32x32xf32>
    %swap3A_29 = vector.shape_cast %slice3A_23 : vector<32x32xf32> to vector<1x32x32xf32>
    tpu.vector_store %arg2[%swap3A_24, %swap3A_25, %swap3A_26], %swap3A_29 {strides = array<i32>} : memref<1x32x16384xf32, #tpu.memory_space<vmem>>, vector<1x32x32xf32>,
    %slice3A_30 = vector.extract_strided_slice %dot_general3A_3 {offsets = [0, 128], sizes = [32, 32], strides = [1, 1]} : vector<128x4096xf32> to vector<32x32xf32>
    %swap3A_31 = arith.constant 0 : index
    %swap3A_32 = arith.constant 0 : index
    %swap3A_33 = arith.constant 512 : index
    %swap3A_34 = vector.load %arg2[%swap3A_31, %swap3A_32, %swap3A_33] : memref<1x32x16384xf32, #tpu.memory_space<vmem>>, vector<1x32x32xf32>
    %swap3A_35 = vector.shape_cast %swap3A_34 : vector<1x32x32xf32> to vector<32x32xf32>
    %swap3A_36 = vector.shape_cast %slice3A_30 : vector<32x32xf32> to vector<1x32x32xf32>
    tpu.vector_store %arg2[%swap3A_31, %swap3A_32, %swap3A_33], %swap3A_36 {strides = array<i32>} : memref<1x32x16384xf32, #tpu.memory_space<vmem>>, vector<1x32x32xf32>,
    %slice3A_37 = vector.extract_strided_slice %dot_general3A_3 {offsets = [0, 160], sizes = [32, 32], strides = [1, 1]} : vector<128x4096xf32> to vector<32x32xf32>
    %swap3A_38 = arith.constant 0 : index
    %swap3A_39 = arith.constant 0 : index
    %swap3A_40 = arith.constant 640 : index
    %swap3A_41 = vector.load %arg2[%swap3A_38, %swap3A_39, %swap3A_40] : memref<1x32x16384xf32, #tpu.memory_space<vmem>>, vector<1x32x32xf32>
    %swap3A_42 = vector.shape_cast %swap3A_41 : vector<1x32x32xf32> to vector<32x32xf32>
    %swap3A_43 = vector.shape_cast %slice3A_37 : vector<32x32xf32> to vector<1x32x32xf32>
    tpu.vector_store %arg2[%swap3A_38, %swap3A_39, %swap3A_40], %swap3A_43 {strides = array<i32>} : memref<1x32x16384xf32, #tpu.memory_space<vmem>>, vector<1x32x32xf32>,
    %slice3A_44 = vector.extract_strided_slice %dot_general3A_3 {offsets = [0, 192], sizes = [32, 32], strides = [1, 1]} : vector<128x4096xf32> to vector<32x32xf32>
    %swap3A_45 = arith.constant 0 : index
    %swap3A_46 = arith.constant 0 : index
    %swap3A_47 = arith.constant 768 : index
    %swap3A_48 = vector.load %arg2[%swap3A_45, %swap3A_46, %swap3A_47] : memref<1x32x16384xf32, #tpu.memory_space<vmem>>, vector<1x32x32xf32>
    %swap3A_49 = vector.shape_cast %swap3A_48 : vector<1x32x32xf32> to vector<32x32xf32>
    %swap3A_50 = vector.shape_cast %slice3A_44 : vector<32x32xf32> to vector<1x32x32xf32>
    tpu.vector_store %arg2[%swap3A_45, %swap3A_46, %swap3A_47], %swap3A_50 {strides = array<i32>} : memref<1x32x16384xf32, #tpu.memory_space<vmem>>, vector<1x32x32xf32>,
    %slice3A_51 = vector.extract_strided_slice %dot_general3A_3 {offsets = [0, 224], sizes = [32, 32], strides = [1, 1]} : vector<128x4096xf32> to vector<32x32xf32>
    %swap3A_52 = arith.constant 0 : index
    %swap3A_53 = arith.constant 0 : index
    %swap3A_54 = arith.constant 896 : index
    %swap3A_55 = vector.load %arg2[%swap3A_52, %swap3A_53, %swap3A_54] : memref<1x32x16384xf32, #tpu.memory_space<vmem>>, vector<1x32x32xf32>
    %swap3A_56 = vector.shape_cast %swap3A_55 : vector<1x32x32xf32> to vector<32x32xf32>
    %swap3A_57 = vector.shape_cast %slice3A_51 : vector<32x32xf32> to vector<1x32x32xf32>
    tpu.vector_store %arg2[%swap3A_52, %swap3A_53, %swap3A_54], %swap3A_57 {strides = array<i32>} : memref<1x32x16384xf32, #tpu.memory_space<vmem>>, vector<1x32x32xf32>,
    %slice3A_58 = vector.extract_strided_slice %dot_general3A_3 {offsets = [0, 256], sizes = [32, 32], strides = [1, 1]} : vector<128x4096xf32> to vector<32x32xf32>
    %swap3A_59 = arith.constant 0 : index
    %swap3A_60 = arith.constant 0 : index
    %swap3A_61 = arith.constant 1024 : index
    %swap3A_62 = vector.load %arg2[%swap3A_59, %swap3A_60, %swap3A_61] : memref<1x32x16384xf32, #tpu.memory_space<vmem>>, vector<1x32x32xf32>
    %swap3A_63 = vector.shape_cast %swap3A_62 : vector<1x32x32xf32> to vector<32x32xf32>
    %swap3A_64 = vector.shape_cast %slice3A_58 : vector<32x32xf32> to vector<1x32x32xf32>
    tpu.vector_store %arg2[%swap3A_59, %swap3A_60, %swap3A_61], %swap3A_64 {strides = array<i32>} : memref<1x32x16384xf32, #tpu.memory_space<vmem>>, vector<1x32x32xf32>,
    %slice3A_65 = vector.extract_strided_slice %dot_general3A_3 {offsets = [0, 288], sizes = [32, 32], strides = [1, 1]} : vector<128x4096xf32> to vector<32x32xf32>
    %swap3A_66 = arith.constant 0 : index
    %swap3A_67 = arith.constant 0 : index
    %swap3A_68 = arith.constant 1152 : index
    %swap3A_69 = vector.load %arg2[%swap3A_66, %swap3A_67, %swap3A_68] : memref<1x32x16384xf32, #tpu.memory_space<vmem>>, vector<1x32x32xf32>
    %swap3A_70 = vector.shape_cast %swap3A_69 : vector<1x32x32xf32> to vector<32x32xf32>
    %swap3A_71 = vector.shape_cast %slice3A_65 : vector<32x32xf32> to vector<1x32x32xf32>
    tpu.vector_store %arg2[%swap3A_66, %swap3A_67, %swap3A_68], %swap3A_71 {strides = array<i32>} : memref<1x32x16384xf32, #tpu.memory_space<vmem>>, vector<1x32x32xf32>,
    %slice3A_72 = vector.extract_strided_slice %dot_general3A_3 {offsets = [0, 320], sizes = [32, 32], strides = [1, 1]} : vector<128x4096xf32> to vector<32x32xf32>
    %swap3A_73 = arith.constant 0 : index
    %swap3A_74 = arith.constant 0 : index
    %swap3A_75 = arith.constant 1280 : index
    %swap3A_76 = vector.load %arg2[%swap3A_73, %swap3A_74, %swap3A_75] : memref<1x32x16384xf32, #tpu.memory_space<vmem>>, vector<1x32x32xf32>
    %swap3A_77 = vector.shape_cast %swap3A_76 : vector<1x32x32xf32> to vector<32x32xf32>
    %swap3A_78 = vector.shape_cast %slice3A_72 : vector<32x32xf32> to vector<1x32x32xf32>
    tpu.vector_store %arg2[%swap3A_73, %swap3A_74, %swap3A_75], %swap3A_78 {strides = array<i32>} : memref<1x32x16384xf32, #tpu.memory_space<vmem>>, vector<1x32x32xf32>,
    %slice3A_79 = vector.extract_strided_slice %dot_general3A_3 {offsets = [0, 352], sizes = [32, 32], strides = [1, 1]} : vector<128x4096xf32> to vector<32x32xf32>
    %swap3A_80 = arith.constant 0 : index
    %swap3A_81 = arith.constant 0 : index
    %swap3A_82 = arith.constant 1408 : index
    %swap3A_83 = vector.load %arg2[%swap3A_80, %swap3A_81, %swap3A_82] : memref<1x32x16384xf32, #tpu.memory_space<vmem>>, vector<1x32x32xf32>
    %swap3A_84 = vector.shape_cast %swap3A_83 : vector<1x32x32xf32> to vector<32x32xf32>
    %swap3A_85 = vector.shape_cast %slice3A_79 : vector<32x32xf32> to vector<1x32x32xf32>
    tpu.vector_store %arg2[%swap3A_80, %swap3A_81, %swap3A_82], %swap3A_85 {strides = array<i32>} : memref<1x32x16384xf32, #tpu.memory_space<vmem>>, vector<1x32x32xf32>,
    %slice3A_86 = vector.extract_strided_slice %dot_general3A_3 {offsets = [0, 384], sizes = [32, 32], strides = [1, 1]} : vector<128x4096xf32> to vector<32x32xf32>
    %swap3A_87 = arith.constant 0 : index
    %swap3A_88 = arith.constant 0 : index
    %swap3A_89 = arith.constant 1536 : index
    %swap3A_90 = vector.load %arg2[%swap3A_87, %swap3A_88, %swap3A_89] : memref<1x32x16384xf32, #tpu.memory_space<vmem>>, vector<1x32x32xf32>
    %swap3A_91 = vector.shape_cast %swap3A_90 : vector<1x32x32xf32> to vector<32x32xf32>
    %swap3A_92 = vector.shape_cast %slice3A_86 : vector<32x32xf32> to vector<1x32x32xf32>
    tpu.vector_store %arg2[%swap3A_87, %swap3A_88, %swap3A_89], %swap3A_92 {strides = array<i32>} : memref<1x32x16384xf32, #tpu.memory_space<vmem>>, vector<1x32x32xf32>,
    %slice3A_93 = vector.extract_strided_slice %dot_general3A_3 {offsets = [0, 416], sizes = [32, 32], strides = [1, 1]} : vector<128x4096xf32> to vector<32x32xf32>
    %swap3A_94 = arith.constant 0 : index
    %swap3A_95 = arith.constant 0 : index
    %swap3A_96 = arith.constant 1664 : index
    %swap3A_97 = vector.load %arg2[%swap3A_94, %swap3A_95, %swap3A_96] : memref<1x32x16384xf32, #tpu.memory_space<vmem>>, vector<1x32x32xf32>
    %swap3A_98 = vector.shape_cast %swap3A_97 : vector<1x32x32xf32> to vector<32x32xf32>
    %swap3A_99 = vector.shape_cast %slice3A_93 : vector<32x32xf32> to vector<1x32x32xf32>
    tpu.vector_store %arg2[%swap3A_94, %swap3A_95, %swap3A_96], %swap3A_99 {strides = array<i32>} : memref<1x32x16384xf32, #tpu.memory_space<vmem>>, vector<1x32x32xf32>,
    %slice3A_100 = vector.extract_strided_slice %dot_general3A_3 {offsets = [0, 448], sizes = [32, 32], strides = [1, 1]} : vector<128x4096xf32> to vector<32x32xf32>
    %swap3A_101 = arith.constant 0 : index
    %swap3A_102 = arith.constant 0 : index
    %swap3A_103 = arith.constant 1792 : index
    %swap3A_104 = vector.load %arg2[%swap3A_101, %swap3A_102, %swap3A_103] : memref<1x32x16384xf32, #tpu.memory_space<vmem>>, vector<1x32x32xf32>
    %swap3A_105 = vector.shape_cast %swap3A_104 : vector<1x32x32xf32> to vector<32x32xf32>
    %swap3A_106 = vector.shape_cast %slice3A_100 : vector<32x32xf32> to vector<1x32x32xf32>
    tpu.vector_store %arg2[%swap3A_101, %swap3A_102, %swap3A_103], %swap3A_106 {strides = array<i32>} : memref<1x32x16384xf32, #tpu.memory_space<vmem>>, vector<1x32x32xf32>,
    %slice3A_107 = vector.extract_strided_slice %dot_general3A_3 {offsets = [0, 480], sizes = [32, 32], strides = [1, 1]} : vector<128x4096xf32> to vector<32x32xf32>
    %swap3A_108 = arith.constant 0 : index
    %swap3A_109 = arith.constant 0 : index
    %swap3A_110 = arith.constant 1920 : index
    %swap3A_111 = vector.load %arg2[%swap3A_108, %swap3A_109, %swap3A_110] : memref<1x32x16384xf32, #tpu.memory_space<vmem>>, vector<1x32x32xf32>
    %swap3A_112 = vector.shape_cast %swap3A_111 : vector<1x32x32xf32> to vector<32x32xf32>
    %swap3A_113 = vector.shape_cast %slice3A_107 : vector<32x32xf32> to vector<1x32x32xf32>
    tpu.vector_store %arg2[%swap3A_108, %swap3A_109, %swap3A_110], %swap3A_113 {strides = array<i32>} : memref<1x32x16384xf32, #tpu.memory_space<vmem>>, vector<1x32x32xf32>,
    %slice3A_114 = vector.extract_strided_slice %dot_general3A_3 {offsets = [0, 512], sizes = [32, 32], strides = [1, 1]} : vector<128x4096xf32> to vector<32x32xf32>
    %swap3A_115 = arith.constant 0 : index
    %swap3A_116 = arith.constant 0 : index
    %swap3A_117 = arith.constant 2048 : index
    %swap3A_118 = vector.load %arg2[%swap3A_115, %swap3A_116, %swap3A_117] : memref<1x32x16384xf32, #tpu.memory_space<vmem>>, vector<1x32x32xf32>
    %swap3A_119 = vector.shape_cast %swap3A_118 : vector<1x32x32xf32> to vector<32x32xf32>
    %swap3A_120 = vector.shape_cast %slice3A_114 : vector<32x32xf32> to vector<1x32x32xf32>
    tpu.vector_store %arg2[%swap3A_115, %swap3A_116, %swap3A_117], %swap3A_120 {strides = array<i32>} : memref<1x32x16384xf32, #tpu.memory_space<vmem>>, vector<1x32x32xf32>,
    %slice3A_121 = vector.extract_strided_slice %dot_general3A_3 {offsets = [0, 544], sizes = [32, 32], strides = [1, 1]} : vector<128x4096xf32> to vector<32x32xf32>
    %swap3A_122 = arith.constant 0 : index
    %swap3A_123 = arith.constant 0 : index
    %swap3A_124 = arith.constant 2176 : index
    %swap3A_125 = vector.load %arg2[%swap3A_122, %swap3A_123, %swap3A_124] : memref<1x32x16384xf32, #tpu.memory_space<vmem>>, vector<1x32x32xf32>
    %swap3A_126 = vector.shape_cast %swap3A_125 : vector<1x32x32xf32> to vector<32x32xf32>
    %swap3A_127 = vector.shape_cast %slice3A_121 : vector<32x32xf32> to vector<1x32x32xf32>
    tpu.vector_store %arg2[%swap3A_122, %swap3A_123, %swap3A_124], %swap3A_127 {strides = array<i32>} : memref<1x32x16384xf32, #tpu.memory_space<vmem>>, vector<1x32x32xf32>,
    %slice3A_128 = vector.extract_strided_slice %dot_general3A_3 {offsets = [0, 576], sizes = [32, 32], strides = [1, 1]} : vector<128x4096xf32> to vector<32x32xf32>
    %swap3A_129 = arith.constant 0 : index
    %swap3A_130 = arith.constant 0 : index
    %swap3A_131 = arith.constant 2304 : index
    %swap3A_132 = vector.load %arg2[%swap3A_129, %swap3A_130, %swap3A_131] : memref<1x32x16384xf32, #tpu.memory_space<vmem>>, vector<1x32x32xf32>
    %swap3A_133 = vector.shape_cast %swap3A_132 : vector<1x32x32xf32> to vector<32x32xf32>
    %swap3A_134 = vector.shape_cast %slice3A_128 : vector<32x32xf32> to vector<1x32x32xf32>
    tpu.vector_store %arg2[%swap3A_129, %swap3A_130, %swap3A_131], %swap3A_134 {strides = array<i32>} : memref<1x32x16384xf32, #tpu.memory_space<vmem>>, vector<1x32x32xf32>,
    %slice3A_135 = vector.extract_strided_slice %dot_general3A_3 {offsets = [0, 608], sizes = [32, 32], strides = [1, 1]} : vector<128x4096xf32> to vector<32x32xf32>
    %swap3A_136 = arith.constant 0 : index
    %swap3A_137 = arith.constant 0 : index
    %swap3A_138 = arith.constant 2432 : index
    %swap3A_139 = vector.load %arg2[%swap3A_136, %swap3A_137, %swap3A_138] : memref<1x32x16384xf32, #tpu.memory_space<vmem>>, vector<1x32x32xf32>
    %swap3A_140 = vector.shape_cast %swap3A_139 : vector<1x32x32xf32> to vector<32x32xf32>
    %swap3A_141 = vector.shape_cast %slice3A_135 : vector<32x32xf32> to vector<1x32x32xf32>
    tpu.vector_store %arg2[%swap3A_136, %swap3A_137, %swap3A_138], %swap3A_141 {strides = array<i32>} : memref<1x32x16384xf32, #tpu.memory_space<vmem>>, vector<1x32x32xf32>,
    %slice3A_142 = vector.extract_strided_slice %dot_general3A_3 {offsets = [0, 640], sizes = [32, 32], strides = [1, 1]} : vector<128x4096xf32> to vector<32x32xf32>
    %swap3A_143 = arith.constant 0 : index
    %swap3A_144 = arith.constant 0 : index
    %swap3A_145 = arith.constant 2560 : index
    %swap3A_146 = vector.load %arg2[%swap3A_143, %swap3A_144, %swap3A_145] : memref<1x32x16384xf32, #tpu.memory_space<vmem>>, vector<1x32x32xf32>
    %swap3A_147 = vector.shape_cast %swap3A_146 : vector<1x32x32xf32> to vector<32x32xf32>
    %swap3A_148 = vector.shape_cast %slice3A_142 : vector<32x32xf32> to vector<1x32x32xf32>
    tpu.vector_store %arg2[%swap3A_143, %swap3A_144, %swap3A_145], %swap3A_148 {strides = array<i32>} : memref<1x32x16384xf32, #tpu.memory_space<vmem>>, vector<1x32x32xf32>,
    %slice3A_149 = vector.extract_strided_slice %dot_general3A_3 {offsets = [0, 672], sizes = [32, 32], strides = [1, 1]} : vector<128x4096xf32> to vector<32x32xf32>
    %swap3A_150 = arith.constant 0 : index
    %swap3A_151 = arith.constant 0 : index
    %swap3A_152 = arith.constant 2688 : index
    %swap3A_153 = vector.load %arg2[%swap3A_150, %swap3A_151, %swap3A_152] : memref<1x32x16384xf32, #tpu.memory_space<vmem>>, vector<1x32x32xf32>
    %swap3A_154 = vector.shape_cast %swap3A_153 : vector<1x32x32xf32> to vector<32x32xf32>
    %swap3A_155 = vector.shape_cast %slice3A_149 : vector<32x32xf32> to vector<1x32x32xf32>
    tpu.vector_store %arg2[%swap3A_150, %swap3A_151, %swap3A_152], %swap3A_155 {strides = array<i32>} : memref<1x32x16384xf32, #tpu.memory_space<vmem>>, vector<1x32x32xf32>,
    %slice3A_156 = vector.extract_strided_slice %dot_general3A_3 {offsets = [0, 704], sizes = [32, 32], strides = [1, 1]} : vector<128x4096xf32> to vector<32x32xf32>
    %swap3A_157 = arith.constant 0 : index
    %swap3A_158 = arith.constant 0 : index
    %swap3A_159 = arith.constant 2816 : index
    %swap3A_160 = vector.load %arg2[%swap3A_157, %swap3A_158, %swap3A_159] : memref<1x32x16384xf32, #tpu.memory_space<vmem>>, vector<1x32x32xf32>
    %swap3A_161 = vector.shape_cast %swap3A_160 : vector<1x32x32xf32> to vector<32x32xf32>
    %swap3A_162 = vector.shape_cast %slice3A_156 : vector<32x32xf32> to vector<1x32x32xf32>
    tpu.vector_store %arg2[%swap3A_157, %swap3A_158, %swap3A_159], %swap3A_162 {strides = array<i32>} : memref<1x32x16384xf32, #tpu.memory_space<vmem>>, vector<1x32x32xf32>,
    %slice3A_163 = vector.extract_strided_slice %dot_general3A_3 {offsets = [0, 736], sizes = [32, 32], strides = [1, 1]} : vector<128x4096xf32> to vector<32x32xf32>
    %swap3A_164 = arith.constant 0 : index
    %swap3A_165 = arith.constant 0 : index
    %swap3A_166 = arith.constant 2944 : index
    %swap3A_167 = vector.load %arg2[%swap3A_164, %swap3A_165, %swap3A_166] : memref<1x32x16384xf32, #tpu.memory_space<vmem>>, vector<1x32x32xf32>
    %swap3A_168 = vector.shape_cast %swap3A_167 : vector<1x32x32xf32> to vector<32x32xf32>
    %swap3A_169 = vector.shape_cast %slice3A_163 : vector<32x32xf32> to vector<1x32x32xf32>
    tpu.vector_store %arg2[%swap3A_164, %swap3A_165, %swap3A_166], %swap3A_169 {strides = array<i32>} : memref<1x32x16384xf32, #tpu.memory_space<vmem>>, vector<1x32x32xf32>,
    %slice3A_170 = vector.extract_strided_slice %dot_general3A_3 {offsets = [0, 768], sizes = [32, 32], strides = [1, 1]} : vector<128x4096xf32> to vector<32x32xf32>
    %swap3A_171 = arith.constant 0 : index
    %swap3A_172 = arith.constant 0 : index
    %swap3A_173 = arith.constant 3072 : index
    %swap3A_174 = vector.load %arg2[%swap3A_171, %swap3A_172, %swap3A_173] : memref<1x32x16384xf32, #tpu.memory_space<vmem>>, vector<1x32x32xf32>
    %swap3A_175 = vector.shape_cast %swap3A_174 : vector<1x32x32xf32> to vector<32x32xf32>
    %swap3A_176 = vector.shape_cast %slice3A_170 : vector<32x32xf32> to vector<1x32x32xf32>
    tpu.vector_store %arg2[%swap3A_171, %swap3A_172, %swap3A_173], %swap3A_176 {strides = array<i32>} : memref<1x32x16384xf32, #tpu.memory_space<vmem>>, vector<1x32x32xf32>,
    %slice3A_177 = vector.extract_strided_slice %dot_general3A_3 {offsets = [0, 800], sizes = [32, 32], strides = [1, 1]} : vector<128x4096xf32> to vector<32x32xf32>
    %swap3A_178 = arith.constant 0 : index
    %swap3A_179 = arith.constant 0 : index
    %swap3A_180 = arith.constant 3200 : index
    %swap3A_181 = vector.load %arg2[%swap3A_178, %swap3A_179, %swap3A_180] : memref<1x32x16384xf32, #tpu.memory_space<vmem>>, vector<1x32x32xf32>
    %swap3A_182 = vector.shape_cast %swap3A_181 : vector<1x32x32xf32> to vector<32x32xf32>
    %swap3A_183 = vector.shape_cast %slice3A_177 : vector<32x32xf32> to vector<1x32x32xf32>
    tpu.vector_store %arg2[%swap3A_178, %swap3A_179, %swap3A_180], %swap3A_183 {strides = array<i32>} : memref<1x32x16384xf32, #tpu.memory_space<vmem>>, vector<1x32x32xf32>,
    %slice3A_184 = vector.extract_strided_slice %dot_general3A_3 {offsets = [0, 832], sizes = [32, 32], strides = [1, 1]} : vector<128x4096xf32> to vector<32x32xf32>
    %swap3A_185 = arith.constant 0 : index
    %swap3A_186 = arith.constant 0 : index
    %swap3A_187 = arith.constant 3328 : index
    %swap3A_188 = vector.load %arg2[%swap3A_185, %swap3A_186, %swap3A_187] : memref<1x32x16384xf32, #tpu.memory_space<vmem>>, vector<1x32x32xf32>
    %swap3A_189 = vector.shape_cast %swap3A_188 : vector<1x32x32xf32> to vector<32x32xf32>
    %swap3A_190 = vector.shape_cast %slice3A_184 : vector<32x32xf32> to vector<1x32x32xf32>
    tpu.vector_store %arg2[%swap3A_185, %swap3A_186, %swap3A_187], %swap3A_190 {strides = array<i32>} : memref<1x32x16384xf32, #tpu.memory_space<vmem>>, vector<1x32x32xf32>,
    %slice3A_191 = vector.extract_strided_slice %dot_general3A_3 {offsets = [0, 864], sizes = [32, 32], strides = [1, 1]} : vector<128x4096xf32> to vector<32x32xf32>
    %swap3A_192 = arith.constant 0 : index
    %swap3A_193 = arith.constant 0 : index
    %swap3A_194 = arith.constant 3456 : index
    %swap3A_195 = vector.load %arg2[%swap3A_192, %swap3A_193, %swap3A_194] : memref<1x32x16384xf32, #tpu.memory_space<vmem>>, vector<1x32x32xf32>
    %swap3A_196 = vector.shape_cast %swap3A_195 : vector<1x32x32xf32> to vector<32x32xf32>
    %swap3A_197 = vector.shape_cast %slice3A_191 : vector<32x32xf32> to vector<1x32x32xf32>
    tpu.vector_store %arg2[%swap3A_192, %swap3A_193, %swap3A_194], %swap3A_197 {strides = array<i32>} : memref<1x32x16384xf32, #tpu.memory_space<vmem>>, vector<1x32x32xf32>,
    %slice3A_198 = vector.extract_strided_slice %dot_general3A_3 {offsets = [0, 896], sizes = [32, 32], strides = [1, 1]} : vector<128x4096xf32> to vector<32x32xf32>
    %swap3A_199 = arith.constant 0 : index
    %swap3A_200 = arith.constant 0 : index
    %swap3A_201 = arith.constant 3584 : index
    %swap3A_202 = vector.load %arg2[%swap3A_199, %swap3A_200, %swap3A_201] : memref<1x32x16384xf32, #tpu.memory_space<vmem>>, vector<1x32x32xf32>
    %swap3A_203 = vector.shape_cast %swap3A_202 : vector<1x32x32xf32> to vector<32x32xf32>
    %swap3A_204 = vector.shape_cast %slice3A_198 : vector<32x32xf32> to vector<1x32x32xf32>
    tpu.vector_store %arg2[%swap3A_199, %swap3A_200, %swap3A_201], %swap3A_204 {strides = array<i32>} : memref<1x32x16384xf32, #tpu.memory_space<vmem>>, vector<1x32x32xf32>,
    %slice3A_205 = vector.extract_strided_slice %dot_general3A_3 {offsets = [0, 928], sizes = [32, 32], strides = [1, 1]} : vector<128x4096xf32> to vector<32x32xf32>
    %swap3A_206 = arith.constant 0 : index
    %swap3A_207 = arith.constant 0 : index
    %swap3A_208 = arith.constant 3712 : index
    %swap3A_209 = vector.load %arg2[%swap3A_206, %swap3A_207, %swap3A_208] : memref<1x32x16384xf32, #tpu.memory_space<vmem>>, vector<1x32x32xf32>
    %swap3A_210 = vector.shape_cast %swap3A_209 : vector<1x32x32xf32> to vector<32x32xf32>
    %swap3A_211 = vector.shape_cast %slice3A_205 : vector<32x32xf32> to vector<1x32x32xf32>
    tpu.vector_store %arg2[%swap3A_206, %swap3A_207, %swap3A_208], %swap3A_211 {strides = array<i32>} : memref<1x32x16384xf32, #tpu.memory_space<vmem>>, vector<1x32x32xf32>,
    %slice3A_212 = vector.extract_strided_slice %dot_general3A_3 {offsets = [0, 960], sizes = [32, 32], strides = [1, 1]} : vector<128x4096xf32> to vector<32x32xf32>
    %swap3A_213 = arith.constant 0 : index
    %swap3A_214 = arith.constant 0 : index
    %swap3A_215 = arith.constant 3840 : index
    %swap3A_216 = vector.load %arg2[%swap3A_213, %swap3A_214, %swap3A_215] : memref<1x32x16384xf32, #tpu.memory_space<vmem>>, vector<1x32x32xf32>
    %swap3A_217 = vector.shape_cast %swap3A_216 : vector<1x32x32xf32> to vector<32x32xf32>
    %swap3A_218 = vector.shape_cast %slice3A_212 : vector<32x32xf32> to vector<1x32x32xf32>
    tpu.vector_store %arg2[%swap3A_213, %swap3A_214, %swap3A_215], %swap3A_218 {strides = array<i32>} : memref<1x32x16384xf32, #tpu.memory_space<vmem>>, vector<1x32x32xf32>,
    %slice3A_219 = vector.extract_strided_slice %dot_general3A_3 {offsets = [0, 992], sizes = [32, 32], strides = [1, 1]} : vector<128x4096xf32> to vector<32x32xf32>
    %swap3A_220 = arith.constant 0 : index
    %swap3A_221 = arith.constant 0 : index
    %swap3A_222 = arith.constant 3968 : index
    %swap3A_223 = vector.load %arg2[%swap3A_220, %swap3A_221, %swap3A_222] : memref<1x32x16384xf32, #tpu.memory_space<vmem>>, vector<1x32x32xf32>
    %swap3A_224 = vector.shape_cast %swap3A_223 : vector<1x32x32xf32> to vector<32x32xf32>
    %swap3A_225 = vector.shape_cast %slice3A_219 : vector<32x32xf32> to vector<1x32x32xf32>
    tpu.vector_store %arg2[%swap3A_220, %swap3A_221, %swap3A_222], %swap3A_225 {strides = array<i32>} : memref<1x32x16384xf32, #tpu.memory_space<vmem>>, vector<1x32x32xf32>,
    %slice3A_226 = vector.extract_strided_slice %dot_general3A_3 {offsets = [0, 1024], sizes = [32, 32], strides = [1, 1]} : vector<128x4096xf32> to vector<32x32xf32>
    %swap3A_227 = arith.constant 0 : index
    %swap3A_228 = arith.constant 0 : index
    %swap3A_229 = arith.constant 4096 : index
    %swap3A_230 = vector.load %arg2[%swap3A_227, %swap3A_228, %swap3A_229] : memref<1x32x16384xf32, #tpu.memory_space<vmem>>, vector<1x32x32xf32>
    %swap3A_231 = vector.shape_cast %swap3A_230 : vector<1x32x32xf32> to vector<32x32xf32>
    %swap3A_232 = vector.shape_cast %slice3A_226 : vector<32x32xf32> to vector<1x32x32xf32>
    tpu.vector_store %arg2[%swap3A_227, %swap3A_228, %swap3A_229], %swap3A_232 {strides = array<i32>} : memref<1x32x16384xf32, #tpu.memory_space<vmem>>, vector<1x32x32xf32>,
    %slice3A_233 = vector.extract_strided_slice %dot_general3A_3 {offsets = [0, 1056], sizes = [32, 32], strides = [1, 1]} : vector<128x4096xf32> to vector<32x32xf32>
    %swap3A_234 = arith.constant 0 : index
    %swap3A_235 = arith.constant 0 : index
    %swap3A_236 = arith.constant 4224 : index
    %swap3A_237 = vector.load %arg2[%swap3A_234, %swap3A_235, %swap3A_236] : memref<1x32x16384xf32, #tpu.memory_space<vmem>>, vector<1x32x32xf32>
    %swap3A_238 = vector.shape_cast %swap3A_237 : vector<1x32x32xf32> to vector<32x32xf32>
    %swap3A_239 = vector.shape_cast %slice3A_233 : vector<32x32xf32> to vector<1x32x32xf32>
    tpu.vector_store %arg2[%swap3A_234, %swap3A_235, %swap3A_236], %swap3A_239 {strides = array<i32>} : memref<1x32x16384xf32, #tpu.memory_space<vmem>>, vector<1x32x32xf32>,
    %slice3A_240 = vector.extract_strided_slice %dot_general3A_3 {offsets = [0, 1088], sizes = [32, 32], strides = [1, 1]} : vector<128x4096xf32> to vector<32x32xf32>
    %swap3A_241 = arith.constant 0 : index
    %swap3A_242 = arith.constant 0 : index
    %swap3A_243 = arith.constant 4352 : index
    %swap3A_244 = vector.load %arg2[%swap3A_241, %swap3A_242, %swap3A_243] : memref<1x32x16384xf32, #tpu.memory_space<vmem>>, vector<1x32x32xf32>
    %swap3A_245 = vector.shape_cast %swap3A_244 : vector<1x32x32xf32> to vector<32x32xf32>
    %swap3A_246 = vector.shape_cast %slice3A_240 : vector<32x32xf32> to vector<1x32x32xf32>
    tpu.vector_store %arg2[%swap3A_241, %swap3A_242, %swap3A_243], %swap3A_246 {strides = array<i32>} : memref<1x32x16384xf32, #tpu.memory_space<vmem>>, vector<1x32x32xf32>,
    %slice3A_247 = vector.extract_strided_slice %dot_general3A_3 {offsets = [0, 1120], sizes = [32, 32], strides = [1, 1]} : vector<128x4096xf32> to vector<32x32xf32>
    %swap3A_248 = arith.constant 0 : index
    %swap3A_249 = arith.constant 0 : index
    %swap3A_250 = arith.constant 4480 : index
    %swap3A_251 = vector.load %arg2[%swap3A_248, %swap3A_249, %swap3A_250] : memref<1x32x16384xf32, #tpu.memory_space<vmem>>, vector<1x32x32xf32>
    %swap3A_252 = vector.shape_cast %swap3A_251 : vector<1x32x32xf32> to vector<32x32xf32>
    %swap3A_253 = vector.shape_cast %slice3A_247 : vector<32x32xf32> to vector<1x32x32xf32>
    tpu.vector_store %arg2[%swap3A_248, %swap3A_249, %swap3A_250], %swap3A_253 {strides = array<i32>} : memref<1x32x16384xf32, #tpu.memory_space<vmem>>, vector<1x32x32xf32>,
    %slice3A_254 = vector.extract_strided_slice %dot_general3A_3 {offsets = [0, 1152], sizes = [32, 32], strides = [1, 1]} : vector<128x4096xf32> to vector<32x32xf32>
    %swap3A_255 = arith.constant 0 : index
    %swap3A_256 = arith.constant 0 : index
    %swap3A_257 = arith.constant 4608 : index
    %swap3A_258 = vector.load %arg2[%swap3A_255, %swap3A_256, %swap3A_257] : memref<1x32x16384xf32, #tpu.memory_space<vmem>>, vector<1x32x32xf32>
    %swap3A_259 = vector.shape_cast %swap3A_258 : vector<1x32x32xf32> to vector<32x32xf32>
    %swap3A_260 = vector.shape_cast %slice3A_254 : vector<32x32xf32> to vector<1x32x32xf32>
    tpu.vector_store %arg2[%swap3A_255, %swap3A_256, %swap3A_257], %swap3A_260 {strides = array<i32>} : memref<1x32x16384xf32, #tpu.memory_space<vmem>>, vector<1x32x32xf32>,
    %slice3A_261 = vector.extract_strided_slice %dot_general3A_3 {offsets = [0, 1184], sizes = [32, 32], strides = [1, 1]} : vector<128x4096xf32> to vector<32x32xf32>
    %swap3A_262 = arith.constant 0 : index
    %swap3A_263 = arith.constant 0 : index
    %swap3A_264 = arith.constant 4736 : index
    %swap3A_265 = vector.load %arg2[%swap3A_262, %swap3A_263, %swap3A_264] : memref<1x32x16384xf32, #tpu.memory_space<vmem>>, vector<1x32x32xf32>
    %swap3A_266 = vector.shape_cast %swap3A_265 : vector<1x32x32xf32> to vector<32x32xf32>
    %swap3A_267 = vector.shape_cast %slice3A_261 : vector<32x32xf32> to vector<1x32x32xf32>
    tpu.vector_store %arg2[%swap3A_262, %swap3A_263, %swap3A_264], %swap3A_267 {strides = array<i32>} : memref<1x32x16384xf32, #tpu.memory_space<vmem>>, vector<1x32x32xf32>,
    %slice3A_268 = vector.extract_strided_slice %dot_general3A_3 {offsets = [0, 1216], sizes = [32, 32], strides = [1, 1]} : vector<128x4096xf32> to vector<32x32xf32>
    %swap3A_269 = arith.constant 0 : index
    %swap3A_270 = arith.constant 0 : index
    %swap3A_271 = arith.constant 4864 : index
    %swap3A_272 = vector.load %arg2[%swap3A_269, %swap3A_270, %swap3A_271] : memref<1x32x16384xf32, #tpu.memory_space<vmem>>, vector<1x32x32xf32>
    %swap3A_273 = vector.shape_cast %swap3A_272 : vector<1x32x32xf32> to vector<32x32xf32>
    %swap3A_274 = vector.shape_cast %slice3A_268 : vector<32x32xf32> to vector<1x32x32xf32>
    tpu.vector_store %arg2[%swap3A_269, %swap3A_270, %swap3A_271], %swap3A_274 {strides = array<i32>} : memref<1x32x16384xf32, #tpu.memory_space<vmem>>, vector<1x32x32xf32>,
    %slice3A_275 = vector.extract_strided_slice %dot_general3A_3 {offsets = [0, 1248], sizes = [32, 32], strides = [1, 1]} : vector<128x4096xf32> to vector<32x32xf32>
    %swap3A_276 = arith.constant 0 : index
    %swap3A_277 = arith.constant 0 : index
    %swap3A_278 = arith.constant 4992 : index
    %swap3A_279 = vector.load %arg2[%swap3A_276, %swap3A_277, %swap3A_278] : memref<1x32x16384xf32, #tpu.memory_space<vmem>>, vector<1x32x32xf32>
    %swap3A_280 = vector.shape_cast %swap3A_279 : vector<1x32x32xf32> to vector<32x32xf32>
    %swap3A_281 = vector.shape_cast %slice3A_275 : vector<32x32xf32> to vector<1x32x32xf32>
    tpu.vector_store %arg2[%swap3A_276, %swap3A_277, %swap3A_278], %swap3A_281 {strides = array<i32>} : memref<1x32x16384xf32, #tpu.memory_space<vmem>>, vector<1x32x32xf32>,
    %slice3A_282 = vector.extract_strided_slice %dot_general3A_3 {offsets = [0, 1280], sizes = [32, 32], strides = [1, 1]} : vector<128x4096xf32> to vector<32x32xf32>
    %swap3A_283 = arith.constant 0 : index
    %swap3A_284 = arith.constant 0 : index
    %swap3A_285 = arith.constant 5120 : index
    %swap3A_286 = vector.load %arg2[%swap3A_283, %swap3A_284, %swap3A_285] : memref<1x32x16384xf32, #tpu.memory_space<vmem>>, vector<1x32x32xf32>
    %swap3A_287 = vector.shape_cast %swap3A_286 : vector<1x32x32xf32> to vector<32x32xf32>
    %swap3A_288 = vector.shape_cast %slice3A_282 : vector<32x32xf32> to vector<1x32x32xf32>
    tpu.vector_store %arg2[%swap3A_283, %swap3A_284, %swap3A_285], %swap3A_288 {strides = array<i32>} : memref<1x32x16384xf32, #tpu.memory_space<vmem>>, vector<1x32x32xf32>,
    %slice3A_289 = vector.extract_strided_slice %dot_general3A_3 {offsets = [0, 1312], sizes = [32, 32], strides = [1, 1]} : vector<128x4096xf32> to vector<32x32xf32>
    %swap3A_290 = arith.constant 0 : index
    %swap3A_291 = arith.constant 0 : index
    %swap3A_292 = arith.constant 5248 : index
    %swap3A_293 = vector.load %arg2[%swap3A_290, %swap3A_291, %swap3A_292] : memref<1x32x16384xf32, #tpu.memory_space<vmem>>, vector<1x32x32xf32>
    %swap3A_294 = vector.shape_cast %swap3A_293 : vector<1x32x32xf32> to vector<32x32xf32>
    %swap3A_295 = vector.shape_cast %slice3A_289 : vector<32x32xf32> to vector<1x32x32xf32>
    tpu.vector_store %arg2[%swap3A_290, %swap3A_291, %swap3A_292], %swap3A_295 {strides = array<i32>} : memref<1x32x16384xf32, #tpu.memory_space<vmem>>, vector<1x32x32xf32>,
    %slice3A_296 = vector.extract_strided_slice %dot_general3A_3 {offsets = [0, 1344], sizes = [32, 32], strides = [1, 1]} : vector<128x4096xf32> to vector<32x32xf32>
    %swap3A_297 = arith.constant 0 : index
    %swap3A_298 = arith.constant 0 : index
    %swap3A_299 = arith.constant 5376 : index
    %swap3A_300 = vector.load %arg2[%swap3A_297, %swap3A_298, %swap3A_299] : memref<1x32x16384xf32, #tpu.memory_space<vmem>>, vector<1x32x32xf32>
    %swap3A_301 = vector.shape_cast %swap3A_300 : vector<1x32x32xf32> to vector<32x32xf32>
    %swap3A_302 = vector.shape_cast %slice3A_296 : vector<32x32xf32> to vector<1x32x32xf32>
    tpu.vector_store %arg2[%swap3A_297, %swap3A_298, %swap3A_299], %swap3A_302 {strides = array<i32>} : memref<1x32x16384xf32, #tpu.memory_space<vmem>>, vector<1x32x32xf32>,
    %slice3A_303 = vector.extract_strided_slice %dot_general3A_3 {offsets = [0, 1376], sizes = [32, 32], strides = [1, 1]} : vector<128x4096xf32> to vector<32x32xf32>
    %swap3A_304 = arith.constant 0 : index
    %swap3A_305 = arith.constant 0 : index
    %swap3A_306 = arith.constant 5504 : index
    %swap3A_307 = vector.load %arg2[%swap3A_304, %swap3A_305, %swap3A_306] : memref<1x32x16384xf32, #tpu.memory_space<vmem>>, vector<1x32x32xf32>
    %swap3A_308 = vector.shape_cast %swap3A_307 : vector<1x32x32xf32> to vector<32x32xf32>
    %swap3A_309 = vector.shape_cast %slice3A_303 : vector<32x32xf32> to vector<1x32x32xf32>
    tpu.vector_store %arg2[%swap3A_304, %swap3A_305, %swap3A_306], %swap3A_309 {strides = array<i32>} : memref<1x32x16384xf32, #tpu.memory_space<vmem>>, vector<1x32x32xf32>,
    %slice3A_310 = vector.extract_strided_slice %dot_general3A_3 {offsets = [0, 1408], sizes = [32, 32], strides = [1, 1]} : vector<128x4096xf32> to vector<32x32xf32>
    %swap3A_311 = arith.constant 0 : index
    %swap3A_312 = arith.constant 0 : index
    %swap3A_313 = arith.constant 5632 : index
    %swap3A_314 = vector.load %arg2[%swap3A_311, %swap3A_312, %swap3A_313] : memref<1x32x16384xf32, #tpu.memory_space<vmem>>, vector<1x32x32xf32>
    %swap3A_315 = vector.shape_cast %swap3A_314 : vector<1x32x32xf32> to vector<32x32xf32>
    %swap3A_316 = vector.shape_cast %slice3A_310 : vector<32x32xf32> to vector<1x32x32xf32>
    tpu.vector_store %arg2[%swap3A_311, %swap3A_312, %swap3A_313], %swap3A_316 {strides = array<i32>} : memref<1x32x16384xf32, #tpu.memory_space<vmem>>, vector<1x32x32xf32>,
    %slice3A_317 = vector.extract_strided_slice %dot_general3A_3 {offsets = [0, 1440], sizes = [32, 32], strides = [1, 1]} : vector<128x4096xf32> to vector<32x32xf32>
    %swap3A_318 = arith.constant 0 : index
    %swap3A_319 = arith.constant 0 : index
    %swap3A_320 = arith.constant 5760 : index
    %swap3A_321 = vector.load %arg2[%swap3A_318, %swap3A_319, %swap3A_320] : memref<1x32x16384xf32, #tpu.memory_space<vmem>>, vector<1x32x32xf32>
    %swap3A_322 = vector.shape_cast %swap3A_321 : vector<1x32x32xf32> to vector<32x32xf32>
    %swap3A_323 = vector.shape_cast %slice3A_317 : vector<32x32xf32> to vector<1x32x32xf32>
    tpu.vector_store %arg2[%swap3A_318, %swap3A_319, %swap3A_320], %swap3A_323 {strides = array<i32>} : memref<1x32x16384xf32, #tpu.memory_space<vmem>>, vector<1x32x32xf32>,
    %slice3A_324 = vector.extract_strided_slice %dot_general3A_3 {offsets = [0, 1472], sizes = [32, 32], strides = [1, 1]} : vector<128x4096xf32> to vector<32x32xf32>
    %swap3A_325 = arith.constant 0 : index
    %swap3A_326 = arith.constant 0 : index
    %swap3A_327 = arith.constant 5888 : index
    %swap3A_328 = vector.load %arg2[%swap3A_325, %swap3A_326, %swap3A_327] : memref<1x32x16384xf32, #tpu.memory_space<vmem>>, vector<1x32x32xf32>
    %swap3A_329 = vector.shape_cast %swap3A_328 : vector<1x32x32xf32> to vector<32x32xf32>
    %swap3A_330 = vector.shape_cast %slice3A_324 : vector<32x32xf32> to vector<1x32x32xf32>
    tpu.vector_store %arg2[%swap3A_325, %swap3A_326, %swap3A_327], %swap3A_330 {strides = array<i32>} : memref<1x32x16384xf32, #tpu.memory_space<vmem>>, vector<1x32x32xf32>,
    %slice3A_331 = vector.extract_strided_slice %dot_general3A_3 {offsets = [0, 1504], sizes = [32, 32], strides = [1, 1]} : vector<128x4096xf32> to vector<32x32xf32>
    %swap3A_332 = arith.constant 0 : index
    %swap3A_333 = arith.constant 0 : index
    %swap3A_334 = arith.constant 6016 : index
    %swap3A_335 = vector.load %arg2[%swap3A_332, %swap3A_333, %swap3A_334] : memref<1x32x16384xf32, #tpu.memory_space<vmem>>, vector<1x32x32xf32>
    %swap3A_336 = vector.shape_cast %swap3A_335 : vector<1x32x32xf32> to vector<32x32xf32>
    %swap3A_337 = vector.shape_cast %slice3A_331 : vector<32x32xf32> to vector<1x32x32xf32>
    tpu.vector_store %arg2[%swap3A_332, %swap3A_333, %swap3A_334], %swap3A_337 {strides = array<i32>} : memref<1x32x16384xf32, #tpu.memory_space<vmem>>, vector<1x32x32xf32>,
    %slice3A_338 = vector.extract_strided_slice %dot_general3A_3 {offsets = [0, 1536], sizes = [32, 32], strides = [1, 1]} : vector<128x4096xf32> to vector<32x32xf32>
    %swap3A_339 = arith.constant 0 : index
    %swap3A_340 = arith.constant 0 : index
    %swap3A_341 = arith.constant 6144 : index
    %swap3A_342 = vector.load %arg2[%swap3A_339, %swap3A_340, %swap3A_341] : memref<1x32x16384xf32, #tpu.memory_space<vmem>>, vector<1x32x32xf32>
    %swap3A_343 = vector.shape_cast %swap3A_342 : vector<1x32x32xf32> to vector<32x32xf32>
    %swap3A_344 = vector.shape_cast %slice3A_338 : vector<32x32xf32> to vector<1x32x32xf32>
    tpu.vector_store %arg2[%swap3A_339, %swap3A_340, %swap3A_341], %swap3A_344 {strides = array<i32>} : memref<1x32x16384xf32, #tpu.memory_space<vmem>>, vector<1x32x32xf32>,
    %slice3A_345 = vector.extract_strided_slice %dot_general3A_3 {offsets = [0, 1568], sizes = [32, 32], strides = [1, 1]} : vector<128x4096xf32> to vector<32x32xf32>
    %swap3A_346 = arith.constant 0 : index
    %swap3A_347 = arith.constant 0 : index
    %swap3A_348 = arith.constant 6272 : index
    %swap3A_349 = vector.load %arg2[%swap3A_346, %swap3A_347, %swap3A_348] : memref<1x32x16384xf32, #tpu.memory_space<vmem>>, vector<1x32x32xf32>
    %swap3A_350 = vector.shape_cast %swap3A_349 : vector<1x32x32xf32> to vector<32x32xf32>
    %swap3A_351 = vector.shape_cast %slice3A_345 : vector<32x32xf32> to vector<1x32x32xf32>
    tpu.vector_store %arg2[%swap3A_346, %swap3A_347, %swap3A_348], %swap3A_351 {strides = array<i32>} : memref<1x32x16384xf32, #tpu.memory_space<vmem>>, vector<1x32x32xf32>,
    %slice3A_352 = vector.extract_strided_slice %dot_general3A_3 {offsets = [0, 1600], sizes = [32, 32], strides = [1, 1]} : vector<128x4096xf32> to vector<32x32xf32>
    %swap3A_353 = arith.constant 0 : index
    %swap3A_354 = arith.constant 0 : index
    %swap3A_355 = arith.constant 6400 : index
    %swap3A_356 = vector.load %arg2[%swap3A_353, %swap3A_354, %swap3A_355] : memref<1x32x16384xf32, #tpu.memory_space<vmem>>, vector<1x32x32xf32>
    %swap3A_357 = vector.shape_cast %swap3A_356 : vector<1x32x32xf32> to vector<32x32xf32>
    %swap3A_358 = vector.shape_cast %slice3A_352 : vector<32x32xf32> to vector<1x32x32xf32>
    tpu.vector_store %arg2[%swap3A_353, %swap3A_354, %swap3A_355], %swap3A_358 {strides = array<i32>} : memref<1x32x16384xf32, #tpu.memory_space<vmem>>, vector<1x32x32xf32>,
    %slice3A_359 = vector.extract_strided_slice %dot_general3A_3 {offsets = [0, 1632], sizes = [32, 32], strides = [1, 1]} : vector<128x4096xf32> to vector<32x32xf32>
    %swap3A_360 = arith.constant 0 : index
    %swap3A_361 = arith.constant 0 : index
    %swap3A_362 = arith.constant 6528 : index
    %swap3A_363 = vector.load %arg2[%swap3A_360, %swap3A_361, %swap3A_362] : memref<1x32x16384xf32, #tpu.memory_space<vmem>>, vector<1x32x32xf32>
    %swap3A_364 = vector.shape_cast %swap3A_363 : vector<1x32x32xf32> to vector<32x32xf32>
    %swap3A_365 = vector.shape_cast %slice3A_359 : vector<32x32xf32> to vector<1x32x32xf32>
    tpu.vector_store %arg2[%swap3A_360, %swap3A_361, %swap3A_362], %swap3A_365 {strides = array<i32>} : memref<1x32x16384xf32, #tpu.memory_space<vmem>>, vector<1x32x32xf32>,
    %slice3A_366 = vector.extract_strided_slice %dot_general3A_3 {offsets = [0, 1664], sizes = [32, 32], strides = [1, 1]} : vector<128x4096xf32> to vector<32x32xf32>
    %swap3A_367 = arith.constant 0 : index
    %swap3A_368 = arith.constant 0 : index
    %swap3A_369 = arith.constant 6656 : index
    %swap3A_370 = vector.load %arg2[%swap3A_367, %swap3A_368, %swap3A_369] : memref<1x32x16384xf32, #tpu.memory_space<vmem>>, vector<1x32x32xf32>
    %swap3A_371 = vector.shape_cast %swap3A_370 : vector<1x32x32xf32> to vector<32x32xf32>
    %swap3A_372 = vector.shape_cast %slice3A_366 : vector<32x32xf32> to vector<1x32x32xf32>
    tpu.vector_store %arg2[%swap3A_367, %swap3A_368, %swap3A_369], %swap3A_372 {strides = array<i32>} : memref<1x32x16384xf32, #tpu.memory_space<vmem>>, vector<1x32x32xf32>,
    %slice3A_373 = vector.extract_strided_slice %dot_general3A_3 {offsets = [0, 1696], sizes = [32, 32], strides = [1, 1]} : vector<128x4096xf32> to vector<32x32xf32>
    %swap3A_374 = arith.constant 0 : index
    %swap3A_375 = arith.constant 0 : index
    %swap3A_376 = arith.constant 6784 : index
    %swap3A_377 = vector.load %arg2[%swap3A_374, %swap3A_375, %swap3A_376] : memref<1x32x16384xf32, #tpu.memory_space<vmem>>, vector<1x32x32xf32>
    %swap3A_378 = vector.shape_cast %swap3A_377 : vector<1x32x32xf32> to vector<32x32xf32>
    %swap3A_379 = vector.shape_cast %slice3A_373 : vector<32x32xf32> to vector<1x32x32xf32>
    tpu.vector_store %arg2[%swap3A_374, %swap3A_375, %swap3A_376], %swap3A_379 {strides = array<i32>} : memref<1x32x16384xf32, #tpu.memory_space<vmem>>, vector<1x32x32xf32>,
    %slice3A_380 = vector.extract_strided_slice %dot_general3A_3 {offsets = [0, 1728], sizes = [32, 32], strides = [1, 1]} : vector<128x4096xf32> to vector<32x32xf32>
    %swap3A_381 = arith.constant 0 : index
    %swap3A_382 = arith.constant 0 : index
    %swap3A_383 = arith.constant 6912 : index
    %swap3A_384 = vector.load %arg2[%swap3A_381, %swap3A_382, %swap3A_383] : memref<1x32x16384xf32, #tpu.memory_space<vmem>>, vector<1x32x32xf32>
    %swap3A_385 = vector.shape_cast %swap3A_384 : vector<1x32x32xf32> to vector<32x32xf32>
    %swap3A_386 = vector.shape_cast %slice3A_380 : vector<32x32xf32> to vector<1x32x32xf32>
    tpu.vector_store %arg2[%swap3A_381, %swap3A_382, %swap3A_383], %swap3A_386 {strides = array<i32>} : memref<1x32x16384xf32, #tpu.memory_space<vmem>>, vector<1x32x32xf32>,
    %slice3A_387 = vector.extract_strided_slice %dot_general3A_3 {offsets = [0, 1760], sizes = [32, 32], strides = [1, 1]} : vector<128x4096xf32> to vector<32x32xf32>
    %swap3A_388 = arith.constant 0 : index
    %swap3A_389 = arith.constant 0 : index
    %swap3A_390 = arith.constant 7040 : index
    %swap3A_391 = vector.load %arg2[%swap3A_388, %swap3A_389, %swap3A_390] : memref<1x32x16384xf32, #tpu.memory_space<vmem>>, vector<1x32x32xf32>
    %swap3A_392 = vector.shape_cast %swap3A_391 : vector<1x32x32xf32> to vector<32x32xf32>
    %swap3A_393 = vector.shape_cast %slice3A_387 : vector<32x32xf32> to vector<1x32x32xf32>
    tpu.vector_store %arg2[%swap3A_388, %swap3A_389, %swap3A_390], %swap3A_393 {strides = array<i32>} : memref<1x32x16384xf32, #tpu.memory_space<vmem>>, vector<1x32x32xf32>,
    %slice3A_394 = vector.extract_strided_slice %dot_general3A_3 {offsets = [0, 1792], sizes = [32, 32], strides = [1, 1]} : vector<128x4096xf32> to vector<32x32xf32>
    %swap3A_395 = arith.constant 0 : index
    %swap3A_396 = arith.constant 0 : index
    %swap3A_397 = arith.constant 7168 : index
    %swap3A_398 = vector.load %arg2[%swap3A_395, %swap3A_396, %swap3A_397] : memref<1x32x16384xf32, #tpu.memory_space<vmem>>, vector<1x32x32xf32>
    %swap3A_399 = vector.shape_cast %swap3A_398 : vector<1x32x32xf32> to vector<32x32xf32>
    %swap3A_400 = vector.shape_cast %slice3A_394 : vector<32x32xf32> to vector<1x32x32xf32>
    tpu.vector_store %arg2[%swap3A_395, %swap3A_396, %swap3A_397], %swap3A_400 {strides = array<i32>} : memref<1x32x16384xf32, #tpu.memory_space<vmem>>, vector<1x32x32xf32>,
    %slice3A_401 = vector.extract_strided_slice %dot_general3A_3 {offsets = [0, 1824], sizes = [32, 32], strides = [1, 1]} : vector<128x4096xf32> to vector<32x32xf32>
    %swap3A_402 = arith.constant 0 : index
    %swap3A_403 = arith.constant 0 : index
    %swap3A_404 = arith.constant 7296 : index
    %swap3A_405 = vector.load %arg2[%swap3A_402, %swap3A_403, %swap3A_404] : memref<1x32x16384xf32, #tpu.memory_space<vmem>>, vector<1x32x32xf32>
    %swap3A_406 = vector.shape_cast %swap3A_405 : vector<1x32x32xf32> to vector<32x32xf32>
    %swap3A_407 = vector.shape_cast %slice3A_401 : vector<32x32xf32> to vector<1x32x32xf32>
    tpu.vector_store %arg2[%swap3A_402, %swap3A_403, %swap3A_404], %swap3A_407 {strides = array<i32>} : memref<1x32x16384xf32, #tpu.memory_space<vmem>>, vector<1x32x32xf32>,
    %slice3A_408 = vector.extract_strided_slice %dot_general3A_3 {offsets = [0, 1856], sizes = [32, 32], strides = [1, 1]} : vector<128x4096xf32> to vector<32x32xf32>
    %swap3A_409 = arith.constant 0 : index
    %swap3A_410 = arith.constant 0 : index
    %swap3A_411 = arith.constant 7424 : index
    %swap3A_412 = vector.load %arg2[%swap3A_409, %swap3A_410, %swap3A_411] : memref<1x32x16384xf32, #tpu.memory_space<vmem>>, vector<1x32x32xf32>
    %swap3A_413 = vector.shape_cast %swap3A_412 : vector<1x32x32xf32> to vector<32x32xf32>
    %swap3A_414 = vector.shape_cast %slice3A_408 : vector<32x32xf32> to vector<1x32x32xf32>
    tpu.vector_store %arg2[%swap3A_409, %swap3A_410, %swap3A_411], %swap3A_414 {strides = array<i32>} : memref<1x32x16384xf32, #tpu.memory_space<vmem>>, vector<1x32x32xf32>,
    %slice3A_415 = vector.extract_strided_slice %dot_general3A_3 {offsets = [0, 1888], sizes = [32, 32], strides = [1, 1]} : vector<128x4096xf32> to vector<32x32xf32>
    %swap3A_416 = arith.constant 0 : index
    %swap3A_417 = arith.constant 0 : index
    %swap3A_418 = arith.constant 7552 : index
    %swap3A_419 = vector.load %arg2[%swap3A_416, %swap3A_417, %swap3A_418] : memref<1x32x16384xf32, #tpu.memory_space<vmem>>, vector<1x32x32xf32>
    %swap3A_420 = vector.shape_cast %swap3A_419 : vector<1x32x32xf32> to vector<32x32xf32>
    %swap3A_421 = vector.shape_cast %slice3A_415 : vector<32x32xf32> to vector<1x32x32xf32>
    tpu.vector_store %arg2[%swap3A_416, %swap3A_417, %swap3A_418], %swap3A_421 {strides = array<i32>} : memref<1x32x16384xf32, #tpu.memory_space<vmem>>, vector<1x32x32xf32>,
    %slice3A_422 = vector.extract_strided_slice %dot_general3A_3 {offsets = [0, 1920], sizes = [32, 32], strides = [1, 1]} : vector<128x4096xf32> to vector<32x32xf32>
    %swap3A_423 = arith.constant 0 : index
    %swap3A_424 = arith.constant 0 : index
    %swap3A_425 = arith.constant 7680 : index
    %swap3A_426 = vector.load %arg2[%swap3A_423, %swap3A_424, %swap3A_425] : memref<1x32x16384xf32, #tpu.memory_space<vmem>>, vector<1x32x32xf32>
    %swap3A_427 = vector.shape_cast %swap3A_426 : vector<1x32x32xf32> to vector<32x32xf32>
    %swap3A_428 = vector.shape_cast %slice3A_422 : vector<32x32xf32> to vector<1x32x32xf32>
    tpu.vector_store %arg2[%swap3A_423, %swap3A_424, %swap3A_425], %swap3A_428 {strides = array<i32>} : memref<1x32x16384xf32, #tpu.memory_space<vmem>>, vector<1x32x32xf32>,
    %slice3A_429 = vector.extract_strided_slice %dot_general3A_3 {offsets = [0, 1952], sizes = [32, 32], strides = [1, 1]} : vector<128x4096xf32> to vector<32x32xf32>
    %swap3A_430 = arith.constant 0 : index
    %swap3A_431 = arith.constant 0 : index
    %swap3A_432 = arith.constant 7808 : index
    %swap3A_433 = vector.load %arg2[%swap3A_430, %swap3A_431, %swap3A_432] : memref<1x32x16384xf32, #tpu.memory_space<vmem>>, vector<1x32x32xf32>
    %swap3A_434 = vector.shape_cast %swap3A_433 : vector<1x32x32xf32> to vector<32x32xf32>
    %swap3A_435 = vector.shape_cast %slice3A_429 : vector<32x32xf32> to vector<1x32x32xf32>
    tpu.vector_store %arg2[%swap3A_430, %swap3A_431, %swap3A_432], %swap3A_435 {strides = array<i32>} : memref<1x32x16384xf32, #tpu.memory_space<vmem>>, vector<1x32x32xf32>,
    %slice3A_436 = vector.extract_strided_slice %dot_general3A_3 {offsets = [0, 1984], sizes = [32, 32], strides = [1, 1]} : vector<128x4096xf32> to vector<32x32xf32>
    %swap3A_437 = arith.constant 0 : index
    %swap3A_438 = arith.constant 0 : index
    %swap3A_439 = arith.constant 7936 : index
    %swap3A_440 = vector.load %arg2[%swap3A_437, %swap3A_438, %swap3A_439] : memref<1x32x16384xf32, #tpu.memory_space<vmem>>, vector<1x32x32xf32>
    %swap3A_441 = vector.shape_cast %swap3A_440 : vector<1x32x32xf32> to vector<32x32xf32>
    %swap3A_442 = vector.shape_cast %slice3A_436 : vector<32x32xf32> to vector<1x32x32xf32>
    tpu.vector_store %arg2[%swap3A_437, %swap3A_438, %swap3A_439], %swap3A_442 {strides = array<i32>} : memref<1x32x16384xf32, #tpu.memory_space<vmem>>, vector<1x32x32xf32>,
    %slice3A_443 = vector.extract_strided_slice %dot_general3A_3 {offsets = [0, 2016], sizes = [32, 32], strides = [1, 1]} : vector<128x4096xf32> to vector<32x32xf32>
    %swap3A_444 = arith.constant 0 : index
    %swap3A_445 = arith.constant 0 : index
    %swap3A_446 = arith.constant 8064 : index
    %swap3A_447 = vector.load %arg2[%swap3A_444, %swap3A_445, %swap3A_446] : memref<1x32x16384xf32, #tpu.memory_space<vmem>>, vector<1x32x32xf32>
    %swap3A_448 = vector.shape_cast %swap3A_447 : vector<1x32x32xf32> to vector<32x32xf32>
    %swap3A_449 = vector.shape_cast %slice3A_443 : vector<32x32xf32> to vector<1x32x32xf32>
    tpu.vector_store %arg2[%swap3A_444, %swap3A_445, %swap3A_446], %swap3A_449 {strides = array<i32>} : memref<1x32x16384xf32, #tpu.memory_space<vmem>>, vector<1x32x32xf32>,
    %slice3A_450 = vector.extract_strided_slice %dot_general3A_3 {offsets = [0, 2048], sizes = [32, 32], strides = [1, 1]} : vector<128x4096xf32> to vector<32x32xf32>
    %swap3A_451 = arith.constant 0 : index
    %swap3A_452 = arith.constant 0 : index
    %swap3A_453 = arith.constant 8192 : index
    %swap3A_454 = vector.load %arg2[%swap3A_451, %swap3A_452, %swap3A_453] : memref<1x32x16384xf32, #tpu.memory_space<vmem>>, vector<1x32x32xf32>
    %swap3A_455 = vector.shape_cast %swap3A_454 : vector<1x32x32xf32> to vector<32x32xf32>
    %swap3A_456 = vector.shape_cast %slice3A_450 : vector<32x32xf32> to vector<1x32x32xf32>
    tpu.vector_store %arg2[%swap3A_451, %swap3A_452, %swap3A_453], %swap3A_456 {strides = array<i32>} : memref<1x32x16384xf32, #tpu.memory_space<vmem>>, vector<1x32x32xf32>,
    %slice3A_457 = vector.extract_strided_slice %dot_general3A_3 {offsets = [0, 2080], sizes = [32, 32], strides = [1, 1]} : vector<128x4096xf32> to vector<32x32xf32>
    %swap3A_458 = arith.constant 0 : index
    %swap3A_459 = arith.constant 0 : index
    %swap3A_460 = arith.constant 8320 : index
    %swap3A_461 = vector.load %arg2[%swap3A_458, %swap3A_459, %swap3A_460] : memref<1x32x16384xf32, #tpu.memory_space<vmem>>, vector<1x32x32xf32>
    %swap3A_462 = vector.shape_cast %swap3A_461 : vector<1x32x32xf32> to vector<32x32xf32>
    %swap3A_463 = vector.shape_cast %slice3A_457 : vector<32x32xf32> to vector<1x32x32xf32>
    tpu.vector_store %arg2[%swap3A_458, %swap3A_459, %swap3A_460], %swap3A_463 {strides = array<i32>} : memref<1x32x16384xf32, #tpu.memory_space<vmem>>, vector<1x32x32xf32>,
    %slice3A_464 = vector.extract_strided_slice %dot_general3A_3 {offsets = [0, 2112], sizes = [32, 32], strides = [1, 1]} : vector<128x4096xf32> to vector<32x32xf32>
    %swap3A_465 = arith.constant 0 : index
    %swap3A_466 = arith.constant 0 : index
    %swap3A_467 = arith.constant 8448 : index
    %swap3A_468 = vector.load %arg2[%swap3A_465, %swap3A_466, %swap3A_467] : memref<1x32x16384xf32, #tpu.memory_space<vmem>>, vector<1x32x32xf32>
    %swap3A_469 = vector.shape_cast %swap3A_468 : vector<1x32x32xf32> to vector<32x32xf32>
    %swap3A_470 = vector.shape_cast %slice3A_464 : vector<32x32xf32> to vector<1x32x32xf32>
    tpu.vector_store %arg2[%swap3A_465, %swap3A_466, %swap3A_467], %swap3A_470 {strides = array<i32>} : memref<1x32x16384xf32, #tpu.memory_space<vmem>>, vector<1x32x32xf32>,
    %slice3A_471 = vector.extract_strided_slice %dot_general3A_3 {offsets = [0, 2144], sizes = [32, 32], strides = [1, 1]} : vector<128x4096xf32> to vector<32x32xf32>
    %swap3A_472 = arith.constant 0 : index
    %swap3A_473 = arith.constant 0 : index
    %swap3A_474 = arith.constant 8576 : index
    %swap3A_475 = vector.load %arg2[%swap3A_472, %swap3A_473, %swap3A_474] : memref<1x32x16384xf32, #tpu.memory_space<vmem>>, vector<1x32x32xf32>
    %swap3A_476 = vector.shape_cast %swap3A_475 : vector<1x32x32xf32> to vector<32x32xf32>
    %swap3A_477 = vector.shape_cast %slice3A_471 : vector<32x32xf32> to vector<1x32x32xf32>
    tpu.vector_store %arg2[%swap3A_472, %swap3A_473, %swap3A_474], %swap3A_477 {strides = array<i32>} : memref<1x32x16384xf32, #tpu.memory_space<vmem>>, vector<1x32x32xf32>,
    %slice3A_478 = vector.extract_strided_slice %dot_general3A_3 {offsets = [0, 2176], sizes = [32, 32], strides = [1, 1]} : vector<128x4096xf32> to vector<32x32xf32>
    %swap3A_479 = arith.constant 0 : index
    %swap3A_480 = arith.constant 0 : index
    %swap3A_481 = arith.constant 8704 : index
    %swap3A_482 = vector.load %arg2[%swap3A_479, %swap3A_480, %swap3A_481] : memref<1x32x16384xf32, #tpu.memory_space<vmem>>, vector<1x32x32xf32>
    %swap3A_483 = vector.shape_cast %swap3A_482 : vector<1x32x32xf32> to vector<32x32xf32>
    %swap3A_484 = vector.shape_cast %slice3A_478 : vector<32x32xf32> to vector<1x32x32xf32>
    tpu.vector_store %arg2[%swap3A_479, %swap3A_480, %swap3A_481], %swap3A_484 {strides = array<i32>} : memref<1x32x16384xf32, #tpu.memory_space<vmem>>, vector<1x32x32xf32>,
    %slice3A_485 = vector.extract_strided_slice %dot_general3A_3 {offsets = [0, 2208], sizes = [32, 32], strides = [1, 1]} : vector<128x4096xf32> to vector<32x32xf32>
    %swap3A_486 = arith.constant 0 : index
    %swap3A_487 = arith.constant 0 : index
    %swap3A_488 = arith.constant 8832 : index
    %swap3A_489 = vector.load %arg2[%swap3A_486, %swap3A_487, %swap3A_488] : memref<1x32x16384xf32, #tpu.memory_space<vmem>>, vector<1x32x32xf32>
    %swap3A_490 = vector.shape_cast %swap3A_489 : vector<1x32x32xf32> to vector<32x32xf32>
    %swap3A_491 = vector.shape_cast %slice3A_485 : vector<32x32xf32> to vector<1x32x32xf32>
    tpu.vector_store %arg2[%swap3A_486, %swap3A_487, %swap3A_488], %swap3A_491 {strides = array<i32>} : memref<1x32x16384xf32, #tpu.memory_space<vmem>>, vector<1x32x32xf32>,
    %slice3A_492 = vector.extract_strided_slice %dot_general3A_3 {offsets = [0, 2240], sizes = [32, 32], strides = [1, 1]} : vector<128x4096xf32> to vector<32x32xf32>
    %swap3A_493 = arith.constant 0 : index
    %swap3A_494 = arith.constant 0 : index
    %swap3A_495 = arith.constant 8960 : index
    %swap3A_496 = vector.load %arg2[%swap3A_493, %swap3A_494, %swap3A_495] : memref<1x32x16384xf32, #tpu.memory_space<vmem>>, vector<1x32x32xf32>
    %swap3A_497 = vector.shape_cast %swap3A_496 : vector<1x32x32xf32> to vector<32x32xf32>
    %swap3A_498 = vector.shape_cast %slice3A_492 : vector<32x32xf32> to vector<1x32x32xf32>
    tpu.vector_store %arg2[%swap3A_493, %swap3A_494, %swap3A_495], %swap3A_498 {strides = array<i32>} : memref<1x32x16384xf32, #tpu.memory_space<vmem>>, vector<1x32x32xf32>,
    %slice3A_499 = vector.extract_strided_slice %dot_general3A_3 {offsets = [0, 2272], sizes = [32, 32], strides = [1, 1]} : vector<128x4096xf32> to vector<32x32xf32>
    %swap3A_500 = arith.constant 0 : index
    %swap3A_501 = arith.constant 0 : index
    %swap3A_502 = arith.constant 9088 : index
    %swap3A_503 = vector.load %arg2[%swap3A_500, %swap3A_501, %swap3A_502] : memref<1x32x16384xf32, #tpu.memory_space<vmem>>, vector<1x32x32xf32>
    %swap3A_504 = vector.shape_cast %swap3A_503 : vector<1x32x32xf32> to vector<32x32xf32>
    %swap3A_505 = vector.shape_cast %slice3A_499 : vector<32x32xf32> to vector<1x32x32xf32>
    tpu.vector_store %arg2[%swap3A_500, %swap3A_501, %swap3A_502], %swap3A_505 {strides = array<i32>} : memref<1x32x16384xf32, #tpu.memory_space<vmem>>, vector<1x32x32xf32>,
    %slice3A_506 = vector.extract_strided_slice %dot_general3A_3 {offsets = [0, 2304], sizes = [32, 32], strides = [1, 1]} : vector<128x4096xf32> to vector<32x32xf32>
    %swap3A_507 = arith.constant 0 : index
    %swap3A_508 = arith.constant 0 : index
    %swap3A_509 = arith.constant 9216 : index
    %swap3A_510 = vector.load %arg2[%swap3A_507, %swap3A_508, %swap3A_509] : memref<1x32x16384xf32, #tpu.memory_space<vmem>>, vector<1x32x32xf32>
    %swap3A_511 = vector.shape_cast %swap3A_510 : vector<1x32x32xf32> to vector<32x32xf32>
    %swap3A_512 = vector.shape_cast %slice3A_506 : vector<32x32xf32> to vector<1x32x32xf32>
    tpu.vector_store %arg2[%swap3A_507, %swap3A_508, %swap3A_509], %swap3A_512 {strides = array<i32>} : memref<1x32x16384xf32, #tpu.memory_space<vmem>>, vector<1x32x32xf32>,
    %slice3A_513 = vector.extract_strided_slice %dot_general3A_3 {offsets = [0, 2336], sizes = [32, 32], strides = [1, 1]} : vector<128x4096xf32> to vector<32x32xf32>
    %swap3A_514 = arith.constant 0 : index
    %swap3A_515 = arith.constant 0 : index
    %swap3A_516 = arith.constant 9344 : index
    %swap3A_517 = vector.load %arg2[%swap3A_514, %swap3A_515, %swap3A_516] : memref<1x32x16384xf32, #tpu.memory_space<vmem>>, vector<1x32x32xf32>
    %swap3A_518 = vector.shape_cast %swap3A_517 : vector<1x32x32xf32> to vector<32x32xf32>
    %swap3A_519 = vector.shape_cast %slice3A_513 : vector<32x32xf32> to vector<1x32x32xf32>
    tpu.vector_store %arg2[%swap3A_514, %swap3A_515, %swap3A_516], %swap3A_519 {strides = array<i32>} : memref<1x32x16384xf32, #tpu.memory_space<vmem>>, vector<1x32x32xf32>,
    %slice3A_520 = vector.extract_strided_slice %dot_general3A_3 {offsets = [0, 2368], sizes = [32, 32], strides = [1, 1]} : vector<128x4096xf32> to vector<32x32xf32>
    %swap3A_521 = arith.constant 0 : index
    %swap3A_522 = arith.constant 0 : index
    %swap3A_523 = arith.constant 9472 : index
    %swap3A_524 = vector.load %arg2[%swap3A_521, %swap3A_522, %swap3A_523] : memref<1x32x16384xf32, #tpu.memory_space<vmem>>, vector<1x32x32xf32>
    %swap3A_525 = vector.shape_cast %swap3A_524 : vector<1x32x32xf32> to vector<32x32xf32>
    %swap3A_526 = vector.shape_cast %slice3A_520 : vector<32x32xf32> to vector<1x32x32xf32>
    tpu.vector_store %arg2[%swap3A_521, %swap3A_522, %swap3A_523], %swap3A_526 {strides = array<i32>} : memref<1x32x16384xf32, #tpu.memory_space<vmem>>, vector<1x32x32xf32>,
    %slice3A_527 = vector.extract_strided_slice %dot_general3A_3 {offsets = [0, 2400], sizes = [32, 32], strides = [1, 1]} : vector<128x4096xf32> to vector<32x32xf32>
    %swap3A_528 = arith.constant 0 : index
    %swap3A_529 = arith.constant 0 : index
    %swap3A_530 = arith.constant 9600 : index
    %swap3A_531 = vector.load %arg2[%swap3A_528, %swap3A_529, %swap3A_530] : memref<1x32x16384xf32, #tpu.memory_space<vmem>>, vector<1x32x32xf32>
    %swap3A_532 = vector.shape_cast %swap3A_531 : vector<1x32x32xf32> to vector<32x32xf32>
    %swap3A_533 = vector.shape_cast %slice3A_527 : vector<32x32xf32> to vector<1x32x32xf32>
    tpu.vector_store %arg2[%swap3A_528, %swap3A_529, %swap3A_530], %swap3A_533 {strides = array<i32>} : memref<1x32x16384xf32, #tpu.memory_space<vmem>>, vector<1x32x32xf32>,
    %slice3A_534 = vector.extract_strided_slice %dot_general3A_3 {offsets = [0, 2432], sizes = [32, 32], strides = [1, 1]} : vector<128x4096xf32> to vector<32x32xf32>
    %swap3A_535 = arith.constant 0 : index
    %swap3A_536 = arith.constant 0 : index
    %swap3A_537 = arith.constant 9728 : index
    %swap3A_538 = vector.load %arg2[%swap3A_535, %swap3A_536, %swap3A_537] : memref<1x32x16384xf32, #tpu.memory_space<vmem>>, vector<1x32x32xf32>
    %swap3A_539 = vector.shape_cast %swap3A_538 : vector<1x32x32xf32> to vector<32x32xf32>
    %swap3A_540 = vector.shape_cast %slice3A_534 : vector<32x32xf32> to vector<1x32x32xf32>
    tpu.vector_store %arg2[%swap3A_535, %swap3A_536, %swap3A_537], %swap3A_540 {strides = array<i32>} : memref<1x32x16384xf32, #tpu.memory_space<vmem>>, vector<1x32x32xf32>,
    %slice3A_541 = vector.extract_strided_slice %dot_general3A_3 {offsets = [0, 2464], sizes = [32, 32], strides = [1, 1]} : vector<128x4096xf32> to vector<32x32xf32>
    %swap3A_542 = arith.constant 0 : index
    %swap3A_543 = arith.constant 0 : index
    %swap3A_544 = arith.constant 9856 : index
    %swap3A_545 = vector.load %arg2[%swap3A_542, %swap3A_543, %swap3A_544] : memref<1x32x16384xf32, #tpu.memory_space<vmem>>, vector<1x32x32xf32>
    %swap3A_546 = vector.shape_cast %swap3A_545 : vector<1x32x32xf32> to vector<32x32xf32>
    %swap3A_547 = vector.shape_cast %slice3A_541 : vector<32x32xf32> to vector<1x32x32xf32>
    tpu.vector_store %arg2[%swap3A_542, %swap3A_543, %swap3A_544], %swap3A_547 {strides = array<i32>} : memref<1x32x16384xf32, #tpu.memory_space<vmem>>, vector<1x32x32xf32>,
    %slice3A_548 = vector.extract_strided_slice %dot_general3A_3 {offsets = [0, 2496], sizes = [32, 32], strides = [1, 1]} : vector<128x4096xf32> to vector<32x32xf32>
    %swap3A_549 = arith.constant 0 : index
    %swap3A_550 = arith.constant 0 : index
    %swap3A_551 = arith.constant 9984 : index
    %swap3A_552 = vector.load %arg2[%swap3A_549, %swap3A_550, %swap3A_551] : memref<1x32x16384xf32, #tpu.memory_space<vmem>>, vector<1x32x32xf32>
    %swap3A_553 = vector.shape_cast %swap3A_552 : vector<1x32x32xf32> to vector<32x32xf32>
    %swap3A_554 = vector.shape_cast %slice3A_548 : vector<32x32xf32> to vector<1x32x32xf32>
    tpu.vector_store %arg2[%swap3A_549, %swap3A_550, %swap3A_551], %swap3A_554 {strides = array<i32>} : memref<1x32x16384xf32, #tpu.memory_space<vmem>>, vector<1x32x32xf32>,
    %slice3A_555 = vector.extract_strided_slice %dot_general3A_3 {offsets = [0, 2528], sizes = [32, 32], strides = [1, 1]} : vector<128x4096xf32> to vector<32x32xf32>
    %swap3A_556 = arith.constant 0 : index
    %swap3A_557 = arith.constant 0 : index
    %swap3A_558 = arith.constant 10112 : index
    %swap3A_559 = vector.load %arg2[%swap3A_556, %swap3A_557, %swap3A_558] : memref<1x32x16384xf32, #tpu.memory_space<vmem>>, vector<1x32x32xf32>
    %swap3A_560 = vector.shape_cast %swap3A_559 : vector<1x32x32xf32> to vector<32x32xf32>
    %swap3A_561 = vector.shape_cast %slice3A_555 : vector<32x32xf32> to vector<1x32x32xf32>
    tpu.vector_store %arg2[%swap3A_556, %swap3A_557, %swap3A_558], %swap3A_561 {strides = array<i32>} : memref<1x32x16384xf32, #tpu.memory_space<vmem>>, vector<1x32x32xf32>,
    %slice3A_562 = vector.extract_strided_slice %dot_general3A_3 {offsets = [0, 2560], sizes = [32, 32], strides = [1, 1]} : vector<128x4096xf32> to vector<32x32xf32>
    %swap3A_563 = arith.constant 0 : index
    %swap3A_564 = arith.constant 0 : index
    %swap3A_565 = arith.constant 10240 : index
    %swap3A_566 = vector.load %arg2[%swap3A_563, %swap3A_564, %swap3A_565] : memref<1x32x16384xf32, #tpu.memory_space<vmem>>, vector<1x32x32xf32>
    %swap3A_567 = vector.shape_cast %swap3A_566 : vector<1x32x32xf32> to vector<32x32xf32>
    %swap3A_568 = vector.shape_cast %slice3A_562 : vector<32x32xf32> to vector<1x32x32xf32>
    tpu.vector_store %arg2[%swap3A_563, %swap3A_564, %swap3A_565], %swap3A_568 {strides = array<i32>} : memref<1x32x16384xf32, #tpu.memory_space<vmem>>, vector<1x32x32xf32>,
    %slice3A_569 = vector.extract_strided_slice %dot_general3A_3 {offsets = [0, 2592], sizes = [32, 32], strides = [1, 1]} : vector<128x4096xf32> to vector<32x32xf32>
    %swap3A_570 = arith.constant 0 : index
    %swap3A_571 = arith.constant 0 : index
    %swap3A_572 = arith.constant 10368 : index
    %swap3A_573 = vector.load %arg2[%swap3A_570, %swap3A_571, %swap3A_572] : memref<1x32x16384xf32, #tpu.memory_space<vmem>>, vector<1x32x32xf32>
    %swap3A_574 = vector.shape_cast %swap3A_573 : vector<1x32x32xf32> to vector<32x32xf32>
    %swap3A_575 = vector.shape_cast %slice3A_569 : vector<32x32xf32> to vector<1x32x32xf32>
    tpu.vector_store %arg2[%swap3A_570, %swap3A_571, %swap3A_572], %swap3A_575 {strides = array<i32>} : memref<1x32x16384xf32, #tpu.memory_space<vmem>>, vector<1x32x32xf32>,
    %slice3A_576 = vector.extract_strided_slice %dot_general3A_3 {offsets = [0, 2624], sizes = [32, 32], strides = [1, 1]} : vector<128x4096xf32> to vector<32x32xf32>
    %swap3A_577 = arith.constant 0 : index
    %swap3A_578 = arith.constant 0 : index
    %swap3A_579 = arith.constant 10496 : index
    %swap3A_580 = vector.load %arg2[%swap3A_577, %swap3A_578, %swap3A_579] : memref<1x32x16384xf32, #tpu.memory_space<vmem>>, vector<1x32x32xf32>
    %swap3A_581 = vector.shape_cast %swap3A_580 : vector<1x32x32xf32> to vector<32x32xf32>
    %swap3A_582 = vector.shape_cast %slice3A_576 : vector<32x32xf32> to vector<1x32x32xf32>
    tpu.vector_store %arg2[%swap3A_577, %swap3A_578, %swap3A_579], %swap3A_582 {strides = array<i32>} : memref<1x32x16384xf32, #tpu.memory_space<vmem>>, vector<1x32x32xf32>,
    %slice3A_583 = vector.extract_strided_slice %dot_general3A_3 {offsets = [0, 2656], sizes = [32, 32], strides = [1, 1]} : vector<128x4096xf32> to vector<32x32xf32>
    %swap3A_584 = arith.constant 0 : index
    %swap3A_585 = arith.constant 0 : index
    %swap3A_586 = arith.constant 10624 : index
    %swap3A_587 = vector.load %arg2[%swap3A_584, %swap3A_585, %swap3A_586] : memref<1x32x16384xf32, #tpu.memory_space<vmem>>, vector<1x32x32xf32>
    %swap3A_588 = vector.shape_cast %swap3A_587 : vector<1x32x32xf32> to vector<32x32xf32>
    %swap3A_589 = vector.shape_cast %slice3A_583 : vector<32x32xf32> to vector<1x32x32xf32>
    tpu.vector_store %arg2[%swap3A_584, %swap3A_585, %swap3A_586], %swap3A_589 {strides = array<i32>} : memref<1x32x16384xf32, #tpu.memory_space<vmem>>, vector<1x32x32xf32>,
    %slice3A_590 = vector.extract_strided_slice %dot_general3A_3 {offsets = [0, 2688], sizes = [32, 32], strides = [1, 1]} : vector<128x4096xf32> to vector<32x32xf32>
    %swap3A_591 = arith.constant 0 : index
    %swap3A_592 = arith.constant 0 : index
    %swap3A_593 = arith.constant 10752 : index
    %swap3A_594 = vector.load %arg2[%swap3A_591, %swap3A_592, %swap3A_593] : memref<1x32x16384xf32, #tpu.memory_space<vmem>>, vector<1x32x32xf32>
    %swap3A_595 = vector.shape_cast %swap3A_594 : vector<1x32x32xf32> to vector<32x32xf32>
    %swap3A_596 = vector.shape_cast %slice3A_590 : vector<32x32xf32> to vector<1x32x32xf32>
    tpu.vector_store %arg2[%swap3A_591, %swap3A_592, %swap3A_593], %swap3A_596 {strides = array<i32>} : memref<1x32x16384xf32, #tpu.memory_space<vmem>>, vector<1x32x32xf32>,
    %slice3A_597 = vector.extract_strided_slice %dot_general3A_3 {offsets = [0, 2720], sizes = [32, 32], strides = [1, 1]} : vector<128x4096xf32> to vector<32x32xf32>
    %swap3A_598 = arith.constant 0 : index
    %swap3A_599 = arith.constant 0 : index
    %swap3A_600 = arith.constant 10880 : index
    %swap3A_601 = vector.load %arg2[%swap3A_598, %swap3A_599, %swap3A_600] : memref<1x32x16384xf32, #tpu.memory_space<vmem>>, vector<1x32x32xf32>
    %swap3A_602 = vector.shape_cast %swap3A_601 : vector<1x32x32xf32> to vector<32x32xf32>
    %swap3A_603 = vector.shape_cast %slice3A_597 : vector<32x32xf32> to vector<1x32x32xf32>
    tpu.vector_store %arg2[%swap3A_598, %swap3A_599, %swap3A_600], %swap3A_603 {strides = array<i32>} : memref<1x32x16384xf32, #tpu.memory_space<vmem>>, vector<1x32x32xf32>,
    %slice3A_604 = vector.extract_strided_slice %dot_general3A_3 {offsets = [0, 2752], sizes = [32, 32], strides = [1, 1]} : vector<128x4096xf32> to vector<32x32xf32>
    %swap3A_605 = arith.constant 0 : index
    %swap3A_606 = arith.constant 0 : index
    %swap3A_607 = arith.constant 11008 : index
    %swap3A_608 = vector.load %arg2[%swap3A_605, %swap3A_606, %swap3A_607] : memref<1x32x16384xf32, #tpu.memory_space<vmem>>, vector<1x32x32xf32>
    %swap3A_609 = vector.shape_cast %swap3A_608 : vector<1x32x32xf32> to vector<32x32xf32>
    %swap3A_610 = vector.shape_cast %slice3A_604 : vector<32x32xf32> to vector<1x32x32xf32>
    tpu.vector_store %arg2[%swap3A_605, %swap3A_606, %swap3A_607], %swap3A_610 {strides = array<i32>} : memref<1x32x16384xf32, #tpu.memory_space<vmem>>, vector<1x32x32xf32>,
    %slice3A_611 = vector.extract_strided_slice %dot_general3A_3 {offsets = [0, 2784], sizes = [32, 32], strides = [1, 1]} : vector<128x4096xf32> to vector<32x32xf32>
    %swap3A_612 = arith.constant 0 : index
    %swap3A_613 = arith.constant 0 : index
    %swap3A_614 = arith.constant 11136 : index
    %swap3A_615 = vector.load %arg2[%swap3A_612, %swap3A_613, %swap3A_614] : memref<1x32x16384xf32, #tpu.memory_space<vmem>>, vector<1x32x32xf32>
    %swap3A_616 = vector.shape_cast %swap3A_615 : vector<1x32x32xf32> to vector<32x32xf32>
    %swap3A_617 = vector.shape_cast %slice3A_611 : vector<32x32xf32> to vector<1x32x32xf32>
    tpu.vector_store %arg2[%swap3A_612, %swap3A_613, %swap3A_614], %swap3A_617 {strides = array<i32>} : memref<1x32x16384xf32, #tpu.memory_space<vmem>>, vector<1x32x32xf32>,
    %slice3A_618 = vector.extract_strided_slice %dot_general3A_3 {offsets = [0, 2816], sizes = [32, 32], strides = [1, 1]} : vector<128x4096xf32> to vector<32x32xf32>
    %swap3A_619 = arith.constant 0 : index
    %swap3A_620 = arith.constant 0 : index
    %swap3A_621 = arith.constant 11264 : index
    %swap3A_622 = vector.load %arg2[%swap3A_619, %swap3A_620, %swap3A_621] : memref<1x32x16384xf32, #tpu.memory_space<vmem>>, vector<1x32x32xf32>
    %swap3A_623 = vector.shape_cast %swap3A_622 : vector<1x32x32xf32> to vector<32x32xf32>
    %swap3A_624 = vector.shape_cast %slice3A_618 : vector<32x32xf32> to vector<1x32x32xf32>
    tpu.vector_store %arg2[%swap3A_619, %swap3A_620, %swap3A_621], %swap3A_624 {strides = array<i32>} : memref<1x32x16384xf32, #tpu.memory_space<vmem>>, vector<1x32x32xf32>,
    %slice3A_625 = vector.extract_strided_slice %dot_general3A_3 {offsets = [0, 2848], sizes = [32, 32], strides = [1, 1]} : vector<128x4096xf32> to vector<32x32xf32>
    %swap3A_626 = arith.constant 0 : index
    %swap3A_627 = arith.constant 0 : index
    %swap3A_628 = arith.constant 11392 : index
    %swap3A_629 = vector.load %arg2[%swap3A_626, %swap3A_627, %swap3A_628] : memref<1x32x16384xf32, #tpu.memory_space<vmem>>, vector<1x32x32xf32>
    %swap3A_630 = vector.shape_cast %swap3A_629 : vector<1x32x32xf32> to vector<32x32xf32>
    %swap3A_631 = vector.shape_cast %slice3A_625 : vector<32x32xf32> to vector<1x32x32xf32>
    tpu.vector_store %arg2[%swap3A_626, %swap3A_627, %swap3A_628], %swap3A_631 {strides = array<i32>} : memref<1x32x16384xf32, #tpu.memory_space<vmem>>, vector<1x32x32xf32>,
    %slice3A_632 = vector.extract_strided_slice %dot_general3A_3 {offsets = [0, 2880], sizes = [32, 32], strides = [1, 1]} : vector<128x4096xf32> to vector<32x32xf32>
    %swap3A_633 = arith.constant 0 : index
    %swap3A_634 = arith.constant 0 : index
    %swap3A_635 = arith.constant 11520 : index
    %swap3A_636 = vector.load %arg2[%swap3A_633, %swap3A_634, %swap3A_635] : memref<1x32x16384xf32, #tpu.memory_space<vmem>>, vector<1x32x32xf32>
    %swap3A_637 = vector.shape_cast %swap3A_636 : vector<1x32x32xf32> to vector<32x32xf32>
    %swap3A_638 = vector.shape_cast %slice3A_632 : vector<32x32xf32> to vector<1x32x32xf32>
    tpu.vector_store %arg2[%swap3A_633, %swap3A_634, %swap3A_635], %swap3A_638 {strides = array<i32>} : memref<1x32x16384xf32, #tpu.memory_space<vmem>>, vector<1x32x32xf32>,
    %slice3A_639 = vector.extract_strided_slice %dot_general3A_3 {offsets = [0, 2912], sizes = [32, 32], strides = [1, 1]} : vector<128x4096xf32> to vector<32x32xf32>
    %swap3A_640 = arith.constant 0 : index
    %swap3A_641 = arith.constant 0 : index
    %swap3A_642 = arith.constant 11648 : index
    %swap3A_643 = vector.load %arg2[%swap3A_640, %swap3A_641, %swap3A_642] : memref<1x32x16384xf32, #tpu.memory_space<vmem>>, vector<1x32x32xf32>
    %swap3A_644 = vector.shape_cast %swap3A_643 : vector<1x32x32xf32> to vector<32x32xf32>
    %swap3A_645 = vector.shape_cast %slice3A_639 : vector<32x32xf32> to vector<1x32x32xf32>
    tpu.vector_store %arg2[%swap3A_640, %swap3A_641, %swap3A_642], %swap3A_645 {strides = array<i32>} : memref<1x32x16384xf32, #tpu.memory_space<vmem>>, vector<1x32x32xf32>,
    %slice3A_646 = vector.extract_strided_slice %dot_general3A_3 {offsets = [0, 2944], sizes = [32, 32], strides = [1, 1]} : vector<128x4096xf32> to vector<32x32xf32>
    %swap3A_647 = arith.constant 0 : index
    %swap3A_648 = arith.constant 0 : index
    %swap3A_649 = arith.constant 11776 : index
    %swap3A_650 = vector.load %arg2[%swap3A_647, %swap3A_648, %swap3A_649] : memref<1x32x16384xf32, #tpu.memory_space<vmem>>, vector<1x32x32xf32>
    %swap3A_651 = vector.shape_cast %swap3A_650 : vector<1x32x32xf32> to vector<32x32xf32>
    %swap3A_652 = vector.shape_cast %slice3A_646 : vector<32x32xf32> to vector<1x32x32xf32>
    tpu.vector_store %arg2[%swap3A_647, %swap3A_648, %swap3A_649], %swap3A_652 {strides = array<i32>} : memref<1x32x16384xf32, #tpu.memory_space<vmem>>, vector<1x32x32xf32>,
    %slice3A_653 = vector.extract_strided_slice %dot_general3A_3 {offsets = [0, 2976], sizes = [32, 32], strides = [1, 1]} : vector<128x4096xf32> to vector<32x32xf32>
    %swap3A_654 = arith.constant 0 : index
    %swap3A_655 = arith.constant 0 : index
    %swap3A_656 = arith.constant 11904 : index
    %swap3A_657 = vector.load %arg2[%swap3A_654, %swap3A_655, %swap3A_656] : memref<1x32x16384xf32, #tpu.memory_space<vmem>>, vector<1x32x32xf32>
    %swap3A_658 = vector.shape_cast %swap3A_657 : vector<1x32x32xf32> to vector<32x32xf32>
    %swap3A_659 = vector.shape_cast %slice3A_653 : vector<32x32xf32> to vector<1x32x32xf32>
    tpu.vector_store %arg2[%swap3A_654, %swap3A_655, %swap3A_656], %swap3A_659 {strides = array<i32>} : memref<1x32x16384xf32, #tpu.memory_space<vmem>>, vector<1x32x32xf32>,
    %slice3A_660 = vector.extract_strided_slice %dot_general3A_3 {offsets = [0, 3008], sizes = [32, 32], strides = [1, 1]} : vector<128x4096xf32> to vector<32x32xf32>
    %swap3A_661 = arith.constant 0 : index
    %swap3A_662 = arith.constant 0 : index
    %swap3A_663 = arith.constant 12032 : index
    %swap3A_664 = vector.load %arg2[%swap3A_661, %swap3A_662, %swap3A_663] : memref<1x32x16384xf32, #tpu.memory_space<vmem>>, vector<1x32x32xf32>
    %swap3A_665 = vector.shape_cast %swap3A_664 : vector<1x32x32xf32> to vector<32x32xf32>
    %swap3A_666 = vector.shape_cast %slice3A_660 : vector<32x32xf32> to vector<1x32x32xf32>
    tpu.vector_store %arg2[%swap3A_661, %swap3A_662, %swap3A_663], %swap3A_666 {strides = array<i32>} : memref<1x32x16384xf32, #tpu.memory_space<vmem>>, vector<1x32x32xf32>,
    %slice3A_667 = vector.extract_strided_slice %dot_general3A_3 {offsets = [0, 3040], sizes = [32, 32], strides = [1, 1]} : vector<128x4096xf32> to vector<32x32xf32>
    %swap3A_668 = arith.constant 0 : index
    %swap3A_669 = arith.constant 0 : index
    %swap3A_670 = arith.constant 12160 : index
    %swap3A_671 = vector.load %arg2[%swap3A_668, %swap3A_669, %swap3A_670] : memref<1x32x16384xf32, #tpu.memory_space<vmem>>, vector<1x32x32xf32>
    %swap3A_672 = vector.shape_cast %swap3A_671 : vector<1x32x32xf32> to vector<32x32xf32>
    %swap3A_673 = vector.shape_cast %slice3A_667 : vector<32x32xf32> to vector<1x32x32xf32>
    tpu.vector_store %arg2[%swap3A_668, %swap3A_669, %swap3A_670], %swap3A_673 {strides = array<i32>} : memref<1x32x16384xf32, #tpu.memory_space<vmem>>, vector<1x32x32xf32>,
    %slice3A_674 = vector.extract_strided_slice %dot_general3A_3 {offsets = [0, 3072], sizes = [32, 32], strides = [1, 1]} : vector<128x4096xf32> to vector<32x32xf32>
    %swap3A_675 = arith.constant 0 : index
    %swap3A_676 = arith.constant 0 : index
    %swap3A_677 = arith.constant 12288 : index
    %swap3A_678 = vector.load %arg2[%swap3A_675, %swap3A_676, %swap3A_677] : memref<1x32x16384xf32, #tpu.memory_space<vmem>>, vector<1x32x32xf32>
    %swap3A_679 = vector.shape_cast %swap3A_678 : vector<1x32x32xf32> to vector<32x32xf32>
    %swap3A_680 = vector.shape_cast %slice3A_674 : vector<32x32xf32> to vector<1x32x32xf32>
    tpu.vector_store %arg2[%swap3A_675, %swap3A_676, %swap3A_677], %swap3A_680 {strides = array<i32>} : memref<1x32x16384xf32, #tpu.memory_space<vmem>>, vector<1x32x32xf32>,
    %slice3A_681 = vector.extract_strided_slice %dot_general3A_3 {offsets = [0, 3104], sizes = [32, 32], strides = [1, 1]} : vector<128x4096xf32> to vector<32x32xf32>
    %swap3A_682 = arith.constant 0 : index
    %swap3A_683 = arith.constant 0 : index
    %swap3A_684 = arith.constant 12416 : index
    %swap3A_685 = vector.load %arg2[%swap3A_682, %swap3A_683, %swap3A_684] : memref<1x32x16384xf32, #tpu.memory_space<vmem>>, vector<1x32x32xf32>
    %swap3A_686 = vector.shape_cast %swap3A_685 : vector<1x32x32xf32> to vector<32x32xf32>
    %swap3A_687 = vector.shape_cast %slice3A_681 : vector<32x32xf32> to vector<1x32x32xf32>
    tpu.vector_store %arg2[%swap3A_682, %swap3A_683, %swap3A_684], %swap3A_687 {strides = array<i32>} : memref<1x32x16384xf32, #tpu.memory_space<vmem>>, vector<1x32x32xf32>,
    %slice3A_688 = vector.extract_strided_slice %dot_general3A_3 {offsets = [0, 3136], sizes = [32, 32], strides = [1, 1]} : vector<128x4096xf32> to vector<32x32xf32>
    %swap3A_689 = arith.constant 0 : index
    %swap3A_690 = arith.constant 0 : index
    %swap3A_691 = arith.constant 12544 : index
    %swap3A_692 = vector.load %arg2[%swap3A_689, %swap3A_690, %swap3A_691] : memref<1x32x16384xf32, #tpu.memory_space<vmem>>, vector<1x32x32xf32>
    %swap3A_693 = vector.shape_cast %swap3A_692 : vector<1x32x32xf32> to vector<32x32xf32>
    %swap3A_694 = vector.shape_cast %slice3A_688 : vector<32x32xf32> to vector<1x32x32xf32>
    tpu.vector_store %arg2[%swap3A_689, %swap3A_690, %swap3A_691], %swap3A_694 {strides = array<i32>} : memref<1x32x16384xf32, #tpu.memory_space<vmem>>, vector<1x32x32xf32>,
    %slice3A_695 = vector.extract_strided_slice %dot_general3A_3 {offsets = [0, 3168], sizes = [32, 32], strides = [1, 1]} : vector<128x4096xf32> to vector<32x32xf32>
    %swap3A_696 = arith.constant 0 : index
    %swap3A_697 = arith.constant 0 : index
    %swap3A_698 = arith.constant 12672 : index
    %swap3A_699 = vector.load %arg2[%swap3A_696, %swap3A_697, %swap3A_698] : memref<1x32x16384xf32, #tpu.memory_space<vmem>>, vector<1x32x32xf32>
    %swap3A_700 = vector.shape_cast %swap3A_699 : vector<1x32x32xf32> to vector<32x32xf32>
    %swap3A_701 = vector.shape_cast %slice3A_695 : vector<32x32xf32> to vector<1x32x32xf32>
    tpu.vector_store %arg2[%swap3A_696, %swap3A_697, %swap3A_698], %swap3A_701 {strides = array<i32>} : memref<1x32x16384xf32, #tpu.memory_space<vmem>>, vector<1x32x32xf32>,
    %slice3A_702 = vector.extract_strided_slice %dot_general3A_3 {offsets = [0, 3200], sizes = [32, 32], strides = [1, 1]} : vector<128x4096xf32> to vector<32x32xf32>
    %swap3A_703 = arith.constant 0 : index
    %swap3A_704 = arith.constant 0 : index
    %swap3A_705 = arith.constant 12800 : index
    %swap3A_706 = vector.load %arg2[%swap3A_703, %swap3A_704, %swap3A_705] : memref<1x32x16384xf32, #tpu.memory_space<vmem>>, vector<1x32x32xf32>
    %swap3A_707 = vector.shape_cast %swap3A_706 : vector<1x32x32xf32> to vector<32x32xf32>
    %swap3A_708 = vector.shape_cast %slice3A_702 : vector<32x32xf32> to vector<1x32x32xf32>
    tpu.vector_store %arg2[%swap3A_703, %swap3A_704, %swap3A_705], %swap3A_708 {strides = array<i32>} : memref<1x32x16384xf32, #tpu.memory_space<vmem>>, vector<1x32x32xf32>,
    %slice3A_709 = vector.extract_strided_slice %dot_general3A_3 {offsets = [0, 3232], sizes = [32, 32], strides = [1, 1]} : vector<128x4096xf32> to vector<32x32xf32>
    %swap3A_710 = arith.constant 0 : index
    %swap3A_711 = arith.constant 0 : index
    %swap3A_712 = arith.constant 12928 : index
    %swap3A_713 = vector.load %arg2[%swap3A_710, %swap3A_711, %swap3A_712] : memref<1x32x16384xf32, #tpu.memory_space<vmem>>, vector<1x32x32xf32>
    %swap3A_714 = vector.shape_cast %swap3A_713 : vector<1x32x32xf32> to vector<32x32xf32>
    %swap3A_715 = vector.shape_cast %slice3A_709 : vector<32x32xf32> to vector<1x32x32xf32>
    tpu.vector_store %arg2[%swap3A_710, %swap3A_711, %swap3A_712], %swap3A_715 {strides = array<i32>} : memref<1x32x16384xf32, #tpu.memory_space<vmem>>, vector<1x32x32xf32>,
    %slice3A_716 = vector.extract_strided_slice %dot_general3A_3 {offsets = [0, 3264], sizes = [32, 32], strides = [1, 1]} : vector<128x4096xf32> to vector<32x32xf32>
    %swap3A_717 = arith.constant 0 : index
    %swap3A_718 = arith.constant 0 : index
    %swap3A_719 = arith.constant 13056 : index
    %swap3A_720 = vector.load %arg2[%swap3A_717, %swap3A_718, %swap3A_719] : memref<1x32x16384xf32, #tpu.memory_space<vmem>>, vector<1x32x32xf32>
    %swap3A_721 = vector.shape_cast %swap3A_720 : vector<1x32x32xf32> to vector<32x32xf32>
    %swap3A_722 = vector.shape_cast %slice3A_716 : vector<32x32xf32> to vector<1x32x32xf32>
    tpu.vector_store %arg2[%swap3A_717, %swap3A_718, %swap3A_719], %swap3A_722 {strides = array<i32>} : memref<1x32x16384xf32, #tpu.memory_space<vmem>>, vector<1x32x32xf32>,
    %slice3A_723 = vector.extract_strided_slice %dot_general3A_3 {offsets = [0, 3296], sizes = [32, 32], strides = [1, 1]} : vector<128x4096xf32> to vector<32x32xf32>
    %swap3A_724 = arith.constant 0 : index
    %swap3A_725 = arith.constant 0 : index
    %swap3A_726 = arith.constant 13184 : index
    %swap3A_727 = vector.load %arg2[%swap3A_724, %swap3A_725, %swap3A_726] : memref<1x32x16384xf32, #tpu.memory_space<vmem>>, vector<1x32x32xf32>
    %swap3A_728 = vector.shape_cast %swap3A_727 : vector<1x32x32xf32> to vector<32x32xf32>
    %swap3A_729 = vector.shape_cast %slice3A_723 : vector<32x32xf32> to vector<1x32x32xf32>
    tpu.vector_store %arg2[%swap3A_724, %swap3A_725, %swap3A_726], %swap3A_729 {strides = array<i32>} : memref<1x32x16384xf32, #tpu.memory_space<vmem>>, vector<1x32x32xf32>,
    %slice3A_730 = vector.extract_strided_slice %dot_general3A_3 {offsets = [0, 3328], sizes = [32, 32], strides = [1, 1]} : vector<128x4096xf32> to vector<32x32xf32>
    %swap3A_731 = arith.constant 0 : index
    %swap3A_732 = arith.constant 0 : index
    %swap3A_733 = arith.constant 13312 : index
    %swap3A_734 = vector.load %arg2[%swap3A_731, %swap3A_732, %swap3A_733] : memref<1x32x16384xf32, #tpu.memory_space<vmem>>, vector<1x32x32xf32>
    %swap3A_735 = vector.shape_cast %swap3A_734 : vector<1x32x32xf32> to vector<32x32xf32>
    %swap3A_736 = vector.shape_cast %slice3A_730 : vector<32x32xf32> to vector<1x32x32xf32>
    tpu.vector_store %arg2[%swap3A_731, %swap3A_732, %swap3A_733], %swap3A_736 {strides = array<i32>} : memref<1x32x16384xf32, #tpu.memory_space<vmem>>, vector<1x32x32xf32>,
    %slice3A_737 = vector.extract_strided_slice %dot_general3A_3 {offsets = [0, 3360], sizes = [32, 32], strides = [1, 1]} : vector<128x4096xf32> to vector<32x32xf32>
    %swap3A_738 = arith.constant 0 : index
    %swap3A_739 = arith.constant 0 : index
    %swap3A_740 = arith.constant 13440 : index
    %swap3A_741 = vector.load %arg2[%swap3A_738, %swap3A_739, %swap3A_740] : memref<1x32x16384xf32, #tpu.memory_space<vmem>>, vector<1x32x32xf32>
    %swap3A_742 = vector.shape_cast %swap3A_741 : vector<1x32x32xf32> to vector<32x32xf32>
    %swap3A_743 = vector.shape_cast %slice3A_737 : vector<32x32xf32> to vector<1x32x32xf32>
    tpu.vector_store %arg2[%swap3A_738, %swap3A_739, %swap3A_740], %swap3A_743 {strides = array<i32>} : memref<1x32x16384xf32, #tpu.memory_space<vmem>>, vector<1x32x32xf32>,
    %slice3A_744 = vector.extract_strided_slice %dot_general3A_3 {offsets = [0, 3392], sizes = [32, 32], strides = [1, 1]} : vector<128x4096xf32> to vector<32x32xf32>
    %swap3A_745 = arith.constant 0 : index
    %swap3A_746 = arith.constant 0 : index
    %swap3A_747 = arith.constant 13568 : index
    %swap3A_748 = vector.load %arg2[%swap3A_745, %swap3A_746, %swap3A_747] : memref<1x32x16384xf32, #tpu.memory_space<vmem>>, vector<1x32x32xf32>
    %swap3A_749 = vector.shape_cast %swap3A_748 : vector<1x32x32xf32> to vector<32x32xf32>
    %swap3A_750 = vector.shape_cast %slice3A_744 : vector<32x32xf32> to vector<1x32x32xf32>
    tpu.vector_store %arg2[%swap3A_745, %swap3A_746, %swap3A_747], %swap3A_750 {strides = array<i32>} : memref<1x32x16384xf32, #tpu.memory_space<vmem>>, vector<1x32x32xf32>,
    %slice3A_751 = vector.extract_strided_slice %dot_general3A_3 {offsets = [0, 3424], sizes = [32, 32], strides = [1, 1]} : vector<128x4096xf32> to vector<32x32xf32>
    %swap3A_752 = arith.constant 0 : index
    %swap3A_753 = arith.constant 0 : index
    %swap3A_754 = arith.constant 13696 : index
    %swap3A_755 = vector.load %arg2[%swap3A_752, %swap3A_753, %swap3A_754] : memref<1x32x16384xf32, #tpu.memory_space<vmem>>, vector<1x32x32xf32>
    %swap3A_756 = vector.shape_cast %swap3A_755 : vector<1x32x32xf32> to vector<32x32xf32>
    %swap3A_757 = vector.shape_cast %slice3A_751 : vector<32x32xf32> to vector<1x32x32xf32>
    tpu.vector_store %arg2[%swap3A_752, %swap3A_753, %swap3A_754], %swap3A_757 {strides = array<i32>} : memref<1x32x16384xf32, #tpu.memory_space<vmem>>, vector<1x32x32xf32>,
    %slice3A_758 = vector.extract_strided_slice %dot_general3A_3 {offsets = [0, 3456], sizes = [32, 32], strides = [1, 1]} : vector<128x4096xf32> to vector<32x32xf32>
    %swap3A_759 = arith.constant 0 : index
    %swap3A_760 = arith.constant 0 : index
    %swap3A_761 = arith.constant 13824 : index
    %swap3A_762 = vector.load %arg2[%swap3A_759, %swap3A_760, %swap3A_761] : memref<1x32x16384xf32, #tpu.memory_space<vmem>>, vector<1x32x32xf32>
    %swap3A_763 = vector.shape_cast %swap3A_762 : vector<1x32x32xf32> to vector<32x32xf32>
    %swap3A_764 = vector.shape_cast %slice3A_758 : vector<32x32xf32> to vector<1x32x32xf32>
    tpu.vector_store %arg2[%swap3A_759, %swap3A_760, %swap3A_761], %swap3A_764 {strides = array<i32>} : memref<1x32x16384xf32, #tpu.memory_space<vmem>>, vector<1x32x32xf32>,
    %slice3A_765 = vector.extract_strided_slice %dot_general3A_3 {offsets = [0, 3488], sizes = [32, 32], strides = [1, 1]} : vector<128x4096xf32> to vector<32x32xf32>
    %swap3A_766 = arith.constant 0 : index
    %swap3A_767 = arith.constant 0 : index
    %swap3A_768 = arith.constant 13952 : index
    %swap3A_769 = vector.load %arg2[%swap3A_766, %swap3A_767, %swap3A_768] : memref<1x32x16384xf32, #tpu.memory_space<vmem>>, vector<1x32x32xf32>
    %swap3A_770 = vector.shape_cast %swap3A_769 : vector<1x32x32xf32> to vector<32x32xf32>
    %swap3A_771 = vector.shape_cast %slice3A_765 : vector<32x32xf32> to vector<1x32x32xf32>
    tpu.vector_store %arg2[%swap3A_766, %swap3A_767, %swap3A_768], %swap3A_771 {strides = array<i32>} : memref<1x32x16384xf32, #tpu.memory_space<vmem>>, vector<1x32x32xf32>,
    %slice3A_772 = vector.extract_strided_slice %dot_general3A_3 {offsets = [0, 3520], sizes = [32, 32], strides = [1, 1]} : vector<128x4096xf32> to vector<32x32xf32>
    %swap3A_773 = arith.constant 0 : index
    %swap3A_774 = arith.constant 0 : index
    %swap3A_775 = arith.constant 14080 : index
    %swap3A_776 = vector.load %arg2[%swap3A_773, %swap3A_774, %swap3A_775] : memref<1x32x16384xf32, #tpu.memory_space<vmem>>, vector<1x32x32xf32>
    %swap3A_777 = vector.shape_cast %swap3A_776 : vector<1x32x32xf32> to vector<32x32xf32>
    %swap3A_778 = vector.shape_cast %slice3A_772 : vector<32x32xf32> to vector<1x32x32xf32>
    tpu.vector_store %arg2[%swap3A_773, %swap3A_774, %swap3A_775], %swap3A_778 {strides = array<i32>} : memref<1x32x16384xf32, #tpu.memory_space<vmem>>, vector<1x32x32xf32>,
    %slice3A_779 = vector.extract_strided_slice %dot_general3A_3 {offsets = [0, 3552], sizes = [32, 32], strides = [1, 1]} : vector<128x4096xf32> to vector<32x32xf32>
    %swap3A_780 = arith.constant 0 : index
    %swap3A_781 = arith.constant 0 : index
    %swap3A_782 = arith.constant 14208 : index
    %swap3A_783 = vector.load %arg2[%swap3A_780, %swap3A_781, %swap3A_782] : memref<1x32x16384xf32, #tpu.memory_space<vmem>>, vector<1x32x32xf32>
    %swap3A_784 = vector.shape_cast %swap3A_783 : vector<1x32x32xf32> to vector<32x32xf32>
    %swap3A_785 = vector.shape_cast %slice3A_779 : vector<32x32xf32> to vector<1x32x32xf32>
    tpu.vector_store %arg2[%swap3A_780, %swap3A_781, %swap3A_782], %swap3A_785 {strides = array<i32>} : memref<1x32x16384xf32, #tpu.memory_space<vmem>>, vector<1x32x32xf32>,
    %slice3A_786 = vector.extract_strided_slice %dot_general3A_3 {offsets = [0, 3584], sizes = [32, 32], strides = [1, 1]} : vector<128x4096xf32> to vector<32x32xf32>
    %swap3A_787 = arith.constant 0 : index
    %swap3A_788 = arith.constant 0 : index
    %swap3A_789 = arith.constant 14336 : index
    %swap3A_790 = vector.load %arg2[%swap3A_787, %swap3A_788, %swap3A_789] : memref<1x32x16384xf32, #tpu.memory_space<vmem>>, vector<1x32x32xf32>
    %swap3A_791 = vector.shape_cast %swap3A_790 : vector<1x32x32xf32> to vector<32x32xf32>
    %swap3A_792 = vector.shape_cast %slice3A_786 : vector<32x32xf32> to vector<1x32x32xf32>
    tpu.vector_store %arg2[%swap3A_787, %swap3A_788, %swap3A_789], %swap3A_792 {strides = array<i32>} : memref<1x32x16384xf32, #tpu.memory_space<vmem>>, vector<1x32x32xf32>,
    %slice3A_793 = vector.extract_strided_slice %dot_general3A_3 {offsets = [0, 3616], sizes = [32, 32], strides = [1, 1]} : vector<128x4096xf32> to vector<32x32xf32>
    %swap3A_794 = arith.constant 0 : index
    %swap3A_795 = arith.constant 0 : index
    %swap3A_796 = arith.constant 14464 : index
    %swap3A_797 = vector.load %arg2[%swap3A_794, %swap3A_795, %swap3A_796] : memref<1x32x16384xf32, #tpu.memory_space<vmem>>, vector<1x32x32xf32>
    %swap3A_798 = vector.shape_cast %swap3A_797 : vector<1x32x32xf32> to vector<32x32xf32>
    %swap3A_799 = vector.shape_cast %slice3A_793 : vector<32x32xf32> to vector<1x32x32xf32>
    tpu.vector_store %arg2[%swap3A_794, %swap3A_795, %swap3A_796], %swap3A_799 {strides = array<i32>} : memref<1x32x16384xf32, #tpu.memory_space<vmem>>, vector<1x32x32xf32>,
    %slice3A_800 = vector.extract_strided_slice %dot_general3A_3 {offsets = [0, 3648], sizes = [32, 32], strides = [1, 1]} : vector<128x4096xf32> to vector<32x32xf32>
    %swap3A_801 = arith.constant 0 : index
    %swap3A_802 = arith.constant 0 : index
    %swap3A_803 = arith.constant 14592 : index
    %swap3A_804 = vector.load %arg2[%swap3A_801, %swap3A_802, %swap3A_803] : memref<1x32x16384xf32, #tpu.memory_space<vmem>>, vector<1x32x32xf32>
    %swap3A_805 = vector.shape_cast %swap3A_804 : vector<1x32x32xf32> to vector<32x32xf32>
    %swap3A_806 = vector.shape_cast %slice3A_800 : vector<32x32xf32> to vector<1x32x32xf32>
    tpu.vector_store %arg2[%swap3A_801, %swap3A_802, %swap3A_803], %swap3A_806 {strides = array<i32>} : memref<1x32x16384xf32, #tpu.memory_space<vmem>>, vector<1x32x32xf32>,
    %slice3A_807 = vector.extract_strided_slice %dot_general3A_3 {offsets = [0, 3680], sizes = [32, 32], strides = [1, 1]} : vector<128x4096xf32> to vector<32x32xf32>
    %swap3A_808 = arith.constant 0 : index
    %swap3A_809 = arith.constant 0 : index
    %swap3A_810 = arith.constant 14720 : index
    %swap3A_811 = vector.load %arg2[%swap3A_808, %swap3A_809, %swap3A_810] : memref<1x32x16384xf32, #tpu.memory_space<vmem>>, vector<1x32x32xf32>
    %swap3A_812 = vector.shape_cast %swap3A_811 : vector<1x32x32xf32> to vector<32x32xf32>
    %swap3A_813 = vector.shape_cast %slice3A_807 : vector<32x32xf32> to vector<1x32x32xf32>
    tpu.vector_store %arg2[%swap3A_808, %swap3A_809, %swap3A_810], %swap3A_813 {strides = array<i32>} : memref<1x32x16384xf32, #tpu.memory_space<vmem>>, vector<1x32x32xf32>,
    %slice3A_814 = vector.extract_strided_slice %dot_general3A_3 {offsets = [0, 3712], sizes = [32, 32], strides = [1, 1]} : vector<128x4096xf32> to vector<32x32xf32>
    %swap3A_815 = arith.constant 0 : index
    %swap3A_816 = arith.constant 0 : index
    %swap3A_817 = arith.constant 14848 : index
    %swap3A_818 = vector.load %arg2[%swap3A_815, %swap3A_816, %swap3A_817] : memref<1x32x16384xf32, #tpu.memory_space<vmem>>, vector<1x32x32xf32>
    %swap3A_819 = vector.shape_cast %swap3A_818 : vector<1x32x32xf32> to vector<32x32xf32>
    %swap3A_820 = vector.shape_cast %slice3A_814 : vector<32x32xf32> to vector<1x32x32xf32>
    tpu.vector_store %arg2[%swap3A_815, %swap3A_816, %swap3A_817], %swap3A_820 {strides = array<i32>} : memref<1x32x16384xf32, #tpu.memory_space<vmem>>, vector<1x32x32xf32>,
    %slice3A_821 = vector.extract_strided_slice %dot_general3A_3 {offsets = [0, 3744], sizes = [32, 32], strides = [1, 1]} : vector<128x4096xf32> to vector<32x32xf32>
    %swap3A_822 = arith.constant 0 : index
    %swap3A_823 = arith.constant 0 : index
    %swap3A_824 = arith.constant 14976 : index
    %swap3A_825 = vector.load %arg2[%swap3A_822, %swap3A_823, %swap3A_824] : memref<1x32x16384xf32, #tpu.memory_space<vmem>>, vector<1x32x32xf32>
    %swap3A_826 = vector.shape_cast %swap3A_825 : vector<1x32x32xf32> to vector<32x32xf32>
    %swap3A_827 = vector.shape_cast %slice3A_821 : vector<32x32xf32> to vector<1x32x32xf32>
    tpu.vector_store %arg2[%swap3A_822, %swap3A_823, %swap3A_824], %swap3A_827 {strides = array<i32>} : memref<1x32x16384xf32, #tpu.memory_space<vmem>>, vector<1x32x32xf32>,
    %slice3A_828 = vector.extract_strided_slice %dot_general3A_3 {offsets = [0, 3776], sizes = [32, 32], strides = [1, 1]} : vector<128x4096xf32> to vector<32x32xf32>
    %swap3A_829 = arith.constant 0 : index
    %swap3A_830 = arith.constant 0 : index
    %swap3A_831 = arith.constant 15104 : index
    %swap3A_832 = vector.load %arg2[%swap3A_829, %swap3A_830, %swap3A_831] : memref<1x32x16384xf32, #tpu.memory_space<vmem>>, vector<1x32x32xf32>
    %swap3A_833 = vector.shape_cast %swap3A_832 : vector<1x32x32xf32> to vector<32x32xf32>
    %swap3A_834 = vector.shape_cast %slice3A_828 : vector<32x32xf32> to vector<1x32x32xf32>
    tpu.vector_store %arg2[%swap3A_829, %swap3A_830, %swap3A_831], %swap3A_834 {strides = array<i32>} : memref<1x32x16384xf32, #tpu.memory_space<vmem>>, vector<1x32x32xf32>,
    %slice3A_835 = vector.extract_strided_slice %dot_general3A_3 {offsets = [0, 3808], sizes = [32, 32], strides = [1, 1]} : vector<128x4096xf32> to vector<32x32xf32>
    %swap3A_836 = arith.constant 0 : index
    %swap3A_837 = arith.constant 0 : index
    %swap3A_838 = arith.constant 15232 : index
    %swap3A_839 = vector.load %arg2[%swap3A_836, %swap3A_837, %swap3A_838] : memref<1x32x16384xf32, #tpu.memory_space<vmem>>, vector<1x32x32xf32>
    %swap3A_840 = vector.shape_cast %swap3A_839 : vector<1x32x32xf32> to vector<32x32xf32>
    %swap3A_841 = vector.shape_cast %slice3A_835 : vector<32x32xf32> to vector<1x32x32xf32>
    tpu.vector_store %arg2[%swap3A_836, %swap3A_837, %swap3A_838], %swap3A_841 {strides = array<i32>} : memref<1x32x16384xf32, #tpu.memory_space<vmem>>, vector<1x32x32xf32>,
    %slice3A_842 = vector.extract_strided_slice %dot_general3A_3 {offsets = [0, 3840], sizes = [32, 32], strides = [1, 1]} : vector<128x4096xf32> to vector<32x32xf32>
    %swap3A_843 = arith.constant 0 : index
    %swap3A_844 = arith.constant 0 : index
    %swap3A_845 = arith.constant 15360 : index
    %swap3A_846 = vector.load %arg2[%swap3A_843, %swap3A_844, %swap3A_845] : memref<1x32x16384xf32, #tpu.memory_space<vmem>>, vector<1x32x32xf32>
    %swap3A_847 = vector.shape_cast %swap3A_846 : vector<1x32x32xf32> to vector<32x32xf32>
    %swap3A_848 = vector.shape_cast %slice3A_842 : vector<32x32xf32> to vector<1x32x32xf32>
    tpu.vector_store %arg2[%swap3A_843, %swap3A_844, %swap3A_845], %swap3A_848 {strides = array<i32>} : memref<1x32x16384xf32, #tpu.memory_space<vmem>>, vector<1x32x32xf32>,
    %slice3A_849 = vector.extract_strided_slice %dot_general3A_3 {offsets = [0, 3872], sizes = [32, 32], strides = [1, 1]} : vector<128x4096xf32> to vector<32x32xf32>
    %swap3A_850 = arith.constant 0 : index
    %swap3A_851 = arith.constant 0 : index
    %swap3A_852 = arith.constant 15488 : index
    %swap3A_853 = vector.load %arg2[%swap3A_850, %swap3A_851, %swap3A_852] : memref<1x32x16384xf32, #tpu.memory_space<vmem>>, vector<1x32x32xf32>
    %swap3A_854 = vector.shape_cast %swap3A_853 : vector<1x32x32xf32> to vector<32x32xf32>
    %swap3A_855 = vector.shape_cast %slice3A_849 : vector<32x32xf32> to vector<1x32x32xf32>
    tpu.vector_store %arg2[%swap3A_850, %swap3A_851, %swap3A_852], %swap3A_855 {strides = array<i32>} : memref<1x32x16384xf32, #tpu.memory_space<vmem>>, vector<1x32x32xf32>,
    %slice3A_856 = vector.extract_strided_slice %dot_general3A_3 {offsets = [0, 3904], sizes = [32, 32], strides = [1, 1]} : vector<128x4096xf32> to vector<32x32xf32>
    %swap3A_857 = arith.constant 0 : index
    %swap3A_858 = arith.constant 0 : index
    %swap3A_859 = arith.constant 15616 : index
    %swap3A_860 = vector.load %arg2[%swap3A_857, %swap3A_858, %swap3A_859] : memref<1x32x16384xf32, #tpu.memory_space<vmem>>, vector<1x32x32xf32>
    %swap3A_861 = vector.shape_cast %swap3A_860 : vector<1x32x32xf32> to vector<32x32xf32>
    %swap3A_862 = vector.shape_cast %slice3A_856 : vector<32x32xf32> to vector<1x32x32xf32>
    tpu.vector_store %arg2[%swap3A_857, %swap3A_858, %swap3A_859], %swap3A_862 {strides = array<i32>} : memref<1x32x16384xf32, #tpu.memory_space<vmem>>, vector<1x32x32xf32>,
    %slice3A_863 = vector.extract_strided_slice %dot_general3A_3 {offsets = [0, 3936], sizes = [32, 32], strides = [1, 1]} : vector<128x4096xf32> to vector<32x32xf32>
    %swap3A_864 = arith.constant 0 : index
    %swap3A_865 = arith.constant 0 : index
    %swap3A_866 = arith.constant 15744 : index
    %swap3A_867 = vector.load %arg2[%swap3A_864, %swap3A_865, %swap3A_866] : memref<1x32x16384xf32, #tpu.memory_space<vmem>>, vector<1x32x32xf32>
    %swap3A_868 = vector.shape_cast %swap3A_867 : vector<1x32x32xf32> to vector<32x32xf32>
    %swap3A_869 = vector.shape_cast %slice3A_863 : vector<32x32xf32> to vector<1x32x32xf32>
    tpu.vector_store %arg2[%swap3A_864, %swap3A_865, %swap3A_866], %swap3A_869 {strides = array<i32>} : memref<1x32x16384xf32, #tpu.memory_space<vmem>>, vector<1x32x32xf32>,
    %slice3A_870 = vector.extract_strided_slice %dot_general3A_3 {offsets = [0, 3968], sizes = [32, 32], strides = [1, 1]} : vector<128x4096xf32> to vector<32x32xf32>
    %swap3A_871 = arith.constant 0 : index
    %swap3A_872 = arith.constant 0 : index
    %swap3A_873 = arith.constant 15872 : index
    %swap3A_874 = vector.load %arg2[%swap3A_871, %swap3A_872, %swap3A_873] : memref<1x32x16384xf32, #tpu.memory_space<vmem>>, vector<1x32x32xf32>
    %swap3A_875 = vector.shape_cast %swap3A_874 : vector<1x32x32xf32> to vector<32x32xf32>
    %swap3A_876 = vector.shape_cast %slice3A_870 : vector<32x32xf32> to vector<1x32x32xf32>
    tpu.vector_store %arg2[%swap3A_871, %swap3A_872, %swap3A_873], %swap3A_876 {strides = array<i32>} : memref<1x32x16384xf32, #tpu.memory_space<vmem>>, vector<1x32x32xf32>,
    %slice3A_877 = vector.extract_strided_slice %dot_general3A_3 {offsets = [0, 4000], sizes = [32, 32], strides = [1, 1]} : vector<128x4096xf32> to vector<32x32xf32>
    %swap3A_878 = arith.constant 0 : index
    %swap3A_879 = arith.constant 0 : index
    %swap3A_880 = arith.constant 16000 : index
    %swap3A_881 = vector.load %arg2[%swap3A_878, %swap3A_879, %swap3A_880] : memref<1x32x16384xf32, #tpu.memory_space<vmem>>, vector<1x32x32xf32>
    %swap3A_882 = vector.shape_cast %swap3A_881 : vector<1x32x32xf32> to vector<32x32xf32>
    %swap3A_883 = vector.shape_cast %slice3A_877 : vector<32x32xf32> to vector<1x32x32xf32>
    tpu.vector_store %arg2[%swap3A_878, %swap3A_879, %swap3A_880], %swap3A_883 {strides = array<i32>} : memref<1x32x16384xf32, #tpu.memory_space<vmem>>, vector<1x32x32xf32>,
    %slice3A_884 = vector.extract_strided_slice %dot_general3A_3 {offsets = [0, 4032], sizes = [32, 32], strides = [1, 1]} : vector<128x4096xf32> to vector<32x32xf32>
    %swap3A_885 = arith.constant 0 : index
    %swap3A_886 = arith.constant 0 : index
    %swap3A_887 = arith.constant 16128 : index
    %swap3A_888 = vector.load %arg2[%swap3A_885, %swap3A_886, %swap3A_887] : memref<1x32x16384xf32, #tpu.memory_space<vmem>>, vector<1x32x32xf32>
    %swap3A_889 = vector.shape_cast %swap3A_888 : vector<1x32x32xf32> to vector<32x32xf32>
    %swap3A_890 = vector.shape_cast %slice3A_884 : vector<32x32xf32> to vector<1x32x32xf32>
    tpu.vector_store %arg2[%swap3A_885, %swap3A_886, %swap3A_887], %swap3A_890 {strides = array<i32>} : memref<1x32x16384xf32, #tpu.memory_space<vmem>>, vector<1x32x32xf32>,
    %slice3A_891 = vector.extract_strided_slice %dot_general3A_3 {offsets = [0, 4064], sizes = [32, 32], strides = [1, 1]} : vector<128x4096xf32> to vector<32x32xf32>
    %swap3A_892 = arith.constant 0 : index
    %swap3A_893 = arith.constant 0 : index
    %swap3A_894 = arith.constant 16256 : index
    %swap3A_895 = vector.load %arg2[%swap3A_892, %swap3A_893, %swap3A_894] : memref<1x32x16384xf32, #tpu.memory_space<vmem>>, vector<1x32x32xf32>
    %swap3A_896 = vector.shape_cast %swap3A_895 : vector<1x32x32xf32> to vector<32x32xf32>
    %swap3A_897 = vector.shape_cast %slice3A_891 : vector<32x32xf32> to vector<1x32x32xf32>
    tpu.vector_store %arg2[%swap3A_892, %swap3A_893, %swap3A_894], %swap3A_897 {strides = array<i32>} : memref<1x32x16384xf32, #tpu.memory_space<vmem>>, vector<1x32x32xf32>,
    %slice3A_898 = vector.extract_strided_slice %dot_general3A_3 {offsets = [32, 0], sizes = [32, 32], strides = [1, 1]} : vector<128x4096xf32> to vector<32x32xf32>
    %swap3A_899 = arith.constant 0 : index
    %swap3A_900 = arith.constant 0 : index
    %swap3A_901 = arith.constant 32 : index
    %swap3A_902 = vector.load %arg2[%swap3A_899, %swap3A_900, %swap3A_901] : memref<1x32x16384xf32, #tpu.memory_space<vmem>>, vector<1x32x32xf32>
    %swap3A_903 = vector.shape_cast %swap3A_902 : vector<1x32x32xf32> to vector<32x32xf32>
    %swap3A_904 = vector.shape_cast %slice3A_898 : vector<32x32xf32> to vector<1x32x32xf32>
    tpu.vector_store %arg2[%swap3A_899, %swap3A_900, %swap3A_901], %swap3A_904 {strides = array<i32>} : memref<1x32x16384xf32, #tpu.memory_space<vmem>>, vector<1x32x32xf32>,
    %slice3A_905 = vector.extract_strided_slice %dot_general3A_3 {offsets = [32, 32], sizes = [32, 32], strides = [1, 1]} : vector<128x4096xf32> to vector<32x32xf32>
    %swap3A_906 = arith.constant 0 : index
    %swap3A_907 = arith.constant 0 : index
    %swap3A_908 = arith.constant 160 : index
    %swap3A_909 = vector.load %arg2[%swap3A_906, %swap3A_907, %swap3A_908] : memref<1x32x16384xf32, #tpu.memory_space<vmem>>, vector<1x32x32xf32>
    %swap3A_910 = vector.shape_cast %swap3A_909 : vector<1x32x32xf32> to vector<32x32xf32>
    %swap3A_911 = vector.shape_cast %slice3A_905 : vector<32x32xf32> to vector<1x32x32xf32>
    tpu.vector_store %arg2[%swap3A_906, %swap3A_907, %swap3A_908], %swap3A_911 {strides = array<i32>} : memref<1x32x16384xf32, #tpu.memory_space<vmem>>, vector<1x32x32xf32>,
    %slice3A_912 = vector.extract_strided_slice %dot_general3A_3 {offsets = [32, 64], sizes = [32, 32], strides = [1, 1]} : vector<128x4096xf32> to vector<32x32xf32>
    %swap3A_913 = arith.constant 0 : index
    %swap3A_914 = arith.constant 0 : index
    %swap3A_915 = arith.constant 288 : index
    %swap3A_916 = vector.load %arg2[%swap3A_913, %swap3A_914, %swap3A_915] : memref<1x32x16384xf32, #tpu.memory_space<vmem>>, vector<1x32x32xf32>
    %swap3A_917 = vector.shape_cast %swap3A_916 : vector<1x32x32xf32> to vector<32x32xf32>
    %swap3A_918 = vector.shape_cast %slice3A_912 : vector<32x32xf32> to vector<1x32x32xf32>
    tpu.vector_store %arg2[%swap3A_913, %swap3A_914, %swap3A_915], %swap3A_918 {strides = array<i32>} : memref<1x32x16384xf32, #tpu.memory_space<vmem>>, vector<1x32x32xf32>,
    %slice3A_919 = vector.extract_strided_slice %dot_general3A_3 {offsets = [32, 96], sizes = [32, 32], strides = [1, 1]} : vector<128x4096xf32> to vector<32x32xf32>
    %swap3A_920 = arith.constant 0 : index
    %swap3A_921 = arith.constant 0 : index
    %swap3A_922 = arith.constant 416 : index
    %swap3A_923 = vector.load %arg2[%swap3A_920, %swap3A_921, %swap3A_922] : memref<1x32x16384xf32, #tpu.memory_space<vmem>>, vector<1x32x32xf32>
    %swap3A_924 = vector.shape_cast %swap3A_923 : vector<1x32x32xf32> to vector<32x32xf32>
    %swap3A_925 = vector.shape_cast %slice3A_919 : vector<32x32xf32> to vector<1x32x32xf32>
    tpu.vector_store %arg2[%swap3A_920, %swap3A_921, %swap3A_922], %swap3A_925 {strides = array<i32>} : memref<1x32x16384xf32, #tpu.memory_space<vmem>>, vector<1x32x32xf32>,
    %slice3A_926 = vector.extract_strided_slice %dot_general3A_3 {offsets = [32, 128], sizes = [32, 32], strides = [1, 1]} : vector<128x4096xf32> to vector<32x32xf32>
    %swap3A_927 = arith.constant 0 : index
    %swap3A_928 = arith.constant 0 : index
    %swap3A_929 = arith.constant 544 : index
    %swap3A_930 = vector.load %arg2[%swap3A_927, %swap3A_928, %swap3A_929] : memref<1x32x16384xf32, #tpu.memory_space<vmem>>, vector<1x32x32xf32>
    %swap3A_931 = vector.shape_cast %swap3A_930 : vector<1x32x32xf32> to vector<32x32xf32>
    %swap3A_932 = vector.shape_cast %slice3A_926 : vector<32x32xf32> to vector<1x32x32xf32>
    tpu.vector_store %arg2[%swap3A_927, %swap3A_928, %swap3A_929], %swap3A_932 {strides = array<i32>} : memref<1x32x16384xf32, #tpu.memory_space<vmem>>, vector<1x32x32xf32>,
    %slice3A_933 = vector.extract_strided_slice %dot_general3A_3 {offsets = [32, 160], sizes = [32, 32], strides = [1, 1]} : vector<128x4096xf32> to vector<32x32xf32>
    %swap3A_934 = arith.constant 0 : index
    %swap3A_935 = arith.constant 0 : index
    %swap3A_936 = arith.constant 672 : index
    %swap3A_937 = vector.load %arg2[%swap3A_934, %swap3A_935, %swap3A_936] : memref<1x32x16384xf32, #tpu.memory_space<vmem>>, vector<1x32x32xf32>
    %swap3A_938 = vector.shape_cast %swap3A_937 : vector<1x32x32xf32> to vector<32x32xf32>
    %swap3A_939 = vector.shape_cast %slice3A_933 : vector<32x32xf32> to vector<1x32x32xf32>
    tpu.vector_store %arg2[%swap3A_934, %swap3A_935, %swap3A_936], %swap3A_939 {strides = array<i32>} : memref<1x32x16384xf32, #tpu.memory_space<vmem>>, vector<1x32x32xf32>,
    %slice3A_940 = vector.extract_strided_slice %dot_general3A_3 {offsets = [32, 192], sizes = [32, 32], strides = [1, 1]} : vector<128x4096xf32> to vector<32x32xf32>
    %swap3A_941 = arith.constant 0 : index
    %swap3A_942 = arith.constant 0 : index
    %swap3A_943 = arith.constant 800 : index
    %swap3A_944 = vector.load %arg2[%swap3A_941, %swap3A_942, %swap3A_943] : memref<1x32x16384xf32, #tpu.memory_space<vmem>>, vector<1x32x32xf32>
    %swap3A_945 = vector.shape_cast %swap3A_944 : vector<1x32x32xf32> to vector<32x32xf32>
    %swap3A_946 = vector.shape_cast %slice3A_940 : vector<32x32xf32> to vector<1x32x32xf32>
    tpu.vector_store %arg2[%swap3A_941, %swap3A_942, %swap3A_943], %swap3A_946 {strides = array<i32>} : memref<1x32x16384xf32, #tpu.memory_space<vmem>>, vector<1x32x32xf32>,
    %slice3A_947 = vector.extract_strided_slice %dot_general3A_3 {offsets = [32, 224], sizes = [32, 32], strides = [1, 1]} : vector<128x4096xf32> to vector<32x32xf32>
    %swap3A_948 = arith.constant 0 : index
    %swap3A_949 = arith.constant 0 : index
    %swap3A_950 = arith.constant 928 : index
    %swap3A_951 = vector.load %arg2[%swap3A_948, %swap3A_949, %swap3A_950] : memref<1x32x16384xf32, #tpu.memory_space<vmem>>, vector<1x32x32xf32>
    %swap3A_952 = vector.shape_cast %swap3A_951 : vector<1x32x32xf32> to vector<32x32xf32>
    %swap3A_953 = vector.shape_cast %slice3A_947 : vector<32x32xf32> to vector<1x32x32xf32>
    tpu.vector_store %arg2[%swap3A_948, %swap3A_949, %swap3A_950], %swap3A_953 {strides = array<i32>} : memref<1x32x16384xf32, #tpu.memory_space<vmem>>, vector<1x32x32xf32>,
    %slice3A_954 = vector.extract_strided_slice %dot_general3A_3 {offsets = [32, 256], sizes = [32, 32], strides = [1, 1]} : vector<128x4096xf32> to vector<32x32xf32>
    %swap3A_955 = arith.constant 0 : index
    %swap3A_956 = arith.constant 0 : index
    %swap3A_957 = arith.constant 1056 : index
    %swap3A_958 = vector.load %arg2[%swap3A_955, %swap3A_956, %swap3A_957] : memref<1x32x16384xf32, #tpu.memory_space<vmem>>, vector<1x32x32xf32>
    %swap3A_959 = vector.shape_cast %swap3A_958 : vector<1x32x32xf32> to vector<32x32xf32>
    %swap3A_960 = vector.shape_cast %slice3A_954 : vector<32x32xf32> to vector<1x32x32xf32>
    tpu.vector_store %arg2[%swap3A_955, %swap3A_956, %swap3A_957], %swap3A_960 {strides = array<i32>} : memref<1x32x16384xf32, #tpu.memory_space<vmem>>, vector<1x32x32xf32>,
    %slice3A_961 = vector.extract_strided_slice %dot_general3A_3 {offsets = [32, 288], sizes = [32, 32], strides = [1, 1]} : vector<128x4096xf32> to vector<32x32xf32>
    %swap3A_962 = arith.constant 0 : index
    %swap3A_963 = arith.constant 0 : index
    %swap3A_964 = arith.constant 1184 : index
    %swap3A_965 = vector.load %arg2[%swap3A_962, %swap3A_963, %swap3A_964] : memref<1x32x16384xf32, #tpu.memory_space<vmem>>, vector<1x32x32xf32>
    %swap3A_966 = vector.shape_cast %swap3A_965 : vector<1x32x32xf32> to vector<32x32xf32>
    %swap3A_967 = vector.shape_cast %slice3A_961 : vector<32x32xf32> to vector<1x32x32xf32>
    tpu.vector_store %arg2[%swap3A_962, %swap3A_963, %swap3A_964], %swap3A_967 {strides = array<i32>} : memref<1x32x16384xf32, #tpu.memory_space<vmem>>, vector<1x32x32xf32>,
    %slice3A_968 = vector.extract_strided_slice %dot_general3A_3 {offsets = [32, 320], sizes = [32, 32], strides = [1, 1]} : vector<128x4096xf32> to vector<32x32xf32>
    %swap3A_969 = arith.constant 0 : index
    %swap3A_970 = arith.constant 0 : index
    %swap3A_971 = arith.constant 1312 : index
    %swap3A_972 = vector.load %arg2[%swap3A_969, %swap3A_970, %swap3A_971] : memref<1x32x16384xf32, #tpu.memory_space<vmem>>, vector<1x32x32xf32>
    %swap3A_973 = vector.shape_cast %swap3A_972 : vector<1x32x32xf32> to vector<32x32xf32>
    %swap3A_974 = vector.shape_cast %slice3A_968 : vector<32x32xf32> to vector<1x32x32xf32>
    tpu.vector_store %arg2[%swap3A_969, %swap3A_970, %swap3A_971], %swap3A_974 {strides = array<i32>} : memref<1x32x16384xf32, #tpu.memory_space<vmem>>, vector<1x32x32xf32>,
    %slice3A_975 = vector.extract_strided_slice %dot_general3A_3 {offsets = [32, 352], sizes = [32, 32], strides = [1, 1]} : vector<128x4096xf32> to vector<32x32xf32>
    %swap3A_976 = arith.constant 0 : index
    %swap3A_977 = arith.constant 0 : index
    %swap3A_978 = arith.constant 1440 : index
    %swap3A_979 = vector.load %arg2[%swap3A_976, %swap3A_977, %swap3A_978] : memref<1x32x16384xf32, #tpu.memory_space<vmem>>, vector<1x32x32xf32>
    %swap3A_980 = vector.shape_cast %swap3A_979 : vector<1x32x32xf32> to vector<32x32xf32>
    %swap3A_981 = vector.shape_cast %slice3A_975 : vector<32x32xf32> to vector<1x32x32xf32>
    tpu.vector_store %arg2[%swap3A_976, %swap3A_977, %swap3A_978], %swap3A_981 {strides = array<i32>} : memref<1x32x16384xf32, #tpu.memory_space<vmem>>, vector<1x32x32xf32>,
    %slice3A_982 = vector.extract_strided_slice %dot_general3A_3 {offsets = [32, 384], sizes = [32, 32], strides = [1, 1]} : vector<128x4096xf32> to vector<32x32xf32>
    %swap3A_983 = arith.constant 0 : index
    %swap3A_984 = arith.constant 0 : index
    %swap3A_985 = arith.constant 1568 : index
    %swap3A_986 = vector.load %arg2[%swap3A_983, %swap3A_984, %swap3A_985] : memref<1x32x16384xf32, #tpu.memory_space<vmem>>, vector<1x32x32xf32>
    %swap3A_987 = vector.shape_cast %swap3A_986 : vector<1x32x32xf32> to vector<32x32xf32>
    %swap3A_988 = vector.shape_cast %slice3A_982 : vector<32x32xf32> to vector<1x32x32xf32>
    tpu.vector_store %arg2[%swap3A_983, %swap3A_984, %swap3A_985], %swap3A_988 {strides = array<i32>} : memref<1x32x16384xf32, #tpu.memory_space<vmem>>, vector<1x32x32xf32>,
    %slice3A_989 = vector.extract_strided_slice %dot_general3A_3 {offsets = [32, 416], sizes = [32, 32], strides = [1, 1]} : vector<128x4096xf32> to vector<32x32xf32>
    %swap3A_990 = arith.constant 0 : index
    %swap3A_991 = arith.constant 0 : index
    %swap3A_992 = arith.constant 1696 : index
    %swap3A_993 = vector.load %arg2[%swap3A_990, %swap3A_991, %swap3A_992] : memref<1x32x16384xf32, #tpu.memory_space<vmem>>, vector<1x32x32xf32>
    %swap3A_994 = vector.shape_cast %swap3A_993 : vector<1x32x32xf32> to vector<32x32xf32>
    %swap3A_995 = vector.shape_cast %slice3A_989 : vector<32x32xf32> to vector<1x32x32xf32>
    tpu.vector_store %arg2[%swap3A_990, %swap3A_991, %swap3A_992], %swap3A_995 {strides = array<i32>} : memref<1x32x16384xf32, #tpu.memory_space<vmem>>, vector<1x32x32xf32>,
    %slice3A_996 = vector.extract_strided_slice %dot_general3A_3 {offsets = [32, 448], sizes = [32, 32], strides = [1, 1]} : vector<128x4096xf32> to vector<32x32xf32>
    %swap3A_997 = arith.constant 0 : index
    %swap3A_998 = arith.constant 0 : index
    %swap3A_999 = arith.constant 1824 : index
    %swap3A_1000 = vector.load %arg2[%swap3A_997, %swap3A_998, %swap3A_999] : memref<1x32x16384xf32, #tpu.memory_space<vmem>>, vector<1x32x32xf32>
    %swap3A_1001 = vector.shape_cast %swap3A_1000 : vector<1x32x32xf32> to vector<32x32xf32>
    %swap3A_1002 = vector.shape_cast %slice3A_996 : vector<32x32xf32> to vector<1x32x32xf32>
    tpu.vector_store %arg2[%swap3A_997, %swap3A_998, %swap3A_999], %swap3A_1002 {strides = array<i32>} : memref<1x32x16384xf32, #tpu.memory_space<vmem>>, vector<1x32x32xf32>,
    %slice3A_1003 = vector.extract_strided_slice %dot_general3A_3 {offsets = [32, 480], sizes = [32, 32], strides = [1, 1]} : vector<128x4096xf32> to vector<32x32xf32>
    %swap3A_1004 = arith.constant 0 : index
    %swap3A_1005 = arith.constant 0 : index
    %swap3A_1006 = arith.constant 1952 : index
    %swap3A_1007 = vector.load %arg2[%swap3A_1004, %swap3A_1005, %swap3A_1006] : memref<1x32x16384xf32, #tpu.memory_space<vmem>>, vector<1x32x32xf32>
    %swap3A_1008 = vector.shape_cast %swap3A_1007 : vector<1x32x32xf32> to vector<32x32xf32>
    %swap3A_1009 = vector.shape_cast %slice3A_1003 : vector<32x32xf32> to vector<1x32x32xf32>
    tpu.vector_store %arg2[%swap3A_1004, %swap3A_1005, %swap3A_1006], %swap3A_1009 {strides = array<i32>} : memref<1x32x16384xf32, #tpu.memory_space<vmem>>, vector<1x32x32xf32>,
    %slice3A_1010 = vector.extract_strided_slice %dot_general3A_3 {offsets = [32, 512], sizes = [32, 32], strides = [1, 1]} : vector<128x4096xf32> to vector<32x32xf32>
    %swap3A_1011 = arith.constant 0 : index
    %swap3A_1012 = arith.constant 0 : index
    %swap3A_1013 = arith.constant 2080 : index
    %swap3A_1014 = vector.load %arg2[%swap3A_1011, %swap3A_1012, %swap3A_1013] : memref<1x32x16384xf32, #tpu.memory_space<vmem>>, vector<1x32x32xf32>
    %swap3A_1015 = vector.shape_cast %swap3A_1014 : vector<1x32x32xf32> to vector<32x32xf32>
    %swap3A_1016 = vector.shape_cast %slice3A_1010 : vector<32x32xf32> to vector<1x32x32xf32>
    tpu.vector_store %arg2[%swap3A_1011, %swap3A_1012, %swap3A_1013], %swap3A_1016 {strides = array<i32>} : memref<1x32x16384xf32, #tpu.memory_space<vmem>>, vector<1x32x32xf32>,
    %slice3A_1017 = vector.extract_strided_slice %dot_general3A_3 {offsets = [32, 544], sizes = [32, 32], strides = [1, 1]} : vector<128x4096xf32> to vector<32x32xf32>
    %swap3A_1018 = arith.constant 0 : index
    %swap3A_1019 = arith.constant 0 : index
    %swap3A_1020 = arith.constant 2208 : index
    %swap3A_1021 = vector.load %arg2[%swap3A_1018, %swap3A_1019, %swap3A_1020] : memref<1x32x16384xf32, #tpu.memory_space<vmem>>, vector<1x32x32xf32>
    %swap3A_1022 = vector.shape_cast %swap3A_1021 : vector<1x32x32xf32> to vector<32x32xf32>
    %swap3A_1023 = vector.shape_cast %slice3A_1017 : vector<32x32xf32> to vector<1x32x32xf32>
    tpu.vector_store %arg2[%swap3A_1018, %swap3A_1019, %swap3A_1020], %swap3A_1023 {strides = array<i32>} : memref<1x32x16384xf32, #tpu.memory_space<vmem>>, vector<1x32x32xf32>,
    %slice3A_1024 = vector.extract_strided_slice %dot_general3A_3 {offsets = [32, 576], sizes = [32, 32], strides = [1, 1]} : vector<128x4096xf32> to vector<32x32xf32>
    %swap3A_1025 = arith.constant 0 : index
    %swap3A_1026 = arith.constant 0 : index
    %swap3A_1027 = arith.constant 2336 : index
    %swap3A_1028 = vector.load %arg2[%swap3A_1025, %swap3A_1026, %swap3A_1027] : memref<1x32x16384xf32, #tpu.memory_space<vmem>>, vector<1x32x32xf32>
    %swap3A_1029 = vector.shape_cast %swap3A_1028 : vector<1x32x32xf32> to vector<32x32xf32>
    %swap3A_1030 = vector.shape_cast %slice3A_1024 : vector<32x32xf32> to vector<1x32x32xf32>
    tpu.vector_store %arg2[%swap3A_1025, %swap3A_1026, %swap3A_1027], %swap3A_1030 {strides = array<i32>} : memref<1x32x16384xf32, #tpu.memory_space<vmem>>, vector<1x32x32xf32>,
    %slice3A_1031 = vector.extract_strided_slice %dot_general3A_3 {offsets = [32, 608], sizes = [32, 32], strides = [1, 1]} : vector<128x4096xf32> to vector<32x32xf32>
    %swap3A_1032 = arith.constant 0 : index
    %swap3A_1033 = arith.constant 0 : index
    %swap3A_1034 = arith.constant 2464 : index
    %swap3A_1035 = vector.load %arg2[%swap3A_1032, %swap3A_1033, %swap3A_1034] : memref<1x32x16384xf32, #tpu.memory_space<vmem>>, vector<1x32x32xf32>
    %swap3A_1036 = vector.shape_cast %swap3A_1035 : vector<1x32x32xf32> to vector<32x32xf32>
    %swap3A_1037 = vector.shape_cast %slice3A_1031 : vector<32x32xf32> to vector<1x32x32xf32>
    tpu.vector_store %arg2[%swap3A_1032, %swap3A_1033, %swap3A_1034], %swap3A_1037 {strides = array<i32>} : memref<1x32x16384xf32, #tpu.memory_space<vmem>>, vector<1x32x32xf32>,
    %slice3A_1038 = vector.extract_strided_slice %dot_general3A_3 {offsets = [32, 640], sizes = [32, 32], strides = [1, 1]} : vector<128x4096xf32> to vector<32x32xf32>
    %swap3A_1039 = arith.constant 0 : index
    %swap3A_1040 = arith.constant 0 : index
    %swap3A_1041 = arith.constant 2592 : index
    %swap3A_1042 = vector.load %arg2[%swap3A_1039, %swap3A_1040, %swap3A_1041] : memref<1x32x16384xf32, #tpu.memory_space<vmem>>, vector<1x32x32xf32>
    %swap3A_1043 = vector.shape_cast %swap3A_1042 : vector<1x32x32xf32> to vector<32x32xf32>
    %swap3A_1044 = vector.shape_cast %slice3A_1038 : vector<32x32xf32> to vector<1x32x32xf32>
    tpu.vector_store %arg2[%swap3A_1039, %swap3A_1040, %swap3A_1041], %swap3A_1044 {strides = array<i32>} : memref<1x32x16384xf32, #tpu.memory_space<vmem>>, vector<1x32x32xf32>,
    %slice3A_1045 = vector.extract_strided_slice %dot_general3A_3 {offsets = [32, 672], sizes = [32, 32], strides = [1, 1]} : vector<128x4096xf32> to vector<32x32xf32>
    %swap3A_1046 = arith.constant 0 : index
    %swap3A_1047 = arith.constant 0 : index
    %swap3A_1048 = arith.constant 2720 : index
    %swap3A_1049 = vector.load %arg2[%swap3A_1046, %swap3A_1047, %swap3A_1048] : memref<1x32x16384xf32, #tpu.memory_space<vmem>>, vector<1x32x32xf32>
    %swap3A_1050 = vector.shape_cast %swap3A_1049 : vector<1x32x32xf32> to vector<32x32xf32>
    %swap3A_1051 = vector.shape_cast %slice3A_1045 : vector<32x32xf32> to vector<1x32x32xf32>
    tpu.vector_store %arg2[%swap3A_1046, %swap3A_1047, %swap3A_1048], %swap3A_1051 {strides = array<i32>} : memref<1x32x16384xf32, #tpu.memory_space<vmem>>, vector<1x32x32xf32>,
    %slice3A_1052 = vector.extract_strided_slice %dot_general3A_3 {offsets = [32, 704], sizes = [32, 32], strides = [1, 1]} : vector<128x4096xf32> to vector<32x32xf32>
    %swap3A_1053 = arith.constant 0 : index
    %swap3A_1054 = arith.constant 0 : index
    %swap3A_1055 = arith.constant 2848 : index
    %swap3A_1056 = vector.load %arg2[%swap3A_1053, %swap3A_1054, %swap3A_1055] : memref<1x32x16384xf32, #tpu.memory_space<vmem>>, vector<1x32x32xf32>
    %swap3A_1057 = vector.shape_cast %swap3A_1056 : vector<1x32x32xf32> to vector<32x32xf32>
    %swap3A_1058 = vector.shape_cast %slice3A_1052 : vector<32x32xf32> to vector<1x32x32xf32>
    tpu.vector_store %arg2[%swap3A_1053, %swap3A_1054, %swap3A_1055], %swap3A_1058 {strides = array<i32>} : memref<1x32x16384xf32, #tpu.memory_space<vmem>>, vector<1x32x32xf32>,
    %slice3A_1059 = vector.extract_strided_slice %dot_general3A_3 {offsets = [32, 736], sizes = [32, 32], strides = [1, 1]} : vector<128x4096xf32> to vector<32x32xf32>
    %swap3A_1060 = arith.constant 0 : index
    %swap3A_1061 = arith.constant 0 : index
    %swap3A_1062 = arith.constant 2976 : index
    %swap3A_1063 = vector.load %arg2[%swap3A_1060, %swap3A_1061, %swap3A_1062] : memref<1x32x16384xf32, #tpu.memory_space<vmem>>, vector<1x32x32xf32>
    %swap3A_1064 = vector.shape_cast %swap3A_1063 : vector<1x32x32xf32> to vector<32x32xf32>
    %swap3A_1065 = vector.shape_cast %slice3A_1059 : vector<32x32xf32> to vector<1x32x32xf32>
    tpu.vector_store %arg2[%swap3A_1060, %swap3A_1061, %swap3A_1062], %swap3A_1065 {strides = array<i32>} : memref<1x32x16384xf32, #tpu.memory_space<vmem>>, vector<1x32x32xf32>,
    %slice3A_1066 = vector.extract_strided_slice %dot_general3A_3 {offsets = [32, 768], sizes = [32, 32], strides = [1, 1]} : vector<128x4096xf32> to vector<32x32xf32>
    %swap3A_1067 = arith.constant 0 : index
    %swap3A_1068 = arith.constant 0 : index
    %swap3A_1069 = arith.constant 3104 : index
    %swap3A_1070 = vector.load %arg2[%swap3A_1067, %swap3A_1068, %swap3A_1069] : memref<1x32x16384xf32, #tpu.memory_space<vmem>>, vector<1x32x32xf32>
    %swap3A_1071 = vector.shape_cast %swap3A_1070 : vector<1x32x32xf32> to vector<32x32xf32>
    %swap3A_1072 = vector.shape_cast %slice3A_1066 : vector<32x32xf32> to vector<1x32x32xf32>
    tpu.vector_store %arg2[%swap3A_1067, %swap3A_1068, %swap3A_1069], %swap3A_1072 {strides = array<i32>} : memref<1x32x16384xf32, #tpu.memory_space<vmem>>, vector<1x32x32xf32>,
    %slice3A_1073 = vector.extract_strided_slice %dot_general3A_3 {offsets = [32, 800], sizes = [32, 32], strides = [1, 1]} : vector<128x4096xf32> to vector<32x32xf32>
    %swap3A_1074 = arith.constant 0 : index
    %swap3A_1075 = arith.constant 0 : index
    %swap3A_1076 = arith.constant 3232 : index
    %swap3A_1077 = vector.load %arg2[%swap3A_1074, %swap3A_1075, %swap3A_1076] : memref<1x32x16384xf32, #tpu.memory_space<vmem>>, vector<1x32x32xf32>
    %swap3A_1078 = vector.shape_cast %swap3A_1077 : vector<1x32x32xf32> to vector<32x32xf32>
    %swap3A_1079 = vector.shape_cast %slice3A_1073 : vector<32x32xf32> to vector<1x32x32xf32>
    tpu.vector_store %arg2[%swap3A_1074, %swap3A_1075, %swap3A_1076], %swap3A_1079 {strides = array<i32>} : memref<1x32x16384xf32, #tpu.memory_space<vmem>>, vector<1x32x32xf32>,
    %slice3A_1080 = vector.extract_strided_slice %dot_general3A_3 {offsets = [32, 832], sizes = [32, 32], strides = [1, 1]} : vector<128x4096xf32> to vector<32x32xf32>
    %swap3A_1081 = arith.constant 0 : index
    %swap3A_1082 = arith.constant 0 : index
    %swap3A_1083 = arith.constant 3360 : index
    %swap3A_1084 = vector.load %arg2[%swap3A_1081, %swap3A_1082, %swap3A_1083] : memref<1x32x16384xf32, #tpu.memory_space<vmem>>, vector<1x32x32xf32>
    %swap3A_1085 = vector.shape_cast %swap3A_1084 : vector<1x32x32xf32> to vector<32x32xf32>
    %swap3A_1086 = vector.shape_cast %slice3A_1080 : vector<32x32xf32> to vector<1x32x32xf32>
    tpu.vector_store %arg2[%swap3A_1081, %swap3A_1082, %swap3A_1083], %swap3A_1086 {strides = array<i32>} : memref<1x32x16384xf32, #tpu.memory_space<vmem>>, vector<1x32x32xf32>,
    %slice3A_1087 = vector.extract_strided_slice %dot_general3A_3 {offsets = [32, 864], sizes = [32, 32], strides = [1, 1]} : vector<128x4096xf32> to vector<32x32xf32>
    %swap3A_1088 = arith.constant 0 : index
    %swap3A_1089 = arith.constant 0 : index
    %swap3A_1090 = arith.constant 3488 : index
    %swap3A_1091 = vector.load %arg2[%swap3A_1088, %swap3A_1089, %swap3A_1090] : memref<1x32x16384xf32, #tpu.memory_space<vmem>>, vector<1x32x32xf32>
    %swap3A_1092 = vector.shape_cast %swap3A_1091 : vector<1x32x32xf32> to vector<32x32xf32>
    %swap3A_1093 = vector.shape_cast %slice3A_1087 : vector<32x32xf32> to vector<1x32x32xf32>
    tpu.vector_store %arg2[%swap3A_1088, %swap3A_1089, %swap3A_1090], %swap3A_1093 {strides = array<i32>} : memref<1x32x16384xf32, #tpu.memory_space<vmem>>, vector<1x32x32xf32>,
    %slice3A_1094 = vector.extract_strided_slice %dot_general3A_3 {offsets = [32, 896], sizes = [32, 32], strides = [1, 1]} : vector<128x4096xf32> to vector<32x32xf32>
    %swap3A_1095 = arith.constant 0 : index
    %swap3A_1096 = arith.constant 0 : index
    %swap3A_1097 = arith.constant 3616 : index
    %swap3A_1098 = vector.load %arg2[%swap3A_1095, %swap3A_1096, %swap3A_1097] : memref<1x32x16384xf32, #tpu.memory_space<vmem>>, vector<1x32x32xf32>
    %swap3A_1099 = vector.shape_cast %swap3A_1098 : vector<1x32x32xf32> to vector<32x32xf32>
    %swap3A_1100 = vector.shape_cast %slice3A_1094 : vector<32x32xf32> to vector<1x32x32xf32>
    tpu.vector_store %arg2[%swap3A_1095, %swap3A_1096, %swap3A_1097], %swap3A_1100 {strides = array<i32>} : memref<1x32x16384xf32, #tpu.memory_space<vmem>>, vector<1x32x32xf32>,
    %slice3A_1101 = vector.extract_strided_slice %dot_general3A_3 {offsets = [32, 928], sizes = [32, 32], strides = [1, 1]} : vector<128x4096xf32> to vector<32x32xf32>
    %swap3A_1102 = arith.constant 0 : index
    %swap3A_1103 = arith.constant 0 : index
    %swap3A_1104 = arith.constant 3744 : index
    %swap3A_1105 = vector.load %arg2[%swap3A_1102, %swap3A_1103, %swap3A_1104] : memref<1x32x16384xf32, #tpu.memory_space<vmem>>, vector<1x32x32xf32>
    %swap3A_1106 = vector.shape_cast %swap3A_1105 : vector<1x32x32xf32> to vector<32x32xf32>
    %swap3A_1107 = vector.shape_cast %slice3A_1101 : vector<32x32xf32> to vector<1x32x32xf32>
    tpu.vector_store %arg2[%swap3A_1102, %swap3A_1103, %swap3A_1104], %swap3A_1107 {strides = array<i32>} : memref<1x32x16384xf32, #tpu.memory_space<vmem>>, vector<1x32x32xf32>,
    %slice3A_1108 = vector.extract_strided_slice %dot_general3A_3 {offsets = [32, 960], sizes = [32, 32], strides = [1, 1]} : vector<128x4096xf32> to vector<32x32xf32>
    %swap3A_1109 = arith.constant 0 : index
    %swap3A_1110 = arith.constant 0 : index
    %swap3A_1111 = arith.constant 3872 : index
    %swap3A_1112 = vector.load %arg2[%swap3A_1109, %swap3A_1110, %swap3A_1111] : memref<1x32x16384xf32, #tpu.memory_space<vmem>>, vector<1x32x32xf32>
    %swap3A_1113 = vector.shape_cast %swap3A_1112 : vector<1x32x32xf32> to vector<32x32xf32>
    %swap3A_1114 = vector.shape_cast %slice3A_1108 : vector<32x32xf32> to vector<1x32x32xf32>
    tpu.vector_store %arg2[%swap3A_1109, %swap3A_1110, %swap3A_1111], %swap3A_1114 {strides = array<i32>} : memref<1x32x16384xf32, #tpu.memory_space<vmem>>, vector<1x32x32xf32>,
    %slice3A_1115 = vector.extract_strided_slice %dot_general3A_3 {offsets = [32, 992], sizes = [32, 32], strides = [1, 1]} : vector<128x4096xf32> to vector<32x32xf32>
    %swap3A_1116 = arith.constant 0 : index
    %swap3A_1117 = arith.constant 0 : index
    %swap3A_1118 = arith.constant 4000 : index
    %swap3A_1119 = vector.load %arg2[%swap3A_1116, %swap3A_1117, %swap3A_1118] : memref<1x32x16384xf32, #tpu.memory_space<vmem>>, vector<1x32x32xf32>
    %swap3A_1120 = vector.shape_cast %swap3A_1119 : vector<1x32x32xf32> to vector<32x32xf32>
    %swap3A_1121 = vector.shape_cast %slice3A_1115 : vector<32x32xf32> to vector<1x32x32xf32>
    tpu.vector_store %arg2[%swap3A_1116, %swap3A_1117, %swap3A_1118], %swap3A_1121 {strides = array<i32>} : memref<1x32x16384xf32, #tpu.memory_space<vmem>>, vector<1x32x32xf32>,
    %slice3A_1122 = vector.extract_strided_slice %dot_general3A_3 {offsets = [32, 1024], sizes = [32, 32], strides = [1, 1]} : vector<128x4096xf32> to vector<32x32xf32>
    %swap3A_1123 = arith.constant 0 : index
    %swap3A_1124 = arith.constant 0 : index
    %swap3A_1125 = arith.constant 4128 : index
    %swap3A_1126 = vector.load %arg2[%swap3A_1123, %swap3A_1124, %swap3A_1125] : memref<1x32x16384xf32, #tpu.memory_space<vmem>>, vector<1x32x32xf32>
    %swap3A_1127 = vector.shape_cast %swap3A_1126 : vector<1x32x32xf32> to vector<32x32xf32>
    %swap3A_1128 = vector.shape_cast %slice3A_1122 : vector<32x32xf32> to vector<1x32x32xf32>
    tpu.vector_store %arg2[%swap3A_1123, %swap3A_1124, %swap3A_1125], %swap3A_1128 {strides = array<i32>} : memref<1x32x16384xf32, #tpu.memory_space<vmem>>, vector<1x32x32xf32>,
    %slice3A_1129 = vector.extract_strided_slice %dot_general3A_3 {offsets = [32, 1056], sizes = [32, 32], strides = [1, 1]} : vector<128x4096xf32> to vector<32x32xf32>
    %swap3A_1130 = arith.constant 0 : index
    %swap3A_1131 = arith.constant 0 : index
    %swap3A_1132 = arith.constant 4256 : index
    %swap3A_1133 = vector.load %arg2[%swap3A_1130, %swap3A_1131, %swap3A_1132] : memref<1x32x16384xf32, #tpu.memory_space<vmem>>, vector<1x32x32xf32>
    %swap3A_1134 = vector.shape_cast %swap3A_1133 : vector<1x32x32xf32> to vector<32x32xf32>
    %swap3A_1135 = vector.shape_cast %slice3A_1129 : vector<32x32xf32> to vector<1x32x32xf32>
    tpu.vector_store %arg2[%swap3A_1130, %swap3A_1131, %swap3A_1132], %swap3A_1135 {strides = array<i32>} : memref<1x32x16384xf32, #tpu.memory_space<vmem>>, vector<1x32x32xf32>,
    %slice3A_1136 = vector.extract_strided_slice %dot_general3A_3 {offsets = [32, 1088], sizes = [32, 32], strides = [1, 1]} : vector<128x4096xf32> to vector<32x32xf32>
    %swap3A_1137 = arith.constant 0 : index
    %swap3A_1138 = arith.constant 0 : index
    %swap3A_1139 = arith.constant 4384 : index
    %swap3A_1140 = vector.load %arg2[%swap3A_1137, %swap3A_1138, %swap3A_1139] : memref<1x32x16384xf32, #tpu.memory_space<vmem>>, vector<1x32x32xf32>
    %swap3A_1141 = vector.shape_cast %swap3A_1140 : vector<1x32x32xf32> to vector<32x32xf32>
    %swap3A_1142 = vector.shape_cast %slice3A_1136 : vector<32x32xf32> to vector<1x32x32xf32>
    tpu.vector_store %arg2[%swap3A_1137, %swap3A_1138, %swap3A_1139], %swap3A_1142 {strides = array<i32>} : memref<1x32x16384xf32, #tpu.memory_space<vmem>>, vector<1x32x32xf32>,
    %slice3A_1143 = vector.extract_strided_slice %dot_general3A_3 {offsets = [32, 1120], sizes = [32, 32], strides = [1, 1]} : vector<128x4096xf32> to vector<32x32xf32>
    %swap3A_1144 = arith.constant 0 : index
    %swap3A_1145 = arith.constant 0 : index
    %swap3A_1146 = arith.constant 4512 : index
    %swap3A_1147 = vector.load %arg2[%swap3A_1144, %swap3A_1145, %swap3A_1146] : memref<1x32x16384xf32, #tpu.memory_space<vmem>>, vector<1x32x32xf32>
    %swap3A_1148 = vector.shape_cast %swap3A_1147 : vector<1x32x32xf32> to vector<32x32xf32>
    %swap3A_1149 = vector.shape_cast %slice3A_1143 : vector<32x32xf32> to vector<1x32x32xf32>
    tpu.vector_store %arg2[%swap3A_1144, %swap3A_1145, %swap3A_1146], %swap3A_1149 {strides = array<i32>} : memref<1x32x16384xf32, #tpu.memory_space<vmem>>, vector<1x32x32xf32>,
    %slice3A_1150 = vector.extract_strided_slice %dot_general3A_3 {offsets = [32, 1152], sizes = [32, 32], strides = [1, 1]} : vector<128x4096xf32> to vector<32x32xf32>
    %swap3A_1151 = arith.constant 0 : index
    %swap3A_1152 = arith.constant 0 : index
    %swap3A_1153 = arith.constant 4640 : index
    %swap3A_1154 = vector.load %arg2[%swap3A_1151, %swap3A_1152, %swap3A_1153] : memref<1x32x16384xf32, #tpu.memory_space<vmem>>, vector<1x32x32xf32>
    %swap3A_1155 = vector.shape_cast %swap3A_1154 : vector<1x32x32xf32> to vector<32x32xf32>
    %swap3A_1156 = vector.shape_cast %slice3A_1150 : vector<32x32xf32> to vector<1x32x32xf32>
    tpu.vector_store %arg2[%swap3A_1151, %swap3A_1152, %swap3A_1153], %swap3A_1156 {strides = array<i32>} : memref<1x32x16384xf32, #tpu.memory_space<vmem>>, vector<1x32x32xf32>,
    %slice3A_1157 = vector.extract_strided_slice %dot_general3A_3 {offsets = [32, 1184], sizes = [32, 32], strides = [1, 1]} : vector<128x4096xf32> to vector<32x32xf32>
    %swap3A_1158 = arith.constant 0 : index
    %swap3A_1159 = arith.constant 0 : index
    %swap3A_1160 = arith.constant 4768 : index
    %swap3A_1161 = vector.load %arg2[%swap3A_1158, %swap3A_1159, %swap3A_1160] : memref<1x32x16384xf32, #tpu.memory_space<vmem>>, vector<1x32x32xf32>
    %swap3A_1162 = vector.shape_cast %swap3A_1161 : vector<1x32x32xf32> to vector<32x32xf32>
    %swap3A_1163 = vector.shape_cast %slice3A_1157 : vector<32x32xf32> to vector<1x32x32xf32>
    tpu.vector_store %arg2[%swap3A_1158, %swap3A_1159, %swap3A_1160], %swap3A_1163 {strides = array<i32>} : memref<1x32x16384xf32, #tpu.memory_space<vmem>>, vector<1x32x32xf32>,
    %slice3A_1164 = vector.extract_strided_slice %dot_general3A_3 {offsets = [32, 1216], sizes = [32, 32], strides = [1, 1]} : vector<128x4096xf32> to vector<32x32xf32>
    %swap3A_1165 = arith.constant 0 : index
    %swap3A_1166 = arith.constant 0 : index
    %swap3A_1167 = arith.constant 4896 : index
    %swap3A_1168 = vector.load %arg2[%swap3A_1165, %swap3A_1166, %swap3A_1167] : memref<1x32x16384xf32, #tpu.memory_space<vmem>>, vector<1x32x32xf32>
    %swap3A_1169 = vector.shape_cast %swap3A_1168 : vector<1x32x32xf32> to vector<32x32xf32>
    %swap3A_1170 = vector.shape_cast %slice3A_1164 : vector<32x32xf32> to vector<1x32x32xf32>
    tpu.vector_store %arg2[%swap3A_1165, %swap3A_1166, %swap3A_1167], %swap3A_1170 {strides = array<i32>} : memref<1x32x16384xf32, #tpu.memory_space<vmem>>, vector<1x32x32xf32>,
    %slice3A_1171 = vector.extract_strided_slice %dot_general3A_3 {offsets = [32, 1248], sizes = [32, 32], strides = [1, 1]} : vector<128x4096xf32> to vector<32x32xf32>
    %swap3A_1172 = arith.constant 0 : index
    %swap3A_1173 = arith.constant 0 : index
    %swap3A_1174 = arith.constant 5024 : index
    %swap3A_1175 = vector.load %arg2[%swap3A_1172, %swap3A_1173, %swap3A_1174] : memref<1x32x16384xf32, #tpu.memory_space<vmem>>, vector<1x32x32xf32>
    %swap3A_1176 = vector.shape_cast %swap3A_1175 : vector<1x32x32xf32> to vector<32x32xf32>
    %swap3A_1177 = vector.shape_cast %slice3A_1171 : vector<32x32xf32> to vector<1x32x32xf32>
    tpu.vector_store %arg2[%swap3A_1172, %swap3A_1173, %swap3A_1174], %swap3A_1177 {strides = array<i32>} : memref<1x32x16384xf32, #tpu.memory_space<vmem>>, vector<1x32x32xf32>,
    %slice3A_1178 = vector.extract_strided_slice %dot_general3A_3 {offsets = [32, 1280], sizes = [32, 32], strides = [1, 1]} : vector<128x4096xf32> to vector<32x32xf32>
    %swap3A_1179 = arith.constant 0 : index
    %swap3A_1180 = arith.constant 0 : index
    %swap3A_1181 = arith.constant 5152 : index
    %swap3A_1182 = vector.load %arg2[%swap3A_1179, %swap3A_1180, %swap3A_1181] : memref<1x32x16384xf32, #tpu.memory_space<vmem>>, vector<1x32x32xf32>
    %swap3A_1183 = vector.shape_cast %swap3A_1182 : vector<1x32x32xf32> to vector<32x32xf32>
    %swap3A_1184 = vector.shape_cast %slice3A_1178 : vector<32x32xf32> to vector<1x32x32xf32>
    tpu.vector_store %arg2[%swap3A_1179, %swap3A_1180, %swap3A_1181], %swap3A_1184 {strides = array<i32>} : memref<1x32x16384xf32, #tpu.memory_space<vmem>>, vector<1x32x32xf32>,
    %slice3A_1185 = vector.extract_strided_slice %dot_general3A_3 {offsets = [32, 1312], sizes = [32, 32], strides = [1, 1]} : vector<128x4096xf32> to vector<32x32xf32>
    %swap3A_1186 = arith.constant 0 : index
    %swap3A_1187 = arith.constant 0 : index
    %swap3A_1188 = arith.constant 5280 : index
    %swap3A_1189 = vector.load %arg2[%swap3A_1186, %swap3A_1187, %swap3A_1188] : memref<1x32x16384xf32, #tpu.memory_space<vmem>>, vector<1x32x32xf32>
    %swap3A_1190 = vector.shape_cast %swap3A_1189 : vector<1x32x32xf32> to vector<32x32xf32>
    %swap3A_1191 = vector.shape_cast %slice3A_1185 : vector<32x32xf32> to vector<1x32x32xf32>
    tpu.vector_store %arg2[%swap3A_1186, %swap3A_1187, %swap3A_1188], %swap3A_1191 {strides = array<i32>} : memref<1x32x16384xf32, #tpu.memory_space<vmem>>, vector<1x32x32xf32>,
    %slice3A_1192 = vector.extract_strided_slice %dot_general3A_3 {offsets = [32, 1344], sizes = [32, 32], strides = [1, 1]} : vector<128x4096xf32> to vector<32x32xf32>
    %swap3A_1193 = arith.constant 0 : index
    %swap3A_1194 = arith.constant 0 : index
    %swap3A_1195 = arith.constant 5408 : index
    %swap3A_1196 = vector.load %arg2[%swap3A_1193, %swap3A_1194, %swap3A_1195] : memref<1x32x16384xf32, #tpu.memory_space<vmem>>, vector<1x32x32xf32>
    %swap3A_1197 = vector.shape_cast %swap3A_1196 : vector<1x32x32xf32> to vector<32x32xf32>
    %swap3A_1198 = vector.shape_cast %slice3A_1192 : vector<32x32xf32> to vector<1x32x32xf32>
    tpu.vector_store %arg2[%swap3A_1193, %swap3A_1194, %swap3A_1195], %swap3A_1198 {strides = array<i32>} : memref<1x32x16384xf32, #tpu.memory_space<vmem>>, vector<1x32x32xf32>,
    %slice3A_1199 = vector.extract_strided_slice %dot_general3A_3 {offsets = [32, 1376], sizes = [32, 32], strides = [1, 1]} : vector<128x4096xf32> to vector<32x32xf32>
    %swap3A_1200 = arith.constant 0 : index
    %swap3A_1201 = arith.constant 0 : index
    %swap3A_1202 = arith.constant 5536 : index
    %swap3A_1203 = vector.load %arg2[%swap3A_1200, %swap3A_1201, %swap3A_1202] : memref<1x32x16384xf32, #tpu.memory_space<vmem>>, vector<1x32x32xf32>
    %swap3A_1204 = vector.shape_cast %swap3A_1203 : vector<1x32x32xf32> to vector<32x32xf32>
    %swap3A_1205 = vector.shape_cast %slice3A_1199 : vector<32x32xf32> to vector<1x32x32xf32>
    tpu.vector_store %arg2[%swap3A_1200, %swap3A_1201, %swap3A_1202], %swap3A_1205 {strides = array<i32>} : memref<1x32x16384xf32, #tpu.memory_space<vmem>>, vector<1x32x32xf32>,
    %slice3A_1206 = vector.extract_strided_slice %dot_general3A_3 {offsets = [32, 1408], sizes = [32, 32], strides = [1, 1]} : vector<128x4096xf32> to vector<32x32xf32>
    %swap3A_1207 = arith.constant 0 : index
    %swap3A_1208 = arith.constant 0 : index
    %swap3A_1209 = arith.constant 5664 : index
    %swap3A_1210 = vector.load %arg2[%swap3A_1207, %swap3A_1208, %swap3A_1209] : memref<1x32x16384xf32, #tpu.memory_space<vmem>>, vector<1x32x32xf32>
    %swap3A_1211 = vector.shape_cast %swap3A_1210 : vector<1x32x32xf32> to vector<32x32xf32>
    %swap3A_1212 = vector.shape_cast %slice3A_1206 : vector<32x32xf32> to vector<1x32x32xf32>
    tpu.vector_store %arg2[%swap3A_1207, %swap3A_1208, %swap3A_1209], %swap3A_1212 {strides = array<i32>} : memref<1x32x16384xf32, #tpu.memory_space<vmem>>, vector<1x32x32xf32>,
    %slice3A_1213 = vector.extract_strided_slice %dot_general3A_3 {offsets = [32, 1440], sizes = [32, 32], strides = [1, 1]} : vector<128x4096xf32> to vector<32x32xf32>
    %swap3A_1214 = arith.constant 0 : index
    %swap3A_1215 = arith.constant 0 : index
    %swap3A_1216 = arith.constant 5792 : index
    %swap3A_1217 = vector.load %arg2[%swap3A_1214, %swap3A_1215, %swap3A_1216] : memref<1x32x16384xf32, #tpu.memory_space<vmem>>, vector<1x32x32xf32>
    %swap3A_1218 = vector.shape_cast %swap3A_1217 : vector<1x32x32xf32> to vector<32x32xf32>
    %swap3A_1219 = vector.shape_cast %slice3A_1213 : vector<32x32xf32> to vector<1x32x32xf32>
    tpu.vector_store %arg2[%swap3A_1214, %swap3A_1215, %swap3A_1216], %swap3A_1219 {strides = array<i32>} : memref<1x32x16384xf32, #tpu.memory_space<vmem>>, vector<1x32x32xf32>,
    %slice3A_1220 = vector.extract_strided_slice %dot_general3A_3 {offsets = [32, 1472], sizes = [32, 32], strides = [1, 1]} : vector<128x4096xf32> to vector<32x32xf32>
    %swap3A_1221 = arith.constant 0 : index
    %swap3A_1222 = arith.constant 0 : index
    %swap3A_1223 = arith.constant 5920 : index
    %swap3A_1224 = vector.load %arg2[%swap3A_1221, %swap3A_1222, %swap3A_1223] : memref<1x32x16384xf32, #tpu.memory_space<vmem>>, vector<1x32x32xf32>
    %swap3A_1225 = vector.shape_cast %swap3A_1224 : vector<1x32x32xf32> to vector<32x32xf32>
    %swap3A_1226 = vector.shape_cast %slice3A_1220 : vector<32x32xf32> to vector<1x32x32xf32>
    tpu.vector_store %arg2[%swap3A_1221, %swap3A_1222, %swap3A_1223], %swap3A_1226 {strides = array<i32>} : memref<1x32x16384xf32, #tpu.memory_space<vmem>>, vector<1x32x32xf32>,
    %slice3A_1227 = vector.extract_strided_slice %dot_general3A_3 {offsets = [32, 1504], sizes = [32, 32], strides = [1, 1]} : vector<128x4096xf32> to vector<32x32xf32>
    %swap3A_1228 = arith.constant 0 : index
    %swap3A_1229 = arith.constant 0 : index
    %swap3A_1230 = arith.constant 6048 : index
    %swap3A_1231 = vector.load %arg2[%swap3A_1228, %swap3A_1229, %swap3A_1230] : memref<1x32x16384xf32, #tpu.memory_space<vmem>>, vector<1x32x32xf32>
    %swap3A_1232 = vector.shape_cast %swap3A_1231 : vector<1x32x32xf32> to vector<32x32xf32>
    %swap3A_1233 = vector.shape_cast %slice3A_1227 : vector<32x32xf32> to vector<1x32x32xf32>
    tpu.vector_store %arg2[%swap3A_1228, %swap3A_1229, %swap3A_1230], %swap3A_1233 {strides = array<i32>} : memref<1x32x16384xf32, #tpu.memory_space<vmem>>, vector<1x32x32xf32>,
    %slice3A_1234 = vector.extract_strided_slice %dot_general3A_3 {offsets = [32, 1536], sizes = [32, 32], strides = [1, 1]} : vector<128x4096xf32> to vector<32x32xf32>
    %swap3A_1235 = arith.constant 0 : index
    %swap3A_1236 = arith.constant 0 : index
    %swap3A_1237 = arith.constant 6176 : index
    %swap3A_1238 = vector.load %arg2[%swap3A_1235, %swap3A_1236, %swap3A_1237] : memref<1x32x16384xf32, #tpu.memory_space<vmem>>, vector<1x32x32xf32>
    %swap3A_1239 = vector.shape_cast %swap3A_1238 : vector<1x32x32xf32> to vector<32x32xf32>
    %swap3A_1240 = vector.shape_cast %slice3A_1234 : vector<32x32xf32> to vector<1x32x32xf32>
    tpu.vector_store %arg2[%swap3A_1235, %swap3A_1236, %swap3A_1237], %swap3A_1240 {strides = array<i32>} : memref<1x32x16384xf32, #tpu.memory_space<vmem>>, vector<1x32x32xf32>,
    %slice3A_1241 = vector.extract_strided_slice %dot_general3A_3 {offsets = [32, 1568], sizes = [32, 32], strides = [1, 1]} : vector<128x4096xf32> to vector<32x32xf32>
    %swap3A_1242 = arith.constant 0 : index
    %swap3A_1243 = arith.constant 0 : index
    %swap3A_1244 = arith.constant 6304 : index
    %swap3A_1245 = vector.load %arg2[%swap3A_1242, %swap3A_1243, %swap3A_1244] : memref<1x32x16384xf32, #tpu.memory_space<vmem>>, vector<1x32x32xf32>
    %swap3A_1246 = vector.shape_cast %swap3A_1245 : vector<1x32x32xf32> to vector<32x32xf32>
    %swap3A_1247 = vector.shape_cast %slice3A_1241 : vector<32x32xf32> to vector<1x32x32xf32>
    tpu.vector_store %arg2[%swap3A_1242, %swap3A_1243, %swap3A_1244], %swap3A_1247 {strides = array<i32>} : memref<1x32x16384xf32, #tpu.memory_space<vmem>>, vector<1x32x32xf32>,
    %slice3A_1248 = vector.extract_strided_slice %dot_general3A_3 {offsets = [32, 1600], sizes = [32, 32], strides = [1, 1]} : vector<128x4096xf32> to vector<32x32xf32>
    %swap3A_1249 = arith.constant 0 : index
    %swap3A_1250 = arith.constant 0 : index
    %swap3A_1251 = arith.constant 6432 : index
    %swap3A_1252 = vector.load %arg2[%swap3A_1249, %swap3A_1250, %swap3A_1251] : memref<1x32x16384xf32, #tpu.memory_space<vmem>>, vector<1x32x32xf32>
    %swap3A_1253 = vector.shape_cast %swap3A_1252 : vector<1x32x32xf32> to vector<32x32xf32>
    %swap3A_1254 = vector.shape_cast %slice3A_1248 : vector<32x32xf32> to vector<1x32x32xf32>
    tpu.vector_store %arg2[%swap3A_1249, %swap3A_1250, %swap3A_1251], %swap3A_1254 {strides = array<i32>} : memref<1x32x16384xf32, #tpu.memory_space<vmem>>, vector<1x32x32xf32>,
    %slice3A_1255 = vector.extract_strided_slice %dot_general3A_3 {offsets = [32, 1632], sizes = [32, 32], strides = [1, 1]} : vector<128x4096xf32> to vector<32x32xf32>
    %swap3A_1256 = arith.constant 0 : index
    %swap3A_1257 = arith.constant 0 : index
    %swap3A_1258 = arith.constant 6560 : index
    %swap3A_1259 = vector.load %arg2[%swap3A_1256, %swap3A_1257, %swap3A_1258] : memref<1x32x16384xf32, #tpu.memory_space<vmem>>, vector<1x32x32xf32>
    %swap3A_1260 = vector.shape_cast %swap3A_1259 : vector<1x32x32xf32> to vector<32x32xf32>
    %swap3A_1261 = vector.shape_cast %slice3A_1255 : vector<32x32xf32> to vector<1x32x32xf32>
    tpu.vector_store %arg2[%swap3A_1256, %swap3A_1257, %swap3A_1258], %swap3A_1261 {strides = array<i32>} : memref<1x32x16384xf32, #tpu.memory_space<vmem>>, vector<1x32x32xf32>,
    %slice3A_1262 = vector.extract_strided_slice %dot_general3A_3 {offsets = [32, 1664], sizes = [32, 32], strides = [1, 1]} : vector<128x4096xf32> to vector<32x32xf32>
    %swap3A_1263 = arith.constant 0 : index
    %swap3A_1264 = arith.constant 0 : index
    %swap3A_1265 = arith.constant 6688 : index
    %swap3A_1266 = vector.load %arg2[%swap3A_1263, %swap3A_1264, %swap3A_1265] : memref<1x32x16384xf32, #tpu.memory_space<vmem>>, vector<1x32x32xf32>
    %swap3A_1267 = vector.shape_cast %swap3A_1266 : vector<1x32x32xf32> to vector<32x32xf32>
    %swap3A_1268 = vector.shape_cast %slice3A_1262 : vector<32x32xf32> to vector<1x32x32xf32>
    tpu.vector_store %arg2[%swap3A_1263, %swap3A_1264, %swap3A_1265], %swap3A_1268 {strides = array<i32>} : memref<1x32x16384xf32, #tpu.memory_space<vmem>>, vector<1x32x32xf32>,
    %slice3A_1269 = vector.extract_strided_slice %dot_general3A_3 {offsets = [32, 1696], sizes = [32, 32], strides = [1, 1]} : vector<128x4096xf32> to vector<32x32xf32>
    %swap3A_1270 = arith.constant 0 : index
    %swap3A_1271 = arith.constant 0 : index
    %swap3A_1272 = arith.constant 6816 : index
    %swap3A_1273 = vector.load %arg2[%swap3A_1270, %swap3A_1271, %swap3A_1272] : memref<1x32x16384xf32, #tpu.memory_space<vmem>>, vector<1x32x32xf32>
    %swap3A_1274 = vector.shape_cast %swap3A_1273 : vector<1x32x32xf32> to vector<32x32xf32>
    %swap3A_1275 = vector.shape_cast %slice3A_1269 : vector<32x32xf32> to vector<1x32x32xf32>
    tpu.vector_store %arg2[%swap3A_1270, %swap3A_1271, %swap3A_1272], %swap3A_1275 {strides = array<i32>} : memref<1x32x16384xf32, #tpu.memory_space<vmem>>, vector<1x32x32xf32>,
    %slice3A_1276 = vector.extract_strided_slice %dot_general3A_3 {offsets = [32, 1728], sizes = [32, 32], strides = [1, 1]} : vector<128x4096xf32> to vector<32x32xf32>
    %swap3A_1277 = arith.constant 0 : index
    %swap3A_1278 = arith.constant 0 : index
    %swap3A_1279 = arith.constant 6944 : index
    %swap3A_1280 = vector.load %arg2[%swap3A_1277, %swap3A_1278, %swap3A_1279] : memref<1x32x16384xf32, #tpu.memory_space<vmem>>, vector<1x32x32xf32>
    %swap3A_1281 = vector.shape_cast %swap3A_1280 : vector<1x32x32xf32> to vector<32x32xf32>
    %swap3A_1282 = vector.shape_cast %slice3A_1276 : vector<32x32xf32> to vector<1x32x32xf32>
    tpu.vector_store %arg2[%swap3A_1277, %swap3A_1278, %swap3A_1279], %swap3A_1282 {strides = array<i32>} : memref<1x32x16384xf32, #tpu.memory_space<vmem>>, vector<1x32x32xf32>,
    %slice3A_1283 = vector.extract_strided_slice %dot_general3A_3 {offsets = [32, 1760], sizes = [32, 32], strides = [1, 1]} : vector<128x4096xf32> to vector<32x32xf32>
    %swap3A_1284 = arith.constant 0 : index
    %swap3A_1285 = arith.constant 0 : index
    %swap3A_1286 = arith.constant 7072 : index
    %swap3A_1287 = vector.load %arg2[%swap3A_1284, %swap3A_1285, %swap3A_1286] : memref<1x32x16384xf32, #tpu.memory_space<vmem>>, vector<1x32x32xf32>
    %swap3A_1288 = vector.shape_cast %swap3A_1287 : vector<1x32x32xf32> to vector<32x32xf32>
    %swap3A_1289 = vector.shape_cast %slice3A_1283 : vector<32x32xf32> to vector<1x32x32xf32>
    tpu.vector_store %arg2[%swap3A_1284, %swap3A_1285, %swap3A_1286], %swap3A_1289 {strides = array<i32>} : memref<1x32x16384xf32, #tpu.memory_space<vmem>>, vector<1x32x32xf32>,
    %slice3A_1290 = vector.extract_strided_slice %dot_general3A_3 {offsets = [32, 1792], sizes = [32, 32], strides = [1, 1]} : vector<128x4096xf32> to vector<32x32xf32>
    %swap3A_1291 = arith.constant 0 : index
    %swap3A_1292 = arith.constant 0 : index
    %swap3A_1293 = arith.constant 7200 : index
    %swap3A_1294 = vector.load %arg2[%swap3A_1291, %swap3A_1292, %swap3A_1293] : memref<1x32x16384xf32, #tpu.memory_space<vmem>>, vector<1x32x32xf32>
    %swap3A_1295 = vector.shape_cast %swap3A_1294 : vector<1x32x32xf32> to vector<32x32xf32>
    %swap3A_1296 = vector.shape_cast %slice3A_1290 : vector<32x32xf32> to vector<1x32x32xf32>
    tpu.vector_store %arg2[%swap3A_1291, %swap3A_1292, %swap3A_1293], %swap3A_1296 {strides = array<i32>} : memref<1x32x16384xf32, #tpu.memory_space<vmem>>, vector<1x32x32xf32>,
    %slice3A_1297 = vector.extract_strided_slice %dot_general3A_3 {offsets = [32, 1824], sizes = [32, 32], strides = [1, 1]} : vector<128x4096xf32> to vector<32x32xf32>
    %swap3A_1298 = arith.constant 0 : index
    %swap3A_1299 = arith.constant 0 : index
    %swap3A_1300 = arith.constant 7328 : index
    %swap3A_1301 = vector.load %arg2[%swap3A_1298, %swap3A_1299, %swap3A_1300] : memref<1x32x16384xf32, #tpu.memory_space<vmem>>, vector<1x32x32xf32>
    %swap3A_1302 = vector.shape_cast %swap3A_1301 : vector<1x32x32xf32> to vector<32x32xf32>
    %swap3A_1303 = vector.shape_cast %slice3A_1297 : vector<32x32xf32> to vector<1x32x32xf32>
    tpu.vector_store %arg2[%swap3A_1298, %swap3A_1299, %swap3A_1300], %swap3A_1303 {strides = array<i32>} : memref<1x32x16384xf32, #tpu.memory_space<vmem>>, vector<1x32x32xf32>,
    %slice3A_1304 = vector.extract_strided_slice %dot_general3A_3 {offsets = [32, 1856], sizes = [32, 32], strides = [1, 1]} : vector<128x4096xf32> to vector<32x32xf32>
    %swap3A_1305 = arith.constant 0 : index
    %swap3A_1306 = arith.constant 0 : index
    %swap3A_1307 = arith.constant 7456 : index
    %swap3A_1308 = vector.load %arg2[%swap3A_1305, %swap3A_1306, %swap3A_1307] : memref<1x32x16384xf32, #tpu.memory_space<vmem>>, vector<1x32x32xf32>
    %swap3A_1309 = vector.shape_cast %swap3A_1308 : vector<1x32x32xf32> to vector<32x32xf32>
    %swap3A_1310 = vector.shape_cast %slice3A_1304 : vector<32x32xf32> to vector<1x32x32xf32>
    tpu.vector_store %arg2[%swap3A_1305, %swap3A_1306, %swap3A_1307], %swap3A_1310 {strides = array<i32>} : memref<1x32x16384xf32, #tpu.memory_space<vmem>>, vector<1x32x32xf32>,
    %slice3A_1311 = vector.extract_strided_slice %dot_general3A_3 {offsets = [32, 1888], sizes = [32, 32], strides = [1, 1]} : vector<128x4096xf32> to vector<32x32xf32>
    %swap3A_1312 = arith.constant 0 : index
    %swap3A_1313 = arith.constant 0 : index
    %swap3A_1314 = arith.constant 7584 : index
    %swap3A_1315 = vector.load %arg2[%swap3A_1312, %swap3A_1313, %swap3A_1314] : memref<1x32x16384xf32, #tpu.memory_space<vmem>>, vector<1x32x32xf32>
    %swap3A_1316 = vector.shape_cast %swap3A_1315 : vector<1x32x32xf32> to vector<32x32xf32>
    %swap3A_1317 = vector.shape_cast %slice3A_1311 : vector<32x32xf32> to vector<1x32x32xf32>
    tpu.vector_store %arg2[%swap3A_1312, %swap3A_1313, %swap3A_1314], %swap3A_1317 {strides = array<i32>} : memref<1x32x16384xf32, #tpu.memory_space<vmem>>, vector<1x32x32xf32>,
    %slice3A_1318 = vector.extract_strided_slice %dot_general3A_3 {offsets = [32, 1920], sizes = [32, 32], strides = [1, 1]} : vector<128x4096xf32> to vector<32x32xf32>
    %swap3A_1319 = arith.constant 0 : index
    %swap3A_1320 = arith.constant 0 : index
    %swap3A_1321 = arith.constant 7712 : index
    %swap3A_1322 = vector.load %arg2[%swap3A_1319, %swap3A_1320, %swap3A_1321] : memref<1x32x16384xf32, #tpu.memory_space<vmem>>, vector<1x32x32xf32>
    %swap3A_1323 = vector.shape_cast %swap3A_1322 : vector<1x32x32xf32> to vector<32x32xf32>
    %swap3A_1324 = vector.shape_cast %slice3A_1318 : vector<32x32xf32> to vector<1x32x32xf32>
    tpu.vector_store %arg2[%swap3A_1319, %swap3A_1320, %swap3A_1321], %swap3A_1324 {strides = array<i32>} : memref<1x32x16384xf32, #tpu.memory_space<vmem>>, vector<1x32x32xf32>,
    %slice3A_1325 = vector.extract_strided_slice %dot_general3A_3 {offsets = [32, 1952], sizes = [32, 32], strides = [1, 1]} : vector<128x4096xf32> to vector<32x32xf32>
    %swap3A_1326 = arith.constant 0 : index
    %swap3A_1327 = arith.constant 0 : index
    %swap3A_1328 = arith.constant 7840 : index
    %swap3A_1329 = vector.load %arg2[%swap3A_1326, %swap3A_1327, %swap3A_1328] : memref<1x32x16384xf32, #tpu.memory_space<vmem>>, vector<1x32x32xf32>
    %swap3A_1330 = vector.shape_cast %swap3A_1329 : vector<1x32x32xf32> to vector<32x32xf32>
    %swap3A_1331 = vector.shape_cast %slice3A_1325 : vector<32x32xf32> to vector<1x32x32xf32>
    tpu.vector_store %arg2[%swap3A_1326, %swap3A_1327, %swap3A_1328], %swap3A_1331 {strides = array<i32>} : memref<1x32x16384xf32, #tpu.memory_space<vmem>>, vector<1x32x32xf32>,
    %slice3A_1332 = vector.extract_strided_slice %dot_general3A_3 {offsets = [32, 1984], sizes = [32, 32], strides = [1, 1]} : vector<128x4096xf32> to vector<32x32xf32>
    %swap3A_1333 = arith.constant 0 : index
    %swap3A_1334 = arith.constant 0 : index
    %swap3A_1335 = arith.constant 7968 : index
    %swap3A_1336 = vector.load %arg2[%swap3A_1333, %swap3A_1334, %swap3A_1335] : memref<1x32x16384xf32, #tpu.memory_space<vmem>>, vector<1x32x32xf32>
    %swap3A_1337 = vector.shape_cast %swap3A_1336 : vector<1x32x32xf32> to vector<32x32xf32>
    %swap3A_1338 = vector.shape_cast %slice3A_1332 : vector<32x32xf32> to vector<1x32x32xf32>
    tpu.vector_store %arg2[%swap3A_1333, %swap3A_1334, %swap3A_1335], %swap3A_1338 {strides = array<i32>} : memref<1x32x16384xf32, #tpu.memory_space<vmem>>, vector<1x32x32xf32>,
    %slice3A_1339 = vector.extract_strided_slice %dot_general3A_3 {offsets = [32, 2016], sizes = [32, 32], strides = [1, 1]} : vector<128x4096xf32> to vector<32x32xf32>
    %swap3A_1340 = arith.constant 0 : index
    %swap3A_1341 = arith.constant 0 : index
    %swap3A_1342 = arith.constant 8096 : index
    %swap3A_1343 = vector.load %arg2[%swap3A_1340, %swap3A_1341, %swap3A_1342] : memref<1x32x16384xf32, #tpu.memory_space<vmem>>, vector<1x32x32xf32>
    %swap3A_1344 = vector.shape_cast %swap3A_1343 : vector<1x32x32xf32> to vector<32x32xf32>
    %swap3A_1345 = vector.shape_cast %slice3A_1339 : vector<32x32xf32> to vector<1x32x32xf32>
    tpu.vector_store %arg2[%swap3A_1340, %swap3A_1341, %swap3A_1342], %swap3A_1345 {strides = array<i32>} : memref<1x32x16384xf32, #tpu.memory_space<vmem>>, vector<1x32x32xf32>,
    %slice3A_1346 = vector.extract_strided_slice %dot_general3A_3 {offsets = [32, 2048], sizes = [32, 32], strides = [1, 1]} : vector<128x4096xf32> to vector<32x32xf32>
    %swap3A_1347 = arith.constant 0 : index
    %swap3A_1348 = arith.constant 0 : index
    %swap3A_1349 = arith.constant 8224 : index
    %swap3A_1350 = vector.load %arg2[%swap3A_1347, %swap3A_1348, %swap3A_1349] : memref<1x32x16384xf32, #tpu.memory_space<vmem>>, vector<1x32x32xf32>
    %swap3A_1351 = vector.shape_cast %swap3A_1350 : vector<1x32x32xf32> to vector<32x32xf32>
    %swap3A_1352 = vector.shape_cast %slice3A_1346 : vector<32x32xf32> to vector<1x32x32xf32>
    tpu.vector_store %arg2[%swap3A_1347, %swap3A_1348, %swap3A_1349], %swap3A_1352 {strides = array<i32>} : memref<1x32x16384xf32, #tpu.memory_space<vmem>>, vector<1x32x32xf32>,
    %slice3A_1353 = vector.extract_strided_slice %dot_general3A_3 {offsets = [32, 2080], sizes = [32, 32], strides = [1, 1]} : vector<128x4096xf32> to vector<32x32xf32>
    %swap3A_1354 = arith.constant 0 : index
    %swap3A_1355 = arith.constant 0 : index
    %swap3A_1356 = arith.constant 8352 : index
    %swap3A_1357 = vector.load %arg2[%swap3A_1354, %swap3A_1355, %swap3A_1356] : memref<1x32x16384xf32, #tpu.memory_space<vmem>>, vector<1x32x32xf32>
    %swap3A_1358 = vector.shape_cast %swap3A_1357 : vector<1x32x32xf32> to vector<32x32xf32>
    %swap3A_1359 = vector.shape_cast %slice3A_1353 : vector<32x32xf32> to vector<1x32x32xf32>
    tpu.vector_store %arg2[%swap3A_1354, %swap3A_1355, %swap3A_1356], %swap3A_1359 {strides = array<i32>} : memref<1x32x16384xf32, #tpu.memory_space<vmem>>, vector<1x32x32xf32>,
    %slice3A_1360 = vector.extract_strided_slice %dot_general3A_3 {offsets = [32, 2112], sizes = [32, 32], strides = [1, 1]} : vector<128x4096xf32> to vector<32x32xf32>
    %swap3A_1361 = arith.constant 0 : index
    %swap3A_1362 = arith.constant 0 : index
    %swap3A_1363 = arith.constant 8480 : index
    %swap3A_1364 = vector.load %arg2[%swap3A_1361, %swap3A_1362, %swap3A_1363] : memref<1x32x16384xf32, #tpu.memory_space<vmem>>, vector<1x32x32xf32>
    %swap3A_1365 = vector.shape_cast %swap3A_1364 : vector<1x32x32xf32> to vector<32x32xf32>
    %swap3A_1366 = vector.shape_cast %slice3A_1360 : vector<32x32xf32> to vector<1x32x32xf32>
    tpu.vector_store %arg2[%swap3A_1361, %swap3A_1362, %swap3A_1363], %swap3A_1366 {strides = array<i32>} : memref<1x32x16384xf32, #tpu.memory_space<vmem>>, vector<1x32x32xf32>,
    %slice3A_1367 = vector.extract_strided_slice %dot_general3A_3 {offsets = [32, 2144], sizes = [32, 32], strides = [1, 1]} : vector<128x4096xf32> to vector<32x32xf32>
    %swap3A_1368 = arith.constant 0 : index
    %swap3A_1369 = arith.constant 0 : index
    %swap3A_1370 = arith.constant 8608 : index
    %swap3A_1371 = vector.load %arg2[%swap3A_1368, %swap3A_1369, %swap3A_1370] : memref<1x32x16384xf32, #tpu.memory_space<vmem>>, vector<1x32x32xf32>
    %swap3A_1372 = vector.shape_cast %swap3A_1371 : vector<1x32x32xf32> to vector<32x32xf32>
    %swap3A_1373 = vector.shape_cast %slice3A_1367 : vector<32x32xf32> to vector<1x32x32xf32>
    tpu.vector_store %arg2[%swap3A_1368, %swap3A_1369, %swap3A_1370], %swap3A_1373 {strides = array<i32>} : memref<1x32x16384xf32, #tpu.memory_space<vmem>>, vector<1x32x32xf32>,
    %slice3A_1374 = vector.extract_strided_slice %dot_general3A_3 {offsets = [32, 2176], sizes = [32, 32], strides = [1, 1]} : vector<128x4096xf32> to vector<32x32xf32>
    %swap3A_1375 = arith.constant 0 : index
    %swap3A_1376 = arith.constant 0 : index
    %swap3A_1377 = arith.constant 8736 : index
    %swap3A_1378 = vector.load %arg2[%swap3A_1375, %swap3A_1376, %swap3A_1377] : memref<1x32x16384xf32, #tpu.memory_space<vmem>>, vector<1x32x32xf32>
    %swap3A_1379 = vector.shape_cast %swap3A_1378 : vector<1x32x32xf32> to vector<32x32xf32>
    %swap3A_1380 = vector.shape_cast %slice3A_1374 : vector<32x32xf32> to vector<1x32x32xf32>
    tpu.vector_store %arg2[%swap3A_1375, %swap3A_1376, %swap3A_1377], %swap3A_1380 {strides = array<i32>} : memref<1x32x16384xf32, #tpu.memory_space<vmem>>, vector<1x32x32xf32>,
    %slice3A_1381 = vector.extract_strided_slice %dot_general3A_3 {offsets = [32, 2208], sizes = [32, 32], strides = [1, 1]} : vector<128x4096xf32> to vector<32x32xf32>
    %swap3A_1382 = arith.constant 0 : index
    %swap3A_1383 = arith.constant 0 : index
    %swap3A_1384 = arith.constant 8864 : index
    %swap3A_1385 = vector.load %arg2[%swap3A_1382, %swap3A_1383, %swap3A_1384] : memref<1x32x16384xf32, #tpu.memory_space<vmem>>, vector<1x32x32xf32>
    %swap3A_1386 = vector.shape_cast %swap3A_1385 : vector<1x32x32xf32> to vector<32x32xf32>
    %swap3A_1387 = vector.shape_cast %slice3A_1381 : vector<32x32xf32> to vector<1x32x32xf32>
    tpu.vector_store %arg2[%swap3A_1382, %swap3A_1383, %swap3A_1384], %swap3A_1387 {strides = array<i32>} : memref<1x32x16384xf32, #tpu.memory_space<vmem>>, vector<1x32x32xf32>,
    %slice3A_1388 = vector.extract_strided_slice %dot_general3A_3 {offsets = [32, 2240], sizes = [32, 32], strides = [1, 1]} : vector<128x4096xf32> to vector<32x32xf32>
    %swap3A_1389 = arith.constant 0 : index
    %swap3A_1390 = arith.constant 0 : index
    %swap3A_1391 = arith.constant 8992 : index
    %swap3A_1392 = vector.load %arg2[%swap3A_1389, %swap3A_1390, %swap3A_1391] : memref<1x32x16384xf32, #tpu.memory_space<vmem>>, vector<1x32x32xf32>
    %swap3A_1393 = vector.shape_cast %swap3A_1392 : vector<1x32x32xf32> to vector<32x32xf32>
    %swap3A_1394 = vector.shape_cast %slice3A_1388 : vector<32x32xf32> to vector<1x32x32xf32>
    tpu.vector_store %arg2[%swap3A_1389, %swap3A_1390, %swap3A_1391], %swap3A_1394 {strides = array<i32>} : memref<1x32x16384xf32, #tpu.memory_space<vmem>>, vector<1x32x32xf32>,
    %slice3A_1395 = vector.extract_strided_slice %dot_general3A_3 {offsets = [32, 2272], sizes = [32, 32], strides = [1, 1]} : vector<128x4096xf32> to vector<32x32xf32>
    %swap3A_1396 = arith.constant 0 : index
    %swap3A_1397 = arith.constant 0 : index
    %swap3A_1398 = arith.constant 9120 : index
    %swap3A_1399 = vector.load %arg2[%swap3A_1396, %swap3A_1397, %swap3A_1398] : memref<1x32x16384xf32, #tpu.memory_space<vmem>>, vector<1x32x32xf32>
    %swap3A_1400 = vector.shape_cast %swap3A_1399 : vector<1x32x32xf32> to vector<32x32xf32>
    %swap3A_1401 = vector.shape_cast %slice3A_1395 : vector<32x32xf32> to vector<1x32x32xf32>
    tpu.vector_store %arg2[%swap3A_1396, %swap3A_1397, %swap3A_1398], %swap3A_1401 {strides = array<i32>} : memref<1x32x16384xf32, #tpu.memory_space<vmem>>, vector<1x32x32xf32>,
    %slice3A_1402 = vector.extract_strided_slice %dot_general3A_3 {offsets = [32, 2304], sizes = [32, 32], strides = [1, 1]} : vector<128x4096xf32> to vector<32x32xf32>
    %swap3A_1403 = arith.constant 0 : index
    %swap3A_1404 = arith.constant 0 : index
    %swap3A_1405 = arith.constant 9248 : index
    %swap3A_1406 = vector.load %arg2[%swap3A_1403, %swap3A_1404, %swap3A_1405] : memref<1x32x16384xf32, #tpu.memory_space<vmem>>, vector<1x32x32xf32>
    %swap3A_1407 = vector.shape_cast %swap3A_1406 : vector<1x32x32xf32> to vector<32x32xf32>
    %swap3A_1408 = vector.shape_cast %slice3A_1402 : vector<32x32xf32> to vector<1x32x32xf32>
    tpu.vector_store %arg2[%swap3A_1403, %swap3A_1404, %swap3A_1405], %swap3A_1408 {strides = array<i32>} : memref<1x32x16384xf32, #tpu.memory_space<vmem>>, vector<1x32x32xf32>,
    %slice3A_1409 = vector.extract_strided_slice %dot_general3A_3 {offsets = [32, 2336], sizes = [32, 32], strides = [1, 1]} : vector<128x4096xf32> to vector<32x32xf32>
    %swap3A_1410 = arith.constant 0 : index
    %swap3A_1411 = arith.constant 0 : index
    %swap3A_1412 = arith.constant 9376 : index
    %swap3A_1413 = vector.load %arg2[%swap3A_1410, %swap3A_1411, %swap3A_1412] : memref<1x32x16384xf32, #tpu.memory_space<vmem>>, vector<1x32x32xf32>
    %swap3A_1414 = vector.shape_cast %swap3A_1413 : vector<1x32x32xf32> to vector<32x32xf32>
    %swap3A_1415 = vector.shape_cast %slice3A_1409 : vector<32x32xf32> to vector<1x32x32xf32>
    tpu.vector_store %arg2[%swap3A_1410, %swap3A_1411, %swap3A_1412], %swap3A_1415 {strides = array<i32>} : memref<1x32x16384xf32, #tpu.memory_space<vmem>>, vector<1x32x32xf32>,
    %slice3A_1416 = vector.extract_strided_slice %dot_general3A_3 {offsets = [32, 2368], sizes = [32, 32], strides = [1, 1]} : vector<128x4096xf32> to vector<32x32xf32>
    %swap3A_1417 = arith.constant 0 : index
    %swap3A_1418 = arith.constant 0 : index
    %swap3A_1419 = arith.constant 9504 : index
    %swap3A_1420 = vector.load %arg2[%swap3A_1417, %swap3A_1418, %swap3A_1419] : memref<1x32x16384xf32, #tpu.memory_space<vmem>>, vector<1x32x32xf32>
    %swap3A_1421 = vector.shape_cast %swap3A_1420 : vector<1x32x32xf32> to vector<32x32xf32>
    %swap3A_1422 = vector.shape_cast %slice3A_1416 : vector<32x32xf32> to vector<1x32x32xf32>
    tpu.vector_store %arg2[%swap3A_1417, %swap3A_1418, %swap3A_1419], %swap3A_1422 {strides = array<i32>} : memref<1x32x16384xf32, #tpu.memory_space<vmem>>, vector<1x32x32xf32>,
    %slice3A_1423 = vector.extract_strided_slice %dot_general3A_3 {offsets = [32, 2400], sizes = [32, 32], strides = [1, 1]} : vector<128x4096xf32> to vector<32x32xf32>
    %swap3A_1424 = arith.constant 0 : index
    %swap3A_1425 = arith.constant 0 : index
    %swap3A_1426 = arith.constant 9632 : index
    %swap3A_1427 = vector.load %arg2[%swap3A_1424, %swap3A_1425, %swap3A_1426] : memref<1x32x16384xf32, #tpu.memory_space<vmem>>, vector<1x32x32xf32>
    %swap3A_1428 = vector.shape_cast %swap3A_1427 : vector<1x32x32xf32> to vector<32x32xf32>
    %swap3A_1429 = vector.shape_cast %slice3A_1423 : vector<32x32xf32> to vector<1x32x32xf32>
    tpu.vector_store %arg2[%swap3A_1424, %swap3A_1425, %swap3A_1426], %swap3A_1429 {strides = array<i32>} : memref<1x32x16384xf32, #tpu.memory_space<vmem>>, vector<1x32x32xf32>,
    %slice3A_1430 = vector.extract_strided_slice %dot_general3A_3 {offsets = [32, 2432], sizes = [32, 32], strides = [1, 1]} : vector<128x4096xf32> to vector<32x32xf32>
    %swap3A_1431 = arith.constant 0 : index
    %swap3A_1432 = arith.constant 0 : index
    %swap3A_1433 = arith.constant 9760 : index
    %swap3A_1434 = vector.load %arg2[%swap3A_1431, %swap3A_1432, %swap3A_1433] : memref<1x32x16384xf32, #tpu.memory_space<vmem>>, vector<1x32x32xf32>
    %swap3A_1435 = vector.shape_cast %swap3A_1434 : vector<1x32x32xf32> to vector<32x32xf32>
    %swap3A_1436 = vector.shape_cast %slice3A_1430 : vector<32x32xf32> to vector<1x32x32xf32>
    tpu.vector_store %arg2[%swap3A_1431, %swap3A_1432, %swap3A_1433], %swap3A_1436 {strides = array<i32>} : memref<1x32x16384xf32, #tpu.memory_space<vmem>>, vector<1x32x32xf32>,
    %slice3A_1437 = vector.extract_strided_slice %dot_general3A_3 {offsets = [32, 2464], sizes = [32, 32], strides = [1, 1]} : vector<128x4096xf32> to vector<32x32xf32>
    %swap3A_1438 = arith.constant 0 : index
    %swap3A_1439 = arith.constant 0 : index
    %swap3A_1440 = arith.constant 9888 : index
    %swap3A_1441 = vector.load %arg2[%swap3A_1438, %swap3A_1439, %swap3A_1440] : memref<1x32x16384xf32, #tpu.memory_space<vmem>>, vector<1x32x32xf32>
    %swap3A_1442 = vector.shape_cast %swap3A_1441 : vector<1x32x32xf32> to vector<32x32xf32>
    %swap3A_1443 = vector.shape_cast %slice3A_1437 : vector<32x32xf32> to vector<1x32x32xf32>
    tpu.vector_store %arg2[%swap3A_1438, %swap3A_1439, %swap3A_1440], %swap3A_1443 {strides = array<i32>} : memref<1x32x16384xf32, #tpu.memory_space<vmem>>, vector<1x32x32xf32>,
    %slice3A_1444 = vector.extract_strided_slice %dot_general3A_3 {offsets = [32, 2496], sizes = [32, 32], strides = [1, 1]} : vector<128x4096xf32> to vector<32x32xf32>
    %swap3A_1445 = arith.constant 0 : index
    %swap3A_1446 = arith.constant 0 : index
    %swap3A_1447 = arith.constant 10016 : index
    %swap3A_1448 = vector.load %arg2[%swap3A_1445, %swap3A_1446, %swap3A_1447] : memref<1x32x16384xf32, #tpu.memory_space<vmem>>, vector<1x32x32xf32>
    %swap3A_1449 = vector.shape_cast %swap3A_1448 : vector<1x32x32xf32> to vector<32x32xf32>
    %swap3A_1450 = vector.shape_cast %slice3A_1444 : vector<32x32xf32> to vector<1x32x32xf32>
    tpu.vector_store %arg2[%swap3A_1445, %swap3A_1446, %swap3A_1447], %swap3A_1450 {strides = array<i32>} : memref<1x32x16384xf32, #tpu.memory_space<vmem>>, vector<1x32x32xf32>,
    %slice3A_1451 = vector.extract_strided_slice %dot_general3A_3 {offsets = [32, 2528], sizes = [32, 32], strides = [1, 1]} : vector<128x4096xf32> to vector<32x32xf32>
    %swap3A_1452 = arith.constant 0 : index
    %swap3A_1453 = arith.constant 0 : index
    %swap3A_1454 = arith.constant 10144 : index
    %swap3A_1455 = vector.load %arg2[%swap3A_1452, %swap3A_1453, %swap3A_1454] : memref<1x32x16384xf32, #tpu.memory_space<vmem>>, vector<1x32x32xf32>
    %swap3A_1456 = vector.shape_cast %swap3A_1455 : vector<1x32x32xf32> to vector<32x32xf32>
    %swap3A_1457 = vector.shape_cast %slice3A_1451 : vector<32x32xf32> to vector<1x32x32xf32>
    tpu.vector_store %arg2[%swap3A_1452, %swap3A_1453, %swap3A_1454], %swap3A_1457 {strides = array<i32>} : memref<1x32x16384xf32, #tpu.memory_space<vmem>>, vector<1x32x32xf32>,
    %slice3A_1458 = vector.extract_strided_slice %dot_general3A_3 {offsets = [32, 2560], sizes = [32, 32], strides = [1, 1]} : vector<128x4096xf32> to vector<32x32xf32>
    %swap3A_1459 = arith.constant 0 : index
    %swap3A_1460 = arith.constant 0 : index
    %swap3A_1461 = arith.constant 10272 : index
    %swap3A_1462 = vector.load %arg2[%swap3A_1459, %swap3A_1460, %swap3A_1461] : memref<1x32x16384xf32, #tpu.memory_space<vmem>>, vector<1x32x32xf32>
    %swap3A_1463 = vector.shape_cast %swap3A_1462 : vector<1x32x32xf32> to vector<32x32xf32>
    %swap3A_1464 = vector.shape_cast %slice3A_1458 : vector<32x32xf32> to vector<1x32x32xf32>
    tpu.vector_store %arg2[%swap3A_1459, %swap3A_1460, %swap3A_1461], %swap3A_1464 {strides = array<i32>} : memref<1x32x16384xf32, #tpu.memory_space<vmem>>, vector<1x32x32xf32>,
    %slice3A_1465 = vector.extract_strided_slice %dot_general3A_3 {offsets = [32, 2592], sizes = [32, 32], strides = [1, 1]} : vector<128x4096xf32> to vector<32x32xf32>
    %swap3A_1466 = arith.constant 0 : index
    %swap3A_1467 = arith.constant 0 : index
    %swap3A_1468 = arith.constant 10400 : index
    %swap3A_1469 = vector.load %arg2[%swap3A_1466, %swap3A_1467, %swap3A_1468] : memref<1x32x16384xf32, #tpu.memory_space<vmem>>, vector<1x32x32xf32>
    %swap3A_1470 = vector.shape_cast %swap3A_1469 : vector<1x32x32xf32> to vector<32x32xf32>
    %swap3A_1471 = vector.shape_cast %slice3A_1465 : vector<32x32xf32> to vector<1x32x32xf32>
    tpu.vector_store %arg2[%swap3A_1466, %swap3A_1467, %swap3A_1468], %swap3A_1471 {strides = array<i32>} : memref<1x32x16384xf32, #tpu.memory_space<vmem>>, vector<1x32x32xf32>,
    %slice3A_1472 = vector.extract_strided_slice %dot_general3A_3 {offsets = [32, 2624], sizes = [32, 32], strides = [1, 1]} : vector<128x4096xf32> to vector<32x32xf32>
    %swap3A_1473 = arith.constant 0 : index
    %swap3A_1474 = arith.constant 0 : index
    %swap3A_1475 = arith.constant 10528 : index
    %swap3A_1476 = vector.load %arg2[%swap3A_1473, %swap3A_1474, %swap3A_1475] : memref<1x32x16384xf32, #tpu.memory_space<vmem>>, vector<1x32x32xf32>
    %swap3A_1477 = vector.shape_cast %swap3A_1476 : vector<1x32x32xf32> to vector<32x32xf32>
    %swap3A_1478 = vector.shape_cast %slice3A_1472 : vector<32x32xf32> to vector<1x32x32xf32>
    tpu.vector_store %arg2[%swap3A_1473, %swap3A_1474, %swap3A_1475], %swap3A_1478 {strides = array<i32>} : memref<1x32x16384xf32, #tpu.memory_space<vmem>>, vector<1x32x32xf32>,
    %slice3A_1479 = vector.extract_strided_slice %dot_general3A_3 {offsets = [32, 2656], sizes = [32, 32], strides = [1, 1]} : vector<128x4096xf32> to vector<32x32xf32>
    %swap3A_1480 = arith.constant 0 : index
    %swap3A_1481 = arith.constant 0 : index
    %swap3A_1482 = arith.constant 10656 : index
    %swap3A_1483 = vector.load %arg2[%swap3A_1480, %swap3A_1481, %swap3A_1482] : memref<1x32x16384xf32, #tpu.memory_space<vmem>>, vector<1x32x32xf32>
    %swap3A_1484 = vector.shape_cast %swap3A_1483 : vector<1x32x32xf32> to vector<32x32xf32>
    %swap3A_1485 = vector.shape_cast %slice3A_1479 : vector<32x32xf32> to vector<1x32x32xf32>
    tpu.vector_store %arg2[%swap3A_1480, %swap3A_1481, %swap3A_1482], %swap3A_1485 {strides = array<i32>} : memref<1x32x16384xf32, #tpu.memory_space<vmem>>, vector<1x32x32xf32>,
    %slice3A_1486 = vector.extract_strided_slice %dot_general3A_3 {offsets = [32, 2688], sizes = [32, 32], strides = [1, 1]} : vector<128x4096xf32> to vector<32x32xf32>
    %swap3A_1487 = arith.constant 0 : index
    %swap3A_1488 = arith.constant 0 : index
    %swap3A_1489 = arith.constant 10784 : index
    %swap3A_1490 = vector.load %arg2[%swap3A_1487, %swap3A_1488, %swap3A_1489] : memref<1x32x16384xf32, #tpu.memory_space<vmem>>, vector<1x32x32xf32>
    %swap3A_1491 = vector.shape_cast %swap3A_1490 : vector<1x32x32xf32> to vector<32x32xf32>
    %swap3A_1492 = vector.shape_cast %slice3A_1486 : vector<32x32xf32> to vector<1x32x32xf32>
    tpu.vector_store %arg2[%swap3A_1487, %swap3A_1488, %swap3A_1489], %swap3A_1492 {strides = array<i32>} : memref<1x32x16384xf32, #tpu.memory_space<vmem>>, vector<1x32x32xf32>,
    %slice3A_1493 = vector.extract_strided_slice %dot_general3A_3 {offsets = [32, 2720], sizes = [32, 32], strides = [1, 1]} : vector<128x4096xf32> to vector<32x32xf32>
    %swap3A_1494 = arith.constant 0 : index
    %swap3A_1495 = arith.constant 0 : index
    %swap3A_1496 = arith.constant 10912 : index
    %swap3A_1497 = vector.load %arg2[%swap3A_1494, %swap3A_1495, %swap3A_1496] : memref<1x32x16384xf32, #tpu.memory_space<vmem>>, vector<1x32x32xf32>
    %swap3A_1498 = vector.shape_cast %swap3A_1497 : vector<1x32x32xf32> to vector<32x32xf32>
    %swap3A_1499 = vector.shape_cast %slice3A_1493 : vector<32x32xf32> to vector<1x32x32xf32>
    tpu.vector_store %arg2[%swap3A_1494, %swap3A_1495, %swap3A_1496], %swap3A_1499 {strides = array<i32>} : memref<1x32x16384xf32, #tpu.memory_space<vmem>>, vector<1x32x32xf32>,
    %slice3A_1500 = vector.extract_strided_slice %dot_general3A_3 {offsets = [32, 2752], sizes = [32, 32], strides = [1, 1]} : vector<128x4096xf32> to vector<32x32xf32>
    %swap3A_1501 = arith.constant 0 : index
    %swap3A_1502 = arith.constant 0 : index
    %swap3A_1503 = arith.constant 11040 : index
    %swap3A_1504 = vector.load %arg2[%swap3A_1501, %swap3A_1502, %swap3A_1503] : memref<1x32x16384xf32, #tpu.memory_space<vmem>>, vector<1x32x32xf32>
    %swap3A_1505 = vector.shape_cast %swap3A_1504 : vector<1x32x32xf32> to vector<32x32xf32>
    %swap3A_1506 = vector.shape_cast %slice3A_1500 : vector<32x32xf32> to vector<1x32x32xf32>
    tpu.vector_store %arg2[%swap3A_1501, %swap3A_1502, %swap3A_1503], %swap3A_1506 {strides = array<i32>} : memref<1x32x16384xf32, #tpu.memory_space<vmem>>, vector<1x32x32xf32>,
    %slice3A_1507 = vector.extract_strided_slice %dot_general3A_3 {offsets = [32, 2784], sizes = [32, 32], strides = [1, 1]} : vector<128x4096xf32> to vector<32x32xf32>
    %swap3A_1508 = arith.constant 0 : index
    %swap3A_1509 = arith.constant 0 : index
    %swap3A_1510 = arith.constant 11168 : index
    %swap3A_1511 = vector.load %arg2[%swap3A_1508, %swap3A_1509, %swap3A_1510] : memref<1x32x16384xf32, #tpu.memory_space<vmem>>, vector<1x32x32xf32>
    %swap3A_1512 = vector.shape_cast %swap3A_1511 : vector<1x32x32xf32> to vector<32x32xf32>
    %swap3A_1513 = vector.shape_cast %slice3A_1507 : vector<32x32xf32> to vector<1x32x32xf32>
    tpu.vector_store %arg2[%swap3A_1508, %swap3A_1509, %swap3A_1510], %swap3A_1513 {strides = array<i32>} : memref<1x32x16384xf32, #tpu.memory_space<vmem>>, vector<1x32x32xf32>,
    %slice3A_1514 = vector.extract_strided_slice %dot_general3A_3 {offsets = [32, 2816], sizes = [32, 32], strides = [1, 1]} : vector<128x4096xf32> to vector<32x32xf32>
    %swap3A_1515 = arith.constant 0 : index
    %swap3A_1516 = arith.constant 0 : index
    %swap3A_1517 = arith.constant 11296 : index
    %swap3A_1518 = vector.load %arg2[%swap3A_1515, %swap3A_1516, %swap3A_1517] : memref<1x32x16384xf32, #tpu.memory_space<vmem>>, vector<1x32x32xf32>
    %swap3A_1519 = vector.shape_cast %swap3A_1518 : vector<1x32x32xf32> to vector<32x32xf32>
    %swap3A_1520 = vector.shape_cast %slice3A_1514 : vector<32x32xf32> to vector<1x32x32xf32>
    tpu.vector_store %arg2[%swap3A_1515, %swap3A_1516, %swap3A_1517], %swap3A_1520 {strides = array<i32>} : memref<1x32x16384xf32, #tpu.memory_space<vmem>>, vector<1x32x32xf32>,
    %slice3A_1521 = vector.extract_strided_slice %dot_general3A_3 {offsets = [32, 2848], sizes = [32, 32], strides = [1, 1]} : vector<128x4096xf32> to vector<32x32xf32>
    %swap3A_1522 = arith.constant 0 : index
    %swap3A_1523 = arith.constant 0 : index
    %swap3A_1524 = arith.constant 11424 : index
    %swap3A_1525 = vector.load %arg2[%swap3A_1522, %swap3A_1523, %swap3A_1524] : memref<1x32x16384xf32, #tpu.memory_space<vmem>>, vector<1x32x32xf32>
    %swap3A_1526 = vector.shape_cast %swap3A_1525 : vector<1x32x32xf32> to vector<32x32xf32>
    %swap3A_1527 = vector.shape_cast %slice3A_1521 : vector<32x32xf32> to vector<1x32x32xf32>
    tpu.vector_store %arg2[%swap3A_1522, %swap3A_1523, %swap3A_1524], %swap3A_1527 {strides = array<i32>} : memref<1x32x16384xf32, #tpu.memory_space<vmem>>, vector<1x32x32xf32>,
    %slice3A_1528 = vector.extract_strided_slice %dot_general3A_3 {offsets = [32, 2880], sizes = [32, 32], strides = [1, 1]} : vector<128x4096xf32> to vector<32x32xf32>
    %swap3A_1529 = arith.constant 0 : index
    %swap3A_1530 = arith.constant 0 : index
    %swap3A_1531 = arith.constant 11552 : index
    %swap3A_1532 = vector.load %arg2[%swap3A_1529, %swap3A_1530, %swap3A_1531] : memref<1x32x16384xf32, #tpu.memory_space<vmem>>, vector<1x32x32xf32>
    %swap3A_1533 = vector.shape_cast %swap3A_1532 : vector<1x32x32xf32> to vector<32x32xf32>
    %swap3A_1534 = vector.shape_cast %slice3A_1528 : vector<32x32xf32> to vector<1x32x32xf32>
    tpu.vector_store %arg2[%swap3A_1529, %swap3A_1530, %swap3A_1531], %swap3A_1534 {strides = array<i32>} : memref<1x32x16384xf32, #tpu.memory_space<vmem>>, vector<1x32x32xf32>,
    %slice3A_1535 = vector.extract_strided_slice %dot_general3A_3 {offsets = [32, 2912], sizes = [32, 32], strides = [1, 1]} : vector<128x4096xf32> to vector<32x32xf32>
    %swap3A_1536 = arith.constant 0 : index
    %swap3A_1537 = arith.constant 0 : index
    %swap3A_1538 = arith.constant 11680 : index
    %swap3A_1539 = vector.load %arg2[%swap3A_1536, %swap3A_1537, %swap3A_1538] : memref<1x32x16384xf32, #tpu.memory_space<vmem>>, vector<1x32x32xf32>
    %swap3A_1540 = vector.shape_cast %swap3A_1539 : vector<1x32x32xf32> to vector<32x32xf32>
    %swap3A_1541 = vector.shape_cast %slice3A_1535 : vector<32x32xf32> to vector<1x32x32xf32>
    tpu.vector_store %arg2[%swap3A_1536, %swap3A_1537, %swap3A_1538], %swap3A_1541 {strides = array<i32>} : memref<1x32x16384xf32, #tpu.memory_space<vmem>>, vector<1x32x32xf32>,
    %slice3A_1542 = vector.extract_strided_slice %dot_general3A_3 {offsets = [32, 2944], sizes = [32, 32], strides = [1, 1]} : vector<128x4096xf32> to vector<32x32xf32>
    %swap3A_1543 = arith.constant 0 : index
    %swap3A_1544 = arith.constant 0 : index
    %swap3A_1545 = arith.constant 11808 : index
    %swap3A_1546 = vector.load %arg2[%swap3A_1543, %swap3A_1544, %swap3A_1545] : memref<1x32x16384xf32, #tpu.memory_space<vmem>>, vector<1x32x32xf32>
    %swap3A_1547 = vector.shape_cast %swap3A_1546 : vector<1x32x32xf32> to vector<32x32xf32>
    %swap3A_1548 = vector.shape_cast %slice3A_1542 : vector<32x32xf32> to vector<1x32x32xf32>
    tpu.vector_store %arg2[%swap3A_1543, %swap3A_1544, %swap3A_1545], %swap3A_1548 {strides = array<i32>} : memref<1x32x16384xf32, #tpu.memory_space<vmem>>, vector<1x32x32xf32>,
    %slice3A_1549 = vector.extract_strided_slice %dot_general3A_3 {offsets = [32, 2976], sizes = [32, 32], strides = [1, 1]} : vector<128x4096xf32> to vector<32x32xf32>
    %swap3A_1550 = arith.constant 0 : index
    %swap3A_1551 = arith.constant 0 : index
    %swap3A_1552 = arith.constant 11936 : index
    %swap3A_1553 = vector.load %arg2[%swap3A_1550, %swap3A_1551, %swap3A_1552] : memref<1x32x16384xf32, #tpu.memory_space<vmem>>, vector<1x32x32xf32>
    %swap3A_1554 = vector.shape_cast %swap3A_1553 : vector<1x32x32xf32> to vector<32x32xf32>
    %swap3A_1555 = vector.shape_cast %slice3A_1549 : vector<32x32xf32> to vector<1x32x32xf32>
    tpu.vector_store %arg2[%swap3A_1550, %swap3A_1551, %swap3A_1552], %swap3A_1555 {strides = array<i32>} : memref<1x32x16384xf32, #tpu.memory_space<vmem>>, vector<1x32x32xf32>,
    %slice3A_1556 = vector.extract_strided_slice %dot_general3A_3 {offsets = [32, 3008], sizes = [32, 32], strides = [1, 1]} : vector<128x4096xf32> to vector<32x32xf32>
    %swap3A_1557 = arith.constant 0 : index
    %swap3A_1558 = arith.constant 0 : index
    %swap3A_1559 = arith.constant 12064 : index
    %swap3A_1560 = vector.load %arg2[%swap3A_1557, %swap3A_1558, %swap3A_1559] : memref<1x32x16384xf32, #tpu.memory_space<vmem>>, vector<1x32x32xf32>
    %swap3A_1561 = vector.shape_cast %swap3A_1560 : vector<1x32x32xf32> to vector<32x32xf32>
    %swap3A_1562 = vector.shape_cast %slice3A_1556 : vector<32x32xf32> to vector<1x32x32xf32>
    tpu.vector_store %arg2[%swap3A_1557, %swap3A_1558, %swap3A_1559], %swap3A_1562 {strides = array<i32>} : memref<1x32x16384xf32, #tpu.memory_space<vmem>>, vector<1x32x32xf32>,
    %slice3A_1563 = vector.extract_strided_slice %dot_general3A_3 {offsets = [32, 3040], sizes = [32, 32], strides = [1, 1]} : vector<128x4096xf32> to vector<32x32xf32>
    %swap3A_1564 = arith.constant 0 : index
    %swap3A_1565 = arith.constant 0 : index
    %swap3A_1566 = arith.constant 12192 : index
    %swap3A_1567 = vector.load %arg2[%swap3A_1564, %swap3A_1565, %swap3A_1566] : memref<1x32x16384xf32, #tpu.memory_space<vmem>>, vector<1x32x32xf32>
    %swap3A_1568 = vector.shape_cast %swap3A_1567 : vector<1x32x32xf32> to vector<32x32xf32>
    %swap3A_1569 = vector.shape_cast %slice3A_1563 : vector<32x32xf32> to vector<1x32x32xf32>
    tpu.vector_store %arg2[%swap3A_1564, %swap3A_1565, %swap3A_1566], %swap3A_1569 {strides = array<i32>} : memref<1x32x16384xf32, #tpu.memory_space<vmem>>, vector<1x32x32xf32>,
    %slice3A_1570 = vector.extract_strided_slice %dot_general3A_3 {offsets = [32, 3072], sizes = [32, 32], strides = [1, 1]} : vector<128x4096xf32> to vector<32x32xf32>
    %swap3A_1571 = arith.constant 0 : index
    %swap3A_1572 = arith.constant 0 : index
    %swap3A_1573 = arith.constant 12320 : index
    %swap3A_1574 = vector.load %arg2[%swap3A_1571, %swap3A_1572, %swap3A_1573] : memref<1x32x16384xf32, #tpu.memory_space<vmem>>, vector<1x32x32xf32>
    %swap3A_1575 = vector.shape_cast %swap3A_1574 : vector<1x32x32xf32> to vector<32x32xf32>
    %swap3A_1576 = vector.shape_cast %slice3A_1570 : vector<32x32xf32> to vector<1x32x32xf32>
    tpu.vector_store %arg2[%swap3A_1571, %swap3A_1572, %swap3A_1573], %swap3A_1576 {strides = array<i32>} : memref<1x32x16384xf32, #tpu.memory_space<vmem>>, vector<1x32x32xf32>,
    %slice3A_1577 = vector.extract_strided_slice %dot_general3A_3 {offsets = [32, 3104], sizes = [32, 32], strides = [1, 1]} : vector<128x4096xf32> to vector<32x32xf32>
    %swap3A_1578 = arith.constant 0 : index
    %swap3A_1579 = arith.constant 0 : index
    %swap3A_1580 = arith.constant 12448 : index
    %swap3A_1581 = vector.load %arg2[%swap3A_1578, %swap3A_1579, %swap3A_1580] : memref<1x32x16384xf32, #tpu.memory_space<vmem>>, vector<1x32x32xf32>
    %swap3A_1582 = vector.shape_cast %swap3A_1581 : vector<1x32x32xf32> to vector<32x32xf32>
    %swap3A_1583 = vector.shape_cast %slice3A_1577 : vector<32x32xf32> to vector<1x32x32xf32>
    tpu.vector_store %arg2[%swap3A_1578, %swap3A_1579, %swap3A_1580], %swap3A_1583 {strides = array<i32>} : memref<1x32x16384xf32, #tpu.memory_space<vmem>>, vector<1x32x32xf32>,
    %slice3A_1584 = vector.extract_strided_slice %dot_general3A_3 {offsets = [32, 3136], sizes = [32, 32], strides = [1, 1]} : vector<128x4096xf32> to vector<32x32xf32>
    %swap3A_1585 = arith.constant 0 : index
    %swap3A_1586 = arith.constant 0 : index
    %swap3A_1587 = arith.constant 12576 : index
    %swap3A_1588 = vector.load %arg2[%swap3A_1585, %swap3A_1586, %swap3A_1587] : memref<1x32x16384xf32, #tpu.memory_space<vmem>>, vector<1x32x32xf32>
    %swap3A_1589 = vector.shape_cast %swap3A_1588 : vector<1x32x32xf32> to vector<32x32xf32>
    %swap3A_1590 = vector.shape_cast %slice3A_1584 : vector<32x32xf32> to vector<1x32x32xf32>
    tpu.vector_store %arg2[%swap3A_1585, %swap3A_1586, %swap3A_1587], %swap3A_1590 {strides = array<i32>} : memref<1x32x16384xf32, #tpu.memory_space<vmem>>, vector<1x32x32xf32>,
    %slice3A_1591 = vector.extract_strided_slice %dot_general3A_3 {offsets = [32, 3168], sizes = [32, 32], strides = [1, 1]} : vector<128x4096xf32> to vector<32x32xf32>
    %swap3A_1592 = arith.constant 0 : index
    %swap3A_1593 = arith.constant 0 : index
    %swap3A_1594 = arith.constant 12704 : index
    %swap3A_1595 = vector.load %arg2[%swap3A_1592, %swap3A_1593, %swap3A_1594] : memref<1x32x16384xf32, #tpu.memory_space<vmem>>, vector<1x32x32xf32>
    %swap3A_1596 = vector.shape_cast %swap3A_1595 : vector<1x32x32xf32> to vector<32x32xf32>
    %swap3A_1597 = vector.shape_cast %slice3A_1591 : vector<32x32xf32> to vector<1x32x32xf32>
    tpu.vector_store %arg2[%swap3A_1592, %swap3A_1593, %swap3A_1594], %swap3A_1597 {strides = array<i32>} : memref<1x32x16384xf32, #tpu.memory_space<vmem>>, vector<1x32x32xf32>,
    %slice3A_1598 = vector.extract_strided_slice %dot_general3A_3 {offsets = [32, 3200], sizes = [32, 32], strides = [1, 1]} : vector<128x4096xf32> to vector<32x32xf32>
    %swap3A_1599 = arith.constant 0 : index
    %swap3A_1600 = arith.constant 0 : index
    %swap3A_1601 = arith.constant 12832 : index
    %swap3A_1602 = vector.load %arg2[%swap3A_1599, %swap3A_1600, %swap3A_1601] : memref<1x32x16384xf32, #tpu.memory_space<vmem>>, vector<1x32x32xf32>
    %swap3A_1603 = vector.shape_cast %swap3A_1602 : vector<1x32x32xf32> to vector<32x32xf32>
    %swap3A_1604 = vector.shape_cast %slice3A_1598 : vector<32x32xf32> to vector<1x32x32xf32>
    tpu.vector_store %arg2[%swap3A_1599, %swap3A_1600, %swap3A_1601], %swap3A_1604 {strides = array<i32>} : memref<1x32x16384xf32, #tpu.memory_space<vmem>>, vector<1x32x32xf32>,
    %slice3A_1605 = vector.extract_strided_slice %dot_general3A_3 {offsets = [32, 3232], sizes = [32, 32], strides = [1, 1]} : vector<128x4096xf32> to vector<32x32xf32>
    %swap3A_1606 = arith.constant 0 : index
    %swap3A_1607 = arith.constant 0 : index
    %swap3A_1608 = arith.constant 12960 : index
    %swap3A_1609 = vector.load %arg2[%swap3A_1606, %swap3A_1607, %swap3A_1608] : memref<1x32x16384xf32, #tpu.memory_space<vmem>>, vector<1x32x32xf32>
    %swap3A_1610 = vector.shape_cast %swap3A_1609 : vector<1x32x32xf32> to vector<32x32xf32>
    %swap3A_1611 = vector.shape_cast %slice3A_1605 : vector<32x32xf32> to vector<1x32x32xf32>
    tpu.vector_store %arg2[%swap3A_1606, %swap3A_1607, %swap3A_1608], %swap3A_1611 {strides = array<i32>} : memref<1x32x16384xf32, #tpu.memory_space<vmem>>, vector<1x32x32xf32>,
    %slice3A_1612 = vector.extract_strided_slice %dot_general3A_3 {offsets = [32, 3264], sizes = [32, 32], strides = [1, 1]} : vector<128x4096xf32> to vector<32x32xf32>
    %swap3A_1613 = arith.constant 0 : index
    %swap3A_1614 = arith.constant 0 : index
    %swap3A_1615 = arith.constant 13088 : index
    %swap3A_1616 = vector.load %arg2[%swap3A_1613, %swap3A_1614, %swap3A_1615] : memref<1x32x16384xf32, #tpu.memory_space<vmem>>, vector<1x32x32xf32>
    %swap3A_1617 = vector.shape_cast %swap3A_1616 : vector<1x32x32xf32> to vector<32x32xf32>
    %swap3A_1618 = vector.shape_cast %slice3A_1612 : vector<32x32xf32> to vector<1x32x32xf32>
    tpu.vector_store %arg2[%swap3A_1613, %swap3A_1614, %swap3A_1615], %swap3A_1618 {strides = array<i32>} : memref<1x32x16384xf32, #tpu.memory_space<vmem>>, vector<1x32x32xf32>,
    %slice3A_1619 = vector.extract_strided_slice %dot_general3A_3 {offsets = [32, 3296], sizes = [32, 32], strides = [1, 1]} : vector<128x4096xf32> to vector<32x32xf32>
    %swap3A_1620 = arith.constant 0 : index
    %swap3A_1621 = arith.constant 0 : index
    %swap3A_1622 = arith.constant 13216 : index
    %swap3A_1623 = vector.load %arg2[%swap3A_1620, %swap3A_1621, %swap3A_1622] : memref<1x32x16384xf32, #tpu.memory_space<vmem>>, vector<1x32x32xf32>
    %swap3A_1624 = vector.shape_cast %swap3A_1623 : vector<1x32x32xf32> to vector<32x32xf32>
    %swap3A_1625 = vector.shape_cast %slice3A_1619 : vector<32x32xf32> to vector<1x32x32xf32>
    tpu.vector_store %arg2[%swap3A_1620, %swap3A_1621, %swap3A_1622], %swap3A_1625 {strides = array<i32>} : memref<1x32x16384xf32, #tpu.memory_space<vmem>>, vector<1x32x32xf32>,
    %slice3A_1626 = vector.extract_strided_slice %dot_general3A_3 {offsets = [32, 3328], sizes = [32, 32], strides = [1, 1]} : vector<128x4096xf32> to vector<32x32xf32>
    %swap3A_1627 = arith.constant 0 : index
    %swap3A_1628 = arith.constant 0 : index
    %swap3A_1629 = arith.constant 13344 : index
    %swap3A_1630 = vector.load %arg2[%swap3A_1627, %swap3A_1628, %swap3A_1629] : memref<1x32x16384xf32, #tpu.memory_space<vmem>>, vector<1x32x32xf32>
    %swap3A_1631 = vector.shape_cast %swap3A_1630 : vector<1x32x32xf32> to vector<32x32xf32>
    %swap3A_1632 = vector.shape_cast %slice3A_1626 : vector<32x32xf32> to vector<1x32x32xf32>
    tpu.vector_store %arg2[%swap3A_1627, %swap3A_1628, %swap3A_1629], %swap3A_1632 {strides = array<i32>} : memref<1x32x16384xf32, #tpu.memory_space<vmem>>, vector<1x32x32xf32>,
    %slice3A_1633 = vector.extract_strided_slice %dot_general3A_3 {offsets = [32, 3360], sizes = [32, 32], strides = [1, 1]} : vector<128x4096xf32> to vector<32x32xf32>
    %swap3A_1634 = arith.constant 0 : index
    %swap3A_1635 = arith.constant 0 : index
    %swap3A_1636 = arith.constant 13472 : index
    %swap3A_1637 = vector.load %arg2[%swap3A_1634, %swap3A_1635, %swap3A_1636] : memref<1x32x16384xf32, #tpu.memory_space<vmem>>, vector<1x32x32xf32>
    %swap3A_1638 = vector.shape_cast %swap3A_1637 : vector<1x32x32xf32> to vector<32x32xf32>
    %swap3A_1639 = vector.shape_cast %slice3A_1633 : vector<32x32xf32> to vector<1x32x32xf32>
    tpu.vector_store %arg2[%swap3A_1634, %swap3A_1635, %swap3A_1636], %swap3A_1639 {strides = array<i32>} : memref<1x32x16384xf32, #tpu.memory_space<vmem>>, vector<1x32x32xf32>,
    %slice3A_1640 = vector.extract_strided_slice %dot_general3A_3 {offsets = [32, 3392], sizes = [32, 32], strides = [1, 1]} : vector<128x4096xf32> to vector<32x32xf32>
    %swap3A_1641 = arith.constant 0 : index
    %swap3A_1642 = arith.constant 0 : index
    %swap3A_1643 = arith.constant 13600 : index
    %swap3A_1644 = vector.load %arg2[%swap3A_1641, %swap3A_1642, %swap3A_1643] : memref<1x32x16384xf32, #tpu.memory_space<vmem>>, vector<1x32x32xf32>
    %swap3A_1645 = vector.shape_cast %swap3A_1644 : vector<1x32x32xf32> to vector<32x32xf32>
    %swap3A_1646 = vector.shape_cast %slice3A_1640 : vector<32x32xf32> to vector<1x32x32xf32>
    tpu.vector_store %arg2[%swap3A_1641, %swap3A_1642, %swap3A_1643], %swap3A_1646 {strides = array<i32>} : memref<1x32x16384xf32, #tpu.memory_space<vmem>>, vector<1x32x32xf32>,
    %slice3A_1647 = vector.extract_strided_slice %dot_general3A_3 {offsets = [32, 3424], sizes = [32, 32], strides = [1, 1]} : vector<128x4096xf32> to vector<32x32xf32>
    %swap3A_1648 = arith.constant 0 : index
    %swap3A_1649 = arith.constant 0 : index
    %swap3A_1650 = arith.constant 13728 : index
    %swap3A_1651 = vector.load %arg2[%swap3A_1648, %swap3A_1649, %swap3A_1650] : memref<1x32x16384xf32, #tpu.memory_space<vmem>>, vector<1x32x32xf32>
    %swap3A_1652 = vector.shape_cast %swap3A_1651 : vector<1x32x32xf32> to vector<32x32xf32>
    %swap3A_1653 = vector.shape_cast %slice3A_1647 : vector<32x32xf32> to vector<1x32x32xf32>
    tpu.vector_store %arg2[%swap3A_1648, %swap3A_1649, %swap3A_1650], %swap3A_1653 {strides = array<i32>} : memref<1x32x16384xf32, #tpu.memory_space<vmem>>, vector<1x32x32xf32>,
    %slice3A_1654 = vector.extract_strided_slice %dot_general3A_3 {offsets = [32, 3456], sizes = [32, 32], strides = [1, 1]} : vector<128x4096xf32> to vector<32x32xf32>
    %swap3A_1655 = arith.constant 0 : index
    %swap3A_1656 = arith.constant 0 : index
    %swap3A_1657 = arith.constant 13856 : index
    %swap3A_1658 = vector.load %arg2[%swap3A_1655, %swap3A_1656, %swap3A_1657] : memref<1x32x16384xf32, #tpu.memory_space<vmem>>, vector<1x32x32xf32>
    %swap3A_1659 = vector.shape_cast %swap3A_1658 : vector<1x32x32xf32> to vector<32x32xf32>
    %swap3A_1660 = vector.shape_cast %slice3A_1654 : vector<32x32xf32> to vector<1x32x32xf32>
    tpu.vector_store %arg2[%swap3A_1655, %swap3A_1656, %swap3A_1657], %swap3A_1660 {strides = array<i32>} : memref<1x32x16384xf32, #tpu.memory_space<vmem>>, vector<1x32x32xf32>,
    %slice3A_1661 = vector.extract_strided_slice %dot_general3A_3 {offsets = [32, 3488], sizes = [32, 32], strides = [1, 1]} : vector<128x4096xf32> to vector<32x32xf32>
    %swap3A_1662 = arith.constant 0 : index
    %swap3A_1663 = arith.constant 0 : index
    %swap3A_1664 = arith.constant 13984 : index
    %swap3A_1665 = vector.load %arg2[%swap3A_1662, %swap3A_1663, %swap3A_1664] : memref<1x32x16384xf32, #tpu.memory_space<vmem>>, vector<1x32x32xf32>
    %swap3A_1666 = vector.shape_cast %swap3A_1665 : vector<1x32x32xf32> to vector<32x32xf32>
    %swap3A_1667 = vector.shape_cast %slice3A_1661 : vector<32x32xf32> to vector<1x32x32xf32>
    tpu.vector_store %arg2[%swap3A_1662, %swap3A_1663, %swap3A_1664], %swap3A_1667 {strides = array<i32>} : memref<1x32x16384xf32, #tpu.memory_space<vmem>>, vector<1x32x32xf32>,
    %slice3A_1668 = vector.extract_strided_slice %dot_general3A_3 {offsets = [32, 3520], sizes = [32, 32], strides = [1, 1]} : vector<128x4096xf32> to vector<32x32xf32>
    %swap3A_1669 = arith.constant 0 : index
    %swap3A_1670 = arith.constant 0 : index
    %swap3A_1671 = arith.constant 14112 : index
    %swap3A_1672 = vector.load %arg2[%swap3A_1669, %swap3A_1670, %swap3A_1671] : memref<1x32x16384xf32, #tpu.memory_space<vmem>>, vector<1x32x32xf32>
    %swap3A_1673 = vector.shape_cast %swap3A_1672 : vector<1x32x32xf32> to vector<32x32xf32>
    %swap3A_1674 = vector.shape_cast %slice3A_1668 : vector<32x32xf32> to vector<1x32x32xf32>
    tpu.vector_store %arg2[%swap3A_1669, %swap3A_1670, %swap3A_1671], %swap3A_1674 {strides = array<i32>} : memref<1x32x16384xf32, #tpu.memory_space<vmem>>, vector<1x32x32xf32>,
    %slice3A_1675 = vector.extract_strided_slice %dot_general3A_3 {offsets = [32, 3552], sizes = [32, 32], strides = [1, 1]} : vector<128x4096xf32> to vector<32x32xf32>
    %swap3A_1676 = arith.constant 0 : index
    %swap3A_1677 = arith.constant 0 : index
    %swap3A_1678 = arith.constant 14240 : index
    %swap3A_1679 = vector.load %arg2[%swap3A_1676, %swap3A_1677, %swap3A_1678] : memref<1x32x16384xf32, #tpu.memory_space<vmem>>, vector<1x32x32xf32>
    %swap3A_1680 = vector.shape_cast %swap3A_1679 : vector<1x32x32xf32> to vector<32x32xf32>
    %swap3A_1681 = vector.shape_cast %slice3A_1675 : vector<32x32xf32> to vector<1x32x32xf32>
    tpu.vector_store %arg2[%swap3A_1676, %swap3A_1677, %swap3A_1678], %swap3A_1681 {strides = array<i32>} : memref<1x32x16384xf32, #tpu.memory_space<vmem>>, vector<1x32x32xf32>,
    %slice3A_1682 = vector.extract_strided_slice %dot_general3A_3 {offsets = [32, 3584], sizes = [32, 32], strides = [1, 1]} : vector<128x4096xf32> to vector<32x32xf32>
    %swap3A_1683 = arith.constant 0 : index
    %swap3A_1684 = arith.constant 0 : index
    %swap3A_1685 = arith.constant 14368 : index
    %swap3A_1686 = vector.load %arg2[%swap3A_1683, %swap3A_1684, %swap3A_1685] : memref<1x32x16384xf32, #tpu.memory_space<vmem>>, vector<1x32x32xf32>
    %swap3A_1687 = vector.shape_cast %swap3A_1686 : vector<1x32x32xf32> to vector<32x32xf32>
    %swap3A_1688 = vector.shape_cast %slice3A_1682 : vector<32x32xf32> to vector<1x32x32xf32>
    tpu.vector_store %arg2[%swap3A_1683, %swap3A_1684, %swap3A_1685], %swap3A_1688 {strides = array<i32>} : memref<1x32x16384xf32, #tpu.memory_space<vmem>>, vector<1x32x32xf32>,
    %slice3A_1689 = vector.extract_strided_slice %dot_general3A_3 {offsets = [32, 3616], sizes = [32, 32], strides = [1, 1]} : vector<128x4096xf32> to vector<32x32xf32>
    %swap3A_1690 = arith.constant 0 : index
    %swap3A_1691 = arith.constant 0 : index
    %swap3A_1692 = arith.constant 14496 : index
    %swap3A_1693 = vector.load %arg2[%swap3A_1690, %swap3A_1691, %swap3A_1692] : memref<1x32x16384xf32, #tpu.memory_space<vmem>>, vector<1x32x32xf32>
    %swap3A_1694 = vector.shape_cast %swap3A_1693 : vector<1x32x32xf32> to vector<32x32xf32>
    %swap3A_1695 = vector.shape_cast %slice3A_1689 : vector<32x32xf32> to vector<1x32x32xf32>
    tpu.vector_store %arg2[%swap3A_1690, %swap3A_1691, %swap3A_1692], %swap3A_1695 {strides = array<i32>} : memref<1x32x16384xf32, #tpu.memory_space<vmem>>, vector<1x32x32xf32>,
    %slice3A_1696 = vector.extract_strided_slice %dot_general3A_3 {offsets = [32, 3648], sizes = [32, 32], strides = [1, 1]} : vector<128x4096xf32> to vector<32x32xf32>
    %swap3A_1697 = arith.constant 0 : index
    %swap3A_1698 = arith.constant 0 : index
    %swap3A_1699 = arith.constant 14624 : index
    %swap3A_1700 = vector.load %arg2[%swap3A_1697, %swap3A_1698, %swap3A_1699] : memref<1x32x16384xf32, #tpu.memory_space<vmem>>, vector<1x32x32xf32>
    %swap3A_1701 = vector.shape_cast %swap3A_1700 : vector<1x32x32xf32> to vector<32x32xf32>
    %swap3A_1702 = vector.shape_cast %slice3A_1696 : vector<32x32xf32> to vector<1x32x32xf32>
    tpu.vector_store %arg2[%swap3A_1697, %swap3A_1698, %swap3A_1699], %swap3A_1702 {strides = array<i32>} : memref<1x32x16384xf32, #tpu.memory_space<vmem>>, vector<1x32x32xf32>,
    %slice3A_1703 = vector.extract_strided_slice %dot_general3A_3 {offsets = [32, 3680], sizes = [32, 32], strides = [1, 1]} : vector<128x4096xf32> to vector<32x32xf32>
    %swap3A_1704 = arith.constant 0 : index
    %swap3A_1705 = arith.constant 0 : index
    %swap3A_1706 = arith.constant 14752 : index
    %swap3A_1707 = vector.load %arg2[%swap3A_1704, %swap3A_1705, %swap3A_1706] : memref<1x32x16384xf32, #tpu.memory_space<vmem>>, vector<1x32x32xf32>
    %swap3A_1708 = vector.shape_cast %swap3A_1707 : vector<1x32x32xf32> to vector<32x32xf32>
    %swap3A_1709 = vector.shape_cast %slice3A_1703 : vector<32x32xf32> to vector<1x32x32xf32>
    tpu.vector_store %arg2[%swap3A_1704, %swap3A_1705, %swap3A_1706], %swap3A_1709 {strides = array<i32>} : memref<1x32x16384xf32, #tpu.memory_space<vmem>>, vector<1x32x32xf32>,
    %slice3A_1710 = vector.extract_strided_slice %dot_general3A_3 {offsets = [32, 3712], sizes = [32, 32], strides = [1, 1]} : vector<128x4096xf32> to vector<32x32xf32>
    %swap3A_1711 = arith.constant 0 : index
    %swap3A_1712 = arith.constant 0 : index
    %swap3A_1713 = arith.constant 14880 : index
    %swap3A_1714 = vector.load %arg2[%swap3A_1711, %swap3A_1712, %swap3A_1713] : memref<1x32x16384xf32, #tpu.memory_space<vmem>>, vector<1x32x32xf32>
    %swap3A_1715 = vector.shape_cast %swap3A_1714 : vector<1x32x32xf32> to vector<32x32xf32>
    %swap3A_1716 = vector.shape_cast %slice3A_1710 : vector<32x32xf32> to vector<1x32x32xf32>
    tpu.vector_store %arg2[%swap3A_1711, %swap3A_1712, %swap3A_1713], %swap3A_1716 {strides = array<i32>} : memref<1x32x16384xf32, #tpu.memory_space<vmem>>, vector<1x32x32xf32>,
    %slice3A_1717 = vector.extract_strided_slice %dot_general3A_3 {offsets = [32, 3744], sizes = [32, 32], strides = [1, 1]} : vector<128x4096xf32> to vector<32x32xf32>
    %swap3A_1718 = arith.constant 0 : index
    %swap3A_1719 = arith.constant 0 : index
    %swap3A_1720 = arith.constant 15008 : index
    %swap3A_1721 = vector.load %arg2[%swap3A_1718, %swap3A_1719, %swap3A_1720] : memref<1x32x16384xf32, #tpu.memory_space<vmem>>, vector<1x32x32xf32>
    %swap3A_1722 = vector.shape_cast %swap3A_1721 : vector<1x32x32xf32> to vector<32x32xf32>
    %swap3A_1723 = vector.shape_cast %slice3A_1717 : vector<32x32xf32> to vector<1x32x32xf32>
    tpu.vector_store %arg2[%swap3A_1718, %swap3A_1719, %swap3A_1720], %swap3A_1723 {strides = array<i32>} : memref<1x32x16384xf32, #tpu.memory_space<vmem>>, vector<1x32x32xf32>,
    %slice3A_1724 = vector.extract_strided_slice %dot_general3A_3 {offsets = [32, 3776], sizes = [32, 32], strides = [1, 1]} : vector<128x4096xf32> to vector<32x32xf32>
    %swap3A_1725 = arith.constant 0 : index
    %swap3A_1726 = arith.constant 0 : index
    %swap3A_1727 = arith.constant 15136 : index
    %swap3A_1728 = vector.load %arg2[%swap3A_1725, %swap3A_1726, %swap3A_1727] : memref<1x32x16384xf32, #tpu.memory_space<vmem>>, vector<1x32x32xf32>
    %swap3A_1729 = vector.shape_cast %swap3A_1728 : vector<1x32x32xf32> to vector<32x32xf32>
    %swap3A_1730 = vector.shape_cast %slice3A_1724 : vector<32x32xf32> to vector<1x32x32xf32>
    tpu.vector_store %arg2[%swap3A_1725, %swap3A_1726, %swap3A_1727], %swap3A_1730 {strides = array<i32>} : memref<1x32x16384xf32, #tpu.memory_space<vmem>>, vector<1x32x32xf32>,
    %slice3A_1731 = vector.extract_strided_slice %dot_general3A_3 {offsets = [32, 3808], sizes = [32, 32], strides = [1, 1]} : vector<128x4096xf32> to vector<32x32xf32>
    %swap3A_1732 = arith.constant 0 : index
    %swap3A_1733 = arith.constant 0 : index
    %swap3A_1734 = arith.constant 15264 : index
    %swap3A_1735 = vector.load %arg2[%swap3A_1732, %swap3A_1733, %swap3A_1734] : memref<1x32x16384xf32, #tpu.memory_space<vmem>>, vector<1x32x32xf32>
    %swap3A_1736 = vector.shape_cast %swap3A_1735 : vector<1x32x32xf32> to vector<32x32xf32>
    %swap3A_1737 = vector.shape_cast %slice3A_1731 : vector<32x32xf32> to vector<1x32x32xf32>
    tpu.vector_store %arg2[%swap3A_1732, %swap3A_1733, %swap3A_1734], %swap3A_1737 {strides = array<i32>} : memref<1x32x16384xf32, #tpu.memory_space<vmem>>, vector<1x32x32xf32>,
    %slice3A_1738 = vector.extract_strided_slice %dot_general3A_3 {offsets = [32, 3840], sizes = [32, 32], strides = [1, 1]} : vector<128x4096xf32> to vector<32x32xf32>
    %swap3A_1739 = arith.constant 0 : index
    %swap3A_1740 = arith.constant 0 : index
    %swap3A_1741 = arith.constant 15392 : index
    %swap3A_1742 = vector.load %arg2[%swap3A_1739, %swap3A_1740, %swap3A_1741] : memref<1x32x16384xf32, #tpu.memory_space<vmem>>, vector<1x32x32xf32>
    %swap3A_1743 = vector.shape_cast %swap3A_1742 : vector<1x32x32xf32> to vector<32x32xf32>
    %swap3A_1744 = vector.shape_cast %slice3A_1738 : vector<32x32xf32> to vector<1x32x32xf32>
    tpu.vector_store %arg2[%swap3A_1739, %swap3A_1740, %swap3A_1741], %swap3A_1744 {strides = array<i32>} : memref<1x32x16384xf32, #tpu.memory_space<vmem>>, vector<1x32x32xf32>,
    %slice3A_1745 = vector.extract_strided_slice %dot_general3A_3 {offsets = [32, 3872], sizes = [32, 32], strides = [1, 1]} : vector<128x4096xf32> to vector<32x32xf32>
    %swap3A_1746 = arith.constant 0 : index
    %swap3A_1747 = arith.constant 0 : index
    %swap3A_1748 = arith.constant 15520 : index
    %swap3A_1749 = vector.load %arg2[%swap3A_1746, %swap3A_1747, %swap3A_1748] : memref<1x32x16384xf32, #tpu.memory_space<vmem>>, vector<1x32x32xf32>
    %swap3A_1750 = vector.shape_cast %swap3A_1749 : vector<1x32x32xf32> to vector<32x32xf32>
    %swap3A_1751 = vector.shape_cast %slice3A_1745 : vector<32x32xf32> to vector<1x32x32xf32>
    tpu.vector_store %arg2[%swap3A_1746, %swap3A_1747, %swap3A_1748], %swap3A_1751 {strides = array<i32>} : memref<1x32x16384xf32, #tpu.memory_space<vmem>>, vector<1x32x32xf32>,
    %slice3A_1752 = vector.extract_strided_slice %dot_general3A_3 {offsets = [32, 3904], sizes = [32, 32], strides = [1, 1]} : vector<128x4096xf32> to vector<32x32xf32>
    %swap3A_1753 = arith.constant 0 : index
    %swap3A_1754 = arith.constant 0 : index
    %swap3A_1755 = arith.constant 15648 : index
    %swap3A_1756 = vector.load %arg2[%swap3A_1753, %swap3A_1754, %swap3A_1755] : memref<1x32x16384xf32, #tpu.memory_space<vmem>>, vector<1x32x32xf32>
    %swap3A_1757 = vector.shape_cast %swap3A_1756 : vector<1x32x32xf32> to vector<32x32xf32>
    %swap3A_1758 = vector.shape_cast %slice3A_1752 : vector<32x32xf32> to vector<1x32x32xf32>
    tpu.vector_store %arg2[%swap3A_1753, %swap3A_1754, %swap3A_1755], %swap3A_1758 {strides = array<i32>} : memref<1x32x16384xf32, #tpu.memory_space<vmem>>, vector<1x32x32xf32>,
    %slice3A_1759 = vector.extract_strided_slice %dot_general3A_3 {offsets = [32, 3936], sizes = [32, 32], strides = [1, 1]} : vector<128x4096xf32> to vector<32x32xf32>
    %swap3A_1760 = arith.constant 0 : index
    %swap3A_1761 = arith.constant 0 : index
    %swap3A_1762 = arith.constant 15776 : index
    %swap3A_1763 = vector.load %arg2[%swap3A_1760, %swap3A_1761, %swap3A_1762] : memref<1x32x16384xf32, #tpu.memory_space<vmem>>, vector<1x32x32xf32>
    %swap3A_1764 = vector.shape_cast %swap3A_1763 : vector<1x32x32xf32> to vector<32x32xf32>
    %swap3A_1765 = vector.shape_cast %slice3A_1759 : vector<32x32xf32> to vector<1x32x32xf32>
    tpu.vector_store %arg2[%swap3A_1760, %swap3A_1761, %swap3A_1762], %swap3A_1765 {strides = array<i32>} : memref<1x32x16384xf32, #tpu.memory_space<vmem>>, vector<1x32x32xf32>,
    %slice3A_1766 = vector.extract_strided_slice %dot_general3A_3 {offsets = [32, 3968], sizes = [32, 32], strides = [1, 1]} : vector<128x4096xf32> to vector<32x32xf32>
    %swap3A_1767 = arith.constant 0 : index
    %swap3A_1768 = arith.constant 0 : index
    %swap3A_1769 = arith.constant 15904 : index
    %swap3A_1770 = vector.load %arg2[%swap3A_1767, %swap3A_1768, %swap3A_1769] : memref<1x32x16384xf32, #tpu.memory_space<vmem>>, vector<1x32x32xf32>
    %swap3A_1771 = vector.shape_cast %swap3A_1770 : vector<1x32x32xf32> to vector<32x32xf32>
    %swap3A_1772 = vector.shape_cast %slice3A_1766 : vector<32x32xf32> to vector<1x32x32xf32>
    tpu.vector_store %arg2[%swap3A_1767, %swap3A_1768, %swap3A_1769], %swap3A_1772 {strides = array<i32>} : memref<1x32x16384xf32, #tpu.memory_space<vmem>>, vector<1x32x32xf32>,
    %slice3A_1773 = vector.extract_strided_slice %dot_general3A_3 {offsets = [32, 4000], sizes = [32, 32], strides = [1, 1]} : vector<128x4096xf32> to vector<32x32xf32>
    %swap3A_1774 = arith.constant 0 : index
    %swap3A_1775 = arith.constant 0 : index
    %swap3A_1776 = arith.constant 16032 : index
    %swap3A_1777 = vector.load %arg2[%swap3A_1774, %swap3A_1775, %swap3A_1776] : memref<1x32x16384xf32, #tpu.memory_space<vmem>>, vector<1x32x32xf32>
    %swap3A_1778 = vector.shape_cast %swap3A_1777 : vector<1x32x32xf32> to vector<32x32xf32>
    %swap3A_1779 = vector.shape_cast %slice3A_1773 : vector<32x32xf32> to vector<1x32x32xf32>
    tpu.vector_store %arg2[%swap3A_1774, %swap3A_1775, %swap3A_1776], %swap3A_1779 {strides = array<i32>} : memref<1x32x16384xf32, #tpu.memory_space<vmem>>, vector<1x32x32xf32>,
    %slice3A_1780 = vector.extract_strided_slice %dot_general3A_3 {offsets = [32, 4032], sizes = [32, 32], strides = [1, 1]} : vector<128x4096xf32> to vector<32x32xf32>
    %swap3A_1781 = arith.constant 0 : index
    %swap3A_1782 = arith.constant 0 : index
    %swap3A_1783 = arith.constant 16160 : index
    %swap3A_1784 = vector.load %arg2[%swap3A_1781, %swap3A_1782, %swap3A_1783] : memref<1x32x16384xf32, #tpu.memory_space<vmem>>, vector<1x32x32xf32>
    %swap3A_1785 = vector.shape_cast %swap3A_1784 : vector<1x32x32xf32> to vector<32x32xf32>
    %swap3A_1786 = vector.shape_cast %slice3A_1780 : vector<32x32xf32> to vector<1x32x32xf32>
    tpu.vector_store %arg2[%swap3A_1781, %swap3A_1782, %swap3A_1783], %swap3A_1786 {strides = array<i32>} : memref<1x32x16384xf32, #tpu.memory_space<vmem>>, vector<1x32x32xf32>,
    %slice3A_1787 = vector.extract_strided_slice %dot_general3A_3 {offsets = [32, 4064], sizes = [32, 32], strides = [1, 1]} : vector<128x4096xf32> to vector<32x32xf32>
    %swap3A_1788 = arith.constant 0 : index
    %swap3A_1789 = arith.constant 0 : index
    %swap3A_1790 = arith.constant 16288 : index
    %swap3A_1791 = vector.load %arg2[%swap3A_1788, %swap3A_1789, %swap3A_1790] : memref<1x32x16384xf32, #tpu.memory_space<vmem>>, vector<1x32x32xf32>
    %swap3A_1792 = vector.shape_cast %swap3A_1791 : vector<1x32x32xf32> to vector<32x32xf32>
    %swap3A_1793 = vector.shape_cast %slice3A_1787 : vector<32x32xf32> to vector<1x32x32xf32>
    tpu.vector_store %arg2[%swap3A_1788, %swap3A_1789, %swap3A_1790], %swap3A_1793 {strides = array<i32>} : memref<1x32x16384xf32, #tpu.memory_space<vmem>>, vector<1x32x32xf32>,
    %slice3A_1794 = vector.extract_strided_slice %dot_general3A_3 {offsets = [64, 0], sizes = [32, 32], strides = [1, 1]} : vector<128x4096xf32> to vector<32x32xf32>
    %swap3A_1795 = arith.constant 0 : index
    %swap3A_1796 = arith.constant 0 : index
    %swap3A_1797 = arith.constant 64 : index
    %swap3A_1798 = vector.load %arg2[%swap3A_1795, %swap3A_1796, %swap3A_1797] : memref<1x32x16384xf32, #tpu.memory_space<vmem>>, vector<1x32x32xf32>
    %swap3A_1799 = vector.shape_cast %swap3A_1798 : vector<1x32x32xf32> to vector<32x32xf32>
    %swap3A_1800 = vector.shape_cast %slice3A_1794 : vector<32x32xf32> to vector<1x32x32xf32>
    tpu.vector_store %arg2[%swap3A_1795, %swap3A_1796, %swap3A_1797], %swap3A_1800 {strides = array<i32>} : memref<1x32x16384xf32, #tpu.memory_space<vmem>>, vector<1x32x32xf32>,
    %slice3A_1801 = vector.extract_strided_slice %dot_general3A_3 {offsets = [64, 32], sizes = [32, 32], strides = [1, 1]} : vector<128x4096xf32> to vector<32x32xf32>
    %swap3A_1802 = arith.constant 0 : index
    %swap3A_1803 = arith.constant 0 : index
    %swap3A_1804 = arith.constant 192 : index
    %swap3A_1805 = vector.load %arg2[%swap3A_1802, %swap3A_1803, %swap3A_1804] : memref<1x32x16384xf32, #tpu.memory_space<vmem>>, vector<1x32x32xf32>
    %swap3A_1806 = vector.shape_cast %swap3A_1805 : vector<1x32x32xf32> to vector<32x32xf32>
    %swap3A_1807 = vector.shape_cast %slice3A_1801 : vector<32x32xf32> to vector<1x32x32xf32>
    tpu.vector_store %arg2[%swap3A_1802, %swap3A_1803, %swap3A_1804], %swap3A_1807 {strides = array<i32>} : memref<1x32x16384xf32, #tpu.memory_space<vmem>>, vector<1x32x32xf32>,
    %slice3A_1808 = vector.extract_strided_slice %dot_general3A_3 {offsets = [64, 64], sizes = [32, 32], strides = [1, 1]} : vector<128x4096xf32> to vector<32x32xf32>
    %swap3A_1809 = arith.constant 0 : index
    %swap3A_1810 = arith.constant 0 : index
    %swap3A_1811 = arith.constant 320 : index
    %swap3A_1812 = vector.load %arg2[%swap3A_1809, %swap3A_1810, %swap3A_1811] : memref<1x32x16384xf32, #tpu.memory_space<vmem>>, vector<1x32x32xf32>
    %swap3A_1813 = vector.shape_cast %swap3A_1812 : vector<1x32x32xf32> to vector<32x32xf32>
    %swap3A_1814 = vector.shape_cast %slice3A_1808 : vector<32x32xf32> to vector<1x32x32xf32>
    tpu.vector_store %arg2[%swap3A_1809, %swap3A_1810, %swap3A_1811], %swap3A_1814 {strides = array<i32>} : memref<1x32x16384xf32, #tpu.memory_space<vmem>>, vector<1x32x32xf32>,
    %slice3A_1815 = vector.extract_strided_slice %dot_general3A_3 {offsets = [64, 96], sizes = [32, 32], strides = [1, 1]} : vector<128x4096xf32> to vector<32x32xf32>
    %swap3A_1816 = arith.constant 0 : index
    %swap3A_1817 = arith.constant 0 : index
    %swap3A_1818 = arith.constant 448 : index
    %swap3A_1819 = vector.load %arg2[%swap3A_1816, %swap3A_1817, %swap3A_1818] : memref<1x32x16384xf32, #tpu.memory_space<vmem>>, vector<1x32x32xf32>
    %swap3A_1820 = vector.shape_cast %swap3A_1819 : vector<1x32x32xf32> to vector<32x32xf32>
    %swap3A_1821 = vector.shape_cast %slice3A_1815 : vector<32x32xf32> to vector<1x32x32xf32>
    tpu.vector_store %arg2[%swap3A_1816, %swap3A_1817, %swap3A_1818], %swap3A_1821 {strides = array<i32>} : memref<1x32x16384xf32, #tpu.memory_space<vmem>>, vector<1x32x32xf32>,
    %slice3A_1822 = vector.extract_strided_slice %dot_general3A_3 {offsets = [64, 128], sizes = [32, 32], strides = [1, 1]} : vector<128x4096xf32> to vector<32x32xf32>
    %swap3A_1823 = arith.constant 0 : index
    %swap3A_1824 = arith.constant 0 : index
    %swap3A_1825 = arith.constant 576 : index
    %swap3A_1826 = vector.load %arg2[%swap3A_1823, %swap3A_1824, %swap3A_1825] : memref<1x32x16384xf32, #tpu.memory_space<vmem>>, vector<1x32x32xf32>
    %swap3A_1827 = vector.shape_cast %swap3A_1826 : vector<1x32x32xf32> to vector<32x32xf32>
    %swap3A_1828 = vector.shape_cast %slice3A_1822 : vector<32x32xf32> to vector<1x32x32xf32>
    tpu.vector_store %arg2[%swap3A_1823, %swap3A_1824, %swap3A_1825], %swap3A_1828 {strides = array<i32>} : memref<1x32x16384xf32, #tpu.memory_space<vmem>>, vector<1x32x32xf32>,
    %slice3A_1829 = vector.extract_strided_slice %dot_general3A_3 {offsets = [64, 160], sizes = [32, 32], strides = [1, 1]} : vector<128x4096xf32> to vector<32x32xf32>
    %swap3A_1830 = arith.constant 0 : index
    %swap3A_1831 = arith.constant 0 : index
    %swap3A_1832 = arith.constant 704 : index
    %swap3A_1833 = vector.load %arg2[%swap3A_1830, %swap3A_1831, %swap3A_1832] : memref<1x32x16384xf32, #tpu.memory_space<vmem>>, vector<1x32x32xf32>
    %swap3A_1834 = vector.shape_cast %swap3A_1833 : vector<1x32x32xf32> to vector<32x32xf32>
    %swap3A_1835 = vector.shape_cast %slice3A_1829 : vector<32x32xf32> to vector<1x32x32xf32>
    tpu.vector_store %arg2[%swap3A_1830, %swap3A_1831, %swap3A_1832], %swap3A_1835 {strides = array<i32>} : memref<1x32x16384xf32, #tpu.memory_space<vmem>>, vector<1x32x32xf32>,
    %slice3A_1836 = vector.extract_strided_slice %dot_general3A_3 {offsets = [64, 192], sizes = [32, 32], strides = [1, 1]} : vector<128x4096xf32> to vector<32x32xf32>
    %swap3A_1837 = arith.constant 0 : index
    %swap3A_1838 = arith.constant 0 : index
    %swap3A_1839 = arith.constant 832 : index
    %swap3A_1840 = vector.load %arg2[%swap3A_1837, %swap3A_1838, %swap3A_1839] : memref<1x32x16384xf32, #tpu.memory_space<vmem>>, vector<1x32x32xf32>
    %swap3A_1841 = vector.shape_cast %swap3A_1840 : vector<1x32x32xf32> to vector<32x32xf32>
    %swap3A_1842 = vector.shape_cast %slice3A_1836 : vector<32x32xf32> to vector<1x32x32xf32>
    tpu.vector_store %arg2[%swap3A_1837, %swap3A_1838, %swap3A_1839], %swap3A_1842 {strides = array<i32>} : memref<1x32x16384xf32, #tpu.memory_space<vmem>>, vector<1x32x32xf32>,
    %slice3A_1843 = vector.extract_strided_slice %dot_general3A_3 {offsets = [64, 224], sizes = [32, 32], strides = [1, 1]} : vector<128x4096xf32> to vector<32x32xf32>
    %swap3A_1844 = arith.constant 0 : index
    %swap3A_1845 = arith.constant 0 : index
    %swap3A_1846 = arith.constant 960 : index
    %swap3A_1847 = vector.load %arg2[%swap3A_1844, %swap3A_1845, %swap3A_1846] : memref<1x32x16384xf32, #tpu.memory_space<vmem>>, vector<1x32x32xf32>
    %swap3A_1848 = vector.shape_cast %swap3A_1847 : vector<1x32x32xf32> to vector<32x32xf32>
    %swap3A_1849 = vector.shape_cast %slice3A_1843 : vector<32x32xf32> to vector<1x32x32xf32>
    tpu.vector_store %arg2[%swap3A_1844, %swap3A_1845, %swap3A_1846], %swap3A_1849 {strides = array<i32>} : memref<1x32x16384xf32, #tpu.memory_space<vmem>>, vector<1x32x32xf32>,
    %slice3A_1850 = vector.extract_strided_slice %dot_general3A_3 {offsets = [64, 256], sizes = [32, 32], strides = [1, 1]} : vector<128x4096xf32> to vector<32x32xf32>
    %swap3A_1851 = arith.constant 0 : index
    %swap3A_1852 = arith.constant 0 : index
    %swap3A_1853 = arith.constant 1088 : index
    %swap3A_1854 = vector.load %arg2[%swap3A_1851, %swap3A_1852, %swap3A_1853] : memref<1x32x16384xf32, #tpu.memory_space<vmem>>, vector<1x32x32xf32>
    %swap3A_1855 = vector.shape_cast %swap3A_1854 : vector<1x32x32xf32> to vector<32x32xf32>
    %swap3A_1856 = vector.shape_cast %slice3A_1850 : vector<32x32xf32> to vector<1x32x32xf32>
    tpu.vector_store %arg2[%swap3A_1851, %swap3A_1852, %swap3A_1853], %swap3A_1856 {strides = array<i32>} : memref<1x32x16384xf32, #tpu.memory_space<vmem>>, vector<1x32x32xf32>,
    %slice3A_1857 = vector.extract_strided_slice %dot_general3A_3 {offsets = [64, 288], sizes = [32, 32], strides = [1, 1]} : vector<128x4096xf32> to vector<32x32xf32>
    %swap3A_1858 = arith.constant 0 : index
    %swap3A_1859 = arith.constant 0 : index
    %swap3A_1860 = arith.constant 1216 : index
    %swap3A_1861 = vector.load %arg2[%swap3A_1858, %swap3A_1859, %swap3A_1860] : memref<1x32x16384xf32, #tpu.memory_space<vmem>>, vector<1x32x32xf32>
    %swap3A_1862 = vector.shape_cast %swap3A_1861 : vector<1x32x32xf32> to vector<32x32xf32>
    %swap3A_1863 = vector.shape_cast %slice3A_1857 : vector<32x32xf32> to vector<1x32x32xf32>
    tpu.vector_store %arg2[%swap3A_1858, %swap3A_1859, %swap3A_1860], %swap3A_1863 {strides = array<i32>} : memref<1x32x16384xf32, #tpu.memory_space<vmem>>, vector<1x32x32xf32>,
    %slice3A_1864 = vector.extract_strided_slice %dot_general3A_3 {offsets = [64, 320], sizes = [32, 32], strides = [1, 1]} : vector<128x4096xf32> to vector<32x32xf32>
    %swap3A_1865 = arith.constant 0 : index
    %swap3A_1866 = arith.constant 0 : index
    %swap3A_1867 = arith.constant 1344 : index
    %swap3A_1868 = vector.load %arg2[%swap3A_1865, %swap3A_1866, %swap3A_1867] : memref<1x32x16384xf32, #tpu.memory_space<vmem>>, vector<1x32x32xf32>
    %swap3A_1869 = vector.shape_cast %swap3A_1868 : vector<1x32x32xf32> to vector<32x32xf32>
    %swap3A_1870 = vector.shape_cast %slice3A_1864 : vector<32x32xf32> to vector<1x32x32xf32>
    tpu.vector_store %arg2[%swap3A_1865, %swap3A_1866, %swap3A_1867], %swap3A_1870 {strides = array<i32>} : memref<1x32x16384xf32, #tpu.memory_space<vmem>>, vector<1x32x32xf32>,
    %slice3A_1871 = vector.extract_strided_slice %dot_general3A_3 {offsets = [64, 352], sizes = [32, 32], strides = [1, 1]} : vector<128x4096xf32> to vector<32x32xf32>
    %swap3A_1872 = arith.constant 0 : index
    %swap3A_1873 = arith.constant 0 : index
    %swap3A_1874 = arith.constant 1472 : index
    %swap3A_1875 = vector.load %arg2[%swap3A_1872, %swap3A_1873, %swap3A_1874] : memref<1x32x16384xf32, #tpu.memory_space<vmem>>, vector<1x32x32xf32>
    %swap3A_1876 = vector.shape_cast %swap3A_1875 : vector<1x32x32xf32> to vector<32x32xf32>
    %swap3A_1877 = vector.shape_cast %slice3A_1871 : vector<32x32xf32> to vector<1x32x32xf32>
    tpu.vector_store %arg2[%swap3A_1872, %swap3A_1873, %swap3A_1874], %swap3A_1877 {strides = array<i32>} : memref<1x32x16384xf32, #tpu.memory_space<vmem>>, vector<1x32x32xf32>,
    %slice3A_1878 = vector.extract_strided_slice %dot_general3A_3 {offsets = [64, 384], sizes = [32, 32], strides = [1, 1]} : vector<128x4096xf32> to vector<32x32xf32>
    %swap3A_1879 = arith.constant 0 : index
    %swap3A_1880 = arith.constant 0 : index
    %swap3A_1881 = arith.constant 1600 : index
    %swap3A_1882 = vector.load %arg2[%swap3A_1879, %swap3A_1880, %swap3A_1881] : memref<1x32x16384xf32, #tpu.memory_space<vmem>>, vector<1x32x32xf32>
    %swap3A_1883 = vector.shape_cast %swap3A_1882 : vector<1x32x32xf32> to vector<32x32xf32>
    %swap3A_1884 = vector.shape_cast %slice3A_1878 : vector<32x32xf32> to vector<1x32x32xf32>
    tpu.vector_store %arg2[%swap3A_1879, %swap3A_1880, %swap3A_1881], %swap3A_1884 {strides = array<i32>} : memref<1x32x16384xf32, #tpu.memory_space<vmem>>, vector<1x32x32xf32>,
    %slice3A_1885 = vector.extract_strided_slice %dot_general3A_3 {offsets = [64, 416], sizes = [32, 32], strides = [1, 1]} : vector<128x4096xf32> to vector<32x32xf32>
    %swap3A_1886 = arith.constant 0 : index
    %swap3A_1887 = arith.constant 0 : index
    %swap3A_1888 = arith.constant 1728 : index
    %swap3A_1889 = vector.load %arg2[%swap3A_1886, %swap3A_1887, %swap3A_1888] : memref<1x32x16384xf32, #tpu.memory_space<vmem>>, vector<1x32x32xf32>
    %swap3A_1890 = vector.shape_cast %swap3A_1889 : vector<1x32x32xf32> to vector<32x32xf32>
    %swap3A_1891 = vector.shape_cast %slice3A_1885 : vector<32x32xf32> to vector<1x32x32xf32>
    tpu.vector_store %arg2[%swap3A_1886, %swap3A_1887, %swap3A_1888], %swap3A_1891 {strides = array<i32>} : memref<1x32x16384xf32, #tpu.memory_space<vmem>>, vector<1x32x32xf32>,
    %slice3A_1892 = vector.extract_strided_slice %dot_general3A_3 {offsets = [64, 448], sizes = [32, 32], strides = [1, 1]} : vector<128x4096xf32> to vector<32x32xf32>
    %swap3A_1893 = arith.constant 0 : index
    %swap3A_1894 = arith.constant 0 : index
    %swap3A_1895 = arith.constant 1856 : index
    %swap3A_1896 = vector.load %arg2[%swap3A_1893, %swap3A_1894, %swap3A_1895] : memref<1x32x16384xf32, #tpu.memory_space<vmem>>, vector<1x32x32xf32>
    %swap3A_1897 = vector.shape_cast %swap3A_1896 : vector<1x32x32xf32> to vector<32x32xf32>
    %swap3A_1898 = vector.shape_cast %slice3A_1892 : vector<32x32xf32> to vector<1x32x32xf32>
    tpu.vector_store %arg2[%swap3A_1893, %swap3A_1894, %swap3A_1895], %swap3A_1898 {strides = array<i32>} : memref<1x32x16384xf32, #tpu.memory_space<vmem>>, vector<1x32x32xf32>,
    %slice3A_1899 = vector.extract_strided_slice %dot_general3A_3 {offsets = [64, 480], sizes = [32, 32], strides = [1, 1]} : vector<128x4096xf32> to vector<32x32xf32>
    %swap3A_1900 = arith.constant 0 : index
    %swap3A_1901 = arith.constant 0 : index
    %swap3A_1902 = arith.constant 1984 : index
    %swap3A_1903 = vector.load %arg2[%swap3A_1900, %swap3A_1901, %swap3A_1902] : memref<1x32x16384xf32, #tpu.memory_space<vmem>>, vector<1x32x32xf32>
    %swap3A_1904 = vector.shape_cast %swap3A_1903 : vector<1x32x32xf32> to vector<32x32xf32>
    %swap3A_1905 = vector.shape_cast %slice3A_1899 : vector<32x32xf32> to vector<1x32x32xf32>
    tpu.vector_store %arg2[%swap3A_1900, %swap3A_1901, %swap3A_1902], %swap3A_1905 {strides = array<i32>} : memref<1x32x16384xf32, #tpu.memory_space<vmem>>, vector<1x32x32xf32>,
    %slice3A_1906 = vector.extract_strided_slice %dot_general3A_3 {offsets = [64, 512], sizes = [32, 32], strides = [1, 1]} : vector<128x4096xf32> to vector<32x32xf32>
    %swap3A_1907 = arith.constant 0 : index
    %swap3A_1908 = arith.constant 0 : index
    %swap3A_1909 = arith.constant 2112 : index
    %swap3A_1910 = vector.load %arg2[%swap3A_1907, %swap3A_1908, %swap3A_1909] : memref<1x32x16384xf32, #tpu.memory_space<vmem>>, vector<1x32x32xf32>
    %swap3A_1911 = vector.shape_cast %swap3A_1910 : vector<1x32x32xf32> to vector<32x32xf32>
    %swap3A_1912 = vector.shape_cast %slice3A_1906 : vector<32x32xf32> to vector<1x32x32xf32>
    tpu.vector_store %arg2[%swap3A_1907, %swap3A_1908, %swap3A_1909], %swap3A_1912 {strides = array<i32>} : memref<1x32x16384xf32, #tpu.memory_space<vmem>>, vector<1x32x32xf32>,
    %slice3A_1913 = vector.extract_strided_slice %dot_general3A_3 {offsets = [64, 544], sizes = [32, 32], strides = [1, 1]} : vector<128x4096xf32> to vector<32x32xf32>
    %swap3A_1914 = arith.constant 0 : index
    %swap3A_1915 = arith.constant 0 : index
    %swap3A_1916 = arith.constant 2240 : index
    %swap3A_1917 = vector.load %arg2[%swap3A_1914, %swap3A_1915, %swap3A_1916] : memref<1x32x16384xf32, #tpu.memory_space<vmem>>, vector<1x32x32xf32>
    %swap3A_1918 = vector.shape_cast %swap3A_1917 : vector<1x32x32xf32> to vector<32x32xf32>
    %swap3A_1919 = vector.shape_cast %slice3A_1913 : vector<32x32xf32> to vector<1x32x32xf32>
    tpu.vector_store %arg2[%swap3A_1914, %swap3A_1915, %swap3A_1916], %swap3A_1919 {strides = array<i32>} : memref<1x32x16384xf32, #tpu.memory_space<vmem>>, vector<1x32x32xf32>,
    %slice3A_1920 = vector.extract_strided_slice %dot_general3A_3 {offsets = [64, 576], sizes = [32, 32], strides = [1, 1]} : vector<128x4096xf32> to vector<32x32xf32>
    %swap3A_1921 = arith.constant 0 : index
    %swap3A_1922 = arith.constant 0 : index
    %swap3A_1923 = arith.constant 2368 : index
    %swap3A_1924 = vector.load %arg2[%swap3A_1921, %swap3A_1922, %swap3A_1923] : memref<1x32x16384xf32, #tpu.memory_space<vmem>>, vector<1x32x32xf32>
    %swap3A_1925 = vector.shape_cast %swap3A_1924 : vector<1x32x32xf32> to vector<32x32xf32>
    %swap3A_1926 = vector.shape_cast %slice3A_1920 : vector<32x32xf32> to vector<1x32x32xf32>
    tpu.vector_store %arg2[%swap3A_1921, %swap3A_1922, %swap3A_1923], %swap3A_1926 {strides = array<i32>} : memref<1x32x16384xf32, #tpu.memory_space<vmem>>, vector<1x32x32xf32>,
    %slice3A_1927 = vector.extract_strided_slice %dot_general3A_3 {offsets = [64, 608], sizes = [32, 32], strides = [1, 1]} : vector<128x4096xf32> to vector<32x32xf32>
    %swap3A_1928 = arith.constant 0 : index
    %swap3A_1929 = arith.constant 0 : index
    %swap3A_1930 = arith.constant 2496 : index
    %swap3A_1931 = vector.load %arg2[%swap3A_1928, %swap3A_1929, %swap3A_1930] : memref<1x32x16384xf32, #tpu.memory_space<vmem>>, vector<1x32x32xf32>
    %swap3A_1932 = vector.shape_cast %swap3A_1931 : vector<1x32x32xf32> to vector<32x32xf32>
    %swap3A_1933 = vector.shape_cast %slice3A_1927 : vector<32x32xf32> to vector<1x32x32xf32>
    tpu.vector_store %arg2[%swap3A_1928, %swap3A_1929, %swap3A_1930], %swap3A_1933 {strides = array<i32>} : memref<1x32x16384xf32, #tpu.memory_space<vmem>>, vector<1x32x32xf32>,
    %slice3A_1934 = vector.extract_strided_slice %dot_general3A_3 {offsets = [64, 640], sizes = [32, 32], strides = [1, 1]} : vector<128x4096xf32> to vector<32x32xf32>
    %swap3A_1935 = arith.constant 0 : index
    %swap3A_1936 = arith.constant 0 : index
    %swap3A_1937 = arith.constant 2624 : index
    %swap3A_1938 = vector.load %arg2[%swap3A_1935, %swap3A_1936, %swap3A_1937] : memref<1x32x16384xf32, #tpu.memory_space<vmem>>, vector<1x32x32xf32>
    %swap3A_1939 = vector.shape_cast %swap3A_1938 : vector<1x32x32xf32> to vector<32x32xf32>
    %swap3A_1940 = vector.shape_cast %slice3A_1934 : vector<32x32xf32> to vector<1x32x32xf32>
    tpu.vector_store %arg2[%swap3A_1935, %swap3A_1936, %swap3A_1937], %swap3A_1940 {strides = array<i32>} : memref<1x32x16384xf32, #tpu.memory_space<vmem>>, vector<1x32x32xf32>,
    %slice3A_1941 = vector.extract_strided_slice %dot_general3A_3 {offsets = [64, 672], sizes = [32, 32], strides = [1, 1]} : vector<128x4096xf32> to vector<32x32xf32>
    %swap3A_1942 = arith.constant 0 : index
    %swap3A_1943 = arith.constant 0 : index
    %swap3A_1944 = arith.constant 2752 : index
    %swap3A_1945 = vector.load %arg2[%swap3A_1942, %swap3A_1943, %swap3A_1944] : memref<1x32x16384xf32, #tpu.memory_space<vmem>>, vector<1x32x32xf32>
    %swap3A_1946 = vector.shape_cast %swap3A_1945 : vector<1x32x32xf32> to vector<32x32xf32>
    %swap3A_1947 = vector.shape_cast %slice3A_1941 : vector<32x32xf32> to vector<1x32x32xf32>
    tpu.vector_store %arg2[%swap3A_1942, %swap3A_1943, %swap3A_1944], %swap3A_1947 {strides = array<i32>} : memref<1x32x16384xf32, #tpu.memory_space<vmem>>, vector<1x32x32xf32>,
    %slice3A_1948 = vector.extract_strided_slice %dot_general3A_3 {offsets = [64, 704], sizes = [32, 32], strides = [1, 1]} : vector<128x4096xf32> to vector<32x32xf32>
    %swap3A_1949 = arith.constant 0 : index
    %swap3A_1950 = arith.constant 0 : index
    %swap3A_1951 = arith.constant 2880 : index
    %swap3A_1952 = vector.load %arg2[%swap3A_1949, %swap3A_1950, %swap3A_1951] : memref<1x32x16384xf32, #tpu.memory_space<vmem>>, vector<1x32x32xf32>
    %swap3A_1953 = vector.shape_cast %swap3A_1952 : vector<1x32x32xf32> to vector<32x32xf32>
    %swap3A_1954 = vector.shape_cast %slice3A_1948 : vector<32x32xf32> to vector<1x32x32xf32>
    tpu.vector_store %arg2[%swap3A_1949, %swap3A_1950, %swap3A_1951], %swap3A_1954 {strides = array<i32>} : memref<1x32x16384xf32, #tpu.memory_space<vmem>>, vector<1x32x32xf32>,
    %slice3A_1955 = vector.extract_strided_slice %dot_general3A_3 {offsets = [64, 736], sizes = [32, 32], strides = [1, 1]} : vector<128x4096xf32> to vector<32x32xf32>
    %swap3A_1956 = arith.constant 0 : index
    %swap3A_1957 = arith.constant 0 : index
    %swap3A_1958 = arith.constant 3008 : index
    %swap3A_1959 = vector.load %arg2[%swap3A_1956, %swap3A_1957, %swap3A_1958] : memref<1x32x16384xf32, #tpu.memory_space<vmem>>, vector<1x32x32xf32>
    %swap3A_1960 = vector.shape_cast %swap3A_1959 : vector<1x32x32xf32> to vector<32x32xf32>
    %swap3A_1961 = vector.shape_cast %slice3A_1955 : vector<32x32xf32> to vector<1x32x32xf32>
    tpu.vector_store %arg2[%swap3A_1956, %swap3A_1957, %swap3A_1958], %swap3A_1961 {strides = array<i32>} : memref<1x32x16384xf32, #tpu.memory_space<vmem>>, vector<1x32x32xf32>,
    %slice3A_1962 = vector.extract_strided_slice %dot_general3A_3 {offsets = [64, 768], sizes = [32, 32], strides = [1, 1]} : vector<128x4096xf32> to vector<32x32xf32>
    %swap3A_1963 = arith.constant 0 : index
    %swap3A_1964 = arith.constant 0 : index
    %swap3A_1965 = arith.constant 3136 : index
    %swap3A_1966 = vector.load %arg2[%swap3A_1963, %swap3A_1964, %swap3A_1965] : memref<1x32x16384xf32, #tpu.memory_space<vmem>>, vector<1x32x32xf32>
    %swap3A_1967 = vector.shape_cast %swap3A_1966 : vector<1x32x32xf32> to vector<32x32xf32>
    %swap3A_1968 = vector.shape_cast %slice3A_1962 : vector<32x32xf32> to vector<1x32x32xf32>
    tpu.vector_store %arg2[%swap3A_1963, %swap3A_1964, %swap3A_1965], %swap3A_1968 {strides = array<i32>} : memref<1x32x16384xf32, #tpu.memory_space<vmem>>, vector<1x32x32xf32>,
    %slice3A_1969 = vector.extract_strided_slice %dot_general3A_3 {offsets = [64, 800], sizes = [32, 32], strides = [1, 1]} : vector<128x4096xf32> to vector<32x32xf32>
    %swap3A_1970 = arith.constant 0 : index
    %swap3A_1971 = arith.constant 0 : index
    %swap3A_1972 = arith.constant 3264 : index
    %swap3A_1973 = vector.load %arg2[%swap3A_1970, %swap3A_1971, %swap3A_1972] : memref<1x32x16384xf32, #tpu.memory_space<vmem>>, vector<1x32x32xf32>
    %swap3A_1974 = vector.shape_cast %swap3A_1973 : vector<1x32x32xf32> to vector<32x32xf32>
    %swap3A_1975 = vector.shape_cast %slice3A_1969 : vector<32x32xf32> to vector<1x32x32xf32>
    tpu.vector_store %arg2[%swap3A_1970, %swap3A_1971, %swap3A_1972], %swap3A_1975 {strides = array<i32>} : memref<1x32x16384xf32, #tpu.memory_space<vmem>>, vector<1x32x32xf32>,
    %slice3A_1976 = vector.extract_strided_slice %dot_general3A_3 {offsets = [64, 832], sizes = [32, 32], strides = [1, 1]} : vector<128x4096xf32> to vector<32x32xf32>
    %swap3A_1977 = arith.constant 0 : index
    %swap3A_1978 = arith.constant 0 : index
    %swap3A_1979 = arith.constant 3392 : index
    %swap3A_1980 = vector.load %arg2[%swap3A_1977, %swap3A_1978, %swap3A_1979] : memref<1x32x16384xf32, #tpu.memory_space<vmem>>, vector<1x32x32xf32>
    %swap3A_1981 = vector.shape_cast %swap3A_1980 : vector<1x32x32xf32> to vector<32x32xf32>
    %swap3A_1982 = vector.shape_cast %slice3A_1976 : vector<32x32xf32> to vector<1x32x32xf32>
    tpu.vector_store %arg2[%swap3A_1977, %swap3A_1978, %swap3A_1979], %swap3A_1982 {strides = array<i32>} : memref<1x32x16384xf32, #tpu.memory_space<vmem>>, vector<1x32x32xf32>,
    %slice3A_1983 = vector.extract_strided_slice %dot_general3A_3 {offsets = [64, 864], sizes = [32, 32], strides = [1, 1]} : vector<128x4096xf32> to vector<32x32xf32>
    %swap3A_1984 = arith.constant 0 : index
    %swap3A_1985 = arith.constant 0 : index
    %swap3A_1986 = arith.constant 3520 : index
    %swap3A_1987 = vector.load %arg2[%swap3A_1984, %swap3A_1985, %swap3A_1986] : memref<1x32x16384xf32, #tpu.memory_space<vmem>>, vector<1x32x32xf32>
    %swap3A_1988 = vector.shape_cast %swap3A_1987 : vector<1x32x32xf32> to vector<32x32xf32>
    %swap3A_1989 = vector.shape_cast %slice3A_1983 : vector<32x32xf32> to vector<1x32x32xf32>
    tpu.vector_store %arg2[%swap3A_1984, %swap3A_1985, %swap3A_1986], %swap3A_1989 {strides = array<i32>} : memref<1x32x16384xf32, #tpu.memory_space<vmem>>, vector<1x32x32xf32>,
    %slice3A_1990 = vector.extract_strided_slice %dot_general3A_3 {offsets = [64, 896], sizes = [32, 32], strides = [1, 1]} : vector<128x4096xf32> to vector<32x32xf32>
    %swap3A_1991 = arith.constant 0 : index
    %swap3A_1992 = arith.constant 0 : index
    %swap3A_1993 = arith.constant 3648 : index
    %swap3A_1994 = vector.load %arg2[%swap3A_1991, %swap3A_1992, %swap3A_1993] : memref<1x32x16384xf32, #tpu.memory_space<vmem>>, vector<1x32x32xf32>
    %swap3A_1995 = vector.shape_cast %swap3A_1994 : vector<1x32x32xf32> to vector<32x32xf32>
    %swap3A_1996 = vector.shape_cast %slice3A_1990 : vector<32x32xf32> to vector<1x32x32xf32>
    tpu.vector_store %arg2[%swap3A_1991, %swap3A_1992, %swap3A_1993], %swap3A_1996 {strides = array<i32>} : memref<1x32x16384xf32, #tpu.memory_space<vmem>>, vector<1x32x32xf32>,
    %slice3A_1997 = vector.extract_strided_slice %dot_general3A_3 {offsets = [64, 928], sizes = [32, 32], strides = [1, 1]} : vector<128x4096xf32> to vector<32x32xf32>
    %swap3A_1998 = arith.constant 0 : index
    %swap3A_1999 = arith.constant 0 : index
    %swap3A_2000 = arith.constant 3776 : index
    %swap3A_2001 = vector.load %arg2[%swap3A_1998, %swap3A_1999, %swap3A_2000] : memref<1x32x16384xf32, #tpu.memory_space<vmem>>, vector<1x32x32xf32>
    %swap3A_2002 = vector.shape_cast %swap3A_2001 : vector<1x32x32xf32> to vector<32x32xf32>
    %swap3A_2003 = vector.shape_cast %slice3A_1997 : vector<32x32xf32> to vector<1x32x32xf32>
    tpu.vector_store %arg2[%swap3A_1998, %swap3A_1999, %swap3A_2000], %swap3A_2003 {strides = array<i32>} : memref<1x32x16384xf32, #tpu.memory_space<vmem>>, vector<1x32x32xf32>,
    %slice3A_2004 = vector.extract_strided_slice %dot_general3A_3 {offsets = [64, 960], sizes = [32, 32], strides = [1, 1]} : vector<128x4096xf32> to vector<32x32xf32>
    %swap3A_2005 = arith.constant 0 : index
    %swap3A_2006 = arith.constant 0 : index
    %swap3A_2007 = arith.constant 3904 : index
    %swap3A_2008 = vector.load %arg2[%swap3A_2005, %swap3A_2006, %swap3A_2007] : memref<1x32x16384xf32, #tpu.memory_space<vmem>>, vector<1x32x32xf32>
    %swap3A_2009 = vector.shape_cast %swap3A_2008 : vector<1x32x32xf32> to vector<32x32xf32>
    %swap3A_2010 = vector.shape_cast %slice3A_2004 : vector<32x32xf32> to vector<1x32x32xf32>
    tpu.vector_store %arg2[%swap3A_2005, %swap3A_2006, %swap3A_2007], %swap3A_2010 {strides = array<i32>} : memref<1x32x16384xf32, #tpu.memory_space<vmem>>, vector<1x32x32xf32>,
    %slice3A_2011 = vector.extract_strided_slice %dot_general3A_3 {offsets = [64, 992], sizes = [32, 32], strides = [1, 1]} : vector<128x4096xf32> to vector<32x32xf32>
    %swap3A_2012 = arith.constant 0 : index
    %swap3A_2013 = arith.constant 0 : index
    %swap3A_2014 = arith.constant 4032 : index
    %swap3A_2015 = vector.load %arg2[%swap3A_2012, %swap3A_2013, %swap3A_2014] : memref<1x32x16384xf32, #tpu.memory_space<vmem>>, vector<1x32x32xf32>
    %swap3A_2016 = vector.shape_cast %swap3A_2015 : vector<1x32x32xf32> to vector<32x32xf32>
    %swap3A_2017 = vector.shape_cast %slice3A_2011 : vector<32x32xf32> to vector<1x32x32xf32>
    tpu.vector_store %arg2[%swap3A_2012, %swap3A_2013, %swap3A_2014], %swap3A_2017 {strides = array<i32>} : memref<1x32x16384xf32, #tpu.memory_space<vmem>>, vector<1x32x32xf32>,
    %slice3A_2018 = vector.extract_strided_slice %dot_general3A_3 {offsets = [64, 1024], sizes = [32, 32], strides = [1, 1]} : vector<128x4096xf32> to vector<32x32xf32>
    %swap3A_2019 = arith.constant 0 : index
    %swap3A_2020 = arith.constant 0 : index
    %swap3A_2021 = arith.constant 4160 : index
    %swap3A_2022 = vector.load %arg2[%swap3A_2019, %swap3A_2020, %swap3A_2021] : memref<1x32x16384xf32, #tpu.memory_space<vmem>>, vector<1x32x32xf32>
    %swap3A_2023 = vector.shape_cast %swap3A_2022 : vector<1x32x32xf32> to vector<32x32xf32>
    %swap3A_2024 = vector.shape_cast %slice3A_2018 : vector<32x32xf32> to vector<1x32x32xf32>
    tpu.vector_store %arg2[%swap3A_2019, %swap3A_2020, %swap3A_2021], %swap3A_2024 {strides = array<i32>} : memref<1x32x16384xf32, #tpu.memory_space<vmem>>, vector<1x32x32xf32>,
    %slice3A_2025 = vector.extract_strided_slice %dot_general3A_3 {offsets = [64, 1056], sizes = [32, 32], strides = [1, 1]} : vector<128x4096xf32> to vector<32x32xf32>
    %swap3A_2026 = arith.constant 0 : index
    %swap3A_2027 = arith.constant 0 : index
    %swap3A_2028 = arith.constant 4288 : index
    %swap3A_2029 = vector.load %arg2[%swap3A_2026, %swap3A_2027, %swap3A_2028] : memref<1x32x16384xf32, #tpu.memory_space<vmem>>, vector<1x32x32xf32>
    %swap3A_2030 = vector.shape_cast %swap3A_2029 : vector<1x32x32xf32> to vector<32x32xf32>
    %swap3A_2031 = vector.shape_cast %slice3A_2025 : vector<32x32xf32> to vector<1x32x32xf32>
    tpu.vector_store %arg2[%swap3A_2026, %swap3A_2027, %swap3A_2028], %swap3A_2031 {strides = array<i32>} : memref<1x32x16384xf32, #tpu.memory_space<vmem>>, vector<1x32x32xf32>,
    %slice3A_2032 = vector.extract_strided_slice %dot_general3A_3 {offsets = [64, 1088], sizes = [32, 32], strides = [1, 1]} : vector<128x4096xf32> to vector<32x32xf32>
    %swap3A_2033 = arith.constant 0 : index
    %swap3A_2034 = arith.constant 0 : index
    %swap3A_2035 = arith.constant 4416 : index
    %swap3A_2036 = vector.load %arg2[%swap3A_2033, %swap3A_2034, %swap3A_2035] : memref<1x32x16384xf32, #tpu.memory_space<vmem>>, vector<1x32x32xf32>
    %swap3A_2037 = vector.shape_cast %swap3A_2036 : vector<1x32x32xf32> to vector<32x32xf32>
    %swap3A_2038 = vector.shape_cast %slice3A_2032 : vector<32x32xf32> to vector<1x32x32xf32>
    tpu.vector_store %arg2[%swap3A_2033, %swap3A_2034, %swap3A_2035], %swap3A_2038 {strides = array<i32>} : memref<1x32x16384xf32, #tpu.memory_space<vmem>>, vector<1x32x32xf32>,
    %slice3A_2039 = vector.extract_strided_slice %dot_general3A_3 {offsets = [64, 1120], sizes = [32, 32], strides = [1, 1]} : vector<128x4096xf32> to vector<32x32xf32>
    %swap3A_2040 = arith.constant 0 : index
    %swap3A_2041 = arith.constant 0 : index
    %swap3A_2042 = arith.constant 4544 : index
    %swap3A_2043 = vector.load %arg2[%swap3A_2040, %swap3A_2041, %swap3A_2042] : memref<1x32x16384xf32, #tpu.memory_space<vmem>>, vector<1x32x32xf32>
    %swap3A_2044 = vector.shape_cast %swap3A_2043 : vector<1x32x32xf32> to vector<32x32xf32>
    %swap3A_2045 = vector.shape_cast %slice3A_2039 : vector<32x32xf32> to vector<1x32x32xf32>
    tpu.vector_store %arg2[%swap3A_2040, %swap3A_2041, %swap3A_2042], %swap3A_2045 {strides = array<i32>} : memref<1x32x16384xf32, #tpu.memory_space<vmem>>, vector<1x32x32xf32>,
    %slice3A_2046 = vector.extract_strided_slice %dot_general3A_3 {offsets = [64, 1152], sizes = [32, 32], strides = [1, 1]} : vector<128x4096xf32> to vector<32x32xf32>
    %swap3A_2047 = arith.constant 0 : index
    %swap3A_2048 = arith.constant 0 : index
    %swap3A_2049 = arith.constant 4672 : index
    %swap3A_2050 = vector.load %arg2[%swap3A_2047, %swap3A_2048, %swap3A_2049] : memref<1x32x16384xf32, #tpu.memory_space<vmem>>, vector<1x32x32xf32>
    %swap3A_2051 = vector.shape_cast %swap3A_2050 : vector<1x32x32xf32> to vector<32x32xf32>
    %swap3A_2052 = vector.shape_cast %slice3A_2046 : vector<32x32xf32> to vector<1x32x32xf32>
    tpu.vector_store %arg2[%swap3A_2047, %swap3A_2048, %swap3A_2049], %swap3A_2052 {strides = array<i32>} : memref<1x32x16384xf32, #tpu.memory_space<vmem>>, vector<1x32x32xf32>,
    %slice3A_2053 = vector.extract_strided_slice %dot_general3A_3 {offsets = [64, 1184], sizes = [32, 32], strides = [1, 1]} : vector<128x4096xf32> to vector<32x32xf32>
    %swap3A_2054 = arith.constant 0 : index
    %swap3A_2055 = arith.constant 0 : index
    %swap3A_2056 = arith.constant 4800 : index
    %swap3A_2057 = vector.load %arg2[%swap3A_2054, %swap3A_2055, %swap3A_2056] : memref<1x32x16384xf32, #tpu.memory_space<vmem>>, vector<1x32x32xf32>
    %swap3A_2058 = vector.shape_cast %swap3A_2057 : vector<1x32x32xf32> to vector<32x32xf32>
    %swap3A_2059 = vector.shape_cast %slice3A_2053 : vector<32x32xf32> to vector<1x32x32xf32>
    tpu.vector_store %arg2[%swap3A_2054, %swap3A_2055, %swap3A_2056], %swap3A_2059 {strides = array<i32>} : memref<1x32x16384xf32, #tpu.memory_space<vmem>>, vector<1x32x32xf32>,
    %slice3A_2060 = vector.extract_strided_slice %dot_general3A_3 {offsets = [64, 1216], sizes = [32, 32], strides = [1, 1]} : vector<128x4096xf32> to vector<32x32xf32>
    %swap3A_2061 = arith.constant 0 : index
    %swap3A_2062 = arith.constant 0 : index
    %swap3A_2063 = arith.constant 4928 : index
    %swap3A_2064 = vector.load %arg2[%swap3A_2061, %swap3A_2062, %swap3A_2063] : memref<1x32x16384xf32, #tpu.memory_space<vmem>>, vector<1x32x32xf32>
    %swap3A_2065 = vector.shape_cast %swap3A_2064 : vector<1x32x32xf32> to vector<32x32xf32>
    %swap3A_2066 = vector.shape_cast %slice3A_2060 : vector<32x32xf32> to vector<1x32x32xf32>
    tpu.vector_store %arg2[%swap3A_2061, %swap3A_2062, %swap3A_2063], %swap3A_2066 {strides = array<i32>} : memref<1x32x16384xf32, #tpu.memory_space<vmem>>, vector<1x32x32xf32>,
    %slice3A_2067 = vector.extract_strided_slice %dot_general3A_3 {offsets = [64, 1248], sizes = [32, 32], strides = [1, 1]} : vector<128x4096xf32> to vector<32x32xf32>
    %swap3A_2068 = arith.constant 0 : index
    %swap3A_2069 = arith.constant 0 : index
    %swap3A_2070 = arith.constant 5056 : index
    %swap3A_2071 = vector.load %arg2[%swap3A_2068, %swap3A_2069, %swap3A_2070] : memref<1x32x16384xf32, #tpu.memory_space<vmem>>, vector<1x32x32xf32>
    %swap3A_2072 = vector.shape_cast %swap3A_2071 : vector<1x32x32xf32> to vector<32x32xf32>
    %swap3A_2073 = vector.shape_cast %slice3A_2067 : vector<32x32xf32> to vector<1x32x32xf32>
    tpu.vector_store %arg2[%swap3A_2068, %swap3A_2069, %swap3A_2070], %swap3A_2073 {strides = array<i32>} : memref<1x32x16384xf32, #tpu.memory_space<vmem>>, vector<1x32x32xf32>,
    %slice3A_2074 = vector.extract_strided_slice %dot_general3A_3 {offsets = [64, 1280], sizes = [32, 32], strides = [1, 1]} : vector<128x4096xf32> to vector<32x32xf32>
    %swap3A_2075 = arith.constant 0 : index
    %swap3A_2076 = arith.constant 0 : index
    %swap3A_2077 = arith.constant 5184 : index
    %swap3A_2078 = vector.load %arg2[%swap3A_2075, %swap3A_2076, %swap3A_2077] : memref<1x32x16384xf32, #tpu.memory_space<vmem>>, vector<1x32x32xf32>
    %swap3A_2079 = vector.shape_cast %swap3A_2078 : vector<1x32x32xf32> to vector<32x32xf32>
    %swap3A_2080 = vector.shape_cast %slice3A_2074 : vector<32x32xf32> to vector<1x32x32xf32>
    tpu.vector_store %arg2[%swap3A_2075, %swap3A_2076, %swap3A_2077], %swap3A_2080 {strides = array<i32>} : memref<1x32x16384xf32, #tpu.memory_space<vmem>>, vector<1x32x32xf32>,
    %slice3A_2081 = vector.extract_strided_slice %dot_general3A_3 {offsets = [64, 1312], sizes = [32, 32], strides = [1, 1]} : vector<128x4096xf32> to vector<32x32xf32>
    %swap3A_2082 = arith.constant 0 : index
    %swap3A_2083 = arith.constant 0 : index
    %swap3A_2084 = arith.constant 5312 : index
    %swap3A_2085 = vector.load %arg2[%swap3A_2082, %swap3A_2083, %swap3A_2084] : memref<1x32x16384xf32, #tpu.memory_space<vmem>>, vector<1x32x32xf32>
    %swap3A_2086 = vector.shape_cast %swap3A_2085 : vector<1x32x32xf32> to vector<32x32xf32>
    %swap3A_2087 = vector.shape_cast %slice3A_2081 : vector<32x32xf32> to vector<1x32x32xf32>
    tpu.vector_store %arg2[%swap3A_2082, %swap3A_2083, %swap3A_2084], %swap3A_2087 {strides = array<i32>} : memref<1x32x16384xf32, #tpu.memory_space<vmem>>, vector<1x32x32xf32>,
    %slice3A_2088 = vector.extract_strided_slice %dot_general3A_3 {offsets = [64, 1344], sizes = [32, 32], strides = [1, 1]} : vector<128x4096xf32> to vector<32x32xf32>
    %swap3A_2089 = arith.constant 0 : index
    %swap3A_2090 = arith.constant 0 : index
    %swap3A_2091 = arith.constant 5440 : index
    %swap3A_2092 = vector.load %arg2[%swap3A_2089, %swap3A_2090, %swap3A_2091] : memref<1x32x16384xf32, #tpu.memory_space<vmem>>, vector<1x32x32xf32>
    %swap3A_2093 = vector.shape_cast %swap3A_2092 : vector<1x32x32xf32> to vector<32x32xf32>
    %swap3A_2094 = vector.shape_cast %slice3A_2088 : vector<32x32xf32> to vector<1x32x32xf32>
    tpu.vector_store %arg2[%swap3A_2089, %swap3A_2090, %swap3A_2091], %swap3A_2094 {strides = array<i32>} : memref<1x32x16384xf32, #tpu.memory_space<vmem>>, vector<1x32x32xf32>,
    %slice3A_2095 = vector.extract_strided_slice %dot_general3A_3 {offsets = [64, 1376], sizes = [32, 32], strides = [1, 1]} : vector<128x4096xf32> to vector<32x32xf32>
    %swap3A_2096 = arith.constant 0 : index
    %swap3A_2097 = arith.constant 0 : index
    %swap3A_2098 = arith.constant 5568 : index
    %swap3A_2099 = vector.load %arg2[%swap3A_2096, %swap3A_2097, %swap3A_2098] : memref<1x32x16384xf32, #tpu.memory_space<vmem>>, vector<1x32x32xf32>
    %swap3A_2100 = vector.shape_cast %swap3A_2099 : vector<1x32x32xf32> to vector<32x32xf32>
    %swap3A_2101 = vector.shape_cast %slice3A_2095 : vector<32x32xf32> to vector<1x32x32xf32>
    tpu.vector_store %arg2[%swap3A_2096, %swap3A_2097, %swap3A_2098], %swap3A_2101 {strides = array<i32>} : memref<1x32x16384xf32, #tpu.memory_space<vmem>>, vector<1x32x32xf32>,
    %slice3A_2102 = vector.extract_strided_slice %dot_general3A_3 {offsets = [64, 1408], sizes = [32, 32], strides = [1, 1]} : vector<128x4096xf32> to vector<32x32xf32>
    %swap3A_2103 = arith.constant 0 : index
    %swap3A_2104 = arith.constant 0 : index
    %swap3A_2105 = arith.constant 5696 : index
    %swap3A_2106 = vector.load %arg2[%swap3A_2103, %swap3A_2104, %swap3A_2105] : memref<1x32x16384xf32, #tpu.memory_space<vmem>>, vector<1x32x32xf32>
    %swap3A_2107 = vector.shape_cast %swap3A_2106 : vector<1x32x32xf32> to vector<32x32xf32>
    %swap3A_2108 = vector.shape_cast %slice3A_2102 : vector<32x32xf32> to vector<1x32x32xf32>
    tpu.vector_store %arg2[%swap3A_2103, %swap3A_2104, %swap3A_2105], %swap3A_2108 {strides = array<i32>} : memref<1x32x16384xf32, #tpu.memory_space<vmem>>, vector<1x32x32xf32>,
    %slice3A_2109 = vector.extract_strided_slice %dot_general3A_3 {offsets = [64, 1440], sizes = [32, 32], strides = [1, 1]} : vector<128x4096xf32> to vector<32x32xf32>
    %swap3A_2110 = arith.constant 0 : index
    %swap3A_2111 = arith.constant 0 : index
    %swap3A_2112 = arith.constant 5824 : index
    %swap3A_2113 = vector.load %arg2[%swap3A_2110, %swap3A_2111, %swap3A_2112] : memref<1x32x16384xf32, #tpu.memory_space<vmem>>, vector<1x32x32xf32>
    %swap3A_2114 = vector.shape_cast %swap3A_2113 : vector<1x32x32xf32> to vector<32x32xf32>
    %swap3A_2115 = vector.shape_cast %slice3A_2109 : vector<32x32xf32> to vector<1x32x32xf32>
    tpu.vector_store %arg2[%swap3A_2110, %swap3A_2111, %swap3A_2112], %swap3A_2115 {strides = array<i32>} : memref<1x32x16384xf32, #tpu.memory_space<vmem>>, vector<1x32x32xf32>,
    %slice3A_2116 = vector.extract_strided_slice %dot_general3A_3 {offsets = [64, 1472], sizes = [32, 32], strides = [1, 1]} : vector<128x4096xf32> to vector<32x32xf32>
    %swap3A_2117 = arith.constant 0 : index
    %swap3A_2118 = arith.constant 0 : index
    %swap3A_2119 = arith.constant 5952 : index
    %swap3A_2120 = vector.load %arg2[%swap3A_2117, %swap3A_2118, %swap3A_2119] : memref<1x32x16384xf32, #tpu.memory_space<vmem>>, vector<1x32x32xf32>
    %swap3A_2121 = vector.shape_cast %swap3A_2120 : vector<1x32x32xf32> to vector<32x32xf32>
    %swap3A_2122 = vector.shape_cast %slice3A_2116 : vector<32x32xf32> to vector<1x32x32xf32>
    tpu.vector_store %arg2[%swap3A_2117, %swap3A_2118, %swap3A_2119], %swap3A_2122 {strides = array<i32>} : memref<1x32x16384xf32, #tpu.memory_space<vmem>>, vector<1x32x32xf32>,
    %slice3A_2123 = vector.extract_strided_slice %dot_general3A_3 {offsets = [64, 1504], sizes = [32, 32], strides = [1, 1]} : vector<128x4096xf32> to vector<32x32xf32>
    %swap3A_2124 = arith.constant 0 : index
    %swap3A_2125 = arith.constant 0 : index
    %swap3A_2126 = arith.constant 6080 : index
    %swap3A_2127 = vector.load %arg2[%swap3A_2124, %swap3A_2125, %swap3A_2126] : memref<1x32x16384xf32, #tpu.memory_space<vmem>>, vector<1x32x32xf32>
    %swap3A_2128 = vector.shape_cast %swap3A_2127 : vector<1x32x32xf32> to vector<32x32xf32>
    %swap3A_2129 = vector.shape_cast %slice3A_2123 : vector<32x32xf32> to vector<1x32x32xf32>
    tpu.vector_store %arg2[%swap3A_2124, %swap3A_2125, %swap3A_2126], %swap3A_2129 {strides = array<i32>} : memref<1x32x16384xf32, #tpu.memory_space<vmem>>, vector<1x32x32xf32>,
    %slice3A_2130 = vector.extract_strided_slice %dot_general3A_3 {offsets = [64, 1536], sizes = [32, 32], strides = [1, 1]} : vector<128x4096xf32> to vector<32x32xf32>
    %swap3A_2131 = arith.constant 0 : index
    %swap3A_2132 = arith.constant 0 : index
    %swap3A_2133 = arith.constant 6208 : index
    %swap3A_2134 = vector.load %arg2[%swap3A_2131, %swap3A_2132, %swap3A_2133] : memref<1x32x16384xf32, #tpu.memory_space<vmem>>, vector<1x32x32xf32>
    %swap3A_2135 = vector.shape_cast %swap3A_2134 : vector<1x32x32xf32> to vector<32x32xf32>
    %swap3A_2136 = vector.shape_cast %slice3A_2130 : vector<32x32xf32> to vector<1x32x32xf32>
    tpu.vector_store %arg2[%swap3A_2131, %swap3A_2132, %swap3A_2133], %swap3A_2136 {strides = array<i32>} : memref<1x32x16384xf32, #tpu.memory_space<vmem>>, vector<1x32x32xf32>,
    %slice3A_2137 = vector.extract_strided_slice %dot_general3A_3 {offsets = [64, 1568], sizes = [32, 32], strides = [1, 1]} : vector<128x4096xf32> to vector<32x32xf32>
    %swap3A_2138 = arith.constant 0 : index
    %swap3A_2139 = arith.constant 0 : index
    %swap3A_2140 = arith.constant 6336 : index
    %swap3A_2141 = vector.load %arg2[%swap3A_2138, %swap3A_2139, %swap3A_2140] : memref<1x32x16384xf32, #tpu.memory_space<vmem>>, vector<1x32x32xf32>
    %swap3A_2142 = vector.shape_cast %swap3A_2141 : vector<1x32x32xf32> to vector<32x32xf32>
    %swap3A_2143 = vector.shape_cast %slice3A_2137 : vector<32x32xf32> to vector<1x32x32xf32>
    tpu.vector_store %arg2[%swap3A_2138, %swap3A_2139, %swap3A_2140], %swap3A_2143 {strides = array<i32>} : memref<1x32x16384xf32, #tpu.memory_space<vmem>>, vector<1x32x32xf32>,
    %slice3A_2144 = vector.extract_strided_slice %dot_general3A_3 {offsets = [64, 1600], sizes = [32, 32], strides = [1, 1]} : vector<128x4096xf32> to vector<32x32xf32>
    %swap3A_2145 = arith.constant 0 : index
    %swap3A_2146 = arith.constant 0 : index
    %swap3A_2147 = arith.constant 6464 : index
    %swap3A_2148 = vector.load %arg2[%swap3A_2145, %swap3A_2146, %swap3A_2147] : memref<1x32x16384xf32, #tpu.memory_space<vmem>>, vector<1x32x32xf32>
    %swap3A_2149 = vector.shape_cast %swap3A_2148 : vector<1x32x32xf32> to vector<32x32xf32>
    %swap3A_2150 = vector.shape_cast %slice3A_2144 : vector<32x32xf32> to vector<1x32x32xf32>
    tpu.vector_store %arg2[%swap3A_2145, %swap3A_2146, %swap3A_2147], %swap3A_2150 {strides = array<i32>} : memref<1x32x16384xf32, #tpu.memory_space<vmem>>, vector<1x32x32xf32>,
    %slice3A_2151 = vector.extract_strided_slice %dot_general3A_3 {offsets = [64, 1632], sizes = [32, 32], strides = [1, 1]} : vector<128x4096xf32> to vector<32x32xf32>
    %swap3A_2152 = arith.constant 0 : index
    %swap3A_2153 = arith.constant 0 : index
    %swap3A_2154 = arith.constant 6592 : index
    %swap3A_2155 = vector.load %arg2[%swap3A_2152, %swap3A_2153, %swap3A_2154] : memref<1x32x16384xf32, #tpu.memory_space<vmem>>, vector<1x32x32xf32>
    %swap3A_2156 = vector.shape_cast %swap3A_2155 : vector<1x32x32xf32> to vector<32x32xf32>
    %swap3A_2157 = vector.shape_cast %slice3A_2151 : vector<32x32xf32> to vector<1x32x32xf32>
    tpu.vector_store %arg2[%swap3A_2152, %swap3A_2153, %swap3A_2154], %swap3A_2157 {strides = array<i32>} : memref<1x32x16384xf32, #tpu.memory_space<vmem>>, vector<1x32x32xf32>,
    %slice3A_2158 = vector.extract_strided_slice %dot_general3A_3 {offsets = [64, 1664], sizes = [32, 32], strides = [1, 1]} : vector<128x4096xf32> to vector<32x32xf32>
    %swap3A_2159 = arith.constant 0 : index
    %swap3A_2160 = arith.constant 0 : index
    %swap3A_2161 = arith.constant 6720 : index
    %swap3A_2162 = vector.load %arg2[%swap3A_2159, %swap3A_2160, %swap3A_2161] : memref<1x32x16384xf32, #tpu.memory_space<vmem>>, vector<1x32x32xf32>
    %swap3A_2163 = vector.shape_cast %swap3A_2162 : vector<1x32x32xf32> to vector<32x32xf32>
    %swap3A_2164 = vector.shape_cast %slice3A_2158 : vector<32x32xf32> to vector<1x32x32xf32>
    tpu.vector_store %arg2[%swap3A_2159, %swap3A_2160, %swap3A_2161], %swap3A_2164 {strides = array<i32>} : memref<1x32x16384xf32, #tpu.memory_space<vmem>>, vector<1x32x32xf32>,
    %slice3A_2165 = vector.extract_strided_slice %dot_general3A_3 {offsets = [64, 1696], sizes = [32, 32], strides = [1, 1]} : vector<128x4096xf32> to vector<32x32xf32>
    %swap3A_2166 = arith.constant 0 : index
    %swap3A_2167 = arith.constant 0 : index
    %swap3A_2168 = arith.constant 6848 : index
    %swap3A_2169 = vector.load %arg2[%swap3A_2166, %swap3A_2167, %swap3A_2168] : memref<1x32x16384xf32, #tpu.memory_space<vmem>>, vector<1x32x32xf32>
    %swap3A_2170 = vector.shape_cast %swap3A_2169 : vector<1x32x32xf32> to vector<32x32xf32>
    %swap3A_2171 = vector.shape_cast %slice3A_2165 : vector<32x32xf32> to vector<1x32x32xf32>
    tpu.vector_store %arg2[%swap3A_2166, %swap3A_2167, %swap3A_2168], %swap3A_2171 {strides = array<i32>} : memref<1x32x16384xf32, #tpu.memory_space<vmem>>, vector<1x32x32xf32>,
    %slice3A_2172 = vector.extract_strided_slice %dot_general3A_3 {offsets = [64, 1728], sizes = [32, 32], strides = [1, 1]} : vector<128x4096xf32> to vector<32x32xf32>
    %swap3A_2173 = arith.constant 0 : index
    %swap3A_2174 = arith.constant 0 : index
    %swap3A_2175 = arith.constant 6976 : index
    %swap3A_2176 = vector.load %arg2[%swap3A_2173, %swap3A_2174, %swap3A_2175] : memref<1x32x16384xf32, #tpu.memory_space<vmem>>, vector<1x32x32xf32>
    %swap3A_2177 = vector.shape_cast %swap3A_2176 : vector<1x32x32xf32> to vector<32x32xf32>
    %swap3A_2178 = vector.shape_cast %slice3A_2172 : vector<32x32xf32> to vector<1x32x32xf32>
    tpu.vector_store %arg2[%swap3A_2173, %swap3A_2174, %swap3A_2175], %swap3A_2178 {strides = array<i32>} : memref<1x32x16384xf32, #tpu.memory_space<vmem>>, vector<1x32x32xf32>,
    %slice3A_2179 = vector.extract_strided_slice %dot_general3A_3 {offsets = [64, 1760], sizes = [32, 32], strides = [1, 1]} : vector<128x4096xf32> to vector<32x32xf32>
    %swap3A_2180 = arith.constant 0 : index
    %swap3A_2181 = arith.constant 0 : index
    %swap3A_2182 = arith.constant 7104 : index
    %swap3A_2183 = vector.load %arg2[%swap3A_2180, %swap3A_2181, %swap3A_2182] : memref<1x32x16384xf32, #tpu.memory_space<vmem>>, vector<1x32x32xf32>
    %swap3A_2184 = vector.shape_cast %swap3A_2183 : vector<1x32x32xf32> to vector<32x32xf32>
    %swap3A_2185 = vector.shape_cast %slice3A_2179 : vector<32x32xf32> to vector<1x32x32xf32>
    tpu.vector_store %arg2[%swap3A_2180, %swap3A_2181, %swap3A_2182], %swap3A_2185 {strides = array<i32>} : memref<1x32x16384xf32, #tpu.memory_space<vmem>>, vector<1x32x32xf32>,
    %slice3A_2186 = vector.extract_strided_slice %dot_general3A_3 {offsets = [64, 1792], sizes = [32, 32], strides = [1, 1]} : vector<128x4096xf32> to vector<32x32xf32>
    %swap3A_2187 = arith.constant 0 : index
    %swap3A_2188 = arith.constant 0 : index
    %swap3A_2189 = arith.constant 7232 : index
    %swap3A_2190 = vector.load %arg2[%swap3A_2187, %swap3A_2188, %swap3A_2189] : memref<1x32x16384xf32, #tpu.memory_space<vmem>>, vector<1x32x32xf32>
    %swap3A_2191 = vector.shape_cast %swap3A_2190 : vector<1x32x32xf32> to vector<32x32xf32>
    %swap3A_2192 = vector.shape_cast %slice3A_2186 : vector<32x32xf32> to vector<1x32x32xf32>
    tpu.vector_store %arg2[%swap3A_2187, %swap3A_2188, %swap3A_2189], %swap3A_2192 {strides = array<i32>} : memref<1x32x16384xf32, #tpu.memory_space<vmem>>, vector<1x32x32xf32>,
    %slice3A_2193 = vector.extract_strided_slice %dot_general3A_3 {offsets = [64, 1824], sizes = [32, 32], strides = [1, 1]} : vector<128x4096xf32> to vector<32x32xf32>
    %swap3A_2194 = arith.constant 0 : index
    %swap3A_2195 = arith.constant 0 : index
    %swap3A_2196 = arith.constant 7360 : index
    %swap3A_2197 = vector.load %arg2[%swap3A_2194, %swap3A_2195, %swap3A_2196] : memref<1x32x16384xf32, #tpu.memory_space<vmem>>, vector<1x32x32xf32>
    %swap3A_2198 = vector.shape_cast %swap3A_2197 : vector<1x32x32xf32> to vector<32x32xf32>
    %swap3A_2199 = vector.shape_cast %slice3A_2193 : vector<32x32xf32> to vector<1x32x32xf32>
    tpu.vector_store %arg2[%swap3A_2194, %swap3A_2195, %swap3A_2196], %swap3A_2199 {strides = array<i32>} : memref<1x32x16384xf32, #tpu.memory_space<vmem>>, vector<1x32x32xf32>,
    %slice3A_2200 = vector.extract_strided_slice %dot_general3A_3 {offsets = [64, 1856], sizes = [32, 32], strides = [1, 1]} : vector<128x4096xf32> to vector<32x32xf32>
    %swap3A_2201 = arith.constant 0 : index
    %swap3A_2202 = arith.constant 0 : index
    %swap3A_2203 = arith.constant 7488 : index
    %swap3A_2204 = vector.load %arg2[%swap3A_2201, %swap3A_2202, %swap3A_2203] : memref<1x32x16384xf32, #tpu.memory_space<vmem>>, vector<1x32x32xf32>
    %swap3A_2205 = vector.shape_cast %swap3A_2204 : vector<1x32x32xf32> to vector<32x32xf32>
    %swap3A_2206 = vector.shape_cast %slice3A_2200 : vector<32x32xf32> to vector<1x32x32xf32>
    tpu.vector_store %arg2[%swap3A_2201, %swap3A_2202, %swap3A_2203], %swap3A_2206 {strides = array<i32>} : memref<1x32x16384xf32, #tpu.memory_space<vmem>>, vector<1x32x32xf32>,
    %slice3A_2207 = vector.extract_strided_slice %dot_general3A_3 {offsets = [64, 1888], sizes = [32, 32], strides = [1, 1]} : vector<128x4096xf32> to vector<32x32xf32>
    %swap3A_2208 = arith.constant 0 : index
    %swap3A_2209 = arith.constant 0 : index
    %swap3A_2210 = arith.constant 7616 : index
    %swap3A_2211 = vector.load %arg2[%swap3A_2208, %swap3A_2209, %swap3A_2210] : memref<1x32x16384xf32, #tpu.memory_space<vmem>>, vector<1x32x32xf32>
    %swap3A_2212 = vector.shape_cast %swap3A_2211 : vector<1x32x32xf32> to vector<32x32xf32>
    %swap3A_2213 = vector.shape_cast %slice3A_2207 : vector<32x32xf32> to vector<1x32x32xf32>
    tpu.vector_store %arg2[%swap3A_2208, %swap3A_2209, %swap3A_2210], %swap3A_2213 {strides = array<i32>} : memref<1x32x16384xf32, #tpu.memory_space<vmem>>, vector<1x32x32xf32>,
    %slice3A_2214 = vector.extract_strided_slice %dot_general3A_3 {offsets = [64, 1920], sizes = [32, 32], strides = [1, 1]} : vector<128x4096xf32> to vector<32x32xf32>
    %swap3A_2215 = arith.constant 0 : index
    %swap3A_2216 = arith.constant 0 : index
    %swap3A_2217 = arith.constant 7744 : index
    %swap3A_2218 = vector.load %arg2[%swap3A_2215, %swap3A_2216, %swap3A_2217] : memref<1x32x16384xf32, #tpu.memory_space<vmem>>, vector<1x32x32xf32>
    %swap3A_2219 = vector.shape_cast %swap3A_2218 : vector<1x32x32xf32> to vector<32x32xf32>
    %swap3A_2220 = vector.shape_cast %slice3A_2214 : vector<32x32xf32> to vector<1x32x32xf32>
    tpu.vector_store %arg2[%swap3A_2215, %swap3A_2216, %swap3A_2217], %swap3A_2220 {strides = array<i32>} : memref<1x32x16384xf32, #tpu.memory_space<vmem>>, vector<1x32x32xf32>,
    %slice3A_2221 = vector.extract_strided_slice %dot_general3A_3 {offsets = [64, 1952], sizes = [32, 32], strides = [1, 1]} : vector<128x4096xf32> to vector<32x32xf32>
    %swap3A_2222 = arith.constant 0 : index
    %swap3A_2223 = arith.constant 0 : index
    %swap3A_2224 = arith.constant 7872 : index
    %swap3A_2225 = vector.load %arg2[%swap3A_2222, %swap3A_2223, %swap3A_2224] : memref<1x32x16384xf32, #tpu.memory_space<vmem>>, vector<1x32x32xf32>
    %swap3A_2226 = vector.shape_cast %swap3A_2225 : vector<1x32x32xf32> to vector<32x32xf32>
    %swap3A_2227 = vector.shape_cast %slice3A_2221 : vector<32x32xf32> to vector<1x32x32xf32>
    tpu.vector_store %arg2[%swap3A_2222, %swap3A_2223, %swap3A_2224], %swap3A_2227 {strides = array<i32>} : memref<1x32x16384xf32, #tpu.memory_space<vmem>>, vector<1x32x32xf32>,
    %slice3A_2228 = vector.extract_strided_slice %dot_general3A_3 {offsets = [64, 1984], sizes = [32, 32], strides = [1, 1]} : vector<128x4096xf32> to vector<32x32xf32>
    %swap3A_2229 = arith.constant 0 : index
    %swap3A_2230 = arith.constant 0 : index
    %swap3A_2231 = arith.constant 8000 : index
    %swap3A_2232 = vector.load %arg2[%swap3A_2229, %swap3A_2230, %swap3A_2231] : memref<1x32x16384xf32, #tpu.memory_space<vmem>>, vector<1x32x32xf32>
    %swap3A_2233 = vector.shape_cast %swap3A_2232 : vector<1x32x32xf32> to vector<32x32xf32>
    %swap3A_2234 = vector.shape_cast %slice3A_2228 : vector<32x32xf32> to vector<1x32x32xf32>
    tpu.vector_store %arg2[%swap3A_2229, %swap3A_2230, %swap3A_2231], %swap3A_2234 {strides = array<i32>} : memref<1x32x16384xf32, #tpu.memory_space<vmem>>, vector<1x32x32xf32>,
    %slice3A_2235 = vector.extract_strided_slice %dot_general3A_3 {offsets = [64, 2016], sizes = [32, 32], strides = [1, 1]} : vector<128x4096xf32> to vector<32x32xf32>
    %swap3A_2236 = arith.constant 0 : index
    %swap3A_2237 = arith.constant 0 : index
    %swap3A_2238 = arith.constant 8128 : index
    %swap3A_2239 = vector.load %arg2[%swap3A_2236, %swap3A_2237, %swap3A_2238] : memref<1x32x16384xf32, #tpu.memory_space<vmem>>, vector<1x32x32xf32>
    %swap3A_2240 = vector.shape_cast %swap3A_2239 : vector<1x32x32xf32> to vector<32x32xf32>
    %swap3A_2241 = vector.shape_cast %slice3A_2235 : vector<32x32xf32> to vector<1x32x32xf32>
    tpu.vector_store %arg2[%swap3A_2236, %swap3A_2237, %swap3A_2238], %swap3A_2241 {strides = array<i32>} : memref<1x32x16384xf32, #tpu.memory_space<vmem>>, vector<1x32x32xf32>,
    %slice3A_2242 = vector.extract_strided_slice %dot_general3A_3 {offsets = [64, 2048], sizes = [32, 32], strides = [1, 1]} : vector<128x4096xf32> to vector<32x32xf32>
    %swap3A_2243 = arith.constant 0 : index
    %swap3A_2244 = arith.constant 0 : index
    %swap3A_2245 = arith.constant 8256 : index
    %swap3A_2246 = vector.load %arg2[%swap3A_2243, %swap3A_2244, %swap3A_2245] : memref<1x32x16384xf32, #tpu.memory_space<vmem>>, vector<1x32x32xf32>
    %swap3A_2247 = vector.shape_cast %swap3A_2246 : vector<1x32x32xf32> to vector<32x32xf32>
    %swap3A_2248 = vector.shape_cast %slice3A_2242 : vector<32x32xf32> to vector<1x32x32xf32>
    tpu.vector_store %arg2[%swap3A_2243, %swap3A_2244, %swap3A_2245], %swap3A_2248 {strides = array<i32>} : memref<1x32x16384xf32, #tpu.memory_space<vmem>>, vector<1x32x32xf32>,
    %slice3A_2249 = vector.extract_strided_slice %dot_general3A_3 {offsets = [64, 2080], sizes = [32, 32], strides = [1, 1]} : vector<128x4096xf32> to vector<32x32xf32>
    %swap3A_2250 = arith.constant 0 : index
    %swap3A_2251 = arith.constant 0 : index
    %swap3A_2252 = arith.constant 8384 : index
    %swap3A_2253 = vector.load %arg2[%swap3A_2250, %swap3A_2251, %swap3A_2252] : memref<1x32x16384xf32, #tpu.memory_space<vmem>>, vector<1x32x32xf32>
    %swap3A_2254 = vector.shape_cast %swap3A_2253 : vector<1x32x32xf32> to vector<32x32xf32>
    %swap3A_2255 = vector.shape_cast %slice3A_2249 : vector<32x32xf32> to vector<1x32x32xf32>
    tpu.vector_store %arg2[%swap3A_2250, %swap3A_2251, %swap3A_2252], %swap3A_2255 {strides = array<i32>} : memref<1x32x16384xf32, #tpu.memory_space<vmem>>, vector<1x32x32xf32>,
    %slice3A_2256 = vector.extract_strided_slice %dot_general3A_3 {offsets = [64, 2112], sizes = [32, 32], strides = [1, 1]} : vector<128x4096xf32> to vector<32x32xf32>
    %swap3A_2257 = arith.constant 0 : index
    %swap3A_2258 = arith.constant 0 : index
    %swap3A_2259 = arith.constant 8512 : index
    %swap3A_2260 = vector.load %arg2[%swap3A_2257, %swap3A_2258, %swap3A_2259] : memref<1x32x16384xf32, #tpu.memory_space<vmem>>, vector<1x32x32xf32>
    %swap3A_2261 = vector.shape_cast %swap3A_2260 : vector<1x32x32xf32> to vector<32x32xf32>
    %swap3A_2262 = vector.shape_cast %slice3A_2256 : vector<32x32xf32> to vector<1x32x32xf32>
    tpu.vector_store %arg2[%swap3A_2257, %swap3A_2258, %swap3A_2259], %swap3A_2262 {strides = array<i32>} : memref<1x32x16384xf32, #tpu.memory_space<vmem>>, vector<1x32x32xf32>,
    %slice3A_2263 = vector.extract_strided_slice %dot_general3A_3 {offsets = [64, 2144], sizes = [32, 32], strides = [1, 1]} : vector<128x4096xf32> to vector<32x32xf32>
    %swap3A_2264 = arith.constant 0 : index
    %swap3A_2265 = arith.constant 0 : index
    %swap3A_2266 = arith.constant 8640 : index
    %swap3A_2267 = vector.load %arg2[%swap3A_2264, %swap3A_2265, %swap3A_2266] : memref<1x32x16384xf32, #tpu.memory_space<vmem>>, vector<1x32x32xf32>
    %swap3A_2268 = vector.shape_cast %swap3A_2267 : vector<1x32x32xf32> to vector<32x32xf32>
    %swap3A_2269 = vector.shape_cast %slice3A_2263 : vector<32x32xf32> to vector<1x32x32xf32>
    tpu.vector_store %arg2[%swap3A_2264, %swap3A_2265, %swap3A_2266], %swap3A_2269 {strides = array<i32>} : memref<1x32x16384xf32, #tpu.memory_space<vmem>>, vector<1x32x32xf32>,
    %slice3A_2270 = vector.extract_strided_slice %dot_general3A_3 {offsets = [64, 2176], sizes = [32, 32], strides = [1, 1]} : vector<128x4096xf32> to vector<32x32xf32>
    %swap3A_2271 = arith.constant 0 : index
    %swap3A_2272 = arith.constant 0 : index
    %swap3A_2273 = arith.constant 8768 : index
    %swap3A_2274 = vector.load %arg2[%swap3A_2271, %swap3A_2272, %swap3A_2273] : memref<1x32x16384xf32, #tpu.memory_space<vmem>>, vector<1x32x32xf32>
    %swap3A_2275 = vector.shape_cast %swap3A_2274 : vector<1x32x32xf32> to vector<32x32xf32>
    %swap3A_2276 = vector.shape_cast %slice3A_2270 : vector<32x32xf32> to vector<1x32x32xf32>
    tpu.vector_store %arg2[%swap3A_2271, %swap3A_2272, %swap3A_2273], %swap3A_2276 {strides = array<i32>} : memref<1x32x16384xf32, #tpu.memory_space<vmem>>, vector<1x32x32xf32>,
    %slice3A_2277 = vector.extract_strided_slice %dot_general3A_3 {offsets = [64, 2208], sizes = [32, 32], strides = [1, 1]} : vector<128x4096xf32> to vector<32x32xf32>
    %swap3A_2278 = arith.constant 0 : index
    %swap3A_2279 = arith.constant 0 : index
    %swap3A_2280 = arith.constant 8896 : index
    %swap3A_2281 = vector.load %arg2[%swap3A_2278, %swap3A_2279, %swap3A_2280] : memref<1x32x16384xf32, #tpu.memory_space<vmem>>, vector<1x32x32xf32>
    %swap3A_2282 = vector.shape_cast %swap3A_2281 : vector<1x32x32xf32> to vector<32x32xf32>
    %swap3A_2283 = vector.shape_cast %slice3A_2277 : vector<32x32xf32> to vector<1x32x32xf32>
    tpu.vector_store %arg2[%swap3A_2278, %swap3A_2279, %swap3A_2280], %swap3A_2283 {strides = array<i32>} : memref<1x32x16384xf32, #tpu.memory_space<vmem>>, vector<1x32x32xf32>,
    %slice3A_2284 = vector.extract_strided_slice %dot_general3A_3 {offsets = [64, 2240], sizes = [32, 32], strides = [1, 1]} : vector<128x4096xf32> to vector<32x32xf32>
    %swap3A_2285 = arith.constant 0 : index
    %swap3A_2286 = arith.constant 0 : index
    %swap3A_2287 = arith.constant 9024 : index
    %swap3A_2288 = vector.load %arg2[%swap3A_2285, %swap3A_2286, %swap3A_2287] : memref<1x32x16384xf32, #tpu.memory_space<vmem>>, vector<1x32x32xf32>
    %swap3A_2289 = vector.shape_cast %swap3A_2288 : vector<1x32x32xf32> to vector<32x32xf32>
    %swap3A_2290 = vector.shape_cast %slice3A_2284 : vector<32x32xf32> to vector<1x32x32xf32>
    tpu.vector_store %arg2[%swap3A_2285, %swap3A_2286, %swap3A_2287], %swap3A_2290 {strides = array<i32>} : memref<1x32x16384xf32, #tpu.memory_space<vmem>>, vector<1x32x32xf32>,
    %slice3A_2291 = vector.extract_strided_slice %dot_general3A_3 {offsets = [64, 2272], sizes = [32, 32], strides = [1, 1]} : vector<128x4096xf32> to vector<32x32xf32>
    %swap3A_2292 = arith.constant 0 : index
    %swap3A_2293 = arith.constant 0 : index
    %swap3A_2294 = arith.constant 9152 : index
    %swap3A_2295 = vector.load %arg2[%swap3A_2292, %swap3A_2293, %swap3A_2294] : memref<1x32x16384xf32, #tpu.memory_space<vmem>>, vector<1x32x32xf32>
    %swap3A_2296 = vector.shape_cast %swap3A_2295 : vector<1x32x32xf32> to vector<32x32xf32>
    %swap3A_2297 = vector.shape_cast %slice3A_2291 : vector<32x32xf32> to vector<1x32x32xf32>
    tpu.vector_store %arg2[%swap3A_2292, %swap3A_2293, %swap3A_2294], %swap3A_2297 {strides = array<i32>} : memref<1x32x16384xf32, #tpu.memory_space<vmem>>, vector<1x32x32xf32>,
    %slice3A_2298 = vector.extract_strided_slice %dot_general3A_3 {offsets = [64, 2304], sizes = [32, 32], strides = [1, 1]} : vector<128x4096xf32> to vector<32x32xf32>
    %swap3A_2299 = arith.constant 0 : index
    %swap3A_2300 = arith.constant 0 : index
    %swap3A_2301 = arith.constant 9280 : index
    %swap3A_2302 = vector.load %arg2[%swap3A_2299, %swap3A_2300, %swap3A_2301] : memref<1x32x16384xf32, #tpu.memory_space<vmem>>, vector<1x32x32xf32>
    %swap3A_2303 = vector.shape_cast %swap3A_2302 : vector<1x32x32xf32> to vector<32x32xf32>
    %swap3A_2304 = vector.shape_cast %slice3A_2298 : vector<32x32xf32> to vector<1x32x32xf32>
    tpu.vector_store %arg2[%swap3A_2299, %swap3A_2300, %swap3A_2301], %swap3A_2304 {strides = array<i32>} : memref<1x32x16384xf32, #tpu.memory_space<vmem>>, vector<1x32x32xf32>,
    %slice3A_2305 = vector.extract_strided_slice %dot_general3A_3 {offsets = [64, 2336], sizes = [32, 32], strides = [1, 1]} : vector<128x4096xf32> to vector<32x32xf32>
    %swap3A_2306 = arith.constant 0 : index
    %swap3A_2307 = arith.constant 0 : index
    %swap3A_2308 = arith.constant 9408 : index
    %swap3A_2309 = vector.load %arg2[%swap3A_2306, %swap3A_2307, %swap3A_2308] : memref<1x32x16384xf32, #tpu.memory_space<vmem>>, vector<1x32x32xf32>
    %swap3A_2310 = vector.shape_cast %swap3A_2309 : vector<1x32x32xf32> to vector<32x32xf32>
    %swap3A_2311 = vector.shape_cast %slice3A_2305 : vector<32x32xf32> to vector<1x32x32xf32>
    tpu.vector_store %arg2[%swap3A_2306, %swap3A_2307, %swap3A_2308], %swap3A_2311 {strides = array<i32>} : memref<1x32x16384xf32, #tpu.memory_space<vmem>>, vector<1x32x32xf32>,
    %slice3A_2312 = vector.extract_strided_slice %dot_general3A_3 {offsets = [64, 2368], sizes = [32, 32], strides = [1, 1]} : vector<128x4096xf32> to vector<32x32xf32>
    %swap3A_2313 = arith.constant 0 : index
    %swap3A_2314 = arith.constant 0 : index
    %swap3A_2315 = arith.constant 9536 : index
    %swap3A_2316 = vector.load %arg2[%swap3A_2313, %swap3A_2314, %swap3A_2315] : memref<1x32x16384xf32, #tpu.memory_space<vmem>>, vector<1x32x32xf32>
    %swap3A_2317 = vector.shape_cast %swap3A_2316 : vector<1x32x32xf32> to vector<32x32xf32>
    %swap3A_2318 = vector.shape_cast %slice3A_2312 : vector<32x32xf32> to vector<1x32x32xf32>
    tpu.vector_store %arg2[%swap3A_2313, %swap3A_2314, %swap3A_2315], %swap3A_2318 {strides = array<i32>} : memref<1x32x16384xf32, #tpu.memory_space<vmem>>, vector<1x32x32xf32>,
    %slice3A_2319 = vector.extract_strided_slice %dot_general3A_3 {offsets = [64, 2400], sizes = [32, 32], strides = [1, 1]} : vector<128x4096xf32> to vector<32x32xf32>
    %swap3A_2320 = arith.constant 0 : index
    %swap3A_2321 = arith.constant 0 : index
    %swap3A_2322 = arith.constant 9664 : index
    %swap3A_2323 = vector.load %arg2[%swap3A_2320, %swap3A_2321, %swap3A_2322] : memref<1x32x16384xf32, #tpu.memory_space<vmem>>, vector<1x32x32xf32>
    %swap3A_2324 = vector.shape_cast %swap3A_2323 : vector<1x32x32xf32> to vector<32x32xf32>
    %swap3A_2325 = vector.shape_cast %slice3A_2319 : vector<32x32xf32> to vector<1x32x32xf32>
    tpu.vector_store %arg2[%swap3A_2320, %swap3A_2321, %swap3A_2322], %swap3A_2325 {strides = array<i32>} : memref<1x32x16384xf32, #tpu.memory_space<vmem>>, vector<1x32x32xf32>,
    %slice3A_2326 = vector.extract_strided_slice %dot_general3A_3 {offsets = [64, 2432], sizes = [32, 32], strides = [1, 1]} : vector<128x4096xf32> to vector<32x32xf32>
    %swap3A_2327 = arith.constant 0 : index
    %swap3A_2328 = arith.constant 0 : index
    %swap3A_2329 = arith.constant 9792 : index
    %swap3A_2330 = vector.load %arg2[%swap3A_2327, %swap3A_2328, %swap3A_2329] : memref<1x32x16384xf32, #tpu.memory_space<vmem>>, vector<1x32x32xf32>
    %swap3A_2331 = vector.shape_cast %swap3A_2330 : vector<1x32x32xf32> to vector<32x32xf32>
    %swap3A_2332 = vector.shape_cast %slice3A_2326 : vector<32x32xf32> to vector<1x32x32xf32>
    tpu.vector_store %arg2[%swap3A_2327, %swap3A_2328, %swap3A_2329], %swap3A_2332 {strides = array<i32>} : memref<1x32x16384xf32, #tpu.memory_space<vmem>>, vector<1x32x32xf32>,
    %slice3A_2333 = vector.extract_strided_slice %dot_general3A_3 {offsets = [64, 2464], sizes = [32, 32], strides = [1, 1]} : vector<128x4096xf32> to vector<32x32xf32>
    %swap3A_2334 = arith.constant 0 : index
    %swap3A_2335 = arith.constant 0 : index
    %swap3A_2336 = arith.constant 9920 : index
    %swap3A_2337 = vector.load %arg2[%swap3A_2334, %swap3A_2335, %swap3A_2336] : memref<1x32x16384xf32, #tpu.memory_space<vmem>>, vector<1x32x32xf32>
    %swap3A_2338 = vector.shape_cast %swap3A_2337 : vector<1x32x32xf32> to vector<32x32xf32>
    %swap3A_2339 = vector.shape_cast %slice3A_2333 : vector<32x32xf32> to vector<1x32x32xf32>
    tpu.vector_store %arg2[%swap3A_2334, %swap3A_2335, %swap3A_2336], %swap3A_2339 {strides = array<i32>} : memref<1x32x16384xf32, #tpu.memory_space<vmem>>, vector<1x32x32xf32>,
    %slice3A_2340 = vector.extract_strided_slice %dot_general3A_3 {offsets = [64, 2496], sizes = [32, 32], strides = [1, 1]} : vector<128x4096xf32> to vector<32x32xf32>
    %swap3A_2341 = arith.constant 0 : index
    %swap3A_2342 = arith.constant 0 : index
    %swap3A_2343 = arith.constant 10048 : index
    %swap3A_2344 = vector.load %arg2[%swap3A_2341, %swap3A_2342, %swap3A_2343] : memref<1x32x16384xf32, #tpu.memory_space<vmem>>, vector<1x32x32xf32>
    %swap3A_2345 = vector.shape_cast %swap3A_2344 : vector<1x32x32xf32> to vector<32x32xf32>
    %swap3A_2346 = vector.shape_cast %slice3A_2340 : vector<32x32xf32> to vector<1x32x32xf32>
    tpu.vector_store %arg2[%swap3A_2341, %swap3A_2342, %swap3A_2343], %swap3A_2346 {strides = array<i32>} : memref<1x32x16384xf32, #tpu.memory_space<vmem>>, vector<1x32x32xf32>,
    %slice3A_2347 = vector.extract_strided_slice %dot_general3A_3 {offsets = [64, 2528], sizes = [32, 32], strides = [1, 1]} : vector<128x4096xf32> to vector<32x32xf32>
    %swap3A_2348 = arith.constant 0 : index
    %swap3A_2349 = arith.constant 0 : index
    %swap3A_2350 = arith.constant 10176 : index
    %swap3A_2351 = vector.load %arg2[%swap3A_2348, %swap3A_2349, %swap3A_2350] : memref<1x32x16384xf32, #tpu.memory_space<vmem>>, vector<1x32x32xf32>
    %swap3A_2352 = vector.shape_cast %swap3A_2351 : vector<1x32x32xf32> to vector<32x32xf32>
    %swap3A_2353 = vector.shape_cast %slice3A_2347 : vector<32x32xf32> to vector<1x32x32xf32>
    tpu.vector_store %arg2[%swap3A_2348, %swap3A_2349, %swap3A_2350], %swap3A_2353 {strides = array<i32>} : memref<1x32x16384xf32, #tpu.memory_space<vmem>>, vector<1x32x32xf32>,
    %slice3A_2354 = vector.extract_strided_slice %dot_general3A_3 {offsets = [64, 2560], sizes = [32, 32], strides = [1, 1]} : vector<128x4096xf32> to vector<32x32xf32>
    %swap3A_2355 = arith.constant 0 : index
    %swap3A_2356 = arith.constant 0 : index
    %swap3A_2357 = arith.constant 10304 : index
    %swap3A_2358 = vector.load %arg2[%swap3A_2355, %swap3A_2356, %swap3A_2357] : memref<1x32x16384xf32, #tpu.memory_space<vmem>>, vector<1x32x32xf32>
    %swap3A_2359 = vector.shape_cast %swap3A_2358 : vector<1x32x32xf32> to vector<32x32xf32>
    %swap3A_2360 = vector.shape_cast %slice3A_2354 : vector<32x32xf32> to vector<1x32x32xf32>
    tpu.vector_store %arg2[%swap3A_2355, %swap3A_2356, %swap3A_2357], %swap3A_2360 {strides = array<i32>} : memref<1x32x16384xf32, #tpu.memory_space<vmem>>, vector<1x32x32xf32>,
    %slice3A_2361 = vector.extract_strided_slice %dot_general3A_3 {offsets = [64, 2592], sizes = [32, 32], strides = [1, 1]} : vector<128x4096xf32> to vector<32x32xf32>
    %swap3A_2362 = arith.constant 0 : index
    %swap3A_2363 = arith.constant 0 : index
    %swap3A_2364 = arith.constant 10432 : index
    %swap3A_2365 = vector.load %arg2[%swap3A_2362, %swap3A_2363, %swap3A_2364] : memref<1x32x16384xf32, #tpu.memory_space<vmem>>, vector<1x32x32xf32>
    %swap3A_2366 = vector.shape_cast %swap3A_2365 : vector<1x32x32xf32> to vector<32x32xf32>
    %swap3A_2367 = vector.shape_cast %slice3A_2361 : vector<32x32xf32> to vector<1x32x32xf32>
    tpu.vector_store %arg2[%swap3A_2362, %swap3A_2363, %swap3A_2364], %swap3A_2367 {strides = array<i32>} : memref<1x32x16384xf32, #tpu.memory_space<vmem>>, vector<1x32x32xf32>,
    %slice3A_2368 = vector.extract_strided_slice %dot_general3A_3 {offsets = [64, 2624], sizes = [32, 32], strides = [1, 1]} : vector<128x4096xf32> to vector<32x32xf32>
    %swap3A_2369 = arith.constant 0 : index
    %swap3A_2370 = arith.constant 0 : index
    %swap3A_2371 = arith.constant 10560 : index
    %swap3A_2372 = vector.load %arg2[%swap3A_2369, %swap3A_2370, %swap3A_2371] : memref<1x32x16384xf32, #tpu.memory_space<vmem>>, vector<1x32x32xf32>
    %swap3A_2373 = vector.shape_cast %swap3A_2372 : vector<1x32x32xf32> to vector<32x32xf32>
    %swap3A_2374 = vector.shape_cast %slice3A_2368 : vector<32x32xf32> to vector<1x32x32xf32>
    tpu.vector_store %arg2[%swap3A_2369, %swap3A_2370, %swap3A_2371], %swap3A_2374 {strides = array<i32>} : memref<1x32x16384xf32, #tpu.memory_space<vmem>>, vector<1x32x32xf32>,
    %slice3A_2375 = vector.extract_strided_slice %dot_general3A_3 {offsets = [64, 2656], sizes = [32, 32], strides = [1, 1]} : vector<128x4096xf32> to vector<32x32xf32>
    %swap3A_2376 = arith.constant 0 : index
    %swap3A_2377 = arith.constant 0 : index
    %swap3A_2378 = arith.constant 10688 : index
    %swap3A_2379 = vector.load %arg2[%swap3A_2376, %swap3A_2377, %swap3A_2378] : memref<1x32x16384xf32, #tpu.memory_space<vmem>>, vector<1x32x32xf32>
    %swap3A_2380 = vector.shape_cast %swap3A_2379 : vector<1x32x32xf32> to vector<32x32xf32>
    %swap3A_2381 = vector.shape_cast %slice3A_2375 : vector<32x32xf32> to vector<1x32x32xf32>
    tpu.vector_store %arg2[%swap3A_2376, %swap3A_2377, %swap3A_2378], %swap3A_2381 {strides = array<i32>} : memref<1x32x16384xf32, #tpu.memory_space<vmem>>, vector<1x32x32xf32>,
    %slice3A_2382 = vector.extract_strided_slice %dot_general3A_3 {offsets = [64, 2688], sizes = [32, 32], strides = [1, 1]} : vector<128x4096xf32> to vector<32x32xf32>
    %swap3A_2383 = arith.constant 0 : index
    %swap3A_2384 = arith.constant 0 : index
    %swap3A_2385 = arith.constant 10816 : index
    %swap3A_2386 = vector.load %arg2[%swap3A_2383, %swap3A_2384, %swap3A_2385] : memref<1x32x16384xf32, #tpu.memory_space<vmem>>, vector<1x32x32xf32>
    %swap3A_2387 = vector.shape_cast %swap3A_2386 : vector<1x32x32xf32> to vector<32x32xf32>
    %swap3A_2388 = vector.shape_cast %slice3A_2382 : vector<32x32xf32> to vector<1x32x32xf32>
    tpu.vector_store %arg2[%swap3A_2383, %swap3A_2384, %swap3A_2385], %swap3A_2388 {strides = array<i32>} : memref<1x32x16384xf32, #tpu.memory_space<vmem>>, vector<1x32x32xf32>,
    %slice3A_2389 = vector.extract_strided_slice %dot_general3A_3 {offsets = [64, 2720], sizes = [32, 32], strides = [1, 1]} : vector<128x4096xf32> to vector<32x32xf32>
    %swap3A_2390 = arith.constant 0 : index
    %swap3A_2391 = arith.constant 0 : index
    %swap3A_2392 = arith.constant 10944 : index
    %swap3A_2393 = vector.load %arg2[%swap3A_2390, %swap3A_2391, %swap3A_2392] : memref<1x32x16384xf32, #tpu.memory_space<vmem>>, vector<1x32x32xf32>
    %swap3A_2394 = vector.shape_cast %swap3A_2393 : vector<1x32x32xf32> to vector<32x32xf32>
    %swap3A_2395 = vector.shape_cast %slice3A_2389 : vector<32x32xf32> to vector<1x32x32xf32>
    tpu.vector_store %arg2[%swap3A_2390, %swap3A_2391, %swap3A_2392], %swap3A_2395 {strides = array<i32>} : memref<1x32x16384xf32, #tpu.memory_space<vmem>>, vector<1x32x32xf32>,
    %slice3A_2396 = vector.extract_strided_slice %dot_general3A_3 {offsets = [64, 2752], sizes = [32, 32], strides = [1, 1]} : vector<128x4096xf32> to vector<32x32xf32>
    %swap3A_2397 = arith.constant 0 : index
    %swap3A_2398 = arith.constant 0 : index
    %swap3A_2399 = arith.constant 11072 : index
    %swap3A_2400 = vector.load %arg2[%swap3A_2397, %swap3A_2398, %swap3A_2399] : memref<1x32x16384xf32, #tpu.memory_space<vmem>>, vector<1x32x32xf32>
    %swap3A_2401 = vector.shape_cast %swap3A_2400 : vector<1x32x32xf32> to vector<32x32xf32>
    %swap3A_2402 = vector.shape_cast %slice3A_2396 : vector<32x32xf32> to vector<1x32x32xf32>
    tpu.vector_store %arg2[%swap3A_2397, %swap3A_2398, %swap3A_2399], %swap3A_2402 {strides = array<i32>} : memref<1x32x16384xf32, #tpu.memory_space<vmem>>, vector<1x32x32xf32>,
    %slice3A_2403 = vector.extract_strided_slice %dot_general3A_3 {offsets = [64, 2784], sizes = [32, 32], strides = [1, 1]} : vector<128x4096xf32> to vector<32x32xf32>
    %swap3A_2404 = arith.constant 0 : index
    %swap3A_2405 = arith.constant 0 : index
    %swap3A_2406 = arith.constant 11200 : index
    %swap3A_2407 = vector.load %arg2[%swap3A_2404, %swap3A_2405, %swap3A_2406] : memref<1x32x16384xf32, #tpu.memory_space<vmem>>, vector<1x32x32xf32>
    %swap3A_2408 = vector.shape_cast %swap3A_2407 : vector<1x32x32xf32> to vector<32x32xf32>
    %swap3A_2409 = vector.shape_cast %slice3A_2403 : vector<32x32xf32> to vector<1x32x32xf32>
    tpu.vector_store %arg2[%swap3A_2404, %swap3A_2405, %swap3A_2406], %swap3A_2409 {strides = array<i32>} : memref<1x32x16384xf32, #tpu.memory_space<vmem>>, vector<1x32x32xf32>,
    %slice3A_2410 = vector.extract_strided_slice %dot_general3A_3 {offsets = [64, 2816], sizes = [32, 32], strides = [1, 1]} : vector<128x4096xf32> to vector<32x32xf32>
    %swap3A_2411 = arith.constant 0 : index
    %swap3A_2412 = arith.constant 0 : index
    %swap3A_2413 = arith.constant 11328 : index
    %swap3A_2414 = vector.load %arg2[%swap3A_2411, %swap3A_2412, %swap3A_2413] : memref<1x32x16384xf32, #tpu.memory_space<vmem>>, vector<1x32x32xf32>
    %swap3A_2415 = vector.shape_cast %swap3A_2414 : vector<1x32x32xf32> to vector<32x32xf32>
    %swap3A_2416 = vector.shape_cast %slice3A_2410 : vector<32x32xf32> to vector<1x32x32xf32>
    tpu.vector_store %arg2[%swap3A_2411, %swap3A_2412, %swap3A_2413], %swap3A_2416 {strides = array<i32>} : memref<1x32x16384xf32, #tpu.memory_space<vmem>>, vector<1x32x32xf32>,
    %slice3A_2417 = vector.extract_strided_slice %dot_general3A_3 {offsets = [64, 2848], sizes = [32, 32], strides = [1, 1]} : vector<128x4096xf32> to vector<32x32xf32>
    %swap3A_2418 = arith.constant 0 : index
    %swap3A_2419 = arith.constant 0 : index
    %swap3A_2420 = arith.constant 11456 : index
    %swap3A_2421 = vector.load %arg2[%swap3A_2418, %swap3A_2419, %swap3A_2420] : memref<1x32x16384xf32, #tpu.memory_space<vmem>>, vector<1x32x32xf32>
    %swap3A_2422 = vector.shape_cast %swap3A_2421 : vector<1x32x32xf32> to vector<32x32xf32>
    %swap3A_2423 = vector.shape_cast %slice3A_2417 : vector<32x32xf32> to vector<1x32x32xf32>
    tpu.vector_store %arg2[%swap3A_2418, %swap3A_2419, %swap3A_2420], %swap3A_2423 {strides = array<i32>} : memref<1x32x16384xf32, #tpu.memory_space<vmem>>, vector<1x32x32xf32>,
    %slice3A_2424 = vector.extract_strided_slice %dot_general3A_3 {offsets = [64, 2880], sizes = [32, 32], strides = [1, 1]} : vector<128x4096xf32> to vector<32x32xf32>
    %swap3A_2425 = arith.constant 0 : index
    %swap3A_2426 = arith.constant 0 : index
    %swap3A_2427 = arith.constant 11584 : index
    %swap3A_2428 = vector.load %arg2[%swap3A_2425, %swap3A_2426, %swap3A_2427] : memref<1x32x16384xf32, #tpu.memory_space<vmem>>, vector<1x32x32xf32>
    %swap3A_2429 = vector.shape_cast %swap3A_2428 : vector<1x32x32xf32> to vector<32x32xf32>
    %swap3A_2430 = vector.shape_cast %slice3A_2424 : vector<32x32xf32> to vector<1x32x32xf32>
    tpu.vector_store %arg2[%swap3A_2425, %swap3A_2426, %swap3A_2427], %swap3A_2430 {strides = array<i32>} : memref<1x32x16384xf32, #tpu.memory_space<vmem>>, vector<1x32x32xf32>,
    %slice3A_2431 = vector.extract_strided_slice %dot_general3A_3 {offsets = [64, 2912], sizes = [32, 32], strides = [1, 1]} : vector<128x4096xf32> to vector<32x32xf32>
    %swap3A_2432 = arith.constant 0 : index
    %swap3A_2433 = arith.constant 0 : index
    %swap3A_2434 = arith.constant 11712 : index
    %swap3A_2435 = vector.load %arg2[%swap3A_2432, %swap3A_2433, %swap3A_2434] : memref<1x32x16384xf32, #tpu.memory_space<vmem>>, vector<1x32x32xf32>
    %swap3A_2436 = vector.shape_cast %swap3A_2435 : vector<1x32x32xf32> to vector<32x32xf32>
    %swap3A_2437 = vector.shape_cast %slice3A_2431 : vector<32x32xf32> to vector<1x32x32xf32>
    tpu.vector_store %arg2[%swap3A_2432, %swap3A_2433, %swap3A_2434], %swap3A_2437 {strides = array<i32>} : memref<1x32x16384xf32, #tpu.memory_space<vmem>>, vector<1x32x32xf32>,
    %slice3A_2438 = vector.extract_strided_slice %dot_general3A_3 {offsets = [64, 2944], sizes = [32, 32], strides = [1, 1]} : vector<128x4096xf32> to vector<32x32xf32>
    %swap3A_2439 = arith.constant 0 : index
    %swap3A_2440 = arith.constant 0 : index
    %swap3A_2441 = arith.constant 11840 : index
    %swap3A_2442 = vector.load %arg2[%swap3A_2439, %swap3A_2440, %swap3A_2441] : memref<1x32x16384xf32, #tpu.memory_space<vmem>>, vector<1x32x32xf32>
    %swap3A_2443 = vector.shape_cast %swap3A_2442 : vector<1x32x32xf32> to vector<32x32xf32>
    %swap3A_2444 = vector.shape_cast %slice3A_2438 : vector<32x32xf32> to vector<1x32x32xf32>
    tpu.vector_store %arg2[%swap3A_2439, %swap3A_2440, %swap3A_2441], %swap3A_2444 {strides = array<i32>} : memref<1x32x16384xf32, #tpu.memory_space<vmem>>, vector<1x32x32xf32>,
    %slice3A_2445 = vector.extract_strided_slice %dot_general3A_3 {offsets = [64, 2976], sizes = [32, 32], strides = [1, 1]} : vector<128x4096xf32> to vector<32x32xf32>
    %swap3A_2446 = arith.constant 0 : index
    %swap3A_2447 = arith.constant 0 : index
    %swap3A_2448 = arith.constant 11968 : index
    %swap3A_2449 = vector.load %arg2[%swap3A_2446, %swap3A_2447, %swap3A_2448] : memref<1x32x16384xf32, #tpu.memory_space<vmem>>, vector<1x32x32xf32>
    %swap3A_2450 = vector.shape_cast %swap3A_2449 : vector<1x32x32xf32> to vector<32x32xf32>
    %swap3A_2451 = vector.shape_cast %slice3A_2445 : vector<32x32xf32> to vector<1x32x32xf32>
    tpu.vector_store %arg2[%swap3A_2446, %swap3A_2447, %swap3A_2448], %swap3A_2451 {strides = array<i32>} : memref<1x32x16384xf32, #tpu.memory_space<vmem>>, vector<1x32x32xf32>,
    %slice3A_2452 = vector.extract_strided_slice %dot_general3A_3 {offsets = [64, 3008], sizes = [32, 32], strides = [1, 1]} : vector<128x4096xf32> to vector<32x32xf32>
    %swap3A_2453 = arith.constant 0 : index
    %swap3A_2454 = arith.constant 0 : index
    %swap3A_2455 = arith.constant 12096 : index
    %swap3A_2456 = vector.load %arg2[%swap3A_2453, %swap3A_2454, %swap3A_2455] : memref<1x32x16384xf32, #tpu.memory_space<vmem>>, vector<1x32x32xf32>
    %swap3A_2457 = vector.shape_cast %swap3A_2456 : vector<1x32x32xf32> to vector<32x32xf32>
    %swap3A_2458 = vector.shape_cast %slice3A_2452 : vector<32x32xf32> to vector<1x32x32xf32>
    tpu.vector_store %arg2[%swap3A_2453, %swap3A_2454, %swap3A_2455], %swap3A_2458 {strides = array<i32>} : memref<1x32x16384xf32, #tpu.memory_space<vmem>>, vector<1x32x32xf32>,
    %slice3A_2459 = vector.extract_strided_slice %dot_general3A_3 {offsets = [64, 3040], sizes = [32, 32], strides = [1, 1]} : vector<128x4096xf32> to vector<32x32xf32>
    %swap3A_2460 = arith.constant 0 : index
    %swap3A_2461 = arith.constant 0 : index
    %swap3A_2462 = arith.constant 12224 : index
    %swap3A_2463 = vector.load %arg2[%swap3A_2460, %swap3A_2461, %swap3A_2462] : memref<1x32x16384xf32, #tpu.memory_space<vmem>>, vector<1x32x32xf32>
    %swap3A_2464 = vector.shape_cast %swap3A_2463 : vector<1x32x32xf32> to vector<32x32xf32>
    %swap3A_2465 = vector.shape_cast %slice3A_2459 : vector<32x32xf32> to vector<1x32x32xf32>
    tpu.vector_store %arg2[%swap3A_2460, %swap3A_2461, %swap3A_2462], %swap3A_2465 {strides = array<i32>} : memref<1x32x16384xf32, #tpu.memory_space<vmem>>, vector<1x32x32xf32>,
    %slice3A_2466 = vector.extract_strided_slice %dot_general3A_3 {offsets = [64, 3072], sizes = [32, 32], strides = [1, 1]} : vector<128x4096xf32> to vector<32x32xf32>
    %swap3A_2467 = arith.constant 0 : index
    %swap3A_2468 = arith.constant 0 : index
    %swap3A_2469 = arith.constant 12352 : index
    %swap3A_2470 = vector.load %arg2[%swap3A_2467, %swap3A_2468, %swap3A_2469] : memref<1x32x16384xf32, #tpu.memory_space<vmem>>, vector<1x32x32xf32>
    %swap3A_2471 = vector.shape_cast %swap3A_2470 : vector<1x32x32xf32> to vector<32x32xf32>
    %swap3A_2472 = vector.shape_cast %slice3A_2466 : vector<32x32xf32> to vector<1x32x32xf32>
    tpu.vector_store %arg2[%swap3A_2467, %swap3A_2468, %swap3A_2469], %swap3A_2472 {strides = array<i32>} : memref<1x32x16384xf32, #tpu.memory_space<vmem>>, vector<1x32x32xf32>,
    %slice3A_2473 = vector.extract_strided_slice %dot_general3A_3 {offsets = [64, 3104], sizes = [32, 32], strides = [1, 1]} : vector<128x4096xf32> to vector<32x32xf32>
    %swap3A_2474 = arith.constant 0 : index
    %swap3A_2475 = arith.constant 0 : index
    %swap3A_2476 = arith.constant 12480 : index
    %swap3A_2477 = vector.load %arg2[%swap3A_2474, %swap3A_2475, %swap3A_2476] : memref<1x32x16384xf32, #tpu.memory_space<vmem>>, vector<1x32x32xf32>
    %swap3A_2478 = vector.shape_cast %swap3A_2477 : vector<1x32x32xf32> to vector<32x32xf32>
    %swap3A_2479 = vector.shape_cast %slice3A_2473 : vector<32x32xf32> to vector<1x32x32xf32>
    tpu.vector_store %arg2[%swap3A_2474, %swap3A_2475, %swap3A_2476], %swap3A_2479 {strides = array<i32>} : memref<1x32x16384xf32, #tpu.memory_space<vmem>>, vector<1x32x32xf32>,
    %slice3A_2480 = vector.extract_strided_slice %dot_general3A_3 {offsets = [64, 3136], sizes = [32, 32], strides = [1, 1]} : vector<128x4096xf32> to vector<32x32xf32>
    %swap3A_2481 = arith.constant 0 : index
    %swap3A_2482 = arith.constant 0 : index
    %swap3A_2483 = arith.constant 12608 : index
    %swap3A_2484 = vector.load %arg2[%swap3A_2481, %swap3A_2482, %swap3A_2483] : memref<1x32x16384xf32, #tpu.memory_space<vmem>>, vector<1x32x32xf32>
    %swap3A_2485 = vector.shape_cast %swap3A_2484 : vector<1x32x32xf32> to vector<32x32xf32>
    %swap3A_2486 = vector.shape_cast %slice3A_2480 : vector<32x32xf32> to vector<1x32x32xf32>
    tpu.vector_store %arg2[%swap3A_2481, %swap3A_2482, %swap3A_2483], %swap3A_2486 {strides = array<i32>} : memref<1x32x16384xf32, #tpu.memory_space<vmem>>, vector<1x32x32xf32>,
    %slice3A_2487 = vector.extract_strided_slice %dot_general3A_3 {offsets = [64, 3168], sizes = [32, 32], strides = [1, 1]} : vector<128x4096xf32> to vector<32x32xf32>
    %swap3A_2488 = arith.constant 0 : index
    %swap3A_2489 = arith.constant 0 : index
    %swap3A_2490 = arith.constant 12736 : index
    %swap3A_2491 = vector.load %arg2[%swap3A_2488, %swap3A_2489, %swap3A_2490] : memref<1x32x16384xf32, #tpu.memory_space<vmem>>, vector<1x32x32xf32>
    %swap3A_2492 = vector.shape_cast %swap3A_2491 : vector<1x32x32xf32> to vector<32x32xf32>
    %swap3A_2493 = vector.shape_cast %slice3A_2487 : vector<32x32xf32> to vector<1x32x32xf32>
    tpu.vector_store %arg2[%swap3A_2488, %swap3A_2489, %swap3A_2490], %swap3A_2493 {strides = array<i32>} : memref<1x32x16384xf32, #tpu.memory_space<vmem>>, vector<1x32x32xf32>,
    %slice3A_2494 = vector.extract_strided_slice %dot_general3A_3 {offsets = [64, 3200], sizes = [32, 32], strides = [1, 1]} : vector<128x4096xf32> to vector<32x32xf32>
    %swap3A_2495 = arith.constant 0 : index
    %swap3A_2496 = arith.constant 0 : index
    %swap3A_2497 = arith.constant 12864 : index
    %swap3A_2498 = vector.load %arg2[%swap3A_2495, %swap3A_2496, %swap3A_2497] : memref<1x32x16384xf32, #tpu.memory_space<vmem>>, vector<1x32x32xf32>
    %swap3A_2499 = vector.shape_cast %swap3A_2498 : vector<1x32x32xf32> to vector<32x32xf32>
    %swap3A_2500 = vector.shape_cast %slice3A_2494 : vector<32x32xf32> to vector<1x32x32xf32>
    tpu.vector_store %arg2[%swap3A_2495, %swap3A_2496, %swap3A_2497], %swap3A_2500 {strides = array<i32>} : memref<1x32x16384xf32, #tpu.memory_space<vmem>>, vector<1x32x32xf32>,
    %slice3A_2501 = vector.extract_strided_slice %dot_general3A_3 {offsets = [64, 3232], sizes = [32, 32], strides = [1, 1]} : vector<128x4096xf32> to vector<32x32xf32>
    %swap3A_2502 = arith.constant 0 : index
    %swap3A_2503 = arith.constant 0 : index
    %swap3A_2504 = arith.constant 12992 : index
    %swap3A_2505 = vector.load %arg2[%swap3A_2502, %swap3A_2503, %swap3A_2504] : memref<1x32x16384xf32, #tpu.memory_space<vmem>>, vector<1x32x32xf32>
    %swap3A_2506 = vector.shape_cast %swap3A_2505 : vector<1x32x32xf32> to vector<32x32xf32>
    %swap3A_2507 = vector.shape_cast %slice3A_2501 : vector<32x32xf32> to vector<1x32x32xf32>
    tpu.vector_store %arg2[%swap3A_2502, %swap3A_2503, %swap3A_2504], %swap3A_2507 {strides = array<i32>} : memref<1x32x16384xf32, #tpu.memory_space<vmem>>, vector<1x32x32xf32>,
    %slice3A_2508 = vector.extract_strided_slice %dot_general3A_3 {offsets = [64, 3264], sizes = [32, 32], strides = [1, 1]} : vector<128x4096xf32> to vector<32x32xf32>
    %swap3A_2509 = arith.constant 0 : index
    %swap3A_2510 = arith.constant 0 : index
    %swap3A_2511 = arith.constant 13120 : index
    %swap3A_2512 = vector.load %arg2[%swap3A_2509, %swap3A_2510, %swap3A_2511] : memref<1x32x16384xf32, #tpu.memory_space<vmem>>, vector<1x32x32xf32>
    %swap3A_2513 = vector.shape_cast %swap3A_2512 : vector<1x32x32xf32> to vector<32x32xf32>
    %swap3A_2514 = vector.shape_cast %slice3A_2508 : vector<32x32xf32> to vector<1x32x32xf32>
    tpu.vector_store %arg2[%swap3A_2509, %swap3A_2510, %swap3A_2511], %swap3A_2514 {strides = array<i32>} : memref<1x32x16384xf32, #tpu.memory_space<vmem>>, vector<1x32x32xf32>,
    %slice3A_2515 = vector.extract_strided_slice %dot_general3A_3 {offsets = [64, 3296], sizes = [32, 32], strides = [1, 1]} : vector<128x4096xf32> to vector<32x32xf32>
    %swap3A_2516 = arith.constant 0 : index
    %swap3A_2517 = arith.constant 0 : index
    %swap3A_2518 = arith.constant 13248 : index
    %swap3A_2519 = vector.load %arg2[%swap3A_2516, %swap3A_2517, %swap3A_2518] : memref<1x32x16384xf32, #tpu.memory_space<vmem>>, vector<1x32x32xf32>
    %swap3A_2520 = vector.shape_cast %swap3A_2519 : vector<1x32x32xf32> to vector<32x32xf32>
    %swap3A_2521 = vector.shape_cast %slice3A_2515 : vector<32x32xf32> to vector<1x32x32xf32>
    tpu.vector_store %arg2[%swap3A_2516, %swap3A_2517, %swap3A_2518], %swap3A_2521 {strides = array<i32>} : memref<1x32x16384xf32, #tpu.memory_space<vmem>>, vector<1x32x32xf32>,
    %slice3A_2522 = vector.extract_strided_slice %dot_general3A_3 {offsets = [64, 3328], sizes = [32, 32], strides = [1, 1]} : vector<128x4096xf32> to vector<32x32xf32>
    %swap3A_2523 = arith.constant 0 : index
    %swap3A_2524 = arith.constant 0 : index
    %swap3A_2525 = arith.constant 13376 : index
    %swap3A_2526 = vector.load %arg2[%swap3A_2523, %swap3A_2524, %swap3A_2525] : memref<1x32x16384xf32, #tpu.memory_space<vmem>>, vector<1x32x32xf32>
    %swap3A_2527 = vector.shape_cast %swap3A_2526 : vector<1x32x32xf32> to vector<32x32xf32>
    %swap3A_2528 = vector.shape_cast %slice3A_2522 : vector<32x32xf32> to vector<1x32x32xf32>
    tpu.vector_store %arg2[%swap3A_2523, %swap3A_2524, %swap3A_2525], %swap3A_2528 {strides = array<i32>} : memref<1x32x16384xf32, #tpu.memory_space<vmem>>, vector<1x32x32xf32>,
    %slice3A_2529 = vector.extract_strided_slice %dot_general3A_3 {offsets = [64, 3360], sizes = [32, 32], strides = [1, 1]} : vector<128x4096xf32> to vector<32x32xf32>
    %swap3A_2530 = arith.constant 0 : index
    %swap3A_2531 = arith.constant 0 : index
    %swap3A_2532 = arith.constant 13504 : index
    %swap3A_2533 = vector.load %arg2[%swap3A_2530, %swap3A_2531, %swap3A_2532] : memref<1x32x16384xf32, #tpu.memory_space<vmem>>, vector<1x32x32xf32>
    %swap3A_2534 = vector.shape_cast %swap3A_2533 : vector<1x32x32xf32> to vector<32x32xf32>
    %swap3A_2535 = vector.shape_cast %slice3A_2529 : vector<32x32xf32> to vector<1x32x32xf32>
    tpu.vector_store %arg2[%swap3A_2530, %swap3A_2531, %swap3A_2532], %swap3A_2535 {strides = array<i32>} : memref<1x32x16384xf32, #tpu.memory_space<vmem>>, vector<1x32x32xf32>,
    %slice3A_2536 = vector.extract_strided_slice %dot_general3A_3 {offsets = [64, 3392], sizes = [32, 32], strides = [1, 1]} : vector<128x4096xf32> to vector<32x32xf32>
    %swap3A_2537 = arith.constant 0 : index
    %swap3A_2538 = arith.constant 0 : index
    %swap3A_2539 = arith.constant 13632 : index
    %swap3A_2540 = vector.load %arg2[%swap3A_2537, %swap3A_2538, %swap3A_2539] : memref<1x32x16384xf32, #tpu.memory_space<vmem>>, vector<1x32x32xf32>
    %swap3A_2541 = vector.shape_cast %swap3A_2540 : vector<1x32x32xf32> to vector<32x32xf32>
    %swap3A_2542 = vector.shape_cast %slice3A_2536 : vector<32x32xf32> to vector<1x32x32xf32>
    tpu.vector_store %arg2[%swap3A_2537, %swap3A_2538, %swap3A_2539], %swap3A_2542 {strides = array<i32>} : memref<1x32x16384xf32, #tpu.memory_space<vmem>>, vector<1x32x32xf32>,
    %slice3A_2543 = vector.extract_strided_slice %dot_general3A_3 {offsets = [64, 3424], sizes = [32, 32], strides = [1, 1]} : vector<128x4096xf32> to vector<32x32xf32>
    %swap3A_2544 = arith.constant 0 : index
    %swap3A_2545 = arith.constant 0 : index
    %swap3A_2546 = arith.constant 13760 : index
    %swap3A_2547 = vector.load %arg2[%swap3A_2544, %swap3A_2545, %swap3A_2546] : memref<1x32x16384xf32, #tpu.memory_space<vmem>>, vector<1x32x32xf32>
    %swap3A_2548 = vector.shape_cast %swap3A_2547 : vector<1x32x32xf32> to vector<32x32xf32>
    %swap3A_2549 = vector.shape_cast %slice3A_2543 : vector<32x32xf32> to vector<1x32x32xf32>
    tpu.vector_store %arg2[%swap3A_2544, %swap3A_2545, %swap3A_2546], %swap3A_2549 {strides = array<i32>} : memref<1x32x16384xf32, #tpu.memory_space<vmem>>, vector<1x32x32xf32>,
    %slice3A_2550 = vector.extract_strided_slice %dot_general3A_3 {offsets = [64, 3456], sizes = [32, 32], strides = [1, 1]} : vector<128x4096xf32> to vector<32x32xf32>
    %swap3A_2551 = arith.constant 0 : index
    %swap3A_2552 = arith.constant 0 : index
    %swap3A_2553 = arith.constant 13888 : index
    %swap3A_2554 = vector.load %arg2[%swap3A_2551, %swap3A_2552, %swap3A_2553] : memref<1x32x16384xf32, #tpu.memory_space<vmem>>, vector<1x32x32xf32>
    %swap3A_2555 = vector.shape_cast %swap3A_2554 : vector<1x32x32xf32> to vector<32x32xf32>
    %swap3A_2556 = vector.shape_cast %slice3A_2550 : vector<32x32xf32> to vector<1x32x32xf32>
    tpu.vector_store %arg2[%swap3A_2551, %swap3A_2552, %swap3A_2553], %swap3A_2556 {strides = array<i32>} : memref<1x32x16384xf32, #tpu.memory_space<vmem>>, vector<1x32x32xf32>,
    %slice3A_2557 = vector.extract_strided_slice %dot_general3A_3 {offsets = [64, 3488], sizes = [32, 32], strides = [1, 1]} : vector<128x4096xf32> to vector<32x32xf32>
    %swap3A_2558 = arith.constant 0 : index
    %swap3A_2559 = arith.constant 0 : index
    %swap3A_2560 = arith.constant 14016 : index
    %swap3A_2561 = vector.load %arg2[%swap3A_2558, %swap3A_2559, %swap3A_2560] : memref<1x32x16384xf32, #tpu.memory_space<vmem>>, vector<1x32x32xf32>
    %swap3A_2562 = vector.shape_cast %swap3A_2561 : vector<1x32x32xf32> to vector<32x32xf32>
    %swap3A_2563 = vector.shape_cast %slice3A_2557 : vector<32x32xf32> to vector<1x32x32xf32>
    tpu.vector_store %arg2[%swap3A_2558, %swap3A_2559, %swap3A_2560], %swap3A_2563 {strides = array<i32>} : memref<1x32x16384xf32, #tpu.memory_space<vmem>>, vector<1x32x32xf32>,
    %slice3A_2564 = vector.extract_strided_slice %dot_general3A_3 {offsets = [64, 3520], sizes = [32, 32], strides = [1, 1]} : vector<128x4096xf32> to vector<32x32xf32>
    %swap3A_2565 = arith.constant 0 : index
    %swap3A_2566 = arith.constant 0 : index
    %swap3A_2567 = arith.constant 14144 : index
    %swap3A_2568 = vector.load %arg2[%swap3A_2565, %swap3A_2566, %swap3A_2567] : memref<1x32x16384xf32, #tpu.memory_space<vmem>>, vector<1x32x32xf32>
    %swap3A_2569 = vector.shape_cast %swap3A_2568 : vector<1x32x32xf32> to vector<32x32xf32>
    %swap3A_2570 = vector.shape_cast %slice3A_2564 : vector<32x32xf32> to vector<1x32x32xf32>
    tpu.vector_store %arg2[%swap3A_2565, %swap3A_2566, %swap3A_2567], %swap3A_2570 {strides = array<i32>} : memref<1x32x16384xf32, #tpu.memory_space<vmem>>, vector<1x32x32xf32>,
    %slice3A_2571 = vector.extract_strided_slice %dot_general3A_3 {offsets = [64, 3552], sizes = [32, 32], strides = [1, 1]} : vector<128x4096xf32> to vector<32x32xf32>
    %swap3A_2572 = arith.constant 0 : index
    %swap3A_2573 = arith.constant 0 : index
    %swap3A_2574 = arith.constant 14272 : index
    %swap3A_2575 = vector.load %arg2[%swap3A_2572, %swap3A_2573, %swap3A_2574] : memref<1x32x16384xf32, #tpu.memory_space<vmem>>, vector<1x32x32xf32>
    %swap3A_2576 = vector.shape_cast %swap3A_2575 : vector<1x32x32xf32> to vector<32x32xf32>
    %swap3A_2577 = vector.shape_cast %slice3A_2571 : vector<32x32xf32> to vector<1x32x32xf32>
    tpu.vector_store %arg2[%swap3A_2572, %swap3A_2573, %swap3A_2574], %swap3A_2577 {strides = array<i32>} : memref<1x32x16384xf32, #tpu.memory_space<vmem>>, vector<1x32x32xf32>,
    %slice3A_2578 = vector.extract_strided_slice %dot_general3A_3 {offsets = [64, 3584], sizes = [32, 32], strides = [1, 1]} : vector<128x4096xf32> to vector<32x32xf32>
    %swap3A_2579 = arith.constant 0 : index
    %swap3A_2580 = arith.constant 0 : index
    %swap3A_2581 = arith.constant 14400 : index
    %swap3A_2582 = vector.load %arg2[%swap3A_2579, %swap3A_2580, %swap3A_2581] : memref<1x32x16384xf32, #tpu.memory_space<vmem>>, vector<1x32x32xf32>
    %swap3A_2583 = vector.shape_cast %swap3A_2582 : vector<1x32x32xf32> to vector<32x32xf32>
    %swap3A_2584 = vector.shape_cast %slice3A_2578 : vector<32x32xf32> to vector<1x32x32xf32>
    tpu.vector_store %arg2[%swap3A_2579, %swap3A_2580, %swap3A_2581], %swap3A_2584 {strides = array<i32>} : memref<1x32x16384xf32, #tpu.memory_space<vmem>>, vector<1x32x32xf32>,
    %slice3A_2585 = vector.extract_strided_slice %dot_general3A_3 {offsets = [64, 3616], sizes = [32, 32], strides = [1, 1]} : vector<128x4096xf32> to vector<32x32xf32>
    %swap3A_2586 = arith.constant 0 : index
    %swap3A_2587 = arith.constant 0 : index
    %swap3A_2588 = arith.constant 14528 : index
    %swap3A_2589 = vector.load %arg2[%swap3A_2586, %swap3A_2587, %swap3A_2588] : memref<1x32x16384xf32, #tpu.memory_space<vmem>>, vector<1x32x32xf32>
    %swap3A_2590 = vector.shape_cast %swap3A_2589 : vector<1x32x32xf32> to vector<32x32xf32>
    %swap3A_2591 = vector.shape_cast %slice3A_2585 : vector<32x32xf32> to vector<1x32x32xf32>
    tpu.vector_store %arg2[%swap3A_2586, %swap3A_2587, %swap3A_2588], %swap3A_2591 {strides = array<i32>} : memref<1x32x16384xf32, #tpu.memory_space<vmem>>, vector<1x32x32xf32>,
    %slice3A_2592 = vector.extract_strided_slice %dot_general3A_3 {offsets = [64, 3648], sizes = [32, 32], strides = [1, 1]} : vector<128x4096xf32> to vector<32x32xf32>
    %swap3A_2593 = arith.constant 0 : index
    %swap3A_2594 = arith.constant 0 : index
    %swap3A_2595 = arith.constant 14656 : index
    %swap3A_2596 = vector.load %arg2[%swap3A_2593, %swap3A_2594, %swap3A_2595] : memref<1x32x16384xf32, #tpu.memory_space<vmem>>, vector<1x32x32xf32>
    %swap3A_2597 = vector.shape_cast %swap3A_2596 : vector<1x32x32xf32> to vector<32x32xf32>
    %swap3A_2598 = vector.shape_cast %slice3A_2592 : vector<32x32xf32> to vector<1x32x32xf32>
    tpu.vector_store %arg2[%swap3A_2593, %swap3A_2594, %swap3A_2595], %swap3A_2598 {strides = array<i32>} : memref<1x32x16384xf32, #tpu.memory_space<vmem>>, vector<1x32x32xf32>,
    %slice3A_2599 = vector.extract_strided_slice %dot_general3A_3 {offsets = [64, 3680], sizes = [32, 32], strides = [1, 1]} : vector<128x4096xf32> to vector<32x32xf32>
    %swap3A_2600 = arith.constant 0 : index
    %swap3A_2601 = arith.constant 0 : index
    %swap3A_2602 = arith.constant 14784 : index
    %swap3A_2603 = vector.load %arg2[%swap3A_2600, %swap3A_2601, %swap3A_2602] : memref<1x32x16384xf32, #tpu.memory_space<vmem>>, vector<1x32x32xf32>
    %swap3A_2604 = vector.shape_cast %swap3A_2603 : vector<1x32x32xf32> to vector<32x32xf32>
    %swap3A_2605 = vector.shape_cast %slice3A_2599 : vector<32x32xf32> to vector<1x32x32xf32>
    tpu.vector_store %arg2[%swap3A_2600, %swap3A_2601, %swap3A_2602], %swap3A_2605 {strides = array<i32>} : memref<1x32x16384xf32, #tpu.memory_space<vmem>>, vector<1x32x32xf32>,
    %slice3A_2606 = vector.extract_strided_slice %dot_general3A_3 {offsets = [64, 3712], sizes = [32, 32], strides = [1, 1]} : vector<128x4096xf32> to vector<32x32xf32>
    %swap3A_2607 = arith.constant 0 : index
    %swap3A_2608 = arith.constant 0 : index
    %swap3A_2609 = arith.constant 14912 : index
    %swap3A_2610 = vector.load %arg2[%swap3A_2607, %swap3A_2608, %swap3A_2609] : memref<1x32x16384xf32, #tpu.memory_space<vmem>>, vector<1x32x32xf32>
    %swap3A_2611 = vector.shape_cast %swap3A_2610 : vector<1x32x32xf32> to vector<32x32xf32>
    %swap3A_2612 = vector.shape_cast %slice3A_2606 : vector<32x32xf32> to vector<1x32x32xf32>
    tpu.vector_store %arg2[%swap3A_2607, %swap3A_2608, %swap3A_2609], %swap3A_2612 {strides = array<i32>} : memref<1x32x16384xf32, #tpu.memory_space<vmem>>, vector<1x32x32xf32>,
    %slice3A_2613 = vector.extract_strided_slice %dot_general3A_3 {offsets = [64, 3744], sizes = [32, 32], strides = [1, 1]} : vector<128x4096xf32> to vector<32x32xf32>
    %swap3A_2614 = arith.constant 0 : index
    %swap3A_2615 = arith.constant 0 : index
    %swap3A_2616 = arith.constant 15040 : index
    %swap3A_2617 = vector.load %arg2[%swap3A_2614, %swap3A_2615, %swap3A_2616] : memref<1x32x16384xf32, #tpu.memory_space<vmem>>, vector<1x32x32xf32>
    %swap3A_2618 = vector.shape_cast %swap3A_2617 : vector<1x32x32xf32> to vector<32x32xf32>
    %swap3A_2619 = vector.shape_cast %slice3A_2613 : vector<32x32xf32> to vector<1x32x32xf32>
    tpu.vector_store %arg2[%swap3A_2614, %swap3A_2615, %swap3A_2616], %swap3A_2619 {strides = array<i32>} : memref<1x32x16384xf32, #tpu.memory_space<vmem>>, vector<1x32x32xf32>,
    %slice3A_2620 = vector.extract_strided_slice %dot_general3A_3 {offsets = [64, 3776], sizes = [32, 32], strides = [1, 1]} : vector<128x4096xf32> to vector<32x32xf32>
    %swap3A_2621 = arith.constant 0 : index
    %swap3A_2622 = arith.constant 0 : index
    %swap3A_2623 = arith.constant 15168 : index
    %swap3A_2624 = vector.load %arg2[%swap3A_2621, %swap3A_2622, %swap3A_2623] : memref<1x32x16384xf32, #tpu.memory_space<vmem>>, vector<1x32x32xf32>
    %swap3A_2625 = vector.shape_cast %swap3A_2624 : vector<1x32x32xf32> to vector<32x32xf32>
    %swap3A_2626 = vector.shape_cast %slice3A_2620 : vector<32x32xf32> to vector<1x32x32xf32>
    tpu.vector_store %arg2[%swap3A_2621, %swap3A_2622, %swap3A_2623], %swap3A_2626 {strides = array<i32>} : memref<1x32x16384xf32, #tpu.memory_space<vmem>>, vector<1x32x32xf32>,
    %slice3A_2627 = vector.extract_strided_slice %dot_general3A_3 {offsets = [64, 3808], sizes = [32, 32], strides = [1, 1]} : vector<128x4096xf32> to vector<32x32xf32>
    %swap3A_2628 = arith.constant 0 : index
    %swap3A_2629 = arith.constant 0 : index
    %swap3A_2630 = arith.constant 15296 : index
    %swap3A_2631 = vector.load %arg2[%swap3A_2628, %swap3A_2629, %swap3A_2630] : memref<1x32x16384xf32, #tpu.memory_space<vmem>>, vector<1x32x32xf32>
    %swap3A_2632 = vector.shape_cast %swap3A_2631 : vector<1x32x32xf32> to vector<32x32xf32>
    %swap3A_2633 = vector.shape_cast %slice3A_2627 : vector<32x32xf32> to vector<1x32x32xf32>
    tpu.vector_store %arg2[%swap3A_2628, %swap3A_2629, %swap3A_2630], %swap3A_2633 {strides = array<i32>} : memref<1x32x16384xf32, #tpu.memory_space<vmem>>, vector<1x32x32xf32>,
    %slice3A_2634 = vector.extract_strided_slice %dot_general3A_3 {offsets = [64, 3840], sizes = [32, 32], strides = [1, 1]} : vector<128x4096xf32> to vector<32x32xf32>
    %swap3A_2635 = arith.constant 0 : index
    %swap3A_2636 = arith.constant 0 : index
    %swap3A_2637 = arith.constant 15424 : index
    %swap3A_2638 = vector.load %arg2[%swap3A_2635, %swap3A_2636, %swap3A_2637] : memref<1x32x16384xf32, #tpu.memory_space<vmem>>, vector<1x32x32xf32>
    %swap3A_2639 = vector.shape_cast %swap3A_2638 : vector<1x32x32xf32> to vector<32x32xf32>
    %swap3A_2640 = vector.shape_cast %slice3A_2634 : vector<32x32xf32> to vector<1x32x32xf32>
    tpu.vector_store %arg2[%swap3A_2635, %swap3A_2636, %swap3A_2637], %swap3A_2640 {strides = array<i32>} : memref<1x32x16384xf32, #tpu.memory_space<vmem>>, vector<1x32x32xf32>,
    %slice3A_2641 = vector.extract_strided_slice %dot_general3A_3 {offsets = [64, 3872], sizes = [32, 32], strides = [1, 1]} : vector<128x4096xf32> to vector<32x32xf32>
    %swap3A_2642 = arith.constant 0 : index
    %swap3A_2643 = arith.constant 0 : index
    %swap3A_2644 = arith.constant 15552 : index
    %swap3A_2645 = vector.load %arg2[%swap3A_2642, %swap3A_2643, %swap3A_2644] : memref<1x32x16384xf32, #tpu.memory_space<vmem>>, vector<1x32x32xf32>
    %swap3A_2646 = vector.shape_cast %swap3A_2645 : vector<1x32x32xf32> to vector<32x32xf32>
    %swap3A_2647 = vector.shape_cast %slice3A_2641 : vector<32x32xf32> to vector<1x32x32xf32>
    tpu.vector_store %arg2[%swap3A_2642, %swap3A_2643, %swap3A_2644], %swap3A_2647 {strides = array<i32>} : memref<1x32x16384xf32, #tpu.memory_space<vmem>>, vector<1x32x32xf32>,
    %slice3A_2648 = vector.extract_strided_slice %dot_general3A_3 {offsets = [64, 3904], sizes = [32, 32], strides = [1, 1]} : vector<128x4096xf32> to vector<32x32xf32>
    %swap3A_2649 = arith.constant 0 : index
    %swap3A_2650 = arith.constant 0 : index
    %swap3A_2651 = arith.constant 15680 : index
    %swap3A_2652 = vector.load %arg2[%swap3A_2649, %swap3A_2650, %swap3A_2651] : memref<1x32x16384xf32, #tpu.memory_space<vmem>>, vector<1x32x32xf32>
    %swap3A_2653 = vector.shape_cast %swap3A_2652 : vector<1x32x32xf32> to vector<32x32xf32>
    %swap3A_2654 = vector.shape_cast %slice3A_2648 : vector<32x32xf32> to vector<1x32x32xf32>
    tpu.vector_store %arg2[%swap3A_2649, %swap3A_2650, %swap3A_2651], %swap3A_2654 {strides = array<i32>} : memref<1x32x16384xf32, #tpu.memory_space<vmem>>, vector<1x32x32xf32>,
    %slice3A_2655 = vector.extract_strided_slice %dot_general3A_3 {offsets = [64, 3936], sizes = [32, 32], strides = [1, 1]} : vector<128x4096xf32> to vector<32x32xf32>
    %swap3A_2656 = arith.constant 0 : index
    %swap3A_2657 = arith.constant 0 : index
    %swap3A_2658 = arith.constant 15808 : index
    %swap3A_2659 = vector.load %arg2[%swap3A_2656, %swap3A_2657, %swap3A_2658] : memref<1x32x16384xf32, #tpu.memory_space<vmem>>, vector<1x32x32xf32>
    %swap3A_2660 = vector.shape_cast %swap3A_2659 : vector<1x32x32xf32> to vector<32x32xf32>
    %swap3A_2661 = vector.shape_cast %slice3A_2655 : vector<32x32xf32> to vector<1x32x32xf32>
    tpu.vector_store %arg2[%swap3A_2656, %swap3A_2657, %swap3A_2658], %swap3A_2661 {strides = array<i32>} : memref<1x32x16384xf32, #tpu.memory_space<vmem>>, vector<1x32x32xf32>,
    %slice3A_2662 = vector.extract_strided_slice %dot_general3A_3 {offsets = [64, 3968], sizes = [32, 32], strides = [1, 1]} : vector<128x4096xf32> to vector<32x32xf32>
    %swap3A_2663 = arith.constant 0 : index
    %swap3A_2664 = arith.constant 0 : index
    %swap3A_2665 = arith.constant 15936 : index
    %swap3A_2666 = vector.load %arg2[%swap3A_2663, %swap3A_2664, %swap3A_2665] : memref<1x32x16384xf32, #tpu.memory_space<vmem>>, vector<1x32x32xf32>
    %swap3A_2667 = vector.shape_cast %swap3A_2666 : vector<1x32x32xf32> to vector<32x32xf32>
    %swap3A_2668 = vector.shape_cast %slice3A_2662 : vector<32x32xf32> to vector<1x32x32xf32>
    tpu.vector_store %arg2[%swap3A_2663, %swap3A_2664, %swap3A_2665], %swap3A_2668 {strides = array<i32>} : memref<1x32x16384xf32, #tpu.memory_space<vmem>>, vector<1x32x32xf32>,
    %slice3A_2669 = vector.extract_strided_slice %dot_general3A_3 {offsets = [64, 4000], sizes = [32, 32], strides = [1, 1]} : vector<128x4096xf32> to vector<32x32xf32>
    %swap3A_2670 = arith.constant 0 : index
    %swap3A_2671 = arith.constant 0 : index
    %swap3A_2672 = arith.constant 16064 : index
    %swap3A_2673 = vector.load %arg2[%swap3A_2670, %swap3A_2671, %swap3A_2672] : memref<1x32x16384xf32, #tpu.memory_space<vmem>>, vector<1x32x32xf32>
    %swap3A_2674 = vector.shape_cast %swap3A_2673 : vector<1x32x32xf32> to vector<32x32xf32>
    %swap3A_2675 = vector.shape_cast %slice3A_2669 : vector<32x32xf32> to vector<1x32x32xf32>
    tpu.vector_store %arg2[%swap3A_2670, %swap3A_2671, %swap3A_2672], %swap3A_2675 {strides = array<i32>} : memref<1x32x16384xf32, #tpu.memory_space<vmem>>, vector<1x32x32xf32>,
    %slice3A_2676 = vector.extract_strided_slice %dot_general3A_3 {offsets = [64, 4032], sizes = [32, 32], strides = [1, 1]} : vector<128x4096xf32> to vector<32x32xf32>
    %swap3A_2677 = arith.constant 0 : index
    %swap3A_2678 = arith.constant 0 : index
    %swap3A_2679 = arith.constant 16192 : index
    %swap3A_2680 = vector.load %arg2[%swap3A_2677, %swap3A_2678, %swap3A_2679] : memref<1x32x16384xf32, #tpu.memory_space<vmem>>, vector<1x32x32xf32>
    %swap3A_2681 = vector.shape_cast %swap3A_2680 : vector<1x32x32xf32> to vector<32x32xf32>
    %swap3A_2682 = vector.shape_cast %slice3A_2676 : vector<32x32xf32> to vector<1x32x32xf32>
    tpu.vector_store %arg2[%swap3A_2677, %swap3A_2678, %swap3A_2679], %swap3A_2682 {strides = array<i32>} : memref<1x32x16384xf32, #tpu.memory_space<vmem>>, vector<1x32x32xf32>,
    %slice3A_2683 = vector.extract_strided_slice %dot_general3A_3 {offsets = [64, 4064], sizes = [32, 32], strides = [1, 1]} : vector<128x4096xf32> to vector<32x32xf32>
    %swap3A_2684 = arith.constant 0 : index
    %swap3A_2685 = arith.constant 0 : index
    %swap3A_2686 = arith.constant 16320 : index
    %swap3A_2687 = vector.load %arg2[%swap3A_2684, %swap3A_2685, %swap3A_2686] : memref<1x32x16384xf32, #tpu.memory_space<vmem>>, vector<1x32x32xf32>
    %swap3A_2688 = vector.shape_cast %swap3A_2687 : vector<1x32x32xf32> to vector<32x32xf32>
    %swap3A_2689 = vector.shape_cast %slice3A_2683 : vector<32x32xf32> to vector<1x32x32xf32>
    tpu.vector_store %arg2[%swap3A_2684, %swap3A_2685, %swap3A_2686], %swap3A_2689 {strides = array<i32>} : memref<1x32x16384xf32, #tpu.memory_space<vmem>>, vector<1x32x32xf32>,
    %slice3A_2690 = vector.extract_strided_slice %dot_general3A_3 {offsets = [96, 0], sizes = [32, 32], strides = [1, 1]} : vector<128x4096xf32> to vector<32x32xf32>
    %swap3A_2691 = arith.constant 0 : index
    %swap3A_2692 = arith.constant 0 : index
    %swap3A_2693 = arith.constant 96 : index
    %swap3A_2694 = vector.load %arg2[%swap3A_2691, %swap3A_2692, %swap3A_2693] : memref<1x32x16384xf32, #tpu.memory_space<vmem>>, vector<1x32x32xf32>
    %swap3A_2695 = vector.shape_cast %swap3A_2694 : vector<1x32x32xf32> to vector<32x32xf32>
    %swap3A_2696 = vector.shape_cast %slice3A_2690 : vector<32x32xf32> to vector<1x32x32xf32>
    tpu.vector_store %arg2[%swap3A_2691, %swap3A_2692, %swap3A_2693], %swap3A_2696 {strides = array<i32>} : memref<1x32x16384xf32, #tpu.memory_space<vmem>>, vector<1x32x32xf32>,
    %slice3A_2697 = vector.extract_strided_slice %dot_general3A_3 {offsets = [96, 32], sizes = [32, 32], strides = [1, 1]} : vector<128x4096xf32> to vector<32x32xf32>
    %swap3A_2698 = arith.constant 0 : index
    %swap3A_2699 = arith.constant 0 : index
    %swap3A_2700 = arith.constant 224 : index
    %swap3A_2701 = vector.load %arg2[%swap3A_2698, %swap3A_2699, %swap3A_2700] : memref<1x32x16384xf32, #tpu.memory_space<vmem>>, vector<1x32x32xf32>
    %swap3A_2702 = vector.shape_cast %swap3A_2701 : vector<1x32x32xf32> to vector<32x32xf32>
    %swap3A_2703 = vector.shape_cast %slice3A_2697 : vector<32x32xf32> to vector<1x32x32xf32>
    tpu.vector_store %arg2[%swap3A_2698, %swap3A_2699, %swap3A_2700], %swap3A_2703 {strides = array<i32>} : memref<1x32x16384xf32, #tpu.memory_space<vmem>>, vector<1x32x32xf32>,
    %slice3A_2704 = vector.extract_strided_slice %dot_general3A_3 {offsets = [96, 64], sizes = [32, 32], strides = [1, 1]} : vector<128x4096xf32> to vector<32x32xf32>
    %swap3A_2705 = arith.constant 0 : index
    %swap3A_2706 = arith.constant 0 : index
    %swap3A_2707 = arith.constant 352 : index
    %swap3A_2708 = vector.load %arg2[%swap3A_2705, %swap3A_2706, %swap3A_2707] : memref<1x32x16384xf32, #tpu.memory_space<vmem>>, vector<1x32x32xf32>
    %swap3A_2709 = vector.shape_cast %swap3A_2708 : vector<1x32x32xf32> to vector<32x32xf32>
    %swap3A_2710 = vector.shape_cast %slice3A_2704 : vector<32x32xf32> to vector<1x32x32xf32>
    tpu.vector_store %arg2[%swap3A_2705, %swap3A_2706, %swap3A_2707], %swap3A_2710 {strides = array<i32>} : memref<1x32x16384xf32, #tpu.memory_space<vmem>>, vector<1x32x32xf32>,
    %slice3A_2711 = vector.extract_strided_slice %dot_general3A_3 {offsets = [96, 96], sizes = [32, 32], strides = [1, 1]} : vector<128x4096xf32> to vector<32x32xf32>
    %swap3A_2712 = arith.constant 0 : index
    %swap3A_2713 = arith.constant 0 : index
    %swap3A_2714 = arith.constant 480 : index
    %swap3A_2715 = vector.load %arg2[%swap3A_2712, %swap3A_2713, %swap3A_2714] : memref<1x32x16384xf32, #tpu.memory_space<vmem>>, vector<1x32x32xf32>
    %swap3A_2716 = vector.shape_cast %swap3A_2715 : vector<1x32x32xf32> to vector<32x32xf32>
    %swap3A_2717 = vector.shape_cast %slice3A_2711 : vector<32x32xf32> to vector<1x32x32xf32>
    tpu.vector_store %arg2[%swap3A_2712, %swap3A_2713, %swap3A_2714], %swap3A_2717 {strides = array<i32>} : memref<1x32x16384xf32, #tpu.memory_space<vmem>>, vector<1x32x32xf32>,
    %slice3A_2718 = vector.extract_strided_slice %dot_general3A_3 {offsets = [96, 128], sizes = [32, 32], strides = [1, 1]} : vector<128x4096xf32> to vector<32x32xf32>
    %swap3A_2719 = arith.constant 0 : index
    %swap3A_2720 = arith.constant 0 : index
    %swap3A_2721 = arith.constant 608 : index
    %swap3A_2722 = vector.load %arg2[%swap3A_2719, %swap3A_2720, %swap3A_2721] : memref<1x32x16384xf32, #tpu.memory_space<vmem>>, vector<1x32x32xf32>
    %swap3A_2723 = vector.shape_cast %swap3A_2722 : vector<1x32x32xf32> to vector<32x32xf32>
    %swap3A_2724 = vector.shape_cast %slice3A_2718 : vector<32x32xf32> to vector<1x32x32xf32>
    tpu.vector_store %arg2[%swap3A_2719, %swap3A_2720, %swap3A_2721], %swap3A_2724 {strides = array<i32>} : memref<1x32x16384xf32, #tpu.memory_space<vmem>>, vector<1x32x32xf32>,
    %slice3A_2725 = vector.extract_strided_slice %dot_general3A_3 {offsets = [96, 160], sizes = [32, 32], strides = [1, 1]} : vector<128x4096xf32> to vector<32x32xf32>
    %swap3A_2726 = arith.constant 0 : index
    %swap3A_2727 = arith.constant 0 : index
    %swap3A_2728 = arith.constant 736 : index
    %swap3A_2729 = vector.load %arg2[%swap3A_2726, %swap3A_2727, %swap3A_2728] : memref<1x32x16384xf32, #tpu.memory_space<vmem>>, vector<1x32x32xf32>
    %swap3A_2730 = vector.shape_cast %swap3A_2729 : vector<1x32x32xf32> to vector<32x32xf32>
    %swap3A_2731 = vector.shape_cast %slice3A_2725 : vector<32x32xf32> to vector<1x32x32xf32>
    tpu.vector_store %arg2[%swap3A_2726, %swap3A_2727, %swap3A_2728], %swap3A_2731 {strides = array<i32>} : memref<1x32x16384xf32, #tpu.memory_space<vmem>>, vector<1x32x32xf32>,
    %slice3A_2732 = vector.extract_strided_slice %dot_general3A_3 {offsets = [96, 192], sizes = [32, 32], strides = [1, 1]} : vector<128x4096xf32> to vector<32x32xf32>
    %swap3A_2733 = arith.constant 0 : index
    %swap3A_2734 = arith.constant 0 : index
    %swap3A_2735 = arith.constant 864 : index
    %swap3A_2736 = vector.load %arg2[%swap3A_2733, %swap3A_2734, %swap3A_2735] : memref<1x32x16384xf32, #tpu.memory_space<vmem>>, vector<1x32x32xf32>
    %swap3A_2737 = vector.shape_cast %swap3A_2736 : vector<1x32x32xf32> to vector<32x32xf32>
    %swap3A_2738 = vector.shape_cast %slice3A_2732 : vector<32x32xf32> to vector<1x32x32xf32>
    tpu.vector_store %arg2[%swap3A_2733, %swap3A_2734, %swap3A_2735], %swap3A_2738 {strides = array<i32>} : memref<1x32x16384xf32, #tpu.memory_space<vmem>>, vector<1x32x32xf32>,
    %slice3A_2739 = vector.extract_strided_slice %dot_general3A_3 {offsets = [96, 224], sizes = [32, 32], strides = [1, 1]} : vector<128x4096xf32> to vector<32x32xf32>
    %swap3A_2740 = arith.constant 0 : index
    %swap3A_2741 = arith.constant 0 : index
    %swap3A_2742 = arith.constant 992 : index
    %swap3A_2743 = vector.load %arg2[%swap3A_2740, %swap3A_2741, %swap3A_2742] : memref<1x32x16384xf32, #tpu.memory_space<vmem>>, vector<1x32x32xf32>
    %swap3A_2744 = vector.shape_cast %swap3A_2743 : vector<1x32x32xf32> to vector<32x32xf32>
    %swap3A_2745 = vector.shape_cast %slice3A_2739 : vector<32x32xf32> to vector<1x32x32xf32>
    tpu.vector_store %arg2[%swap3A_2740, %swap3A_2741, %swap3A_2742], %swap3A_2745 {strides = array<i32>} : memref<1x32x16384xf32, #tpu.memory_space<vmem>>, vector<1x32x32xf32>,
    %slice3A_2746 = vector.extract_strided_slice %dot_general3A_3 {offsets = [96, 256], sizes = [32, 32], strides = [1, 1]} : vector<128x4096xf32> to vector<32x32xf32>
    %swap3A_2747 = arith.constant 0 : index
    %swap3A_2748 = arith.constant 0 : index
    %swap3A_2749 = arith.constant 1120 : index
    %swap3A_2750 = vector.load %arg2[%swap3A_2747, %swap3A_2748, %swap3A_2749] : memref<1x32x16384xf32, #tpu.memory_space<vmem>>, vector<1x32x32xf32>
    %swap3A_2751 = vector.shape_cast %swap3A_2750 : vector<1x32x32xf32> to vector<32x32xf32>
    %swap3A_2752 = vector.shape_cast %slice3A_2746 : vector<32x32xf32> to vector<1x32x32xf32>
    tpu.vector_store %arg2[%swap3A_2747, %swap3A_2748, %swap3A_2749], %swap3A_2752 {strides = array<i32>} : memref<1x32x16384xf32, #tpu.memory_space<vmem>>, vector<1x32x32xf32>,
    %slice3A_2753 = vector.extract_strided_slice %dot_general3A_3 {offsets = [96, 288], sizes = [32, 32], strides = [1, 1]} : vector<128x4096xf32> to vector<32x32xf32>
    %swap3A_2754 = arith.constant 0 : index
    %swap3A_2755 = arith.constant 0 : index
    %swap3A_2756 = arith.constant 1248 : index
    %swap3A_2757 = vector.load %arg2[%swap3A_2754, %swap3A_2755, %swap3A_2756] : memref<1x32x16384xf32, #tpu.memory_space<vmem>>, vector<1x32x32xf32>
    %swap3A_2758 = vector.shape_cast %swap3A_2757 : vector<1x32x32xf32> to vector<32x32xf32>
    %swap3A_2759 = vector.shape_cast %slice3A_2753 : vector<32x32xf32> to vector<1x32x32xf32>
    tpu.vector_store %arg2[%swap3A_2754, %swap3A_2755, %swap3A_2756], %swap3A_2759 {strides = array<i32>} : memref<1x32x16384xf32, #tpu.memory_space<vmem>>, vector<1x32x32xf32>,
    %slice3A_2760 = vector.extract_strided_slice %dot_general3A_3 {offsets = [96, 320], sizes = [32, 32], strides = [1, 1]} : vector<128x4096xf32> to vector<32x32xf32>
    %swap3A_2761 = arith.constant 0 : index
    %swap3A_2762 = arith.constant 0 : index
    %swap3A_2763 = arith.constant 1376 : index
    %swap3A_2764 = vector.load %arg2[%swap3A_2761, %swap3A_2762, %swap3A_2763] : memref<1x32x16384xf32, #tpu.memory_space<vmem>>, vector<1x32x32xf32>
    %swap3A_2765 = vector.shape_cast %swap3A_2764 : vector<1x32x32xf32> to vector<32x32xf32>
    %swap3A_2766 = vector.shape_cast %slice3A_2760 : vector<32x32xf32> to vector<1x32x32xf32>
    tpu.vector_store %arg2[%swap3A_2761, %swap3A_2762, %swap3A_2763], %swap3A_2766 {strides = array<i32>} : memref<1x32x16384xf32, #tpu.memory_space<vmem>>, vector<1x32x32xf32>,
    %slice3A_2767 = vector.extract_strided_slice %dot_general3A_3 {offsets = [96, 352], sizes = [32, 32], strides = [1, 1]} : vector<128x4096xf32> to vector<32x32xf32>
    %swap3A_2768 = arith.constant 0 : index
    %swap3A_2769 = arith.constant 0 : index
    %swap3A_2770 = arith.constant 1504 : index
    %swap3A_2771 = vector.load %arg2[%swap3A_2768, %swap3A_2769, %swap3A_2770] : memref<1x32x16384xf32, #tpu.memory_space<vmem>>, vector<1x32x32xf32>
    %swap3A_2772 = vector.shape_cast %swap3A_2771 : vector<1x32x32xf32> to vector<32x32xf32>
    %swap3A_2773 = vector.shape_cast %slice3A_2767 : vector<32x32xf32> to vector<1x32x32xf32>
    tpu.vector_store %arg2[%swap3A_2768, %swap3A_2769, %swap3A_2770], %swap3A_2773 {strides = array<i32>} : memref<1x32x16384xf32, #tpu.memory_space<vmem>>, vector<1x32x32xf32>,
    %slice3A_2774 = vector.extract_strided_slice %dot_general3A_3 {offsets = [96, 384], sizes = [32, 32], strides = [1, 1]} : vector<128x4096xf32> to vector<32x32xf32>
    %swap3A_2775 = arith.constant 0 : index
    %swap3A_2776 = arith.constant 0 : index
    %swap3A_2777 = arith.constant 1632 : index
    %swap3A_2778 = vector.load %arg2[%swap3A_2775, %swap3A_2776, %swap3A_2777] : memref<1x32x16384xf32, #tpu.memory_space<vmem>>, vector<1x32x32xf32>
    %swap3A_2779 = vector.shape_cast %swap3A_2778 : vector<1x32x32xf32> to vector<32x32xf32>
    %swap3A_2780 = vector.shape_cast %slice3A_2774 : vector<32x32xf32> to vector<1x32x32xf32>
    tpu.vector_store %arg2[%swap3A_2775, %swap3A_2776, %swap3A_2777], %swap3A_2780 {strides = array<i32>} : memref<1x32x16384xf32, #tpu.memory_space<vmem>>, vector<1x32x32xf32>,
    %slice3A_2781 = vector.extract_strided_slice %dot_general3A_3 {offsets = [96, 416], sizes = [32, 32], strides = [1, 1]} : vector<128x4096xf32> to vector<32x32xf32>
    %swap3A_2782 = arith.constant 0 : index
    %swap3A_2783 = arith.constant 0 : index
    %swap3A_2784 = arith.constant 1760 : index
    %swap3A_2785 = vector.load %arg2[%swap3A_2782, %swap3A_2783, %swap3A_2784] : memref<1x32x16384xf32, #tpu.memory_space<vmem>>, vector<1x32x32xf32>
    %swap3A_2786 = vector.shape_cast %swap3A_2785 : vector<1x32x32xf32> to vector<32x32xf32>
    %swap3A_2787 = vector.shape_cast %slice3A_2781 : vector<32x32xf32> to vector<1x32x32xf32>
    tpu.vector_store %arg2[%swap3A_2782, %swap3A_2783, %swap3A_2784], %swap3A_2787 {strides = array<i32>} : memref<1x32x16384xf32, #tpu.memory_space<vmem>>, vector<1x32x32xf32>,
    %slice3A_2788 = vector.extract_strided_slice %dot_general3A_3 {offsets = [96, 448], sizes = [32, 32], strides = [1, 1]} : vector<128x4096xf32> to vector<32x32xf32>
    %swap3A_2789 = arith.constant 0 : index
    %swap3A_2790 = arith.constant 0 : index
    %swap3A_2791 = arith.constant 1888 : index
    %swap3A_2792 = vector.load %arg2[%swap3A_2789, %swap3A_2790, %swap3A_2791] : memref<1x32x16384xf32, #tpu.memory_space<vmem>>, vector<1x32x32xf32>
    %swap3A_2793 = vector.shape_cast %swap3A_2792 : vector<1x32x32xf32> to vector<32x32xf32>
    %swap3A_2794 = vector.shape_cast %slice3A_2788 : vector<32x32xf32> to vector<1x32x32xf32>
    tpu.vector_store %arg2[%swap3A_2789, %swap3A_2790, %swap3A_2791], %swap3A_2794 {strides = array<i32>} : memref<1x32x16384xf32, #tpu.memory_space<vmem>>, vector<1x32x32xf32>,
    %slice3A_2795 = vector.extract_strided_slice %dot_general3A_3 {offsets = [96, 480], sizes = [32, 32], strides = [1, 1]} : vector<128x4096xf32> to vector<32x32xf32>
    %swap3A_2796 = arith.constant 0 : index
    %swap3A_2797 = arith.constant 0 : index
    %swap3A_2798 = arith.constant 2016 : index
    %swap3A_2799 = vector.load %arg2[%swap3A_2796, %swap3A_2797, %swap3A_2798] : memref<1x32x16384xf32, #tpu.memory_space<vmem>>, vector<1x32x32xf32>
    %swap3A_2800 = vector.shape_cast %swap3A_2799 : vector<1x32x32xf32> to vector<32x32xf32>
    %swap3A_2801 = vector.shape_cast %slice3A_2795 : vector<32x32xf32> to vector<1x32x32xf32>
    tpu.vector_store %arg2[%swap3A_2796, %swap3A_2797, %swap3A_2798], %swap3A_2801 {strides = array<i32>} : memref<1x32x16384xf32, #tpu.memory_space<vmem>>, vector<1x32x32xf32>,
    %slice3A_2802 = vector.extract_strided_slice %dot_general3A_3 {offsets = [96, 512], sizes = [32, 32], strides = [1, 1]} : vector<128x4096xf32> to vector<32x32xf32>
    %swap3A_2803 = arith.constant 0 : index
    %swap3A_2804 = arith.constant 0 : index
    %swap3A_2805 = arith.constant 2144 : index
    %swap3A_2806 = vector.load %arg2[%swap3A_2803, %swap3A_2804, %swap3A_2805] : memref<1x32x16384xf32, #tpu.memory_space<vmem>>, vector<1x32x32xf32>
    %swap3A_2807 = vector.shape_cast %swap3A_2806 : vector<1x32x32xf32> to vector<32x32xf32>
    %swap3A_2808 = vector.shape_cast %slice3A_2802 : vector<32x32xf32> to vector<1x32x32xf32>
    tpu.vector_store %arg2[%swap3A_2803, %swap3A_2804, %swap3A_2805], %swap3A_2808 {strides = array<i32>} : memref<1x32x16384xf32, #tpu.memory_space<vmem>>, vector<1x32x32xf32>,
    %slice3A_2809 = vector.extract_strided_slice %dot_general3A_3 {offsets = [96, 544], sizes = [32, 32], strides = [1, 1]} : vector<128x4096xf32> to vector<32x32xf32>
    %swap3A_2810 = arith.constant 0 : index
    %swap3A_2811 = arith.constant 0 : index
    %swap3A_2812 = arith.constant 2272 : index
    %swap3A_2813 = vector.load %arg2[%swap3A_2810, %swap3A_2811, %swap3A_2812] : memref<1x32x16384xf32, #tpu.memory_space<vmem>>, vector<1x32x32xf32>
    %swap3A_2814 = vector.shape_cast %swap3A_2813 : vector<1x32x32xf32> to vector<32x32xf32>
    %swap3A_2815 = vector.shape_cast %slice3A_2809 : vector<32x32xf32> to vector<1x32x32xf32>
    tpu.vector_store %arg2[%swap3A_2810, %swap3A_2811, %swap3A_2812], %swap3A_2815 {strides = array<i32>} : memref<1x32x16384xf32, #tpu.memory_space<vmem>>, vector<1x32x32xf32>,
    %slice3A_2816 = vector.extract_strided_slice %dot_general3A_3 {offsets = [96, 576], sizes = [32, 32], strides = [1, 1]} : vector<128x4096xf32> to vector<32x32xf32>
    %swap3A_2817 = arith.constant 0 : index
    %swap3A_2818 = arith.constant 0 : index
    %swap3A_2819 = arith.constant 2400 : index
    %swap3A_2820 = vector.load %arg2[%swap3A_2817, %swap3A_2818, %swap3A_2819] : memref<1x32x16384xf32, #tpu.memory_space<vmem>>, vector<1x32x32xf32>
    %swap3A_2821 = vector.shape_cast %swap3A_2820 : vector<1x32x32xf32> to vector<32x32xf32>
    %swap3A_2822 = vector.shape_cast %slice3A_2816 : vector<32x32xf32> to vector<1x32x32xf32>
    tpu.vector_store %arg2[%swap3A_2817, %swap3A_2818, %swap3A_2819], %swap3A_2822 {strides = array<i32>} : memref<1x32x16384xf32, #tpu.memory_space<vmem>>, vector<1x32x32xf32>,
    %slice3A_2823 = vector.extract_strided_slice %dot_general3A_3 {offsets = [96, 608], sizes = [32, 32], strides = [1, 1]} : vector<128x4096xf32> to vector<32x32xf32>
    %swap3A_2824 = arith.constant 0 : index
    %swap3A_2825 = arith.constant 0 : index
    %swap3A_2826 = arith.constant 2528 : index
    %swap3A_2827 = vector.load %arg2[%swap3A_2824, %swap3A_2825, %swap3A_2826] : memref<1x32x16384xf32, #tpu.memory_space<vmem>>, vector<1x32x32xf32>
    %swap3A_2828 = vector.shape_cast %swap3A_2827 : vector<1x32x32xf32> to vector<32x32xf32>
    %swap3A_2829 = vector.shape_cast %slice3A_2823 : vector<32x32xf32> to vector<1x32x32xf32>
    tpu.vector_store %arg2[%swap3A_2824, %swap3A_2825, %swap3A_2826], %swap3A_2829 {strides = array<i32>} : memref<1x32x16384xf32, #tpu.memory_space<vmem>>, vector<1x32x32xf32>,
    %slice3A_2830 = vector.extract_strided_slice %dot_general3A_3 {offsets = [96, 640], sizes = [32, 32], strides = [1, 1]} : vector<128x4096xf32> to vector<32x32xf32>
    %swap3A_2831 = arith.constant 0 : index
    %swap3A_2832 = arith.constant 0 : index
    %swap3A_2833 = arith.constant 2656 : index
    %swap3A_2834 = vector.load %arg2[%swap3A_2831, %swap3A_2832, %swap3A_2833] : memref<1x32x16384xf32, #tpu.memory_space<vmem>>, vector<1x32x32xf32>
    %swap3A_2835 = vector.shape_cast %swap3A_2834 : vector<1x32x32xf32> to vector<32x32xf32>
    %swap3A_2836 = vector.shape_cast %slice3A_2830 : vector<32x32xf32> to vector<1x32x32xf32>
    tpu.vector_store %arg2[%swap3A_2831, %swap3A_2832, %swap3A_2833], %swap3A_2836 {strides = array<i32>} : memref<1x32x16384xf32, #tpu.memory_space<vmem>>, vector<1x32x32xf32>,
    %slice3A_2837 = vector.extract_strided_slice %dot_general3A_3 {offsets = [96, 672], sizes = [32, 32], strides = [1, 1]} : vector<128x4096xf32> to vector<32x32xf32>
    %swap3A_2838 = arith.constant 0 : index
    %swap3A_2839 = arith.constant 0 : index
    %swap3A_2840 = arith.constant 2784 : index
    %swap3A_2841 = vector.load %arg2[%swap3A_2838, %swap3A_2839, %swap3A_2840] : memref<1x32x16384xf32, #tpu.memory_space<vmem>>, vector<1x32x32xf32>
    %swap3A_2842 = vector.shape_cast %swap3A_2841 : vector<1x32x32xf32> to vector<32x32xf32>
    %swap3A_2843 = vector.shape_cast %slice3A_2837 : vector<32x32xf32> to vector<1x32x32xf32>
    tpu.vector_store %arg2[%swap3A_2838, %swap3A_2839, %swap3A_2840], %swap3A_2843 {strides = array<i32>} : memref<1x32x16384xf32, #tpu.memory_space<vmem>>, vector<1x32x32xf32>,
    %slice3A_2844 = vector.extract_strided_slice %dot_general3A_3 {offsets = [96, 704], sizes = [32, 32], strides = [1, 1]} : vector<128x4096xf32> to vector<32x32xf32>
    %swap3A_2845 = arith.constant 0 : index
    %swap3A_2846 = arith.constant 0 : index
    %swap3A_2847 = arith.constant 2912 : index
    %swap3A_2848 = vector.load %arg2[%swap3A_2845, %swap3A_2846, %swap3A_2847] : memref<1x32x16384xf32, #tpu.memory_space<vmem>>, vector<1x32x32xf32>
    %swap3A_2849 = vector.shape_cast %swap3A_2848 : vector<1x32x32xf32> to vector<32x32xf32>
    %swap3A_2850 = vector.shape_cast %slice3A_2844 : vector<32x32xf32> to vector<1x32x32xf32>
    tpu.vector_store %arg2[%swap3A_2845, %swap3A_2846, %swap3A_2847], %swap3A_2850 {strides = array<i32>} : memref<1x32x16384xf32, #tpu.memory_space<vmem>>, vector<1x32x32xf32>,
    %slice3A_2851 = vector.extract_strided_slice %dot_general3A_3 {offsets = [96, 736], sizes = [32, 32], strides = [1, 1]} : vector<128x4096xf32> to vector<32x32xf32>
    %swap3A_2852 = arith.constant 0 : index
    %swap3A_2853 = arith.constant 0 : index
    %swap3A_2854 = arith.constant 3040 : index
    %swap3A_2855 = vector.load %arg2[%swap3A_2852, %swap3A_2853, %swap3A_2854] : memref<1x32x16384xf32, #tpu.memory_space<vmem>>, vector<1x32x32xf32>
    %swap3A_2856 = vector.shape_cast %swap3A_2855 : vector<1x32x32xf32> to vector<32x32xf32>
    %swap3A_2857 = vector.shape_cast %slice3A_2851 : vector<32x32xf32> to vector<1x32x32xf32>
    tpu.vector_store %arg2[%swap3A_2852, %swap3A_2853, %swap3A_2854], %swap3A_2857 {strides = array<i32>} : memref<1x32x16384xf32, #tpu.memory_space<vmem>>, vector<1x32x32xf32>,
    %slice3A_2858 = vector.extract_strided_slice %dot_general3A_3 {offsets = [96, 768], sizes = [32, 32], strides = [1, 1]} : vector<128x4096xf32> to vector<32x32xf32>
    %swap3A_2859 = arith.constant 0 : index
    %swap3A_2860 = arith.constant 0 : index
    %swap3A_2861 = arith.constant 3168 : index
    %swap3A_2862 = vector.load %arg2[%swap3A_2859, %swap3A_2860, %swap3A_2861] : memref<1x32x16384xf32, #tpu.memory_space<vmem>>, vector<1x32x32xf32>
    %swap3A_2863 = vector.shape_cast %swap3A_2862 : vector<1x32x32xf32> to vector<32x32xf32>
    %swap3A_2864 = vector.shape_cast %slice3A_2858 : vector<32x32xf32> to vector<1x32x32xf32>
    tpu.vector_store %arg2[%swap3A_2859, %swap3A_2860, %swap3A_2861], %swap3A_2864 {strides = array<i32>} : memref<1x32x16384xf32, #tpu.memory_space<vmem>>, vector<1x32x32xf32>,
    %slice3A_2865 = vector.extract_strided_slice %dot_general3A_3 {offsets = [96, 800], sizes = [32, 32], strides = [1, 1]} : vector<128x4096xf32> to vector<32x32xf32>
    %swap3A_2866 = arith.constant 0 : index
    %swap3A_2867 = arith.constant 0 : index
    %swap3A_2868 = arith.constant 3296 : index
    %swap3A_2869 = vector.load %arg2[%swap3A_2866, %swap3A_2867, %swap3A_2868] : memref<1x32x16384xf32, #tpu.memory_space<vmem>>, vector<1x32x32xf32>
    %swap3A_2870 = vector.shape_cast %swap3A_2869 : vector<1x32x32xf32> to vector<32x32xf32>
    %swap3A_2871 = vector.shape_cast %slice3A_2865 : vector<32x32xf32> to vector<1x32x32xf32>
    tpu.vector_store %arg2[%swap3A_2866, %swap3A_2867, %swap3A_2868], %swap3A_2871 {strides = array<i32>} : memref<1x32x16384xf32, #tpu.memory_space<vmem>>, vector<1x32x32xf32>,
    %slice3A_2872 = vector.extract_strided_slice %dot_general3A_3 {offsets = [96, 832], sizes = [32, 32], strides = [1, 1]} : vector<128x4096xf32> to vector<32x32xf32>
    %swap3A_2873 = arith.constant 0 : index
    %swap3A_2874 = arith.constant 0 : index
    %swap3A_2875 = arith.constant 3424 : index
    %swap3A_2876 = vector.load %arg2[%swap3A_2873, %swap3A_2874, %swap3A_2875] : memref<1x32x16384xf32, #tpu.memory_space<vmem>>, vector<1x32x32xf32>
    %swap3A_2877 = vector.shape_cast %swap3A_2876 : vector<1x32x32xf32> to vector<32x32xf32>
    %swap3A_2878 = vector.shape_cast %slice3A_2872 : vector<32x32xf32> to vector<1x32x32xf32>
    tpu.vector_store %arg2[%swap3A_2873, %swap3A_2874, %swap3A_2875], %swap3A_2878 {strides = array<i32>} : memref<1x32x16384xf32, #tpu.memory_space<vmem>>, vector<1x32x32xf32>,
    %slice3A_2879 = vector.extract_strided_slice %dot_general3A_3 {offsets = [96, 864], sizes = [32, 32], strides = [1, 1]} : vector<128x4096xf32> to vector<32x32xf32>
    %swap3A_2880 = arith.constant 0 : index
    %swap3A_2881 = arith.constant 0 : index
    %swap3A_2882 = arith.constant 3552 : index
    %swap3A_2883 = vector.load %arg2[%swap3A_2880, %swap3A_2881, %swap3A_2882] : memref<1x32x16384xf32, #tpu.memory_space<vmem>>, vector<1x32x32xf32>
    %swap3A_2884 = vector.shape_cast %swap3A_2883 : vector<1x32x32xf32> to vector<32x32xf32>
    %swap3A_2885 = vector.shape_cast %slice3A_2879 : vector<32x32xf32> to vector<1x32x32xf32>
    tpu.vector_store %arg2[%swap3A_2880, %swap3A_2881, %swap3A_2882], %swap3A_2885 {strides = array<i32>} : memref<1x32x16384xf32, #tpu.memory_space<vmem>>, vector<1x32x32xf32>,
    %slice3A_2886 = vector.extract_strided_slice %dot_general3A_3 {offsets = [96, 896], sizes = [32, 32], strides = [1, 1]} : vector<128x4096xf32> to vector<32x32xf32>
    %swap3A_2887 = arith.constant 0 : index
    %swap3A_2888 = arith.constant 0 : index
    %swap3A_2889 = arith.constant 3680 : index
    %swap3A_2890 = vector.load %arg2[%swap3A_2887, %swap3A_2888, %swap3A_2889] : memref<1x32x16384xf32, #tpu.memory_space<vmem>>, vector<1x32x32xf32>
    %swap3A_2891 = vector.shape_cast %swap3A_2890 : vector<1x32x32xf32> to vector<32x32xf32>
    %swap3A_2892 = vector.shape_cast %slice3A_2886 : vector<32x32xf32> to vector<1x32x32xf32>
    tpu.vector_store %arg2[%swap3A_2887, %swap3A_2888, %swap3A_2889], %swap3A_2892 {strides = array<i32>} : memref<1x32x16384xf32, #tpu.memory_space<vmem>>, vector<1x32x32xf32>,
    %slice3A_2893 = vector.extract_strided_slice %dot_general3A_3 {offsets = [96, 928], sizes = [32, 32], strides = [1, 1]} : vector<128x4096xf32> to vector<32x32xf32>
    %swap3A_2894 = arith.constant 0 : index
    %swap3A_2895 = arith.constant 0 : index
    %swap3A_2896 = arith.constant 3808 : index
    %swap3A_2897 = vector.load %arg2[%swap3A_2894, %swap3A_2895, %swap3A_2896] : memref<1x32x16384xf32, #tpu.memory_space<vmem>>, vector<1x32x32xf32>
    %swap3A_2898 = vector.shape_cast %swap3A_2897 : vector<1x32x32xf32> to vector<32x32xf32>
    %swap3A_2899 = vector.shape_cast %slice3A_2893 : vector<32x32xf32> to vector<1x32x32xf32>
    tpu.vector_store %arg2[%swap3A_2894, %swap3A_2895, %swap3A_2896], %swap3A_2899 {strides = array<i32>} : memref<1x32x16384xf32, #tpu.memory_space<vmem>>, vector<1x32x32xf32>,
    %slice3A_2900 = vector.extract_strided_slice %dot_general3A_3 {offsets = [96, 960], sizes = [32, 32], strides = [1, 1]} : vector<128x4096xf32> to vector<32x32xf32>
    %swap3A_2901 = arith.constant 0 : index
    %swap3A_2902 = arith.constant 0 : index
    %swap3A_2903 = arith.constant 3936 : index
    %swap3A_2904 = vector.load %arg2[%swap3A_2901, %swap3A_2902, %swap3A_2903] : memref<1x32x16384xf32, #tpu.memory_space<vmem>>, vector<1x32x32xf32>
    %swap3A_2905 = vector.shape_cast %swap3A_2904 : vector<1x32x32xf32> to vector<32x32xf32>
    %swap3A_2906 = vector.shape_cast %slice3A_2900 : vector<32x32xf32> to vector<1x32x32xf32>
    tpu.vector_store %arg2[%swap3A_2901, %swap3A_2902, %swap3A_2903], %swap3A_2906 {strides = array<i32>} : memref<1x32x16384xf32, #tpu.memory_space<vmem>>, vector<1x32x32xf32>,
    %slice3A_2907 = vector.extract_strided_slice %dot_general3A_3 {offsets = [96, 992], sizes = [32, 32], strides = [1, 1]} : vector<128x4096xf32> to vector<32x32xf32>
    %swap3A_2908 = arith.constant 0 : index
    %swap3A_2909 = arith.constant 0 : index
    %swap3A_2910 = arith.constant 4064 : index
    %swap3A_2911 = vector.load %arg2[%swap3A_2908, %swap3A_2909, %swap3A_2910] : memref<1x32x16384xf32, #tpu.memory_space<vmem>>, vector<1x32x32xf32>
    %swap3A_2912 = vector.shape_cast %swap3A_2911 : vector<1x32x32xf32> to vector<32x32xf32>
    %swap3A_2913 = vector.shape_cast %slice3A_2907 : vector<32x32xf32> to vector<1x32x32xf32>
    tpu.vector_store %arg2[%swap3A_2908, %swap3A_2909, %swap3A_2910], %swap3A_2913 {strides = array<i32>} : memref<1x32x16384xf32, #tpu.memory_space<vmem>>, vector<1x32x32xf32>,
    %slice3A_2914 = vector.extract_strided_slice %dot_general3A_3 {offsets = [96, 1024], sizes = [32, 32], strides = [1, 1]} : vector<128x4096xf32> to vector<32x32xf32>
    %swap3A_2915 = arith.constant 0 : index
    %swap3A_2916 = arith.constant 0 : index
    %swap3A_2917 = arith.constant 4192 : index
    %swap3A_2918 = vector.load %arg2[%swap3A_2915, %swap3A_2916, %swap3A_2917] : memref<1x32x16384xf32, #tpu.memory_space<vmem>>, vector<1x32x32xf32>
    %swap3A_2919 = vector.shape_cast %swap3A_2918 : vector<1x32x32xf32> to vector<32x32xf32>
    %swap3A_2920 = vector.shape_cast %slice3A_2914 : vector<32x32xf32> to vector<1x32x32xf32>
    tpu.vector_store %arg2[%swap3A_2915, %swap3A_2916, %swap3A_2917], %swap3A_2920 {strides = array<i32>} : memref<1x32x16384xf32, #tpu.memory_space<vmem>>, vector<1x32x32xf32>,
    %slice3A_2921 = vector.extract_strided_slice %dot_general3A_3 {offsets = [96, 1056], sizes = [32, 32], strides = [1, 1]} : vector<128x4096xf32> to vector<32x32xf32>
    %swap3A_2922 = arith.constant 0 : index
    %swap3A_2923 = arith.constant 0 : index
    %swap3A_2924 = arith.constant 4320 : index
    %swap3A_2925 = vector.load %arg2[%swap3A_2922, %swap3A_2923, %swap3A_2924] : memref<1x32x16384xf32, #tpu.memory_space<vmem>>, vector<1x32x32xf32>
    %swap3A_2926 = vector.shape_cast %swap3A_2925 : vector<1x32x32xf32> to vector<32x32xf32>
    %swap3A_2927 = vector.shape_cast %slice3A_2921 : vector<32x32xf32> to vector<1x32x32xf32>
    tpu.vector_store %arg2[%swap3A_2922, %swap3A_2923, %swap3A_2924], %swap3A_2927 {strides = array<i32>} : memref<1x32x16384xf32, #tpu.memory_space<vmem>>, vector<1x32x32xf32>,
    %slice3A_2928 = vector.extract_strided_slice %dot_general3A_3 {offsets = [96, 1088], sizes = [32, 32], strides = [1, 1]} : vector<128x4096xf32> to vector<32x32xf32>
    %swap3A_2929 = arith.constant 0 : index
    %swap3A_2930 = arith.constant 0 : index
    %swap3A_2931 = arith.constant 4448 : index
    %swap3A_2932 = vector.load %arg2[%swap3A_2929, %swap3A_2930, %swap3A_2931] : memref<1x32x16384xf32, #tpu.memory_space<vmem>>, vector<1x32x32xf32>
    %swap3A_2933 = vector.shape_cast %swap3A_2932 : vector<1x32x32xf32> to vector<32x32xf32>
    %swap3A_2934 = vector.shape_cast %slice3A_2928 : vector<32x32xf32> to vector<1x32x32xf32>
    tpu.vector_store %arg2[%swap3A_2929, %swap3A_2930, %swap3A_2931], %swap3A_2934 {strides = array<i32>} : memref<1x32x16384xf32, #tpu.memory_space<vmem>>, vector<1x32x32xf32>,
    %slice3A_2935 = vector.extract_strided_slice %dot_general3A_3 {offsets = [96, 1120], sizes = [32, 32], strides = [1, 1]} : vector<128x4096xf32> to vector<32x32xf32>
    %swap3A_2936 = arith.constant 0 : index
    %swap3A_2937 = arith.constant 0 : index
    %swap3A_2938 = arith.constant 4576 : index
    %swap3A_2939 = vector.load %arg2[%swap3A_2936, %swap3A_2937, %swap3A_2938] : memref<1x32x16384xf32, #tpu.memory_space<vmem>>, vector<1x32x32xf32>
    %swap3A_2940 = vector.shape_cast %swap3A_2939 : vector<1x32x32xf32> to vector<32x32xf32>
    %swap3A_2941 = vector.shape_cast %slice3A_2935 : vector<32x32xf32> to vector<1x32x32xf32>
    tpu.vector_store %arg2[%swap3A_2936, %swap3A_2937, %swap3A_2938], %swap3A_2941 {strides = array<i32>} : memref<1x32x16384xf32, #tpu.memory_space<vmem>>, vector<1x32x32xf32>,
    %slice3A_2942 = vector.extract_strided_slice %dot_general3A_3 {offsets = [96, 1152], sizes = [32, 32], strides = [1, 1]} : vector<128x4096xf32> to vector<32x32xf32>
    %swap3A_2943 = arith.constant 0 : index
    %swap3A_2944 = arith.constant 0 : index
    %swap3A_2945 = arith.constant 4704 : index
    %swap3A_2946 = vector.load %arg2[%swap3A_2943, %swap3A_2944, %swap3A_2945] : memref<1x32x16384xf32, #tpu.memory_space<vmem>>, vector<1x32x32xf32>
    %swap3A_2947 = vector.shape_cast %swap3A_2946 : vector<1x32x32xf32> to vector<32x32xf32>
    %swap3A_2948 = vector.shape_cast %slice3A_2942 : vector<32x32xf32> to vector<1x32x32xf32>
    tpu.vector_store %arg2[%swap3A_2943, %swap3A_2944, %swap3A_2945], %swap3A_2948 {strides = array<i32>} : memref<1x32x16384xf32, #tpu.memory_space<vmem>>, vector<1x32x32xf32>,
    %slice3A_2949 = vector.extract_strided_slice %dot_general3A_3 {offsets = [96, 1184], sizes = [32, 32], strides = [1, 1]} : vector<128x4096xf32> to vector<32x32xf32>
    %swap3A_2950 = arith.constant 0 : index
    %swap3A_2951 = arith.constant 0 : index
    %swap3A_2952 = arith.constant 4832 : index
    %swap3A_2953 = vector.load %arg2[%swap3A_2950, %swap3A_2951, %swap3A_2952] : memref<1x32x16384xf32, #tpu.memory_space<vmem>>, vector<1x32x32xf32>
    %swap3A_2954 = vector.shape_cast %swap3A_2953 : vector<1x32x32xf32> to vector<32x32xf32>
    %swap3A_2955 = vector.shape_cast %slice3A_2949 : vector<32x32xf32> to vector<1x32x32xf32>
    tpu.vector_store %arg2[%swap3A_2950, %swap3A_2951, %swap3A_2952], %swap3A_2955 {strides = array<i32>} : memref<1x32x16384xf32, #tpu.memory_space<vmem>>, vector<1x32x32xf32>,
    %slice3A_2956 = vector.extract_strided_slice %dot_general3A_3 {offsets = [96, 1216], sizes = [32, 32], strides = [1, 1]} : vector<128x4096xf32> to vector<32x32xf32>
    %swap3A_2957 = arith.constant 0 : index
    %swap3A_2958 = arith.constant 0 : index
    %swap3A_2959 = arith.constant 4960 : index
    %swap3A_2960 = vector.load %arg2[%swap3A_2957, %swap3A_2958, %swap3A_2959] : memref<1x32x16384xf32, #tpu.memory_space<vmem>>, vector<1x32x32xf32>
    %swap3A_2961 = vector.shape_cast %swap3A_2960 : vector<1x32x32xf32> to vector<32x32xf32>
    %swap3A_2962 = vector.shape_cast %slice3A_2956 : vector<32x32xf32> to vector<1x32x32xf32>
    tpu.vector_store %arg2[%swap3A_2957, %swap3A_2958, %swap3A_2959], %swap3A_2962 {strides = array<i32>} : memref<1x32x16384xf32, #tpu.memory_space<vmem>>, vector<1x32x32xf32>,
    %slice3A_2963 = vector.extract_strided_slice %dot_general3A_3 {offsets = [96, 1248], sizes = [32, 32], strides = [1, 1]} : vector<128x4096xf32> to vector<32x32xf32>
    %swap3A_2964 = arith.constant 0 : index
    %swap3A_2965 = arith.constant 0 : index
    %swap3A_2966 = arith.constant 5088 : index
    %swap3A_2967 = vector.load %arg2[%swap3A_2964, %swap3A_2965, %swap3A_2966] : memref<1x32x16384xf32, #tpu.memory_space<vmem>>, vector<1x32x32xf32>
    %swap3A_2968 = vector.shape_cast %swap3A_2967 : vector<1x32x32xf32> to vector<32x32xf32>
    %swap3A_2969 = vector.shape_cast %slice3A_2963 : vector<32x32xf32> to vector<1x32x32xf32>
    tpu.vector_store %arg2[%swap3A_2964, %swap3A_2965, %swap3A_2966], %swap3A_2969 {strides = array<i32>} : memref<1x32x16384xf32, #tpu.memory_space<vmem>>, vector<1x32x32xf32>,
    %slice3A_2970 = vector.extract_strided_slice %dot_general3A_3 {offsets = [96, 1280], sizes = [32, 32], strides = [1, 1]} : vector<128x4096xf32> to vector<32x32xf32>
    %swap3A_2971 = arith.constant 0 : index
    %swap3A_2972 = arith.constant 0 : index
    %swap3A_2973 = arith.constant 5216 : index
    %swap3A_2974 = vector.load %arg2[%swap3A_2971, %swap3A_2972, %swap3A_2973] : memref<1x32x16384xf32, #tpu.memory_space<vmem>>, vector<1x32x32xf32>
    %swap3A_2975 = vector.shape_cast %swap3A_2974 : vector<1x32x32xf32> to vector<32x32xf32>
    %swap3A_2976 = vector.shape_cast %slice3A_2970 : vector<32x32xf32> to vector<1x32x32xf32>
    tpu.vector_store %arg2[%swap3A_2971, %swap3A_2972, %swap3A_2973], %swap3A_2976 {strides = array<i32>} : memref<1x32x16384xf32, #tpu.memory_space<vmem>>, vector<1x32x32xf32>,
    %slice3A_2977 = vector.extract_strided_slice %dot_general3A_3 {offsets = [96, 1312], sizes = [32, 32], strides = [1, 1]} : vector<128x4096xf32> to vector<32x32xf32>
    %swap3A_2978 = arith.constant 0 : index
    %swap3A_2979 = arith.constant 0 : index
    %swap3A_2980 = arith.constant 5344 : index
    %swap3A_2981 = vector.load %arg2[%swap3A_2978, %swap3A_2979, %swap3A_2980] : memref<1x32x16384xf32, #tpu.memory_space<vmem>>, vector<1x32x32xf32>
    %swap3A_2982 = vector.shape_cast %swap3A_2981 : vector<1x32x32xf32> to vector<32x32xf32>
    %swap3A_2983 = vector.shape_cast %slice3A_2977 : vector<32x32xf32> to vector<1x32x32xf32>
    tpu.vector_store %arg2[%swap3A_2978, %swap3A_2979, %swap3A_2980], %swap3A_2983 {strides = array<i32>} : memref<1x32x16384xf32, #tpu.memory_space<vmem>>, vector<1x32x32xf32>,
    %slice3A_2984 = vector.extract_strided_slice %dot_general3A_3 {offsets = [96, 1344], sizes = [32, 32], strides = [1, 1]} : vector<128x4096xf32> to vector<32x32xf32>
    %swap3A_2985 = arith.constant 0 : index
    %swap3A_2986 = arith.constant 0 : index
    %swap3A_2987 = arith.constant 5472 : index
    %swap3A_2988 = vector.load %arg2[%swap3A_2985, %swap3A_2986, %swap3A_2987] : memref<1x32x16384xf32, #tpu.memory_space<vmem>>, vector<1x32x32xf32>
    %swap3A_2989 = vector.shape_cast %swap3A_2988 : vector<1x32x32xf32> to vector<32x32xf32>
    %swap3A_2990 = vector.shape_cast %slice3A_2984 : vector<32x32xf32> to vector<1x32x32xf32>
    tpu.vector_store %arg2[%swap3A_2985, %swap3A_2986, %swap3A_2987], %swap3A_2990 {strides = array<i32>} : memref<1x32x16384xf32, #tpu.memory_space<vmem>>, vector<1x32x32xf32>,
    %slice3A_2991 = vector.extract_strided_slice %dot_general3A_3 {offsets = [96, 1376], sizes = [32, 32], strides = [1, 1]} : vector<128x4096xf32> to vector<32x32xf32>
    %swap3A_2992 = arith.constant 0 : index
    %swap3A_2993 = arith.constant 0 : index
    %swap3A_2994 = arith.constant 5600 : index
    %swap3A_2995 = vector.load %arg2[%swap3A_2992, %swap3A_2993, %swap3A_2994] : memref<1x32x16384xf32, #tpu.memory_space<vmem>>, vector<1x32x32xf32>
    %swap3A_2996 = vector.shape_cast %swap3A_2995 : vector<1x32x32xf32> to vector<32x32xf32>
    %swap3A_2997 = vector.shape_cast %slice3A_2991 : vector<32x32xf32> to vector<1x32x32xf32>
    tpu.vector_store %arg2[%swap3A_2992, %swap3A_2993, %swap3A_2994], %swap3A_2997 {strides = array<i32>} : memref<1x32x16384xf32, #tpu.memory_space<vmem>>, vector<1x32x32xf32>,
    %slice3A_2998 = vector.extract_strided_slice %dot_general3A_3 {offsets = [96, 1408], sizes = [32, 32], strides = [1, 1]} : vector<128x4096xf32> to vector<32x32xf32>
    %swap3A_2999 = arith.constant 0 : index
    %swap3A_3000 = arith.constant 0 : index
    %swap3A_3001 = arith.constant 5728 : index
    %swap3A_3002 = vector.load %arg2[%swap3A_2999, %swap3A_3000, %swap3A_3001] : memref<1x32x16384xf32, #tpu.memory_space<vmem>>, vector<1x32x32xf32>
    %swap3A_3003 = vector.shape_cast %swap3A_3002 : vector<1x32x32xf32> to vector<32x32xf32>
    %swap3A_3004 = vector.shape_cast %slice3A_2998 : vector<32x32xf32> to vector<1x32x32xf32>
    tpu.vector_store %arg2[%swap3A_2999, %swap3A_3000, %swap3A_3001], %swap3A_3004 {strides = array<i32>} : memref<1x32x16384xf32, #tpu.memory_space<vmem>>, vector<1x32x32xf32>,
    %slice3A_3005 = vector.extract_strided_slice %dot_general3A_3 {offsets = [96, 1440], sizes = [32, 32], strides = [1, 1]} : vector<128x4096xf32> to vector<32x32xf32>
    %swap3A_3006 = arith.constant 0 : index
    %swap3A_3007 = arith.constant 0 : index
    %swap3A_3008 = arith.constant 5856 : index
    %swap3A_3009 = vector.load %arg2[%swap3A_3006, %swap3A_3007, %swap3A_3008] : memref<1x32x16384xf32, #tpu.memory_space<vmem>>, vector<1x32x32xf32>
    %swap3A_3010 = vector.shape_cast %swap3A_3009 : vector<1x32x32xf32> to vector<32x32xf32>
    %swap3A_3011 = vector.shape_cast %slice3A_3005 : vector<32x32xf32> to vector<1x32x32xf32>
    tpu.vector_store %arg2[%swap3A_3006, %swap3A_3007, %swap3A_3008], %swap3A_3011 {strides = array<i32>} : memref<1x32x16384xf32, #tpu.memory_space<vmem>>, vector<1x32x32xf32>,
    %slice3A_3012 = vector.extract_strided_slice %dot_general3A_3 {offsets = [96, 1472], sizes = [32, 32], strides = [1, 1]} : vector<128x4096xf32> to vector<32x32xf32>
    %swap3A_3013 = arith.constant 0 : index
    %swap3A_3014 = arith.constant 0 : index
    %swap3A_3015 = arith.constant 5984 : index
    %swap3A_3016 = vector.load %arg2[%swap3A_3013, %swap3A_3014, %swap3A_3015] : memref<1x32x16384xf32, #tpu.memory_space<vmem>>, vector<1x32x32xf32>
    %swap3A_3017 = vector.shape_cast %swap3A_3016 : vector<1x32x32xf32> to vector<32x32xf32>
    %swap3A_3018 = vector.shape_cast %slice3A_3012 : vector<32x32xf32> to vector<1x32x32xf32>
    tpu.vector_store %arg2[%swap3A_3013, %swap3A_3014, %swap3A_3015], %swap3A_3018 {strides = array<i32>} : memref<1x32x16384xf32, #tpu.memory_space<vmem>>, vector<1x32x32xf32>,
    %slice3A_3019 = vector.extract_strided_slice %dot_general3A_3 {offsets = [96, 1504], sizes = [32, 32], strides = [1, 1]} : vector<128x4096xf32> to vector<32x32xf32>
    %swap3A_3020 = arith.constant 0 : index
    %swap3A_3021 = arith.constant 0 : index
    %swap3A_3022 = arith.constant 6112 : index
    %swap3A_3023 = vector.load %arg2[%swap3A_3020, %swap3A_3021, %swap3A_3022] : memref<1x32x16384xf32, #tpu.memory_space<vmem>>, vector<1x32x32xf32>
    %swap3A_3024 = vector.shape_cast %swap3A_3023 : vector<1x32x32xf32> to vector<32x32xf32>
    %swap3A_3025 = vector.shape_cast %slice3A_3019 : vector<32x32xf32> to vector<1x32x32xf32>
    tpu.vector_store %arg2[%swap3A_3020, %swap3A_3021, %swap3A_3022], %swap3A_3025 {strides = array<i32>} : memref<1x32x16384xf32, #tpu.memory_space<vmem>>, vector<1x32x32xf32>,
    %slice3A_3026 = vector.extract_strided_slice %dot_general3A_3 {offsets = [96, 1536], sizes = [32, 32], strides = [1, 1]} : vector<128x4096xf32> to vector<32x32xf32>
    %swap3A_3027 = arith.constant 0 : index
    %swap3A_3028 = arith.constant 0 : index
    %swap3A_3029 = arith.constant 6240 : index
    %swap3A_3030 = vector.load %arg2[%swap3A_3027, %swap3A_3028, %swap3A_3029] : memref<1x32x16384xf32, #tpu.memory_space<vmem>>, vector<1x32x32xf32>
    %swap3A_3031 = vector.shape_cast %swap3A_3030 : vector<1x32x32xf32> to vector<32x32xf32>
    %swap3A_3032 = vector.shape_cast %slice3A_3026 : vector<32x32xf32> to vector<1x32x32xf32>
    tpu.vector_store %arg2[%swap3A_3027, %swap3A_3028, %swap3A_3029], %swap3A_3032 {strides = array<i32>} : memref<1x32x16384xf32, #tpu.memory_space<vmem>>, vector<1x32x32xf32>,
    %slice3A_3033 = vector.extract_strided_slice %dot_general3A_3 {offsets = [96, 1568], sizes = [32, 32], strides = [1, 1]} : vector<128x4096xf32> to vector<32x32xf32>
    %swap3A_3034 = arith.constant 0 : index
    %swap3A_3035 = arith.constant 0 : index
    %swap3A_3036 = arith.constant 6368 : index
    %swap3A_3037 = vector.load %arg2[%swap3A_3034, %swap3A_3035, %swap3A_3036] : memref<1x32x16384xf32, #tpu.memory_space<vmem>>, vector<1x32x32xf32>
    %swap3A_3038 = vector.shape_cast %swap3A_3037 : vector<1x32x32xf32> to vector<32x32xf32>
    %swap3A_3039 = vector.shape_cast %slice3A_3033 : vector<32x32xf32> to vector<1x32x32xf32>
    tpu.vector_store %arg2[%swap3A_3034, %swap3A_3035, %swap3A_3036], %swap3A_3039 {strides = array<i32>} : memref<1x32x16384xf32, #tpu.memory_space<vmem>>, vector<1x32x32xf32>,
    %slice3A_3040 = vector.extract_strided_slice %dot_general3A_3 {offsets = [96, 1600], sizes = [32, 32], strides = [1, 1]} : vector<128x4096xf32> to vector<32x32xf32>
    %swap3A_3041 = arith.constant 0 : index
    %swap3A_3042 = arith.constant 0 : index
    %swap3A_3043 = arith.constant 6496 : index
    %swap3A_3044 = vector.load %arg2[%swap3A_3041, %swap3A_3042, %swap3A_3043] : memref<1x32x16384xf32, #tpu.memory_space<vmem>>, vector<1x32x32xf32>
    %swap3A_3045 = vector.shape_cast %swap3A_3044 : vector<1x32x32xf32> to vector<32x32xf32>
    %swap3A_3046 = vector.shape_cast %slice3A_3040 : vector<32x32xf32> to vector<1x32x32xf32>
    tpu.vector_store %arg2[%swap3A_3041, %swap3A_3042, %swap3A_3043], %swap3A_3046 {strides = array<i32>} : memref<1x32x16384xf32, #tpu.memory_space<vmem>>, vector<1x32x32xf32>,
    %slice3A_3047 = vector.extract_strided_slice %dot_general3A_3 {offsets = [96, 1632], sizes = [32, 32], strides = [1, 1]} : vector<128x4096xf32> to vector<32x32xf32>
    %swap3A_3048 = arith.constant 0 : index
    %swap3A_3049 = arith.constant 0 : index
    %swap3A_3050 = arith.constant 6624 : index
    %swap3A_3051 = vector.load %arg2[%swap3A_3048, %swap3A_3049, %swap3A_3050] : memref<1x32x16384xf32, #tpu.memory_space<vmem>>, vector<1x32x32xf32>
    %swap3A_3052 = vector.shape_cast %swap3A_3051 : vector<1x32x32xf32> to vector<32x32xf32>
    %swap3A_3053 = vector.shape_cast %slice3A_3047 : vector<32x32xf32> to vector<1x32x32xf32>
    tpu.vector_store %arg2[%swap3A_3048, %swap3A_3049, %swap3A_3050], %swap3A_3053 {strides = array<i32>} : memref<1x32x16384xf32, #tpu.memory_space<vmem>>, vector<1x32x32xf32>,
    %slice3A_3054 = vector.extract_strided_slice %dot_general3A_3 {offsets = [96, 1664], sizes = [32, 32], strides = [1, 1]} : vector<128x4096xf32> to vector<32x32xf32>
    %swap3A_3055 = arith.constant 0 : index
    %swap3A_3056 = arith.constant 0 : index
    %swap3A_3057 = arith.constant 6752 : index
    %swap3A_3058 = vector.load %arg2[%swap3A_3055, %swap3A_3056, %swap3A_3057] : memref<1x32x16384xf32, #tpu.memory_space<vmem>>, vector<1x32x32xf32>
    %swap3A_3059 = vector.shape_cast %swap3A_3058 : vector<1x32x32xf32> to vector<32x32xf32>
    %swap3A_3060 = vector.shape_cast %slice3A_3054 : vector<32x32xf32> to vector<1x32x32xf32>
    tpu.vector_store %arg2[%swap3A_3055, %swap3A_3056, %swap3A_3057], %swap3A_3060 {strides = array<i32>} : memref<1x32x16384xf32, #tpu.memory_space<vmem>>, vector<1x32x32xf32>,
    %slice3A_3061 = vector.extract_strided_slice %dot_general3A_3 {offsets = [96, 1696], sizes = [32, 32], strides = [1, 1]} : vector<128x4096xf32> to vector<32x32xf32>
    %swap3A_3062 = arith.constant 0 : index
    %swap3A_3063 = arith.constant 0 : index
    %swap3A_3064 = arith.constant 6880 : index
    %swap3A_3065 = vector.load %arg2[%swap3A_3062, %swap3A_3063, %swap3A_3064] : memref<1x32x16384xf32, #tpu.memory_space<vmem>>, vector<1x32x32xf32>
    %swap3A_3066 = vector.shape_cast %swap3A_3065 : vector<1x32x32xf32> to vector<32x32xf32>
    %swap3A_3067 = vector.shape_cast %slice3A_3061 : vector<32x32xf32> to vector<1x32x32xf32>
    tpu.vector_store %arg2[%swap3A_3062, %swap3A_3063, %swap3A_3064], %swap3A_3067 {strides = array<i32>} : memref<1x32x16384xf32, #tpu.memory_space<vmem>>, vector<1x32x32xf32>,
    %slice3A_3068 = vector.extract_strided_slice %dot_general3A_3 {offsets = [96, 1728], sizes = [32, 32], strides = [1, 1]} : vector<128x4096xf32> to vector<32x32xf32>
    %swap3A_3069 = arith.constant 0 : index
    %swap3A_3070 = arith.constant 0 : index
    %swap3A_3071 = arith.constant 7008 : index
    %swap3A_3072 = vector.load %arg2[%swap3A_3069, %swap3A_3070, %swap3A_3071] : memref<1x32x16384xf32, #tpu.memory_space<vmem>>, vector<1x32x32xf32>
    %swap3A_3073 = vector.shape_cast %swap3A_3072 : vector<1x32x32xf32> to vector<32x32xf32>
    %swap3A_3074 = vector.shape_cast %slice3A_3068 : vector<32x32xf32> to vector<1x32x32xf32>
    tpu.vector_store %arg2[%swap3A_3069, %swap3A_3070, %swap3A_3071], %swap3A_3074 {strides = array<i32>} : memref<1x32x16384xf32, #tpu.memory_space<vmem>>, vector<1x32x32xf32>,
    %slice3A_3075 = vector.extract_strided_slice %dot_general3A_3 {offsets = [96, 1760], sizes = [32, 32], strides = [1, 1]} : vector<128x4096xf32> to vector<32x32xf32>
    %swap3A_3076 = arith.constant 0 : index
    %swap3A_3077 = arith.constant 0 : index
    %swap3A_3078 = arith.constant 7136 : index
    %swap3A_3079 = vector.load %arg2[%swap3A_3076, %swap3A_3077, %swap3A_3078] : memref<1x32x16384xf32, #tpu.memory_space<vmem>>, vector<1x32x32xf32>
    %swap3A_3080 = vector.shape_cast %swap3A_3079 : vector<1x32x32xf32> to vector<32x32xf32>
    %swap3A_3081 = vector.shape_cast %slice3A_3075 : vector<32x32xf32> to vector<1x32x32xf32>
    tpu.vector_store %arg2[%swap3A_3076, %swap3A_3077, %swap3A_3078], %swap3A_3081 {strides = array<i32>} : memref<1x32x16384xf32, #tpu.memory_space<vmem>>, vector<1x32x32xf32>,
    %slice3A_3082 = vector.extract_strided_slice %dot_general3A_3 {offsets = [96, 1792], sizes = [32, 32], strides = [1, 1]} : vector<128x4096xf32> to vector<32x32xf32>
    %swap3A_3083 = arith.constant 0 : index
    %swap3A_3084 = arith.constant 0 : index
    %swap3A_3085 = arith.constant 7264 : index
    %swap3A_3086 = vector.load %arg2[%swap3A_3083, %swap3A_3084, %swap3A_3085] : memref<1x32x16384xf32, #tpu.memory_space<vmem>>, vector<1x32x32xf32>
    %swap3A_3087 = vector.shape_cast %swap3A_3086 : vector<1x32x32xf32> to vector<32x32xf32>
    %swap3A_3088 = vector.shape_cast %slice3A_3082 : vector<32x32xf32> to vector<1x32x32xf32>
    tpu.vector_store %arg2[%swap3A_3083, %swap3A_3084, %swap3A_3085], %swap3A_3088 {strides = array<i32>} : memref<1x32x16384xf32, #tpu.memory_space<vmem>>, vector<1x32x32xf32>,
    %slice3A_3089 = vector.extract_strided_slice %dot_general3A_3 {offsets = [96, 1824], sizes = [32, 32], strides = [1, 1]} : vector<128x4096xf32> to vector<32x32xf32>
    %swap3A_3090 = arith.constant 0 : index
    %swap3A_3091 = arith.constant 0 : index
    %swap3A_3092 = arith.constant 7392 : index
    %swap3A_3093 = vector.load %arg2[%swap3A_3090, %swap3A_3091, %swap3A_3092] : memref<1x32x16384xf32, #tpu.memory_space<vmem>>, vector<1x32x32xf32>
    %swap3A_3094 = vector.shape_cast %swap3A_3093 : vector<1x32x32xf32> to vector<32x32xf32>
    %swap3A_3095 = vector.shape_cast %slice3A_3089 : vector<32x32xf32> to vector<1x32x32xf32>
    tpu.vector_store %arg2[%swap3A_3090, %swap3A_3091, %swap3A_3092], %swap3A_3095 {strides = array<i32>} : memref<1x32x16384xf32, #tpu.memory_space<vmem>>, vector<1x32x32xf32>,
    %slice3A_3096 = vector.extract_strided_slice %dot_general3A_3 {offsets = [96, 1856], sizes = [32, 32], strides = [1, 1]} : vector<128x4096xf32> to vector<32x32xf32>
    %swap3A_3097 = arith.constant 0 : index
    %swap3A_3098 = arith.constant 0 : index
    %swap3A_3099 = arith.constant 7520 : index
    %swap3A_3100 = vector.load %arg2[%swap3A_3097, %swap3A_3098, %swap3A_3099] : memref<1x32x16384xf32, #tpu.memory_space<vmem>>, vector<1x32x32xf32>
    %swap3A_3101 = vector.shape_cast %swap3A_3100 : vector<1x32x32xf32> to vector<32x32xf32>
    %swap3A_3102 = vector.shape_cast %slice3A_3096 : vector<32x32xf32> to vector<1x32x32xf32>
    tpu.vector_store %arg2[%swap3A_3097, %swap3A_3098, %swap3A_3099], %swap3A_3102 {strides = array<i32>} : memref<1x32x16384xf32, #tpu.memory_space<vmem>>, vector<1x32x32xf32>,
    %slice3A_3103 = vector.extract_strided_slice %dot_general3A_3 {offsets = [96, 1888], sizes = [32, 32], strides = [1, 1]} : vector<128x4096xf32> to vector<32x32xf32>
    %swap3A_3104 = arith.constant 0 : index
    %swap3A_3105 = arith.constant 0 : index
    %swap3A_3106 = arith.constant 7648 : index
    %swap3A_3107 = vector.load %arg2[%swap3A_3104, %swap3A_3105, %swap3A_3106] : memref<1x32x16384xf32, #tpu.memory_space<vmem>>, vector<1x32x32xf32>
    %swap3A_3108 = vector.shape_cast %swap3A_3107 : vector<1x32x32xf32> to vector<32x32xf32>
    %swap3A_3109 = vector.shape_cast %slice3A_3103 : vector<32x32xf32> to vector<1x32x32xf32>
    tpu.vector_store %arg2[%swap3A_3104, %swap3A_3105, %swap3A_3106], %swap3A_3109 {strides = array<i32>} : memref<1x32x16384xf32, #tpu.memory_space<vmem>>, vector<1x32x32xf32>,
    %slice3A_3110 = vector.extract_strided_slice %dot_general3A_3 {offsets = [96, 1920], sizes = [32, 32], strides = [1, 1]} : vector<128x4096xf32> to vector<32x32xf32>
    %swap3A_3111 = arith.constant 0 : index
    %swap3A_3112 = arith.constant 0 : index
    %swap3A_3113 = arith.constant 7776 : index
    %swap3A_3114 = vector.load %arg2[%swap3A_3111, %swap3A_3112, %swap3A_3113] : memref<1x32x16384xf32, #tpu.memory_space<vmem>>, vector<1x32x32xf32>
    %swap3A_3115 = vector.shape_cast %swap3A_3114 : vector<1x32x32xf32> to vector<32x32xf32>
    %swap3A_3116 = vector.shape_cast %slice3A_3110 : vector<32x32xf32> to vector<1x32x32xf32>
    tpu.vector_store %arg2[%swap3A_3111, %swap3A_3112, %swap3A_3113], %swap3A_3116 {strides = array<i32>} : memref<1x32x16384xf32, #tpu.memory_space<vmem>>, vector<1x32x32xf32>,
    %slice3A_3117 = vector.extract_strided_slice %dot_general3A_3 {offsets = [96, 1952], sizes = [32, 32], strides = [1, 1]} : vector<128x4096xf32> to vector<32x32xf32>
    %swap3A_3118 = arith.constant 0 : index
    %swap3A_3119 = arith.constant 0 : index
    %swap3A_3120 = arith.constant 7904 : index
    %swap3A_3121 = vector.load %arg2[%swap3A_3118, %swap3A_3119, %swap3A_3120] : memref<1x32x16384xf32, #tpu.memory_space<vmem>>, vector<1x32x32xf32>
    %swap3A_3122 = vector.shape_cast %swap3A_3121 : vector<1x32x32xf32> to vector<32x32xf32>
    %swap3A_3123 = vector.shape_cast %slice3A_3117 : vector<32x32xf32> to vector<1x32x32xf32>
    tpu.vector_store %arg2[%swap3A_3118, %swap3A_3119, %swap3A_3120], %swap3A_3123 {strides = array<i32>} : memref<1x32x16384xf32, #tpu.memory_space<vmem>>, vector<1x32x32xf32>,
    %slice3A_3124 = vector.extract_strided_slice %dot_general3A_3 {offsets = [96, 1984], sizes = [32, 32], strides = [1, 1]} : vector<128x4096xf32> to vector<32x32xf32>
    %swap3A_3125 = arith.constant 0 : index
    %swap3A_3126 = arith.constant 0 : index
    %swap3A_3127 = arith.constant 8032 : index
    %swap3A_3128 = vector.load %arg2[%swap3A_3125, %swap3A_3126, %swap3A_3127] : memref<1x32x16384xf32, #tpu.memory_space<vmem>>, vector<1x32x32xf32>
    %swap3A_3129 = vector.shape_cast %swap3A_3128 : vector<1x32x32xf32> to vector<32x32xf32>
    %swap3A_3130 = vector.shape_cast %slice3A_3124 : vector<32x32xf32> to vector<1x32x32xf32>
    tpu.vector_store %arg2[%swap3A_3125, %swap3A_3126, %swap3A_3127], %swap3A_3130 {strides = array<i32>} : memref<1x32x16384xf32, #tpu.memory_space<vmem>>, vector<1x32x32xf32>,
    %slice3A_3131 = vector.extract_strided_slice %dot_general3A_3 {offsets = [96, 2016], sizes = [32, 32], strides = [1, 1]} : vector<128x4096xf32> to vector<32x32xf32>
    %swap3A_3132 = arith.constant 0 : index
    %swap3A_3133 = arith.constant 0 : index
    %swap3A_3134 = arith.constant 8160 : index
    %swap3A_3135 = vector.load %arg2[%swap3A_3132, %swap3A_3133, %swap3A_3134] : memref<1x32x16384xf32, #tpu.memory_space<vmem>>, vector<1x32x32xf32>
    %swap3A_3136 = vector.shape_cast %swap3A_3135 : vector<1x32x32xf32> to vector<32x32xf32>
    %swap3A_3137 = vector.shape_cast %slice3A_3131 : vector<32x32xf32> to vector<1x32x32xf32>
    tpu.vector_store %arg2[%swap3A_3132, %swap3A_3133, %swap3A_3134], %swap3A_3137 {strides = array<i32>} : memref<1x32x16384xf32, #tpu.memory_space<vmem>>, vector<1x32x32xf32>,
    %slice3A_3138 = vector.extract_strided_slice %dot_general3A_3 {offsets = [96, 2048], sizes = [32, 32], strides = [1, 1]} : vector<128x4096xf32> to vector<32x32xf32>
    %swap3A_3139 = arith.constant 0 : index
    %swap3A_3140 = arith.constant 0 : index
    %swap3A_3141 = arith.constant 8288 : index
    %swap3A_3142 = vector.load %arg2[%swap3A_3139, %swap3A_3140, %swap3A_3141] : memref<1x32x16384xf32, #tpu.memory_space<vmem>>, vector<1x32x32xf32>
    %swap3A_3143 = vector.shape_cast %swap3A_3142 : vector<1x32x32xf32> to vector<32x32xf32>
    %swap3A_3144 = vector.shape_cast %slice3A_3138 : vector<32x32xf32> to vector<1x32x32xf32>
    tpu.vector_store %arg2[%swap3A_3139, %swap3A_3140, %swap3A_3141], %swap3A_3144 {strides = array<i32>} : memref<1x32x16384xf32, #tpu.memory_space<vmem>>, vector<1x32x32xf32>,
    %slice3A_3145 = vector.extract_strided_slice %dot_general3A_3 {offsets = [96, 2080], sizes = [32, 32], strides = [1, 1]} : vector<128x4096xf32> to vector<32x32xf32>
    %swap3A_3146 = arith.constant 0 : index
    %swap3A_3147 = arith.constant 0 : index
    %swap3A_3148 = arith.constant 8416 : index
    %swap3A_3149 = vector.load %arg2[%swap3A_3146, %swap3A_3147, %swap3A_3148] : memref<1x32x16384xf32, #tpu.memory_space<vmem>>, vector<1x32x32xf32>
    %swap3A_3150 = vector.shape_cast %swap3A_3149 : vector<1x32x32xf32> to vector<32x32xf32>
    %swap3A_3151 = vector.shape_cast %slice3A_3145 : vector<32x32xf32> to vector<1x32x32xf32>
    tpu.vector_store %arg2[%swap3A_3146, %swap3A_3147, %swap3A_3148], %swap3A_3151 {strides = array<i32>} : memref<1x32x16384xf32, #tpu.memory_space<vmem>>, vector<1x32x32xf32>,
    %slice3A_3152 = vector.extract_strided_slice %dot_general3A_3 {offsets = [96, 2112], sizes = [32, 32], strides = [1, 1]} : vector<128x4096xf32> to vector<32x32xf32>
    %swap3A_3153 = arith.constant 0 : index
    %swap3A_3154 = arith.constant 0 : index
    %swap3A_3155 = arith.constant 8544 : index
    %swap3A_3156 = vector.load %arg2[%swap3A_3153, %swap3A_3154, %swap3A_3155] : memref<1x32x16384xf32, #tpu.memory_space<vmem>>, vector<1x32x32xf32>
    %swap3A_3157 = vector.shape_cast %swap3A_3156 : vector<1x32x32xf32> to vector<32x32xf32>
    %swap3A_3158 = vector.shape_cast %slice3A_3152 : vector<32x32xf32> to vector<1x32x32xf32>
    tpu.vector_store %arg2[%swap3A_3153, %swap3A_3154, %swap3A_3155], %swap3A_3158 {strides = array<i32>} : memref<1x32x16384xf32, #tpu.memory_space<vmem>>, vector<1x32x32xf32>,
    %slice3A_3159 = vector.extract_strided_slice %dot_general3A_3 {offsets = [96, 2144], sizes = [32, 32], strides = [1, 1]} : vector<128x4096xf32> to vector<32x32xf32>
    %swap3A_3160 = arith.constant 0 : index
    %swap3A_3161 = arith.constant 0 : index
    %swap3A_3162 = arith.constant 8672 : index
    %swap3A_3163 = vector.load %arg2[%swap3A_3160, %swap3A_3161, %swap3A_3162] : memref<1x32x16384xf32, #tpu.memory_space<vmem>>, vector<1x32x32xf32>
    %swap3A_3164 = vector.shape_cast %swap3A_3163 : vector<1x32x32xf32> to vector<32x32xf32>
    %swap3A_3165 = vector.shape_cast %slice3A_3159 : vector<32x32xf32> to vector<1x32x32xf32>
    tpu.vector_store %arg2[%swap3A_3160, %swap3A_3161, %swap3A_3162], %swap3A_3165 {strides = array<i32>} : memref<1x32x16384xf32, #tpu.memory_space<vmem>>, vector<1x32x32xf32>,
    %slice3A_3166 = vector.extract_strided_slice %dot_general3A_3 {offsets = [96, 2176], sizes = [32, 32], strides = [1, 1]} : vector<128x4096xf32> to vector<32x32xf32>
    %swap3A_3167 = arith.constant 0 : index
    %swap3A_3168 = arith.constant 0 : index
    %swap3A_3169 = arith.constant 8800 : index
    %swap3A_3170 = vector.load %arg2[%swap3A_3167, %swap3A_3168, %swap3A_3169] : memref<1x32x16384xf32, #tpu.memory_space<vmem>>, vector<1x32x32xf32>
    %swap3A_3171 = vector.shape_cast %swap3A_3170 : vector<1x32x32xf32> to vector<32x32xf32>
    %swap3A_3172 = vector.shape_cast %slice3A_3166 : vector<32x32xf32> to vector<1x32x32xf32>
    tpu.vector_store %arg2[%swap3A_3167, %swap3A_3168, %swap3A_3169], %swap3A_3172 {strides = array<i32>} : memref<1x32x16384xf32, #tpu.memory_space<vmem>>, vector<1x32x32xf32>,
    %slice3A_3173 = vector.extract_strided_slice %dot_general3A_3 {offsets = [96, 2208], sizes = [32, 32], strides = [1, 1]} : vector<128x4096xf32> to vector<32x32xf32>
    %swap3A_3174 = arith.constant 0 : index
    %swap3A_3175 = arith.constant 0 : index
    %swap3A_3176 = arith.constant 8928 : index
    %swap3A_3177 = vector.load %arg2[%swap3A_3174, %swap3A_3175, %swap3A_3176] : memref<1x32x16384xf32, #tpu.memory_space<vmem>>, vector<1x32x32xf32>
    %swap3A_3178 = vector.shape_cast %swap3A_3177 : vector<1x32x32xf32> to vector<32x32xf32>
    %swap3A_3179 = vector.shape_cast %slice3A_3173 : vector<32x32xf32> to vector<1x32x32xf32>
    tpu.vector_store %arg2[%swap3A_3174, %swap3A_3175, %swap3A_3176], %swap3A_3179 {strides = array<i32>} : memref<1x32x16384xf32, #tpu.memory_space<vmem>>, vector<1x32x32xf32>,
    %slice3A_3180 = vector.extract_strided_slice %dot_general3A_3 {offsets = [96, 2240], sizes = [32, 32], strides = [1, 1]} : vector<128x4096xf32> to vector<32x32xf32>
    %swap3A_3181 = arith.constant 0 : index
    %swap3A_3182 = arith.constant 0 : index
    %swap3A_3183 = arith.constant 9056 : index
    %swap3A_3184 = vector.load %arg2[%swap3A_3181, %swap3A_3182, %swap3A_3183] : memref<1x32x16384xf32, #tpu.memory_space<vmem>>, vector<1x32x32xf32>
    %swap3A_3185 = vector.shape_cast %swap3A_3184 : vector<1x32x32xf32> to vector<32x32xf32>
    %swap3A_3186 = vector.shape_cast %slice3A_3180 : vector<32x32xf32> to vector<1x32x32xf32>
    tpu.vector_store %arg2[%swap3A_3181, %swap3A_3182, %swap3A_3183], %swap3A_3186 {strides = array<i32>} : memref<1x32x16384xf32, #tpu.memory_space<vmem>>, vector<1x32x32xf32>,
    %slice3A_3187 = vector.extract_strided_slice %dot_general3A_3 {offsets = [96, 2272], sizes = [32, 32], strides = [1, 1]} : vector<128x4096xf32> to vector<32x32xf32>
    %swap3A_3188 = arith.constant 0 : index
    %swap3A_3189 = arith.constant 0 : index
    %swap3A_3190 = arith.constant 9184 : index
    %swap3A_3191 = vector.load %arg2[%swap3A_3188, %swap3A_3189, %swap3A_3190] : memref<1x32x16384xf32, #tpu.memory_space<vmem>>, vector<1x32x32xf32>
    %swap3A_3192 = vector.shape_cast %swap3A_3191 : vector<1x32x32xf32> to vector<32x32xf32>
    %swap3A_3193 = vector.shape_cast %slice3A_3187 : vector<32x32xf32> to vector<1x32x32xf32>
    tpu.vector_store %arg2[%swap3A_3188, %swap3A_3189, %swap3A_3190], %swap3A_3193 {strides = array<i32>} : memref<1x32x16384xf32, #tpu.memory_space<vmem>>, vector<1x32x32xf32>,
    %slice3A_3194 = vector.extract_strided_slice %dot_general3A_3 {offsets = [96, 2304], sizes = [32, 32], strides = [1, 1]} : vector<128x4096xf32> to vector<32x32xf32>
    %swap3A_3195 = arith.constant 0 : index
    %swap3A_3196 = arith.constant 0 : index
    %swap3A_3197 = arith.constant 9312 : index
    %swap3A_3198 = vector.load %arg2[%swap3A_3195, %swap3A_3196, %swap3A_3197] : memref<1x32x16384xf32, #tpu.memory_space<vmem>>, vector<1x32x32xf32>
    %swap3A_3199 = vector.shape_cast %swap3A_3198 : vector<1x32x32xf32> to vector<32x32xf32>
    %swap3A_3200 = vector.shape_cast %slice3A_3194 : vector<32x32xf32> to vector<1x32x32xf32>
    tpu.vector_store %arg2[%swap3A_3195, %swap3A_3196, %swap3A_3197], %swap3A_3200 {strides = array<i32>} : memref<1x32x16384xf32, #tpu.memory_space<vmem>>, vector<1x32x32xf32>,
    %slice3A_3201 = vector.extract_strided_slice %dot_general3A_3 {offsets = [96, 2336], sizes = [32, 32], strides = [1, 1]} : vector<128x4096xf32> to vector<32x32xf32>
    %swap3A_3202 = arith.constant 0 : index
    %swap3A_3203 = arith.constant 0 : index
    %swap3A_3204 = arith.constant 9440 : index
    %swap3A_3205 = vector.load %arg2[%swap3A_3202, %swap3A_3203, %swap3A_3204] : memref<1x32x16384xf32, #tpu.memory_space<vmem>>, vector<1x32x32xf32>
    %swap3A_3206 = vector.shape_cast %swap3A_3205 : vector<1x32x32xf32> to vector<32x32xf32>
    %swap3A_3207 = vector.shape_cast %slice3A_3201 : vector<32x32xf32> to vector<1x32x32xf32>
    tpu.vector_store %arg2[%swap3A_3202, %swap3A_3203, %swap3A_3204], %swap3A_3207 {strides = array<i32>} : memref<1x32x16384xf32, #tpu.memory_space<vmem>>, vector<1x32x32xf32>,
    %slice3A_3208 = vector.extract_strided_slice %dot_general3A_3 {offsets = [96, 2368], sizes = [32, 32], strides = [1, 1]} : vector<128x4096xf32> to vector<32x32xf32>
    %swap3A_3209 = arith.constant 0 : index
    %swap3A_3210 = arith.constant 0 : index
    %swap3A_3211 = arith.constant 9568 : index
    %swap3A_3212 = vector.load %arg2[%swap3A_3209, %swap3A_3210, %swap3A_3211] : memref<1x32x16384xf32, #tpu.memory_space<vmem>>, vector<1x32x32xf32>
    %swap3A_3213 = vector.shape_cast %swap3A_3212 : vector<1x32x32xf32> to vector<32x32xf32>
    %swap3A_3214 = vector.shape_cast %slice3A_3208 : vector<32x32xf32> to vector<1x32x32xf32>
    tpu.vector_store %arg2[%swap3A_3209, %swap3A_3210, %swap3A_3211], %swap3A_3214 {strides = array<i32>} : memref<1x32x16384xf32, #tpu.memory_space<vmem>>, vector<1x32x32xf32>,
    %slice3A_3215 = vector.extract_strided_slice %dot_general3A_3 {offsets = [96, 2400], sizes = [32, 32], strides = [1, 1]} : vector<128x4096xf32> to vector<32x32xf32>
    %swap3A_3216 = arith.constant 0 : index
    %swap3A_3217 = arith.constant 0 : index
    %swap3A_3218 = arith.constant 9696 : index
    %swap3A_3219 = vector.load %arg2[%swap3A_3216, %swap3A_3217, %swap3A_3218] : memref<1x32x16384xf32, #tpu.memory_space<vmem>>, vector<1x32x32xf32>
    %swap3A_3220 = vector.shape_cast %swap3A_3219 : vector<1x32x32xf32> to vector<32x32xf32>
    %swap3A_3221 = vector.shape_cast %slice3A_3215 : vector<32x32xf32> to vector<1x32x32xf32>
    tpu.vector_store %arg2[%swap3A_3216, %swap3A_3217, %swap3A_3218], %swap3A_3221 {strides = array<i32>} : memref<1x32x16384xf32, #tpu.memory_space<vmem>>, vector<1x32x32xf32>,
    %slice3A_3222 = vector.extract_strided_slice %dot_general3A_3 {offsets = [96, 2432], sizes = [32, 32], strides = [1, 1]} : vector<128x4096xf32> to vector<32x32xf32>
    %swap3A_3223 = arith.constant 0 : index
    %swap3A_3224 = arith.constant 0 : index
    %swap3A_3225 = arith.constant 9824 : index
    %swap3A_3226 = vector.load %arg2[%swap3A_3223, %swap3A_3224, %swap3A_3225] : memref<1x32x16384xf32, #tpu.memory_space<vmem>>, vector<1x32x32xf32>
    %swap3A_3227 = vector.shape_cast %swap3A_3226 : vector<1x32x32xf32> to vector<32x32xf32>
    %swap3A_3228 = vector.shape_cast %slice3A_3222 : vector<32x32xf32> to vector<1x32x32xf32>
    tpu.vector_store %arg2[%swap3A_3223, %swap3A_3224, %swap3A_3225], %swap3A_3228 {strides = array<i32>} : memref<1x32x16384xf32, #tpu.memory_space<vmem>>, vector<1x32x32xf32>,
    %slice3A_3229 = vector.extract_strided_slice %dot_general3A_3 {offsets = [96, 2464], sizes = [32, 32], strides = [1, 1]} : vector<128x4096xf32> to vector<32x32xf32>
    %swap3A_3230 = arith.constant 0 : index
    %swap3A_3231 = arith.constant 0 : index
    %swap3A_3232 = arith.constant 9952 : index
    %swap3A_3233 = vector.load %arg2[%swap3A_3230, %swap3A_3231, %swap3A_3232] : memref<1x32x16384xf32, #tpu.memory_space<vmem>>, vector<1x32x32xf32>
    %swap3A_3234 = vector.shape_cast %swap3A_3233 : vector<1x32x32xf32> to vector<32x32xf32>
    %swap3A_3235 = vector.shape_cast %slice3A_3229 : vector<32x32xf32> to vector<1x32x32xf32>
    tpu.vector_store %arg2[%swap3A_3230, %swap3A_3231, %swap3A_3232], %swap3A_3235 {strides = array<i32>} : memref<1x32x16384xf32, #tpu.memory_space<vmem>>, vector<1x32x32xf32>,
    %slice3A_3236 = vector.extract_strided_slice %dot_general3A_3 {offsets = [96, 2496], sizes = [32, 32], strides = [1, 1]} : vector<128x4096xf32> to vector<32x32xf32>
    %swap3A_3237 = arith.constant 0 : index
    %swap3A_3238 = arith.constant 0 : index
    %swap3A_3239 = arith.constant 10080 : index
    %swap3A_3240 = vector.load %arg2[%swap3A_3237, %swap3A_3238, %swap3A_3239] : memref<1x32x16384xf32, #tpu.memory_space<vmem>>, vector<1x32x32xf32>
    %swap3A_3241 = vector.shape_cast %swap3A_3240 : vector<1x32x32xf32> to vector<32x32xf32>
    %swap3A_3242 = vector.shape_cast %slice3A_3236 : vector<32x32xf32> to vector<1x32x32xf32>
    tpu.vector_store %arg2[%swap3A_3237, %swap3A_3238, %swap3A_3239], %swap3A_3242 {strides = array<i32>} : memref<1x32x16384xf32, #tpu.memory_space<vmem>>, vector<1x32x32xf32>,
    %slice3A_3243 = vector.extract_strided_slice %dot_general3A_3 {offsets = [96, 2528], sizes = [32, 32], strides = [1, 1]} : vector<128x4096xf32> to vector<32x32xf32>
    %swap3A_3244 = arith.constant 0 : index
    %swap3A_3245 = arith.constant 0 : index
    %swap3A_3246 = arith.constant 10208 : index
    %swap3A_3247 = vector.load %arg2[%swap3A_3244, %swap3A_3245, %swap3A_3246] : memref<1x32x16384xf32, #tpu.memory_space<vmem>>, vector<1x32x32xf32>
    %swap3A_3248 = vector.shape_cast %swap3A_3247 : vector<1x32x32xf32> to vector<32x32xf32>
    %swap3A_3249 = vector.shape_cast %slice3A_3243 : vector<32x32xf32> to vector<1x32x32xf32>
    tpu.vector_store %arg2[%swap3A_3244, %swap3A_3245, %swap3A_3246], %swap3A_3249 {strides = array<i32>} : memref<1x32x16384xf32, #tpu.memory_space<vmem>>, vector<1x32x32xf32>,
    %slice3A_3250 = vector.extract_strided_slice %dot_general3A_3 {offsets = [96, 2560], sizes = [32, 32], strides = [1, 1]} : vector<128x4096xf32> to vector<32x32xf32>
    %swap3A_3251 = arith.constant 0 : index
    %swap3A_3252 = arith.constant 0 : index
    %swap3A_3253 = arith.constant 10336 : index
    %swap3A_3254 = vector.load %arg2[%swap3A_3251, %swap3A_3252, %swap3A_3253] : memref<1x32x16384xf32, #tpu.memory_space<vmem>>, vector<1x32x32xf32>
    %swap3A_3255 = vector.shape_cast %swap3A_3254 : vector<1x32x32xf32> to vector<32x32xf32>
    %swap3A_3256 = vector.shape_cast %slice3A_3250 : vector<32x32xf32> to vector<1x32x32xf32>
    tpu.vector_store %arg2[%swap3A_3251, %swap3A_3252, %swap3A_3253], %swap3A_3256 {strides = array<i32>} : memref<1x32x16384xf32, #tpu.memory_space<vmem>>, vector<1x32x32xf32>,
    %slice3A_3257 = vector.extract_strided_slice %dot_general3A_3 {offsets = [96, 2592], sizes = [32, 32], strides = [1, 1]} : vector<128x4096xf32> to vector<32x32xf32>
    %swap3A_3258 = arith.constant 0 : index
    %swap3A_3259 = arith.constant 0 : index
    %swap3A_3260 = arith.constant 10464 : index
    %swap3A_3261 = vector.load %arg2[%swap3A_3258, %swap3A_3259, %swap3A_3260] : memref<1x32x16384xf32, #tpu.memory_space<vmem>>, vector<1x32x32xf32>
    %swap3A_3262 = vector.shape_cast %swap3A_3261 : vector<1x32x32xf32> to vector<32x32xf32>
    %swap3A_3263 = vector.shape_cast %slice3A_3257 : vector<32x32xf32> to vector<1x32x32xf32>
    tpu.vector_store %arg2[%swap3A_3258, %swap3A_3259, %swap3A_3260], %swap3A_3263 {strides = array<i32>} : memref<1x32x16384xf32, #tpu.memory_space<vmem>>, vector<1x32x32xf32>,
    %slice3A_3264 = vector.extract_strided_slice %dot_general3A_3 {offsets = [96, 2624], sizes = [32, 32], strides = [1, 1]} : vector<128x4096xf32> to vector<32x32xf32>
    %swap3A_3265 = arith.constant 0 : index
    %swap3A_3266 = arith.constant 0 : index
    %swap3A_3267 = arith.constant 10592 : index
    %swap3A_3268 = vector.load %arg2[%swap3A_3265, %swap3A_3266, %swap3A_3267] : memref<1x32x16384xf32, #tpu.memory_space<vmem>>, vector<1x32x32xf32>
    %swap3A_3269 = vector.shape_cast %swap3A_3268 : vector<1x32x32xf32> to vector<32x32xf32>
    %swap3A_3270 = vector.shape_cast %slice3A_3264 : vector<32x32xf32> to vector<1x32x32xf32>
    tpu.vector_store %arg2[%swap3A_3265, %swap3A_3266, %swap3A_3267], %swap3A_3270 {strides = array<i32>} : memref<1x32x16384xf32, #tpu.memory_space<vmem>>, vector<1x32x32xf32>,
    %slice3A_3271 = vector.extract_strided_slice %dot_general3A_3 {offsets = [96, 2656], sizes = [32, 32], strides = [1, 1]} : vector<128x4096xf32> to vector<32x32xf32>
    %swap3A_3272 = arith.constant 0 : index
    %swap3A_3273 = arith.constant 0 : index
    %swap3A_3274 = arith.constant 10720 : index
    %swap3A_3275 = vector.load %arg2[%swap3A_3272, %swap3A_3273, %swap3A_3274] : memref<1x32x16384xf32, #tpu.memory_space<vmem>>, vector<1x32x32xf32>
    %swap3A_3276 = vector.shape_cast %swap3A_3275 : vector<1x32x32xf32> to vector<32x32xf32>
    %swap3A_3277 = vector.shape_cast %slice3A_3271 : vector<32x32xf32> to vector<1x32x32xf32>
    tpu.vector_store %arg2[%swap3A_3272, %swap3A_3273, %swap3A_3274], %swap3A_3277 {strides = array<i32>} : memref<1x32x16384xf32, #tpu.memory_space<vmem>>, vector<1x32x32xf32>,
    %slice3A_3278 = vector.extract_strided_slice %dot_general3A_3 {offsets = [96, 2688], sizes = [32, 32], strides = [1, 1]} : vector<128x4096xf32> to vector<32x32xf32>
    %swap3A_3279 = arith.constant 0 : index
    %swap3A_3280 = arith.constant 0 : index
    %swap3A_3281 = arith.constant 10848 : index
    %swap3A_3282 = vector.load %arg2[%swap3A_3279, %swap3A_3280, %swap3A_3281] : memref<1x32x16384xf32, #tpu.memory_space<vmem>>, vector<1x32x32xf32>
    %swap3A_3283 = vector.shape_cast %swap3A_3282 : vector<1x32x32xf32> to vector<32x32xf32>
    %swap3A_3284 = vector.shape_cast %slice3A_3278 : vector<32x32xf32> to vector<1x32x32xf32>
    tpu.vector_store %arg2[%swap3A_3279, %swap3A_3280, %swap3A_3281], %swap3A_3284 {strides = array<i32>} : memref<1x32x16384xf32, #tpu.memory_space<vmem>>, vector<1x32x32xf32>,
    %slice3A_3285 = vector.extract_strided_slice %dot_general3A_3 {offsets = [96, 2720], sizes = [32, 32], strides = [1, 1]} : vector<128x4096xf32> to vector<32x32xf32>
    %swap3A_3286 = arith.constant 0 : index
    %swap3A_3287 = arith.constant 0 : index
    %swap3A_3288 = arith.constant 10976 : index
    %swap3A_3289 = vector.load %arg2[%swap3A_3286, %swap3A_3287, %swap3A_3288] : memref<1x32x16384xf32, #tpu.memory_space<vmem>>, vector<1x32x32xf32>
    %swap3A_3290 = vector.shape_cast %swap3A_3289 : vector<1x32x32xf32> to vector<32x32xf32>
    %swap3A_3291 = vector.shape_cast %slice3A_3285 : vector<32x32xf32> to vector<1x32x32xf32>
    tpu.vector_store %arg2[%swap3A_3286, %swap3A_3287, %swap3A_3288], %swap3A_3291 {strides = array<i32>} : memref<1x32x16384xf32, #tpu.memory_space<vmem>>, vector<1x32x32xf32>,
    %slice3A_3292 = vector.extract_strided_slice %dot_general3A_3 {offsets = [96, 2752], sizes = [32, 32], strides = [1, 1]} : vector<128x4096xf32> to vector<32x32xf32>
    %swap3A_3293 = arith.constant 0 : index
    %swap3A_3294 = arith.constant 0 : index
    %swap3A_3295 = arith.constant 11104 : index
    %swap3A_3296 = vector.load %arg2[%swap3A_3293, %swap3A_3294, %swap3A_3295] : memref<1x32x16384xf32, #tpu.memory_space<vmem>>, vector<1x32x32xf32>
    %swap3A_3297 = vector.shape_cast %swap3A_3296 : vector<1x32x32xf32> to vector<32x32xf32>
    %swap3A_3298 = vector.shape_cast %slice3A_3292 : vector<32x32xf32> to vector<1x32x32xf32>
    tpu.vector_store %arg2[%swap3A_3293, %swap3A_3294, %swap3A_3295], %swap3A_3298 {strides = array<i32>} : memref<1x32x16384xf32, #tpu.memory_space<vmem>>, vector<1x32x32xf32>,
    %slice3A_3299 = vector.extract_strided_slice %dot_general3A_3 {offsets = [96, 2784], sizes = [32, 32], strides = [1, 1]} : vector<128x4096xf32> to vector<32x32xf32>
    %swap3A_3300 = arith.constant 0 : index
    %swap3A_3301 = arith.constant 0 : index
    %swap3A_3302 = arith.constant 11232 : index
    %swap3A_3303 = vector.load %arg2[%swap3A_3300, %swap3A_3301, %swap3A_3302] : memref<1x32x16384xf32, #tpu.memory_space<vmem>>, vector<1x32x32xf32>
    %swap3A_3304 = vector.shape_cast %swap3A_3303 : vector<1x32x32xf32> to vector<32x32xf32>
    %swap3A_3305 = vector.shape_cast %slice3A_3299 : vector<32x32xf32> to vector<1x32x32xf32>
    tpu.vector_store %arg2[%swap3A_3300, %swap3A_3301, %swap3A_3302], %swap3A_3305 {strides = array<i32>} : memref<1x32x16384xf32, #tpu.memory_space<vmem>>, vector<1x32x32xf32>,
    %slice3A_3306 = vector.extract_strided_slice %dot_general3A_3 {offsets = [96, 2816], sizes = [32, 32], strides = [1, 1]} : vector<128x4096xf32> to vector<32x32xf32>
    %swap3A_3307 = arith.constant 0 : index
    %swap3A_3308 = arith.constant 0 : index
    %swap3A_3309 = arith.constant 11360 : index
    %swap3A_3310 = vector.load %arg2[%swap3A_3307, %swap3A_3308, %swap3A_3309] : memref<1x32x16384xf32, #tpu.memory_space<vmem>>, vector<1x32x32xf32>
    %swap3A_3311 = vector.shape_cast %swap3A_3310 : vector<1x32x32xf32> to vector<32x32xf32>
    %swap3A_3312 = vector.shape_cast %slice3A_3306 : vector<32x32xf32> to vector<1x32x32xf32>
    tpu.vector_store %arg2[%swap3A_3307, %swap3A_3308, %swap3A_3309], %swap3A_3312 {strides = array<i32>} : memref<1x32x16384xf32, #tpu.memory_space<vmem>>, vector<1x32x32xf32>,
    %slice3A_3313 = vector.extract_strided_slice %dot_general3A_3 {offsets = [96, 2848], sizes = [32, 32], strides = [1, 1]} : vector<128x4096xf32> to vector<32x32xf32>
    %swap3A_3314 = arith.constant 0 : index
    %swap3A_3315 = arith.constant 0 : index
    %swap3A_3316 = arith.constant 11488 : index
    %swap3A_3317 = vector.load %arg2[%swap3A_3314, %swap3A_3315, %swap3A_3316] : memref<1x32x16384xf32, #tpu.memory_space<vmem>>, vector<1x32x32xf32>
    %swap3A_3318 = vector.shape_cast %swap3A_3317 : vector<1x32x32xf32> to vector<32x32xf32>
    %swap3A_3319 = vector.shape_cast %slice3A_3313 : vector<32x32xf32> to vector<1x32x32xf32>
    tpu.vector_store %arg2[%swap3A_3314, %swap3A_3315, %swap3A_3316], %swap3A_3319 {strides = array<i32>} : memref<1x32x16384xf32, #tpu.memory_space<vmem>>, vector<1x32x32xf32>,
    %slice3A_3320 = vector.extract_strided_slice %dot_general3A_3 {offsets = [96, 2880], sizes = [32, 32], strides = [1, 1]} : vector<128x4096xf32> to vector<32x32xf32>
    %swap3A_3321 = arith.constant 0 : index
    %swap3A_3322 = arith.constant 0 : index
    %swap3A_3323 = arith.constant 11616 : index
    %swap3A_3324 = vector.load %arg2[%swap3A_3321, %swap3A_3322, %swap3A_3323] : memref<1x32x16384xf32, #tpu.memory_space<vmem>>, vector<1x32x32xf32>
    %swap3A_3325 = vector.shape_cast %swap3A_3324 : vector<1x32x32xf32> to vector<32x32xf32>
    %swap3A_3326 = vector.shape_cast %slice3A_3320 : vector<32x32xf32> to vector<1x32x32xf32>
    tpu.vector_store %arg2[%swap3A_3321, %swap3A_3322, %swap3A_3323], %swap3A_3326 {strides = array<i32>} : memref<1x32x16384xf32, #tpu.memory_space<vmem>>, vector<1x32x32xf32>,
    %slice3A_3327 = vector.extract_strided_slice %dot_general3A_3 {offsets = [96, 2912], sizes = [32, 32], strides = [1, 1]} : vector<128x4096xf32> to vector<32x32xf32>
    %swap3A_3328 = arith.constant 0 : index
    %swap3A_3329 = arith.constant 0 : index
    %swap3A_3330 = arith.constant 11744 : index
    %swap3A_3331 = vector.load %arg2[%swap3A_3328, %swap3A_3329, %swap3A_3330] : memref<1x32x16384xf32, #tpu.memory_space<vmem>>, vector<1x32x32xf32>
    %swap3A_3332 = vector.shape_cast %swap3A_3331 : vector<1x32x32xf32> to vector<32x32xf32>
    %swap3A_3333 = vector.shape_cast %slice3A_3327 : vector<32x32xf32> to vector<1x32x32xf32>
    tpu.vector_store %arg2[%swap3A_3328, %swap3A_3329, %swap3A_3330], %swap3A_3333 {strides = array<i32>} : memref<1x32x16384xf32, #tpu.memory_space<vmem>>, vector<1x32x32xf32>,
    %slice3A_3334 = vector.extract_strided_slice %dot_general3A_3 {offsets = [96, 2944], sizes = [32, 32], strides = [1, 1]} : vector<128x4096xf32> to vector<32x32xf32>
    %swap3A_3335 = arith.constant 0 : index
    %swap3A_3336 = arith.constant 0 : index
    %swap3A_3337 = arith.constant 11872 : index
    %swap3A_3338 = vector.load %arg2[%swap3A_3335, %swap3A_3336, %swap3A_3337] : memref<1x32x16384xf32, #tpu.memory_space<vmem>>, vector<1x32x32xf32>
    %swap3A_3339 = vector.shape_cast %swap3A_3338 : vector<1x32x32xf32> to vector<32x32xf32>
    %swap3A_3340 = vector.shape_cast %slice3A_3334 : vector<32x32xf32> to vector<1x32x32xf32>
    tpu.vector_store %arg2[%swap3A_3335, %swap3A_3336, %swap3A_3337], %swap3A_3340 {strides = array<i32>} : memref<1x32x16384xf32, #tpu.memory_space<vmem>>, vector<1x32x32xf32>,
    %slice3A_3341 = vector.extract_strided_slice %dot_general3A_3 {offsets = [96, 2976], sizes = [32, 32], strides = [1, 1]} : vector<128x4096xf32> to vector<32x32xf32>
    %swap3A_3342 = arith.constant 0 : index
    %swap3A_3343 = arith.constant 0 : index
    %swap3A_3344 = arith.constant 12000 : index
    %swap3A_3345 = vector.load %arg2[%swap3A_3342, %swap3A_3343, %swap3A_3344] : memref<1x32x16384xf32, #tpu.memory_space<vmem>>, vector<1x32x32xf32>
    %swap3A_3346 = vector.shape_cast %swap3A_3345 : vector<1x32x32xf32> to vector<32x32xf32>
    %swap3A_3347 = vector.shape_cast %slice3A_3341 : vector<32x32xf32> to vector<1x32x32xf32>
    tpu.vector_store %arg2[%swap3A_3342, %swap3A_3343, %swap3A_3344], %swap3A_3347 {strides = array<i32>} : memref<1x32x16384xf32, #tpu.memory_space<vmem>>, vector<1x32x32xf32>,
    %slice3A_3348 = vector.extract_strided_slice %dot_general3A_3 {offsets = [96, 3008], sizes = [32, 32], strides = [1, 1]} : vector<128x4096xf32> to vector<32x32xf32>
    %swap3A_3349 = arith.constant 0 : index
    %swap3A_3350 = arith.constant 0 : index
    %swap3A_3351 = arith.constant 12128 : index
    %swap3A_3352 = vector.load %arg2[%swap3A_3349, %swap3A_3350, %swap3A_3351] : memref<1x32x16384xf32, #tpu.memory_space<vmem>>, vector<1x32x32xf32>
    %swap3A_3353 = vector.shape_cast %swap3A_3352 : vector<1x32x32xf32> to vector<32x32xf32>
    %swap3A_3354 = vector.shape_cast %slice3A_3348 : vector<32x32xf32> to vector<1x32x32xf32>
    tpu.vector_store %arg2[%swap3A_3349, %swap3A_3350, %swap3A_3351], %swap3A_3354 {strides = array<i32>} : memref<1x32x16384xf32, #tpu.memory_space<vmem>>, vector<1x32x32xf32>,
    %slice3A_3355 = vector.extract_strided_slice %dot_general3A_3 {offsets = [96, 3040], sizes = [32, 32], strides = [1, 1]} : vector<128x4096xf32> to vector<32x32xf32>
    %swap3A_3356 = arith.constant 0 : index
    %swap3A_3357 = arith.constant 0 : index
    %swap3A_3358 = arith.constant 12256 : index
    %swap3A_3359 = vector.load %arg2[%swap3A_3356, %swap3A_3357, %swap3A_3358] : memref<1x32x16384xf32, #tpu.memory_space<vmem>>, vector<1x32x32xf32>
    %swap3A_3360 = vector.shape_cast %swap3A_3359 : vector<1x32x32xf32> to vector<32x32xf32>
    %swap3A_3361 = vector.shape_cast %slice3A_3355 : vector<32x32xf32> to vector<1x32x32xf32>
    tpu.vector_store %arg2[%swap3A_3356, %swap3A_3357, %swap3A_3358], %swap3A_3361 {strides = array<i32>} : memref<1x32x16384xf32, #tpu.memory_space<vmem>>, vector<1x32x32xf32>,
    %slice3A_3362 = vector.extract_strided_slice %dot_general3A_3 {offsets = [96, 3072], sizes = [32, 32], strides = [1, 1]} : vector<128x4096xf32> to vector<32x32xf32>
    %swap3A_3363 = arith.constant 0 : index
    %swap3A_3364 = arith.constant 0 : index
    %swap3A_3365 = arith.constant 12384 : index
    %swap3A_3366 = vector.load %arg2[%swap3A_3363, %swap3A_3364, %swap3A_3365] : memref<1x32x16384xf32, #tpu.memory_space<vmem>>, vector<1x32x32xf32>
    %swap3A_3367 = vector.shape_cast %swap3A_3366 : vector<1x32x32xf32> to vector<32x32xf32>
    %swap3A_3368 = vector.shape_cast %slice3A_3362 : vector<32x32xf32> to vector<1x32x32xf32>
    tpu.vector_store %arg2[%swap3A_3363, %swap3A_3364, %swap3A_3365], %swap3A_3368 {strides = array<i32>} : memref<1x32x16384xf32, #tpu.memory_space<vmem>>, vector<1x32x32xf32>,
    %slice3A_3369 = vector.extract_strided_slice %dot_general3A_3 {offsets = [96, 3104], sizes = [32, 32], strides = [1, 1]} : vector<128x4096xf32> to vector<32x32xf32>
    %swap3A_3370 = arith.constant 0 : index
    %swap3A_3371 = arith.constant 0 : index
    %swap3A_3372 = arith.constant 12512 : index
    %swap3A_3373 = vector.load %arg2[%swap3A_3370, %swap3A_3371, %swap3A_3372] : memref<1x32x16384xf32, #tpu.memory_space<vmem>>, vector<1x32x32xf32>
    %swap3A_3374 = vector.shape_cast %swap3A_3373 : vector<1x32x32xf32> to vector<32x32xf32>
    %swap3A_3375 = vector.shape_cast %slice3A_3369 : vector<32x32xf32> to vector<1x32x32xf32>
    tpu.vector_store %arg2[%swap3A_3370, %swap3A_3371, %swap3A_3372], %swap3A_3375 {strides = array<i32>} : memref<1x32x16384xf32, #tpu.memory_space<vmem>>, vector<1x32x32xf32>,
    %slice3A_3376 = vector.extract_strided_slice %dot_general3A_3 {offsets = [96, 3136], sizes = [32, 32], strides = [1, 1]} : vector<128x4096xf32> to vector<32x32xf32>
    %swap3A_3377 = arith.constant 0 : index
    %swap3A_3378 = arith.constant 0 : index
    %swap3A_3379 = arith.constant 12640 : index
    %swap3A_3380 = vector.load %arg2[%swap3A_3377, %swap3A_3378, %swap3A_3379] : memref<1x32x16384xf32, #tpu.memory_space<vmem>>, vector<1x32x32xf32>
    %swap3A_3381 = vector.shape_cast %swap3A_3380 : vector<1x32x32xf32> to vector<32x32xf32>
    %swap3A_3382 = vector.shape_cast %slice3A_3376 : vector<32x32xf32> to vector<1x32x32xf32>
    tpu.vector_store %arg2[%swap3A_3377, %swap3A_3378, %swap3A_3379], %swap3A_3382 {strides = array<i32>} : memref<1x32x16384xf32, #tpu.memory_space<vmem>>, vector<1x32x32xf32>,
    %slice3A_3383 = vector.extract_strided_slice %dot_general3A_3 {offsets = [96, 3168], sizes = [32, 32], strides = [1, 1]} : vector<128x4096xf32> to vector<32x32xf32>
    %swap3A_3384 = arith.constant 0 : index
    %swap3A_3385 = arith.constant 0 : index
    %swap3A_3386 = arith.constant 12768 : index
    %swap3A_3387 = vector.load %arg2[%swap3A_3384, %swap3A_3385, %swap3A_3386] : memref<1x32x16384xf32, #tpu.memory_space<vmem>>, vector<1x32x32xf32>
    %swap3A_3388 = vector.shape_cast %swap3A_3387 : vector<1x32x32xf32> to vector<32x32xf32>
    %swap3A_3389 = vector.shape_cast %slice3A_3383 : vector<32x32xf32> to vector<1x32x32xf32>
    tpu.vector_store %arg2[%swap3A_3384, %swap3A_3385, %swap3A_3386], %swap3A_3389 {strides = array<i32>} : memref<1x32x16384xf32, #tpu.memory_space<vmem>>, vector<1x32x32xf32>,
    %slice3A_3390 = vector.extract_strided_slice %dot_general3A_3 {offsets = [96, 3200], sizes = [32, 32], strides = [1, 1]} : vector<128x4096xf32> to vector<32x32xf32>
    %swap3A_3391 = arith.constant 0 : index
    %swap3A_3392 = arith.constant 0 : index
    %swap3A_3393 = arith.constant 12896 : index
    %swap3A_3394 = vector.load %arg2[%swap3A_3391, %swap3A_3392, %swap3A_3393] : memref<1x32x16384xf32, #tpu.memory_space<vmem>>, vector<1x32x32xf32>
    %swap3A_3395 = vector.shape_cast %swap3A_3394 : vector<1x32x32xf32> to vector<32x32xf32>
    %swap3A_3396 = vector.shape_cast %slice3A_3390 : vector<32x32xf32> to vector<1x32x32xf32>
    tpu.vector_store %arg2[%swap3A_3391, %swap3A_3392, %swap3A_3393], %swap3A_3396 {strides = array<i32>} : memref<1x32x16384xf32, #tpu.memory_space<vmem>>, vector<1x32x32xf32>,
    %slice3A_3397 = vector.extract_strided_slice %dot_general3A_3 {offsets = [96, 3232], sizes = [32, 32], strides = [1, 1]} : vector<128x4096xf32> to vector<32x32xf32>
    %swap3A_3398 = arith.constant 0 : index
    %swap3A_3399 = arith.constant 0 : index
    %swap3A_3400 = arith.constant 13024 : index
    %swap3A_3401 = vector.load %arg2[%swap3A_3398, %swap3A_3399, %swap3A_3400] : memref<1x32x16384xf32, #tpu.memory_space<vmem>>, vector<1x32x32xf32>
    %swap3A_3402 = vector.shape_cast %swap3A_3401 : vector<1x32x32xf32> to vector<32x32xf32>
    %swap3A_3403 = vector.shape_cast %slice3A_3397 : vector<32x32xf32> to vector<1x32x32xf32>
    tpu.vector_store %arg2[%swap3A_3398, %swap3A_3399, %swap3A_3400], %swap3A_3403 {strides = array<i32>} : memref<1x32x16384xf32, #tpu.memory_space<vmem>>, vector<1x32x32xf32>,
    %slice3A_3404 = vector.extract_strided_slice %dot_general3A_3 {offsets = [96, 3264], sizes = [32, 32], strides = [1, 1]} : vector<128x4096xf32> to vector<32x32xf32>
    %swap3A_3405 = arith.constant 0 : index
    %swap3A_3406 = arith.constant 0 : index
    %swap3A_3407 = arith.constant 13152 : index
    %swap3A_3408 = vector.load %arg2[%swap3A_3405, %swap3A_3406, %swap3A_3407] : memref<1x32x16384xf32, #tpu.memory_space<vmem>>, vector<1x32x32xf32>
    %swap3A_3409 = vector.shape_cast %swap3A_3408 : vector<1x32x32xf32> to vector<32x32xf32>
    %swap3A_3410 = vector.shape_cast %slice3A_3404 : vector<32x32xf32> to vector<1x32x32xf32>
    tpu.vector_store %arg2[%swap3A_3405, %swap3A_3406, %swap3A_3407], %swap3A_3410 {strides = array<i32>} : memref<1x32x16384xf32, #tpu.memory_space<vmem>>, vector<1x32x32xf32>,
    %slice3A_3411 = vector.extract_strided_slice %dot_general3A_3 {offsets = [96, 3296], sizes = [32, 32], strides = [1, 1]} : vector<128x4096xf32> to vector<32x32xf32>
    %swap3A_3412 = arith.constant 0 : index
    %swap3A_3413 = arith.constant 0 : index
    %swap3A_3414 = arith.constant 13280 : index
    %swap3A_3415 = vector.load %arg2[%swap3A_3412, %swap3A_3413, %swap3A_3414] : memref<1x32x16384xf32, #tpu.memory_space<vmem>>, vector<1x32x32xf32>
    %swap3A_3416 = vector.shape_cast %swap3A_3415 : vector<1x32x32xf32> to vector<32x32xf32>
    %swap3A_3417 = vector.shape_cast %slice3A_3411 : vector<32x32xf32> to vector<1x32x32xf32>
    tpu.vector_store %arg2[%swap3A_3412, %swap3A_3413, %swap3A_3414], %swap3A_3417 {strides = array<i32>} : memref<1x32x16384xf32, #tpu.memory_space<vmem>>, vector<1x32x32xf32>,
    %slice3A_3418 = vector.extract_strided_slice %dot_general3A_3 {offsets = [96, 3328], sizes = [32, 32], strides = [1, 1]} : vector<128x4096xf32> to vector<32x32xf32>
    %swap3A_3419 = arith.constant 0 : index
    %swap3A_3420 = arith.constant 0 : index
    %swap3A_3421 = arith.constant 13408 : index
    %swap3A_3422 = vector.load %arg2[%swap3A_3419, %swap3A_3420, %swap3A_3421] : memref<1x32x16384xf32, #tpu.memory_space<vmem>>, vector<1x32x32xf32>
    %swap3A_3423 = vector.shape_cast %swap3A_3422 : vector<1x32x32xf32> to vector<32x32xf32>
    %swap3A_3424 = vector.shape_cast %slice3A_3418 : vector<32x32xf32> to vector<1x32x32xf32>
    tpu.vector_store %arg2[%swap3A_3419, %swap3A_3420, %swap3A_3421], %swap3A_3424 {strides = array<i32>} : memref<1x32x16384xf32, #tpu.memory_space<vmem>>, vector<1x32x32xf32>,
    %slice3A_3425 = vector.extract_strided_slice %dot_general3A_3 {offsets = [96, 3360], sizes = [32, 32], strides = [1, 1]} : vector<128x4096xf32> to vector<32x32xf32>
    %swap3A_3426 = arith.constant 0 : index
    %swap3A_3427 = arith.constant 0 : index
    %swap3A_3428 = arith.constant 13536 : index
    %swap3A_3429 = vector.load %arg2[%swap3A_3426, %swap3A_3427, %swap3A_3428] : memref<1x32x16384xf32, #tpu.memory_space<vmem>>, vector<1x32x32xf32>
    %swap3A_3430 = vector.shape_cast %swap3A_3429 : vector<1x32x32xf32> to vector<32x32xf32>
    %swap3A_3431 = vector.shape_cast %slice3A_3425 : vector<32x32xf32> to vector<1x32x32xf32>
    tpu.vector_store %arg2[%swap3A_3426, %swap3A_3427, %swap3A_3428], %swap3A_3431 {strides = array<i32>} : memref<1x32x16384xf32, #tpu.memory_space<vmem>>, vector<1x32x32xf32>,
    %slice3A_3432 = vector.extract_strided_slice %dot_general3A_3 {offsets = [96, 3392], sizes = [32, 32], strides = [1, 1]} : vector<128x4096xf32> to vector<32x32xf32>
    %swap3A_3433 = arith.constant 0 : index
    %swap3A_3434 = arith.constant 0 : index
    %swap3A_3435 = arith.constant 13664 : index
    %swap3A_3436 = vector.load %arg2[%swap3A_3433, %swap3A_3434, %swap3A_3435] : memref<1x32x16384xf32, #tpu.memory_space<vmem>>, vector<1x32x32xf32>
    %swap3A_3437 = vector.shape_cast %swap3A_3436 : vector<1x32x32xf32> to vector<32x32xf32>
    %swap3A_3438 = vector.shape_cast %slice3A_3432 : vector<32x32xf32> to vector<1x32x32xf32>
    tpu.vector_store %arg2[%swap3A_3433, %swap3A_3434, %swap3A_3435], %swap3A_3438 {strides = array<i32>} : memref<1x32x16384xf32, #tpu.memory_space<vmem>>, vector<1x32x32xf32>,
    %slice3A_3439 = vector.extract_strided_slice %dot_general3A_3 {offsets = [96, 3424], sizes = [32, 32], strides = [1, 1]} : vector<128x4096xf32> to vector<32x32xf32>
    %swap3A_3440 = arith.constant 0 : index
    %swap3A_3441 = arith.constant 0 : index
    %swap3A_3442 = arith.constant 13792 : index
    %swap3A_3443 = vector.load %arg2[%swap3A_3440, %swap3A_3441, %swap3A_3442] : memref<1x32x16384xf32, #tpu.memory_space<vmem>>, vector<1x32x32xf32>
    %swap3A_3444 = vector.shape_cast %swap3A_3443 : vector<1x32x32xf32> to vector<32x32xf32>
    %swap3A_3445 = vector.shape_cast %slice3A_3439 : vector<32x32xf32> to vector<1x32x32xf32>
    tpu.vector_store %arg2[%swap3A_3440, %swap3A_3441, %swap3A_3442], %swap3A_3445 {strides = array<i32>} : memref<1x32x16384xf32, #tpu.memory_space<vmem>>, vector<1x32x32xf32>,
    %slice3A_3446 = vector.extract_strided_slice %dot_general3A_3 {offsets = [96, 3456], sizes = [32, 32], strides = [1, 1]} : vector<128x4096xf32> to vector<32x32xf32>
    %swap3A_3447 = arith.constant 0 : index
    %swap3A_3448 = arith.constant 0 : index
    %swap3A_3449 = arith.constant 13920 : index
    %swap3A_3450 = vector.load %arg2[%swap3A_3447, %swap3A_3448, %swap3A_3449] : memref<1x32x16384xf32, #tpu.memory_space<vmem>>, vector<1x32x32xf32>
    %swap3A_3451 = vector.shape_cast %swap3A_3450 : vector<1x32x32xf32> to vector<32x32xf32>
    %swap3A_3452 = vector.shape_cast %slice3A_3446 : vector<32x32xf32> to vector<1x32x32xf32>
    tpu.vector_store %arg2[%swap3A_3447, %swap3A_3448, %swap3A_3449], %swap3A_3452 {strides = array<i32>} : memref<1x32x16384xf32, #tpu.memory_space<vmem>>, vector<1x32x32xf32>,
    %slice3A_3453 = vector.extract_strided_slice %dot_general3A_3 {offsets = [96, 3488], sizes = [32, 32], strides = [1, 1]} : vector<128x4096xf32> to vector<32x32xf32>
    %swap3A_3454 = arith.constant 0 : index
    %swap3A_3455 = arith.constant 0 : index
    %swap3A_3456 = arith.constant 14048 : index
    %swap3A_3457 = vector.load %arg2[%swap3A_3454, %swap3A_3455, %swap3A_3456] : memref<1x32x16384xf32, #tpu.memory_space<vmem>>, vector<1x32x32xf32>
    %swap3A_3458 = vector.shape_cast %swap3A_3457 : vector<1x32x32xf32> to vector<32x32xf32>
    %swap3A_3459 = vector.shape_cast %slice3A_3453 : vector<32x32xf32> to vector<1x32x32xf32>
    tpu.vector_store %arg2[%swap3A_3454, %swap3A_3455, %swap3A_3456], %swap3A_3459 {strides = array<i32>} : memref<1x32x16384xf32, #tpu.memory_space<vmem>>, vector<1x32x32xf32>,
    %slice3A_3460 = vector.extract_strided_slice %dot_general3A_3 {offsets = [96, 3520], sizes = [32, 32], strides = [1, 1]} : vector<128x4096xf32> to vector<32x32xf32>
    %swap3A_3461 = arith.constant 0 : index
    %swap3A_3462 = arith.constant 0 : index
    %swap3A_3463 = arith.constant 14176 : index
    %swap3A_3464 = vector.load %arg2[%swap3A_3461, %swap3A_3462, %swap3A_3463] : memref<1x32x16384xf32, #tpu.memory_space<vmem>>, vector<1x32x32xf32>
    %swap3A_3465 = vector.shape_cast %swap3A_3464 : vector<1x32x32xf32> to vector<32x32xf32>
    %swap3A_3466 = vector.shape_cast %slice3A_3460 : vector<32x32xf32> to vector<1x32x32xf32>
    tpu.vector_store %arg2[%swap3A_3461, %swap3A_3462, %swap3A_3463], %swap3A_3466 {strides = array<i32>} : memref<1x32x16384xf32, #tpu.memory_space<vmem>>, vector<1x32x32xf32>,
    %slice3A_3467 = vector.extract_strided_slice %dot_general3A_3 {offsets = [96, 3552], sizes = [32, 32], strides = [1, 1]} : vector<128x4096xf32> to vector<32x32xf32>
    %swap3A_3468 = arith.constant 0 : index
    %swap3A_3469 = arith.constant 0 : index
    %swap3A_3470 = arith.constant 14304 : index
    %swap3A_3471 = vector.load %arg2[%swap3A_3468, %swap3A_3469, %swap3A_3470] : memref<1x32x16384xf32, #tpu.memory_space<vmem>>, vector<1x32x32xf32>
    %swap3A_3472 = vector.shape_cast %swap3A_3471 : vector<1x32x32xf32> to vector<32x32xf32>
    %swap3A_3473 = vector.shape_cast %slice3A_3467 : vector<32x32xf32> to vector<1x32x32xf32>
    tpu.vector_store %arg2[%swap3A_3468, %swap3A_3469, %swap3A_3470], %swap3A_3473 {strides = array<i32>} : memref<1x32x16384xf32, #tpu.memory_space<vmem>>, vector<1x32x32xf32>,
    %slice3A_3474 = vector.extract_strided_slice %dot_general3A_3 {offsets = [96, 3584], sizes = [32, 32], strides = [1, 1]} : vector<128x4096xf32> to vector<32x32xf32>
    %swap3A_3475 = arith.constant 0 : index
    %swap3A_3476 = arith.constant 0 : index
    %swap3A_3477 = arith.constant 14432 : index
    %swap3A_3478 = vector.load %arg2[%swap3A_3475, %swap3A_3476, %swap3A_3477] : memref<1x32x16384xf32, #tpu.memory_space<vmem>>, vector<1x32x32xf32>
    %swap3A_3479 = vector.shape_cast %swap3A_3478 : vector<1x32x32xf32> to vector<32x32xf32>
    %swap3A_3480 = vector.shape_cast %slice3A_3474 : vector<32x32xf32> to vector<1x32x32xf32>
    tpu.vector_store %arg2[%swap3A_3475, %swap3A_3476, %swap3A_3477], %swap3A_3480 {strides = array<i32>} : memref<1x32x16384xf32, #tpu.memory_space<vmem>>, vector<1x32x32xf32>,
    %slice3A_3481 = vector.extract_strided_slice %dot_general3A_3 {offsets = [96, 3616], sizes = [32, 32], strides = [1, 1]} : vector<128x4096xf32> to vector<32x32xf32>
    %swap3A_3482 = arith.constant 0 : index
    %swap3A_3483 = arith.constant 0 : index
    %swap3A_3484 = arith.constant 14560 : index
    %swap3A_3485 = vector.load %arg2[%swap3A_3482, %swap3A_3483, %swap3A_3484] : memref<1x32x16384xf32, #tpu.memory_space<vmem>>, vector<1x32x32xf32>
    %swap3A_3486 = vector.shape_cast %swap3A_3485 : vector<1x32x32xf32> to vector<32x32xf32>
    %swap3A_3487 = vector.shape_cast %slice3A_3481 : vector<32x32xf32> to vector<1x32x32xf32>
    tpu.vector_store %arg2[%swap3A_3482, %swap3A_3483, %swap3A_3484], %swap3A_3487 {strides = array<i32>} : memref<1x32x16384xf32, #tpu.memory_space<vmem>>, vector<1x32x32xf32>,
    %slice3A_3488 = vector.extract_strided_slice %dot_general3A_3 {offsets = [96, 3648], sizes = [32, 32], strides = [1, 1]} : vector<128x4096xf32> to vector<32x32xf32>
    %swap3A_3489 = arith.constant 0 : index
    %swap3A_3490 = arith.constant 0 : index
    %swap3A_3491 = arith.constant 14688 : index
    %swap3A_3492 = vector.load %arg2[%swap3A_3489, %swap3A_3490, %swap3A_3491] : memref<1x32x16384xf32, #tpu.memory_space<vmem>>, vector<1x32x32xf32>
    %swap3A_3493 = vector.shape_cast %swap3A_3492 : vector<1x32x32xf32> to vector<32x32xf32>
    %swap3A_3494 = vector.shape_cast %slice3A_3488 : vector<32x32xf32> to vector<1x32x32xf32>
    tpu.vector_store %arg2[%swap3A_3489, %swap3A_3490, %swap3A_3491], %swap3A_3494 {strides = array<i32>} : memref<1x32x16384xf32, #tpu.memory_space<vmem>>, vector<1x32x32xf32>,
    %slice3A_3495 = vector.extract_strided_slice %dot_general3A_3 {offsets = [96, 3680], sizes = [32, 32], strides = [1, 1]} : vector<128x4096xf32> to vector<32x32xf32>
    %swap3A_3496 = arith.constant 0 : index
    %swap3A_3497 = arith.constant 0 : index
    %swap3A_3498 = arith.constant 14816 : index
    %swap3A_3499 = vector.load %arg2[%swap3A_3496, %swap3A_3497, %swap3A_3498] : memref<1x32x16384xf32, #tpu.memory_space<vmem>>, vector<1x32x32xf32>
    %swap3A_3500 = vector.shape_cast %swap3A_3499 : vector<1x32x32xf32> to vector<32x32xf32>
    %swap3A_3501 = vector.shape_cast %slice3A_3495 : vector<32x32xf32> to vector<1x32x32xf32>
    tpu.vector_store %arg2[%swap3A_3496, %swap3A_3497, %swap3A_3498], %swap3A_3501 {strides = array<i32>} : memref<1x32x16384xf32, #tpu.memory_space<vmem>>, vector<1x32x32xf32>,
    %slice3A_3502 = vector.extract_strided_slice %dot_general3A_3 {offsets = [96, 3712], sizes = [32, 32], strides = [1, 1]} : vector<128x4096xf32> to vector<32x32xf32>
    %swap3A_3503 = arith.constant 0 : index
    %swap3A_3504 = arith.constant 0 : index
    %swap3A_3505 = arith.constant 14944 : index
    %swap3A_3506 = vector.load %arg2[%swap3A_3503, %swap3A_3504, %swap3A_3505] : memref<1x32x16384xf32, #tpu.memory_space<vmem>>, vector<1x32x32xf32>
    %swap3A_3507 = vector.shape_cast %swap3A_3506 : vector<1x32x32xf32> to vector<32x32xf32>
    %swap3A_3508 = vector.shape_cast %slice3A_3502 : vector<32x32xf32> to vector<1x32x32xf32>
    tpu.vector_store %arg2[%swap3A_3503, %swap3A_3504, %swap3A_3505], %swap3A_3508 {strides = array<i32>} : memref<1x32x16384xf32, #tpu.memory_space<vmem>>, vector<1x32x32xf32>,
    %slice3A_3509 = vector.extract_strided_slice %dot_general3A_3 {offsets = [96, 3744], sizes = [32, 32], strides = [1, 1]} : vector<128x4096xf32> to vector<32x32xf32>
    %swap3A_3510 = arith.constant 0 : index
    %swap3A_3511 = arith.constant 0 : index
    %swap3A_3512 = arith.constant 15072 : index
    %swap3A_3513 = vector.load %arg2[%swap3A_3510, %swap3A_3511, %swap3A_3512] : memref<1x32x16384xf32, #tpu.memory_space<vmem>>, vector<1x32x32xf32>
    %swap3A_3514 = vector.shape_cast %swap3A_3513 : vector<1x32x32xf32> to vector<32x32xf32>
    %swap3A_3515 = vector.shape_cast %slice3A_3509 : vector<32x32xf32> to vector<1x32x32xf32>
    tpu.vector_store %arg2[%swap3A_3510, %swap3A_3511, %swap3A_3512], %swap3A_3515 {strides = array<i32>} : memref<1x32x16384xf32, #tpu.memory_space<vmem>>, vector<1x32x32xf32>,
    %slice3A_3516 = vector.extract_strided_slice %dot_general3A_3 {offsets = [96, 3776], sizes = [32, 32], strides = [1, 1]} : vector<128x4096xf32> to vector<32x32xf32>
    %swap3A_3517 = arith.constant 0 : index
    %swap3A_3518 = arith.constant 0 : index
    %swap3A_3519 = arith.constant 15200 : index
    %swap3A_3520 = vector.load %arg2[%swap3A_3517, %swap3A_3518, %swap3A_3519] : memref<1x32x16384xf32, #tpu.memory_space<vmem>>, vector<1x32x32xf32>
    %swap3A_3521 = vector.shape_cast %swap3A_3520 : vector<1x32x32xf32> to vector<32x32xf32>
    %swap3A_3522 = vector.shape_cast %slice3A_3516 : vector<32x32xf32> to vector<1x32x32xf32>
    tpu.vector_store %arg2[%swap3A_3517, %swap3A_3518, %swap3A_3519], %swap3A_3522 {strides = array<i32>} : memref<1x32x16384xf32, #tpu.memory_space<vmem>>, vector<1x32x32xf32>,
    %slice3A_3523 = vector.extract_strided_slice %dot_general3A_3 {offsets = [96, 3808], sizes = [32, 32], strides = [1, 1]} : vector<128x4096xf32> to vector<32x32xf32>
    %swap3A_3524 = arith.constant 0 : index
    %swap3A_3525 = arith.constant 0 : index
    %swap3A_3526 = arith.constant 15328 : index
    %swap3A_3527 = vector.load %arg2[%swap3A_3524, %swap3A_3525, %swap3A_3526] : memref<1x32x16384xf32, #tpu.memory_space<vmem>>, vector<1x32x32xf32>
    %swap3A_3528 = vector.shape_cast %swap3A_3527 : vector<1x32x32xf32> to vector<32x32xf32>
    %swap3A_3529 = vector.shape_cast %slice3A_3523 : vector<32x32xf32> to vector<1x32x32xf32>
    tpu.vector_store %arg2[%swap3A_3524, %swap3A_3525, %swap3A_3526], %swap3A_3529 {strides = array<i32>} : memref<1x32x16384xf32, #tpu.memory_space<vmem>>, vector<1x32x32xf32>,
    %slice3A_3530 = vector.extract_strided_slice %dot_general3A_3 {offsets = [96, 3840], sizes = [32, 32], strides = [1, 1]} : vector<128x4096xf32> to vector<32x32xf32>
    %swap3A_3531 = arith.constant 0 : index
    %swap3A_3532 = arith.constant 0 : index
    %swap3A_3533 = arith.constant 15456 : index
    %swap3A_3534 = vector.load %arg2[%swap3A_3531, %swap3A_3532, %swap3A_3533] : memref<1x32x16384xf32, #tpu.memory_space<vmem>>, vector<1x32x32xf32>
    %swap3A_3535 = vector.shape_cast %swap3A_3534 : vector<1x32x32xf32> to vector<32x32xf32>
    %swap3A_3536 = vector.shape_cast %slice3A_3530 : vector<32x32xf32> to vector<1x32x32xf32>
    tpu.vector_store %arg2[%swap3A_3531, %swap3A_3532, %swap3A_3533], %swap3A_3536 {strides = array<i32>} : memref<1x32x16384xf32, #tpu.memory_space<vmem>>, vector<1x32x32xf32>,
    %slice3A_3537 = vector.extract_strided_slice %dot_general3A_3 {offsets = [96, 3872], sizes = [32, 32], strides = [1, 1]} : vector<128x4096xf32> to vector<32x32xf32>
    %swap3A_3538 = arith.constant 0 : index
    %swap3A_3539 = arith.constant 0 : index
    %swap3A_3540 = arith.constant 15584 : index
    %swap3A_3541 = vector.load %arg2[%swap3A_3538, %swap3A_3539, %swap3A_3540] : memref<1x32x16384xf32, #tpu.memory_space<vmem>>, vector<1x32x32xf32>
    %swap3A_3542 = vector.shape_cast %swap3A_3541 : vector<1x32x32xf32> to vector<32x32xf32>
    %swap3A_3543 = vector.shape_cast %slice3A_3537 : vector<32x32xf32> to vector<1x32x32xf32>
    tpu.vector_store %arg2[%swap3A_3538, %swap3A_3539, %swap3A_3540], %swap3A_3543 {strides = array<i32>} : memref<1x32x16384xf32, #tpu.memory_space<vmem>>, vector<1x32x32xf32>,
    %slice3A_3544 = vector.extract_strided_slice %dot_general3A_3 {offsets = [96, 3904], sizes = [32, 32], strides = [1, 1]} : vector<128x4096xf32> to vector<32x32xf32>
    %swap3A_3545 = arith.constant 0 : index
    %swap3A_3546 = arith.constant 0 : index
    %swap3A_3547 = arith.constant 15712 : index
    %swap3A_3548 = vector.load %arg2[%swap3A_3545, %swap3A_3546, %swap3A_3547] : memref<1x32x16384xf32, #tpu.memory_space<vmem>>, vector<1x32x32xf32>
    %swap3A_3549 = vector.shape_cast %swap3A_3548 : vector<1x32x32xf32> to vector<32x32xf32>
    %swap3A_3550 = vector.shape_cast %slice3A_3544 : vector<32x32xf32> to vector<1x32x32xf32>
    tpu.vector_store %arg2[%swap3A_3545, %swap3A_3546, %swap3A_3547], %swap3A_3550 {strides = array<i32>} : memref<1x32x16384xf32, #tpu.memory_space<vmem>>, vector<1x32x32xf32>,
    %slice3A_3551 = vector.extract_strided_slice %dot_general3A_3 {offsets = [96, 3936], sizes = [32, 32], strides = [1, 1]} : vector<128x4096xf32> to vector<32x32xf32>
    %swap3A_3552 = arith.constant 0 : index
    %swap3A_3553 = arith.constant 0 : index
    %swap3A_3554 = arith.constant 15840 : index
    %swap3A_3555 = vector.load %arg2[%swap3A_3552, %swap3A_3553, %swap3A_3554] : memref<1x32x16384xf32, #tpu.memory_space<vmem>>, vector<1x32x32xf32>
    %swap3A_3556 = vector.shape_cast %swap3A_3555 : vector<1x32x32xf32> to vector<32x32xf32>
    %swap3A_3557 = vector.shape_cast %slice3A_3551 : vector<32x32xf32> to vector<1x32x32xf32>
    tpu.vector_store %arg2[%swap3A_3552, %swap3A_3553, %swap3A_3554], %swap3A_3557 {strides = array<i32>} : memref<1x32x16384xf32, #tpu.memory_space<vmem>>, vector<1x32x32xf32>,
    %slice3A_3558 = vector.extract_strided_slice %dot_general3A_3 {offsets = [96, 3968], sizes = [32, 32], strides = [1, 1]} : vector<128x4096xf32> to vector<32x32xf32>
    %swap3A_3559 = arith.constant 0 : index
    %swap3A_3560 = arith.constant 0 : index
    %swap3A_3561 = arith.constant 15968 : index
    %swap3A_3562 = vector.load %arg2[%swap3A_3559, %swap3A_3560, %swap3A_3561] : memref<1x32x16384xf32, #tpu.memory_space<vmem>>, vector<1x32x32xf32>
    %swap3A_3563 = vector.shape_cast %swap3A_3562 : vector<1x32x32xf32> to vector<32x32xf32>
    %swap3A_3564 = vector.shape_cast %slice3A_3558 : vector<32x32xf32> to vector<1x32x32xf32>
    tpu.vector_store %arg2[%swap3A_3559, %swap3A_3560, %swap3A_3561], %swap3A_3564 {strides = array<i32>} : memref<1x32x16384xf32, #tpu.memory_space<vmem>>, vector<1x32x32xf32>,
    %slice3A_3565 = vector.extract_strided_slice %dot_general3A_3 {offsets = [96, 4000], sizes = [32, 32], strides = [1, 1]} : vector<128x4096xf32> to vector<32x32xf32>
    %swap3A_3566 = arith.constant 0 : index
    %swap3A_3567 = arith.constant 0 : index
    %swap3A_3568 = arith.constant 16096 : index
    %swap3A_3569 = vector.load %arg2[%swap3A_3566, %swap3A_3567, %swap3A_3568] : memref<1x32x16384xf32, #tpu.memory_space<vmem>>, vector<1x32x32xf32>
    %swap3A_3570 = vector.shape_cast %swap3A_3569 : vector<1x32x32xf32> to vector<32x32xf32>
    %swap3A_3571 = vector.shape_cast %slice3A_3565 : vector<32x32xf32> to vector<1x32x32xf32>
    tpu.vector_store %arg2[%swap3A_3566, %swap3A_3567, %swap3A_3568], %swap3A_3571 {strides = array<i32>} : memref<1x32x16384xf32, #tpu.memory_space<vmem>>, vector<1x32x32xf32>,
    %slice3A_3572 = vector.extract_strided_slice %dot_general3A_3 {offsets = [96, 4032], sizes = [32, 32], strides = [1, 1]} : vector<128x4096xf32> to vector<32x32xf32>
    %swap3A_3573 = arith.constant 0 : index
    %swap3A_3574 = arith.constant 0 : index
    %swap3A_3575 = arith.constant 16224 : index
    %swap3A_3576 = vector.load %arg2[%swap3A_3573, %swap3A_3574, %swap3A_3575] : memref<1x32x16384xf32, #tpu.memory_space<vmem>>, vector<1x32x32xf32>
    %swap3A_3577 = vector.shape_cast %swap3A_3576 : vector<1x32x32xf32> to vector<32x32xf32>
    %swap3A_3578 = vector.shape_cast %slice3A_3572 : vector<32x32xf32> to vector<1x32x32xf32>
    tpu.vector_store %arg2[%swap3A_3573, %swap3A_3574, %swap3A_3575], %swap3A_3578 {strides = array<i32>} : memref<1x32x16384xf32, #tpu.memory_space<vmem>>, vector<1x32x32xf32>,
    %slice3A_3579 = vector.extract_strided_slice %dot_general3A_3 {offsets = [96, 4064], sizes = [32, 32], strides = [1, 1]} : vector<128x4096xf32> to vector<32x32xf32>
    %swap3A_3580 = arith.constant 0 : index
    %swap3A_3581 = arith.constant 0 : index
    %swap3A_3582 = arith.constant 16352 : index
    %swap3A_3583 = vector.load %arg2[%swap3A_3580, %swap3A_3581, %swap3A_3582] : memref<1x32x16384xf32, #tpu.memory_space<vmem>>, vector<1x32x32xf32>
    %swap3A_3584 = vector.shape_cast %swap3A_3583 : vector<1x32x32xf32> to vector<32x32xf32>
    %swap3A_3585 = vector.shape_cast %slice3A_3579 : vector<32x32xf32> to vector<1x32x32xf32>
    tpu.vector_store %arg2[%swap3A_3580, %swap3A_3581, %swap3A_3582], %swap3A_3585 {strides = array<i32>} : memref<1x32x16384xf32, #tpu.memory_space<vmem>>, vector<1x32x32xf32>,
    return
  }
  func.func @transform_0(%arg0: i32) -> i32 {
    %c0_i32 = arith.constant 0 : i32
    return %arg0 : i32
  }
  func.func @transform_1(%arg0: i32) -> (i32, i32, i32) {
    %c0_i32 = arith.constant 0 : i32
    %c0_i32_0 = arith.constant 0 : i32
    %c0_i32_1 = arith.constant 0 : i32
    return %arg0, %c0_i32, %c0_i32_0 : i32, i32, i32
  }
}

</mosaic_0001>

<sc_bundles>
// kernel: kernel.5.cloned.1.call-start
scs
__scs_entry_jumppad:
0x0: {  	(pc) =	sbr.rel $0x88, $3  }
0x1: {  	(tag) =	ssettag $0x0;
	lr =	simm.s32 $0x1  }
0x2: {  	[smem:$0x3F9F] =	sst lr;
	_ =	strace $0xD0000000  }
0x3: {  	_ = 	snop  }
0x4: {  	_ = 	snop  }
0x5: {  	_ = 	snop  }
0x6: {  	_ = 	snop  }
0x7: {  	_ = 	snop  }
__scs_overlays_trampoline_lowered:
0x8: {  	[smem:$0x3FAE] =	sst s0  }
0x9: {  	[smem:$0x3FAF] =	sst s1  }
0xa: {  	[smem:$0x3FB0] =	sst s2  }
0xb: {  	[smem:$0x3FB1] =	sst s3  }
0xc: {  	[smem:$0x3FB2] =	sst s4  }
0xd: {  	[smem:$0x3FB3] =	sst s5  }
0xe: {  	[smem:$0x3FB4] =	sst s6  }
0xf: {  	[smem:$0x3FB5] =	sst s7  }
0x10: {  	[smem:$0x3FB6] =	sst s8  }
0x11: {  	[smem:$0x3FB7] =	sst s9;
	s0 =	simm.s32 @!p0 $0x0  }
0x12: {  	s1 =	sld [smem:$0x3F9D];
	s0 =	simm.s32 @p0 $0x1  }
0x13: {  	[smem:$0x3FB8] =	sst s0;
	s0 =	simm.s32 @!p1 $0x0  }
0x14: {  	s2 =	sld [smem:$0x3F9C];
	s0 =	simm.s32 @p1 $0x1  }
0x15: {  	[smem:$0x3FB9] =	sst s0;
	s0 =	simm.s32 @!p2 $0x0  }
0x16: {  	s3 =	sld [smem:$0x3FDB];
	s0 =	simm.s32 @p2 $0x1  }
0x17: {  	s4 =	simm.s32 $0x1BF5;
	[smem:$0x3FBB] =	sst s0  }
0x18: {  	s0 =	sld [smem:$0x3F9E];
	_ =	swait.ge [sflag:s4], $0x0  }
0x19: {  	s7 =	sld [smem:$0x3F9F]  }
0x1a: {  	s8 =	sadd.s32 $0xFFFFE003, lr  }
0x1b: {  	s9 =	sadd.s32 $0xFFFFFEF7, lr;
	s5 =	simm.s32 $0xFFFFFFFF;
	p2 =	slt.u32 s8, $0xFFFFF086  }
0x1c: {  	p1 =	slt.u32 s9, $0xF7A;
	s5 =	simm.s32 @!p2 $0x0  }
0x1d: {  	s5 =	simm.s32 @p1 $0x1;
	p0 =	seq.s32 s7, s2  }
0x1e: {  	s7 =	smul.u32 @!p0 $0xF7A, s2;
	p2 =	seq.s32 @!p0 s5, $0x0  }
0x1f: {  	s9 =	smul.u32 $0xF7A, s1;
	s8 =	simm.s32 @!p0 $0x1BF5;
	p2 =	por !p2, p0  }
0x20: {  	[sflag:s8] =	ssyncset.s32 @!p0 $0xFFFFF086;
	s6 =	sadd.s32 @!p0 s3, s7;
	s7 =	simm.s32 @!p0 $0x108  }
0x21: {  	s3 =	sadd.s32 s3, s9;
	s6 =	sadd.s32 @!p0 $0x88, s6;
	s7 =	simm.s32 @p2 $0x1082  }
0x22: {  	[simem:s7], [sflag:s8] =	dma.local @!p0 [hbm:s6], $0xF7A  }
0x23: {  	s9 =	sor.u32 $0xD0000000, s2;
	s6 =	simm.s32 $0x108;
	_ =	swait.ge @!p0 [sflag:s8], $0x0  }
0x24: {  	s3 =	sadd.s32 $0x88, s3;
	s6 =	simm.s32 @!p1 $0x1082;
	[sflag:s4] =	ssyncset.s32 $0xFFFFF086  }
0x25: {  	[simem:s6], [sflag:s4] =	dma.local [hbm:s3], $0xF7A  }
0x26: {  	[smem:$0x3F9F] =	sst s1;
	(tag) =	ssettag s2;
	_ =	strace s9  }
0x27: {  	s1 =	sld [smem:$0x3FAF]  }
0x28: {  	s2 =	sld [smem:$0x3FB0]  }
0x29: {  	s4 =	sld [smem:$0x3FB2]  }
0x2a: {  	p0 =	seq.s32 s5, $0x0;
	s5 =	sld [smem:$0x3FB3]  }
0x2b: {  	s6 =	sld [smem:$0x3FB4]  }
0x2c: {  	s7 =	sld [smem:$0x3FB5]  }
0x2d: {  	s3 =	simm.s32 $0x108;
	s8 =	sld [smem:$0x3FB6]  }
0x2e: {  	s3 =	simm.s32 @!p0 $0x1082;
	s9 =	sld [smem:$0x3FB7]  }
0x2f: {  	lr =	sadd.s32 s0, s3;
	s0 =	sld [smem:$0x3FAE]  }
0x30: {  	s3 =	sld [smem:$0x3FB1]  }
0x31: {  	[smem:$0x3FBA] =	sst s10  }
0x32: {  	s10 =	sld [smem:$0x3FB8];
	_ =	sdelay $0x3  }
0x33: {  	p0 =	seq.s32 s10, $0x1;
	s10 =	sld [smem:$0x3FBA];
	_ =	sdelay $0x3  }
0x34: {  	[smem:$0x3FBA] =	sst s10  }
0x35: {  	s10 =	sld [smem:$0x3FB9];
	_ =	sdelay $0x3  }
0x36: {  	p1 =	seq.s32 s10, $0x1;
	s10 =	sld [smem:$0x3FBA];
	_ =	sdelay $0x3  }
0x37: {  	[smem:$0x3FBA] =	sst s10  }
0x38: {  	s10 =	sld [smem:$0x3FBB]  }
0x39: {  	_ = 	snop;
	(pc) =	sbr.ind lr, $3  }
0x3a: {  	_ = 	snop  }
0x3b: {  	_ = 	snop  }
0x3c: {  	p2 =	seq.s32 s10, $0x1;
	s10 =	sld [smem:$0x3FBA]  }
0x3d: {  	_ =	shalt  }
0x3e: {  	_ =	shalt  }
0x3f: {  	_ =	shalt  }
0x40: {  	_ =	shalt  }
0x41: {  	_ =	shalt  }
0x42: {  	_ =	shalt  }
0x43: {  	_ =	shalt  }
0x44: {  	_ =	shalt  }
0x45: {  	_ =	shalt  }
0x46: {  	_ =	shalt  }
0x47: {  	_ =	shalt  }
0x48: {  	_ =	shalt  }
0x49: {  	_ =	shalt  }
0x4a: {  	_ =	shalt  }
0x4b: {  	_ =	shalt  }
0x4c: {  	_ =	shalt  }
0x4d: {  	_ =	shalt  }
0x4e: {  	_ =	shalt  }
0x4f: {  	_ =	shalt  }
0x50: {  	_ =	shalt  }
0x51: {  	_ =	shalt  }
0x52: {  	_ =	shalt  }
0x53: {  	_ =	shalt  }
0x54: {  	_ =	shalt  }
0x55: {  	_ =	shalt  }
0x56: {  	_ =	shalt  }
0x57: {  	_ =	shalt  }
0x58: {  	_ =	shalt  }
0x59: {  	_ =	shalt  }
0x5a: {  	_ =	shalt  }
0x5b: {  	_ =	shalt  }
0x5c: {  	_ =	shalt  }
0x5d: {  	_ =	shalt  }
0x5e: {  	_ =	shalt  }
0x5f: {  	_ =	shalt  }
0x60: {  	_ =	shalt  }
0x61: {  	_ =	shalt  }
0x62: {  	_ =	shalt  }
0x63: {  	_ =	shalt  }
0x64: {  	_ =	shalt  }
0x65: {  	_ =	shalt  }
0x66: {  	_ =	shalt  }
0x67: {  	_ =	shalt  }
0x68: {  	_ =	shalt  }
0x69: {  	_ =	shalt  }
0x6a: {  	_ =	shalt  }
0x6b: {  	_ =	shalt  }
0x6c: {  	_ =	shalt  }
0x6d: {  	_ =	shalt  }
0x6e: {  	_ =	shalt  }
0x6f: {  	_ =	shalt  }
0x70: {  	_ =	shalt  }
0x71: {  	_ =	shalt  }
0x72: {  	_ =	shalt  }
0x73: {  	_ =	shalt  }
0x74: {  	_ =	shalt  }
0x75: {  	_ =	shalt  }
0x76: {  	_ =	shalt  }
0x77: {  	_ =	shalt  }
0x78: {  	_ =	shalt  }
0x79: {  	_ =	shalt  }
0x7a: {  	_ =	shalt  }
0x7b: {  	_ =	shalt  }
0x7c: {  	_ =	shalt  }
0x7d: {  	_ =	shalt  }
0x7e: {  	_ =	shalt  }
0x7f: {  	_ =	shalt  }
0x80: {  	_ =	shalt  }
0x81: {  	_ =	shalt  }
0x82: {  	_ =	shalt  }
0x83: {  	_ =	shalt  }
0x84: {  	_ =	shalt  }
0x85: {  	_ =	shalt  }
0x86: {  	_ =	shalt  }
0x87: {  	_ =	shalt  }
.Lfunc_end0:
.L_simem_size_0:
called_computation_lowered:
.L_overlay_start_0:
0x88: {  	s2 =	sld [smem:$0x3FD9]  }
0x89: {  	s3 =	sld [smem:$0x3FFE];
	_ =	sdelay $0x1  }
0x8a: {  	s1 =	srdreg.scid  }
0x8b: {  	s0 =	sand.u32 $0x1, s1  }
0x8c: {  	s17 =	sshll.u32 s0, $0xA;
	s2 =	sadd.s32 s3, s2  }
0x8d: {  	s2 =	sadd.s32 s2, s17  }
0x8e: {  	[smem:$0x3FC6] =	sst s2  }
0x8f: {  	_ = 	snop  }
0x90: {  	s2 =	sld [smem:$0x3FD0];
	(tm) =	ssettm $0x1  }
0x91: {  	s18 =	sld [smem:$0x3FFB];
	_ =	sdelay $0x3  }
0x92: {  	_ =	strace s18  }
0x93: {  	s3 =	sld [smem:$0x3FFC];
	_ =	sdelay $0x3  }
0x94: {  	_ =	strace s3  }
0x95: {  	s3 =	sld [smem:$0x3FFD];
	_ =	sdelay $0x3  }
0x96: {  	_ =	strace s3  }
0x97: {  	_ =	strace $0x8FFFFFFF  }
0x98: {  	s19 =	sld [smem:$0x3FDB];
	_ =	sdelay $0x1  }
0x99: {  	s4 =	simm.s32 $_scs_section_size  }
0x9a: {  	s5 =	simm.s32 $_size__tile_overlayer_lowered;
	s6 =	simm.s32 $_tile_overlayer_lowered  }
0x9b: {  	s22 =	simm.s32 $0x1BFF;
	s21 =	sshll.u32 s6, $0x1;
	s3 =	sadd.s32 s4, s19  }
0x9c: {  	s7 =	simm.s32 $0x0;
	s20 =	sshll.u32 s5, $0x1;
	s5 =	sadd.s32 s21, s3  }
0x9d: {  	[timem:s7], [sflag:s22] =	dma.local [hbm:s5], s20  }
0x9e: {  	_ =	swait.ge [sflag:s22], s20  }
0x9f: {  	s4 =	ssub.s32 $0x0, s20;
	[sflag:s22] =	ssyncset.done $0x0  }
0xa0: {  	[sflag:s22] =	ssyncadd.s32 s4;
	_ =	sdelay $0x1  }
0xa1: {  	s23 =	simm.s32 $0x1B8B  }
0xa2: {  	_ =	swait.ge [sflag:s23], $0x1  }
0xa3: {  	[sflag:s23] =	ssyncset.done $0x0  }
0xa4: {  	s25 =	simm.s32 $0x1B8E;
	s24 =	sld [smem:$0x3FFE];
	[sflag:s23] =	ssyncadd.s32 $0xFFFFFFFF  }
0xa5: {  	s26 =	simm.s32 $execute0_lowered;
	[smem:$0x3FD2] =	sst s25  }
0xa6: {  	s5 =	sshll.u32 s26, $0x1;
	_ =	strace $0x80000046;
	[dreg:$0x1] =	wrdreg $0xFFFFFFFF  }
0xa7: {  	s28 =	simm.s32 $_size_execute0_lowered;
	s3 =	sadd.s32 s3, s5;
	[dreg:$0x0] =	wrdreg $0x0  }
0xa8: {  	s5 =	sshll.u32 s28, $0x1;
	[dreg:$0x2] =	wrdreg s3  }
0xa9: {  	[dreg:$0x3] =	wrdreg s5  }
0xaa: {  	[dreg:$0x4] =	wrdreg $0xC0  }
0xab: {  	_ =	task [dreg:s7], $0x5FFFF  }
0xac: {  	[dreg:$0x1] =	wrdreg $0xFFFFFFFF  }
0xad: {  	[dreg:$0x0] =	wrdreg $0x60  }
0xae: {  	[dreg:$0x2] =	wrdreg s2  }
0xaf: {  	[dreg:$0x3] =	wrdreg s24  }
0xb0: {  	[dreg:$0x4] =	wrdreg $0x9  }
0xb1: {  	_ =	task.clear_ibuf [dreg:s7], $0x5FFFF;
	_ =	strace $0x90000046  }
0xb2: {  	s29 =	simm.s32 $0x9;
	_ =	strace $0x80000048  }
0xb3: {  	_ =	swait.ge [sflag:s29], $0x1  }
0xb4: {  	[sflag:s29] =	ssyncadd.s32 $0xFFFFFFFF  }
0xb5: {  	_ =	strace $0x90000048  }
0xb6: {  	_ =	sfence  }
0xb7: {  	s30 =	sld [smem:$0x0];
	_ =	sdelay $0x2  }
0xb8: {  	s31 =	sshll.u32 s1, $0xD;
	s1 =	sshrl.u32 s1, $0x2  }
0xb9: {  	s3 =	sand.u32 $0x4000, s31;
	s1 =	sadd.s32 s1, s30  }
0xba: {  	s0 =	sor.u32 s3, s0;
	s1 =	sshll.u32 s1, $0x11  }
0xbb: {  	s0 =	sor.u32 s1, s0  }
0xbc: {  	s0 =	sadd.s32 $0x8F2B, s0  }
0xbd: {  	[sflag:s0] =	ssyncadd.remote.s32 $0x1  }
0xbe: {  	_ =	sfence.sel $0xFFFF  }
0xbf: {  	[dreg:$0x0] =	wrdreg $0xFFFFFFFF;
	(pc) =	sbr.abs _section_cstart, $3  }
0xc0: {  	[dreg:$0x1] =	wrdreg $0xFFFFFFFF  }
0xc1: {  	_ =	task.clear_ibuf [dreg:s7], $0x2FFFF;
	_ =	strace $0x9FFFFFFF  }
0xc2: {  	(tm) =	ssettm $0x7FFFFFFF  }
0xc3: {  	_ =	shalt  }
tec
execute0_lowered:
.L_overlay_start_1:
0x0: {  	(tag) =	ssettag $0x1  }
0x1: {  	s1 =	rddreg [dreg:$0x0]  }
0x2: {  	s5 =	rddreg [dreg:$0x1]  }
0x3: {  	s0 =	rddreg [dreg:$0x2]  }
0x4: {  	s3 =	simm.s32 $0x0;
	s4 =	srdreg.scid;
	s2 =	stileid.u32  }
0x5: {  	s13 =	simm.s32 $0x0;
	[smem:$0x7FF] =	sst s3;
	s7 =	smul.u32 $0x190000, s2  }
0x6: {  	s6 =	sand.u32 $0x1, s4;
	s4 =	sadd.s32 $0xF42C00, s5;
	s10 =	smul.u32 $0xC800, s2  }
0x7: {  	s28 =	sshll.u32 s2, $0x1;
	_ =	strace $0x80000047;
	s8 =	smul.u32 $0xC8000, s6  }
0x8: {  	s9 =	sor.u32 s6, s28;
	s29 =	ssub.s32 $0x2, s6;
	s12 =	smul.u32 $0x6400, s6  }
0x9: {  	s9 =	smul.u32 $0xC80, s9;
	s11 =	sshrl.u32 s29, $0x1;
	s7 =	sadd.s32 s8, s7  }
0xa: {  	s30 =	ssub.s32 s29, s11;
	s31 =	sadd.s32 s12, s10;
	s10 =	simm.s32 $0x80  }
0xb: {  	s11 =	simm.s32 $0x2;
	s12 =	simm.s32 $0x3;
	s7 =	sshrl.u32 s7, $0x3  }
0xc: {  	s6 =	smax.u32 s30, $0x1;
	s8 =	sadd.s32 $0x400, s31;
	s7 =	sadd.s32 s7, s5  }
0xd: {  	s5 =	sadd.s32 s1, s9;
	s9 =	simm.s32 $0x1;
	s7 =	sadd.s32 $0x800, s7  }
.LBB2_1:
0xe: {  	[tilespmem:s3], [sflag:$0x1] =	stream.linear.gather [hbm4b:s5+s3], $0x400, $0x38;
	[tilespmem:$0x10800] =	vst v63  }
0xf: {  	s14 =	sand.u32 $0x1, s3;
	p0 =	por $0x0, $0x0  }
0x10: {  	s16 =	sshll.u32 @!p0 s14, $0xA;
	s15 =	sshrl.u32 @!p0 s8, $0x3  }
0x11: {  	s18 =	simm.s32 @!p0 $0x0;
	s17 =	sxor.u32 @!p0 $0x400, s16;
	s15 =	sadd.s32 @!p0 s1, s15  }
0x12: {  	[tilespmem:s17], [sflag:$0x1] =	stream.linear.gather @!p0 [hbm4b:s15+s18], $0x400, $0x38;
	[tilespmem:$0x10800] =	vst v63  }
0x13: {  	_ =	swait.ge [sflag:s9], $0x400  }
0x14: {  	p1 =	por $0x1, $0x1;
	[sflag:s9] =	ssyncset.done $0x0  }
0x15: {  	s17 =	simm.s32 @!p1 $0x3;
	[sflag:s9] =	ssyncadd.s32 $0xFFFFFC00  }
0x16: {  	s14 =	sshll.u32 s14, $0xF;
	s16 =	simm.s32 @p0 $0x0;
	_ =	swait.ge @!p1 [sflag:s17], $0x8000  }
0x17: {  	s15 =	sor.u32 $0x800, s14;
	s25 =	sor.u32 $0x80, s16;
	[sflag:s17] =	ssyncset.done @!p1 $0x0  }
0x18: {  	s28 =	sor.u32 $0x100, s16;
	s26 =	sshll.u32 s25, $0x5;
	[sflag:s17] =	ssyncadd.s32 @!p1 $0xFFFF8000  }
0x19: {  	[tilespmem:s15], [sflag:$0x2] =	stream.indirect.gather [hbm4b:s4+s10], $0x20, s16, s10, $0xb8;
	[tilespmem:$0x10800] =	vst v63  }
0x1a: {  	s20 =	sor.u32 $0x180, s16;
	s19 =	sshll.u32 s28, $0x5;
	s17 =	sadd.s32 $0x800, s26  }
0x1b: {  	[tilespmem:s17], [sflag:$0x2] =	stream.indirect.gather [hbm4b:s4+s10], $0x20, s25, s10, $0xb8;
	[tilespmem:$0x10800] =	vst v63  }
0x1c: {  	s31 =	sor.u32 $0x200, s16;
	s30 =	sshll.u32 s20, $0x5;
	s29 =	sadd.s32 $0x800, s19  }
0x1d: {  	[tilespmem:s29], [sflag:$0x2] =	stream.indirect.gather [hbm4b:s4+s10], $0x20, s28, s10, $0xb8;
	[tilespmem:$0x10800] =	vst v63  }
0x1e: {  	s22 =	sor.u32 $0x280, s16;
	s21 =	sshll.u32 s31, $0x5;
	s18 =	sadd.s32 $0x800, s30  }
0x1f: {  	[tilespmem:s18], [sflag:$0x2] =	stream.indirect.gather [hbm4b:s4+s10], $0x20, s20, s10, $0xb8;
	[tilespmem:$0x10800] =	vst v63  }
0x20: {  	s24 =	sshll.u32 s22, $0x5;
	s23 =	sadd.s32 $0x800, s21;
	s25 =	sor.u32 $0x300, s16  }
0x21: {  	[tilespmem:s23], [sflag:$0x2] =	stream.indirect.gather [hbm4b:s4+s10], $0x20, s31, s10, $0xb8;
	[tilespmem:$0x10800] =	vst v63  }
0x22: {  	s26 =	sadd.s32 $0x800, s24;
	s16 =	sor.u32 $0x380, s16;
	s28 =	sshll.u32 s25, $0x5  }
0x23: {  	[tilespmem:s26], [sflag:$0x2] =	stream.indirect.gather [hbm4b:s4+s10], $0x20, s22, s10, $0xb8;
	[tilespmem:$0x10800] =	vst v63  }
0x24: {  	s30 =	sshll.u32 s16, $0x5;
	s29 =	sadd.s32 $0x800, s28  }
0x25: {  	[tilespmem:s29], [sflag:$0x2] =	stream.indirect.gather [hbm4b:s4+s10], $0x20, s25, s10, $0xb8;
	[tilespmem:$0x10800] =	vst v63  }
0x26: {  	s31 =	sadd.s32 $0x800, s30  }
0x27: {  	[tilespmem:s31], [sflag:$0x2] =	stream.indirect.gather [hbm4b:s4+s10], $0x20, s16, s10, $0xb8;
	[tilespmem:$0x10800] =	vst v63  }
0x28: {  	_ =	swait.ge [sflag:s11], $0x1000  }
0x29: {  	[sflag:s11] =	ssyncset.done $0x0  }
0x2a: {  	[sflag:s11] =	ssyncadd.s32 $0xFFFFF000  }
0x2b: {  	_ =	swait.ge [sflag:s11], $0x1000  }
0x2c: {  	[sflag:s11] =	ssyncset.done $0x0  }
0x2d: {  	[sflag:s11] =	ssyncadd.s32 $0xFFFFF000  }
0x2e: {  	_ =	swait.ge [sflag:s11], $0x1000  }
0x2f: {  	[sflag:s11] =	ssyncset.done $0x0  }
0x30: {  	[sflag:s11] =	ssyncadd.s32 $0xFFFFF000  }
0x31: {  	_ =	swait.ge [sflag:s11], $0x1000  }
0x32: {  	[sflag:s11] =	ssyncset.done $0x0  }
0x33: {  	[sflag:s11] =	ssyncadd.s32 $0xFFFFF000  }
0x34: {  	_ =	swait.ge [sflag:s11], $0x1000  }
0x35: {  	[sflag:s11] =	ssyncset.done $0x0  }
0x36: {  	[sflag:s11] =	ssyncadd.s32 $0xFFFFF000  }
0x37: {  	_ =	swait.ge [sflag:s11], $0x1000  }
0x38: {  	[sflag:s11] =	ssyncset.done $0x0  }
0x39: {  	[sflag:s11] =	ssyncadd.s32 $0xFFFFF000  }
0x3a: {  	s14 =	sadd.s32 $0x1000, s7;
	_ =	swait.ge [sflag:s11], $0x1000  }
0x3b: {  	s19 =	smov.u32 s7;
	p1 =	por $0x0, $0x0;
	[sflag:s11] =	ssyncset.done $0x0  }
0x3c: {  	s17 =	simm.s32 $0x2;
	s16 =	simm.s32 $0x1;
	[sflag:s11] =	ssyncadd.s32 $0xFFFFF000  }
0x3d: {  	s18 =	sadd.s32 $0x400, s8;
	s21 =	sand.u32 $0x1, s16;
	_ =	swait.ge [sflag:s11], $0x1000  }
.LBB2_2:
0x3e: {  	s20 =	sshll.u32 @!p1 s21, $0xA;
	s22 =	sshrl.u32 @!p1 s18, $0x3;
	[sflag:s11] =	ssyncset.done $0x0  }
0x3f: {  	s23 =	sxor.u32 @!p1 $0x400, s20;
	s22 =	sadd.s32 @!p1 s1, s22;
	[sflag:s11] =	ssyncadd.s32 $0xFFFFF000  }
0x40: {  	[hbm4b:s19+s3] =	stream.linear.scatter [tilespmem:s15], [sflag:$0x3], $0x8000, $0x38;
	[tilespmem:$0x10800] =	vst v63  }
0x41: {  	s24 =	smov.u32 s17;
	s17 =	sadd.s32 $0x1, s17;
	s15 =	simm.s32 @!p1 $0x0  }
0x42: {  	[tilespmem:s23], [sflag:$0x1] =	stream.linear.gather @!p1 [hbm4b:s22+s15], $0x400, $0x38;
	[tilespmem:$0x10800] =	vst v63  }
0x43: {  	p0 =	sne.s32 s17, $0x19;
	s19 =	smov.u32 s14;
	_ =	swait.ge [sflag:s9], $0x400  }
0x44: {  	p2 =	slt.u32 s16, $0x2;
	s16 =	smov.u32 s24;
	[sflag:s9] =	ssyncset.done $0x0  }
0x45: {  	s22 =	simm.s32 @!p2 $0x3;
	[sflag:s9] =	ssyncadd.s32 $0xFFFFFC00  }
0x46: {  	s20 =	simm.s32 @p1 $0x0;
	s15 =	sshll.u32 s21, $0xF;
	_ =	swait.ge @!p2 [sflag:s22], $0x8000  }
0x47: {  	s21 =	sor.u32 $0x80, s20;
	s15 =	sor.u32 $0x800, s15;
	[sflag:s22] =	ssyncset.done @!p2 $0x0  }
0x48: {  	s23 =	sor.u32 $0x100, s20;
	[sflag:s22] =	ssyncadd.s32 @!p2 $0xFFFF8000;
	s22 =	sshll.u32 s21, $0x5  }
0x49: {  	[tilespmem:s15], [sflag:$0x2] =	stream.indirect.gather [hbm4b:s4+s10], $0x20, s20, s10, $0xb8;
	[tilespmem:$0x10800] =	vst v63  }
0x4a: {  	s25 =	sor.u32 $0x180, s20;
	s24 =	sshll.u32 s23, $0x5;
	s22 =	sadd.s32 $0x800, s22  }
0x4b: {  	[tilespmem:s22], [sflag:$0x2] =	stream.indirect.gather [hbm4b:s4+s10], $0x20, s21, s10, $0xb8;
	[tilespmem:$0x10800] =	vst v63  }
0x4c: {  	s21 =	sadd.s32 $0x800, s24;
	s22 =	sshll.u32 s25, $0x5;
	s24 =	sor.u32 $0x200, s20  }
0x4d: {  	[tilespmem:s21], [sflag:$0x2] =	stream.indirect.gather [hbm4b:s4+s10], $0x20, s23, s10, $0xb8;
	[tilespmem:$0x10800] =	vst v63  }
0x4e: {  	s21 =	sadd.s32 $0x800, s22;
	s22 =	sshll.u32 s24, $0x5;
	s23 =	sor.u32 $0x280, s20  }
0x4f: {  	[tilespmem:s21], [sflag:$0x2] =	stream.indirect.gather [hbm4b:s4+s10], $0x20, s25, s10, $0xb8;
	[tilespmem:$0x10800] =	vst v63  }
0x50: {  	s21 =	sadd.s32 $0x800, s22;
	s22 =	sshll.u32 s23, $0x5;
	s25 =	sor.u32 $0x300, s20  }
0x51: {  	[tilespmem:s21], [sflag:$0x2] =	stream.indirect.gather [hbm4b:s4+s10], $0x20, s24, s10, $0xb8;
	[tilespmem:$0x10800] =	vst v63  }
0x52: {  	s20 =	sor.u32 $0x380, s20;
	s21 =	sadd.s32 $0x800, s22;
	s22 =	sshll.u32 s25, $0x5  }
0x53: {  	[tilespmem:s21], [sflag:$0x2] =	stream.indirect.gather [hbm4b:s4+s10], $0x20, s23, s10, $0xb8;
	[tilespmem:$0x10800] =	vst v63  }
0x54: {  	s21 =	sadd.s32 $0x800, s22;
	s22 =	sshll.u32 s20, $0x5  }
0x55: {  	[tilespmem:s21], [sflag:$0x2] =	stream.indirect.gather [hbm4b:s4+s10], $0x20, s25, s10, $0xb8;
	[tilespmem:$0x10800] =	vst v63  }
0x56: {  	s21 =	sadd.s32 $0x800, s22  }
0x57: {  	[tilespmem:s21], [sflag:$0x2] =	stream.indirect.gather [hbm4b:s4+s10], $0x20, s20, s10, $0xb8;
	[tilespmem:$0x10800] =	vst v63  }
0x58: {  	_ =	swait.ge [sflag:s11], $0x1000  }
0x59: {  	[sflag:s11] =	ssyncset.done $0x0  }
0x5a: {  	[sflag:s11] =	ssyncadd.s32 $0xFFFFF000  }
0x5b: {  	_ =	swait.ge [sflag:s11], $0x1000  }
0x5c: {  	[sflag:s11] =	ssyncset.done $0x0  }
0x5d: {  	[sflag:s11] =	ssyncadd.s32 $0xFFFFF000  }
0x5e: {  	_ =	swait.ge [sflag:s11], $0x1000  }
0x5f: {  	[sflag:s11] =	ssyncset.done $0x0  }
0x60: {  	[sflag:s11] =	ssyncadd.s32 $0xFFFFF000  }
0x61: {  	_ =	swait.ge [sflag:s11], $0x1000  }
0x62: {  	[sflag:s11] =	ssyncset.done $0x0  }
0x63: {  	[sflag:s11] =	ssyncadd.s32 $0xFFFFF000  }
0x64: {  	_ =	swait.ge [sflag:s11], $0x1000  }
0x65: {  	[sflag:s11] =	ssyncset.done $0x0  }
0x66: {  	[sflag:s11] =	ssyncadd.s32 $0xFFFFF000  }
0x67: {  	_ =	swait.ge [sflag:s11], $0x1000  }
0x68: {  	[sflag:s11] =	ssyncset.done $0x0  }
.Ltmp0:
0x69: {  	[sflag:s11] =	ssyncadd.s32 $0xFFFFF000;
	(pc) =	sbr.rel @p0 .LBB2_2-.Ltmp0, $4  }
0x6a: {  	_ =	swait.ge [sflag:s11], $0x1000  }
0x6b: {  	[sflag:s11] =	ssyncset.done $0x0  }
0x6c: {  	s18 =	sadd.s32 $0x400, s18;
	s14 =	sadd.s32 $0x1000, s14;
	[sflag:s11] =	ssyncadd.s32 $0xFFFFF000  }
0x6d: {  	p1 =	seq.s32 s16, $0x18;
	s21 =	sand.u32 $0x1, s16;
	_ =	swait.ge [sflag:s11], $0x1000  }
0x6e: {  	[sflag:s11] =	ssyncset.done $0x0  }
0x6f: {  	s17 =	sshll.u32 @!p1 s21, $0xA;
	s18 =	sshrl.u32 @!p1 s18, $0x3;
	[sflag:s11] =	ssyncadd.s32 $0xFFFFF000  }
0x70: {  	[hbm4b:s19+s3] =	stream.linear.scatter [tilespmem:s15], [sflag:$0x3], $0x8000, $0x38;
	[tilespmem:$0x10800] =	vst v63  }
0x71: {  	s18 =	sadd.s32 @!p1 s1, s18;
	s15 =	sxor.u32 @!p1 $0x400, s17;
	s19 =	simm.s32 @!p1 $0x0  }
0x72: {  	[tilespmem:s15], [sflag:$0x1] =	stream.linear.gather @!p1 [hbm4b:s18+s19], $0x400, $0x38;
	[tilespmem:$0x10800] =	vst v63  }
0x73: {  	_ =	swait.ge [sflag:s9], $0x400  }
0x74: {  	p0 =	slt.u32 s16, $0x2;
	[sflag:s9] =	ssyncset.done $0x0  }
0x75: {  	s15 =	simm.s32 @!p0 $0x3;
	[sflag:s9] =	ssyncadd.s32 $0xFFFFFC00  }
0x76: {  	s23 =	sshll.u32 s21, $0xF;
	s17 =	simm.s32 @p1 $0x0;
	_ =	swait.ge @!p0 [sflag:s15], $0x8000  }
0x77: {  	s16 =	sor.u32 $0x800, s23;
	s24 =	sor.u32 $0x80, s17;
	[sflag:s15] =	ssyncset.done @!p0 $0x0  }
0x78: {  	s26 =	sor.u32 $0x100, s17;
	s25 =	sshll.u32 s24, $0x5;
	[sflag:s15] =	ssyncadd.s32 @!p0 $0xFFFF8000  }
0x79: {  	[tilespmem:s16], [sflag:$0x2] =	stream.indirect.gather [hbm4b:s4+s10], $0x20, s17, s10, $0xb8;
	[tilespmem:$0x10800] =	vst v63  }
0x7a: {  	s28 =	sor.u32 $0x180, s17;
	s20 =	sshll.u32 s26, $0x5;
	s15 =	sadd.s32 $0x800, s25  }
0x7b: {  	[tilespmem:s15], [sflag:$0x2] =	stream.indirect.gather [hbm4b:s4+s10], $0x20, s24, s10, $0xb8;
	[tilespmem:$0x10800] =	vst v63  }
0x7c: {  	s31 =	sor.u32 $0x200, s17;
	s30 =	sshll.u32 s28, $0x5;
	s29 =	sadd.s32 $0x800, s20  }
0x7d: {  	[tilespmem:s29], [sflag:$0x2] =	stream.indirect.gather [hbm4b:s4+s10], $0x20, s26, s10, $0xb8;
	[tilespmem:$0x10800] =	vst v63  }
0x7e: {  	s22 =	sor.u32 $0x280, s17;
	s19 =	sshll.u32 s31, $0x5;
	s18 =	sadd.s32 $0x800, s30  }
0x7f: {  	[tilespmem:s18], [sflag:$0x2] =	stream.indirect.gather [hbm4b:s4+s10], $0x20, s28, s10, $0xb8;
	[tilespmem:$0x10800] =	vst v63  }
0x80: {  	s23 =	sadd.s32 $0x800, s19;
	s25 =	sor.u32 $0x300, s17;
	s24 =	sshll.u32 s22, $0x5  }
0x81: {  	[tilespmem:s23], [sflag:$0x2] =	stream.indirect.gather [hbm4b:s4+s10], $0x20, s31, s10, $0xb8;
	[tilespmem:$0x10800] =	vst v63  }
0x82: {  	s17 =	sor.u32 $0x380, s17;
	s26 =	sadd.s32 $0x800, s24;
	s28 =	sshll.u32 s25, $0x5  }
0x83: {  	[tilespmem:s26], [sflag:$0x2] =	stream.indirect.gather [hbm4b:s4+s10], $0x20, s22, s10, $0xb8;
	[tilespmem:$0x10800] =	vst v63  }
0x84: {  	s30 =	sshll.u32 s17, $0x5;
	s29 =	sadd.s32 $0x800, s28  }
0x85: {  	[tilespmem:s29], [sflag:$0x2] =	stream.indirect.gather [hbm4b:s4+s10], $0x20, s25, s10, $0xb8;
	[tilespmem:$0x10800] =	vst v63  }
0x86: {  	s31 =	sadd.s32 $0x800, s30  }
0x87: {  	[tilespmem:s31], [sflag:$0x2] =	stream.indirect.gather [hbm4b:s4+s10], $0x20, s17, s10, $0xb8;
	[tilespmem:$0x10800] =	vst v63  }
0x88: {  	_ =	swait.ge [sflag:s11], $0x1000  }
0x89: {  	[sflag:s11] =	ssyncset.done $0x0  }
0x8a: {  	[sflag:s11] =	ssyncadd.s32 $0xFFFFF000  }
0x8b: {  	_ =	swait.ge [sflag:s11], $0x1000  }
0x8c: {  	[sflag:s11] =	ssyncset.done $0x0  }
0x8d: {  	[sflag:s11] =	ssyncadd.s32 $0xFFFFF000  }
0x8e: {  	_ =	swait.ge [sflag:s11], $0x1000  }
0x8f: {  	[sflag:s11] =	ssyncset.done $0x0  }
0x90: {  	[sflag:s11] =	ssyncadd.s32 $0xFFFFF000  }
0x91: {  	_ =	swait.ge [sflag:s11], $0x1000  }
0x92: {  	[sflag:s11] =	ssyncset.done $0x0  }
0x93: {  	[sflag:s11] =	ssyncadd.s32 $0xFFFFF000  }
0x94: {  	_ =	swait.ge [sflag:s11], $0x1000  }
0x95: {  	[sflag:s11] =	ssyncset.done $0x0  }
0x96: {  	[sflag:s11] =	ssyncadd.s32 $0xFFFFF000  }
0x97: {  	_ =	swait.ge [sflag:s11], $0x1000  }
0x98: {  	[sflag:s11] =	ssyncset.done $0x0  }
0x99: {  	[sflag:s11] =	ssyncadd.s32 $0xFFFFF000  }
0x9a: {  	_ =	swait.ge [sflag:s11], $0x1000  }
0x9b: {  	[sflag:s11] =	ssyncset.done $0x0  }
0x9c: {  	[sflag:s11] =	ssyncadd.s32 $0xFFFFF000  }
0x9d: {  	_ =	swait.ge [sflag:s11], $0x1000  }
0x9e: {  	[sflag:s11] =	ssyncset.done $0x0  }
0x9f: {  	s13 =	sadd.s32 $0x1, s13;
	[sflag:s11] =	ssyncadd.s32 $0xFFFFF000  }
0xa0: {  	[hbm4b:s14+s3] =	stream.linear.scatter [tilespmem:s16], [sflag:$0x3], $0x8000, $0x38;
	[tilespmem:$0x10800] =	vst v63  }
0xa1: {  	p0 =	sne.s32 s13, s6;
	_ =	swait.ge [sflag:s12], $0x8000  }
.Ltmp1:
0xa2: {  	[sflag:s12] =	ssyncset.done $0x0;
	(pc) =	sbr.rel @p0 .LBB2_1-.Ltmp1, $4  }
0xa3: {  	[sflag:s12] =	ssyncadd.s32 $0xFFFF8000  }
0xa4: {  	_ =	swait.ge [sflag:s12], $0x8000  }
0xa5: {  	[sflag:s12] =	ssyncset.done $0x0  }
0xa6: {  	[sflag:s12] =	ssyncadd.s32 $0xFFFF8000  }
0xa7: {  	_ =	sfence.sel $0x180000  }
0xa8: {  	[bflag:$0x0] =	sbarrier.arrive $0xFFFF  }
0xa9: {  	p0 =	sne.s32 s2, $0x0;
	_ =	strace $0x90000047  }
0xaa: {  	s0 =	sadd.s32 @!p0 $0x100000, s0;
	[bflag:$0x2] =	sbarrier.arrive $0xFFFF  }
0xab: {  	[sflag:s0] =	ssyncadd.tile.s32 @!p0 $0x1;
	_ =	shalt  }
.Lfunc_end2:
_tile_overlayer_lowered:
.L_overlay_start_2:
0xac: {  	(tag) =	ssettag $0x2  }
0xad: {  	s0 =	rddreg [dreg:$0x0];
	s2 =	stileid.u32  }
0xae: {  	s1 =	rddreg [dreg:$0x1];
	p0 =	sne.s32 s2, $0x0  }
0xaf: {  	s3 =	rddreg [dreg:$0x2];
	[bflag:$0x3] =	sbarrier.arrive $0xFFFF;
	s2 =	simm.s32 @!p0 $0x1C04  }
0xb0: {  	[timem:s3], [sflag:s2] =	dma.local @!p0 [hbm:s0], s1  }
0xb1: {  	s0 =	simm.s32 @!p0 $0x4  }
0xb2: {  	_ =	swait.ge @!p0 [sflag:s0], s1  }
0xb3: {  	s1 =	ssub.s32 @!p0 $0x0, s1;
	[sflag:s0] =	ssyncset.done @!p0 $0x0  }
0xb4: {  	[sflag:s0] =	ssyncadd.s32 @!p0 s1  }
0xb5: {  	[bflag:$0x3] =	sbarrier.arrive $0xFFFF  }
0xb6: {  	_ =	shalt  }

</sc_bundles>
